<compile_context>
chip_gen: v7x
topology: tpu7x:2x2x1
jax: 0.10.2.dev20260603
libtpu: 0.0.44.dev20260713+nightly
codegen_flags: <defaults>
</compile_context>

<pallas_src>
import functools

import jax
import jax.numpy as jnp
from jax import lax
from jax.experimental import pallas as pl
from jax.experimental.pallas import tpu as pltpu
from jax.experimental.pallas import tpu_sc as plsc

_B, _N, _D = 16, 512, 16
_NC, _NS = 2, 16
_NW = _NC * _NS
_R = _B * _N
_RPW = _R // _NW
_EPW = _RPW * _D
_CH = 128
_NCH = _EPW // _CH


def _sc_gather_body(table_hbm, out_hbm, svec, idx_v, dst, sem):
    wid = lax.axis_index("s") * _NC + lax.axis_index("c")
    base = wid * _RPW
    bb = base >> 9
    n0 = pl.multiple_of(base & (_N - 1), _RPW)
    lane = lax.broadcasted_iota(jnp.int32, (16,), 0)
    for t in range(_RPW // 16):
        i = n0 + t * 16 + lane
        svec[pl.ds(t * 16, 16)] = (bb << 22) + (i << 13) + ((i >> 7) << 10) + (i & 127)
    for c in range(_NCH):
        d = c // 2
        d_off = ((d >> 3) << 12) + ((d & 7) << 7)
        for t in range(_CH // 16):
            src = (c % 2) * _CH + t * 16
            idx_v[c, pl.ds(t * 16, 16)] = svec[pl.ds(src, 16)] + d_off
    cps = [
        pltpu.async_copy(table_hbm.at[idx_v.at[c]],
                         dst.at[c // 2, pl.ds((c % 2) * _CH, _CH)], sem)
        for c in range(_NCH)
    ]
    for cp in cps:
        cp.wait()
    pltpu.sync_copy(dst, out_hbm.at[bb, :, pl.ds(n0, _RPW)])


@functools.cache
def _sc_gather():
    return pl.kernel(
        _sc_gather_body,
        out_type=jax.ShapeDtypeStruct((_B, _D, _N), jnp.float32),
        mesh=plsc.VectorSubcoreMesh(
            core_axis_name="c", subcore_axis_name="s",
            num_cores=_NC, num_subcores=_NS,
        ),
        scratch_types=[
            pltpu.VMEM((_RPW,), jnp.int32),
            pltpu.VMEM((_NCH, _CH), jnp.int32),
            pltpu.VMEM((_D, _RPW), jnp.float32),
            pltpu.SemaphoreType.DMA,
        ],
        compiler_params=pltpu.CompilerParams(use_tc_tiling_on_sc=False),
    )


_BK = 128


def _tc_mask_body(mask_ref, rows_ref, out_ref, red_ref):
    mb = mask_ref[0].astype(jnp.int32)
    r = lax.broadcasted_iota(jnp.int32, (_BK, _BK), 0)
    c = lax.broadcasted_iota(jnp.int32, (_BK, _BK), 1)
    red = jnp.max(jnp.where(r == c, mb, 0), axis=0)
    red_ref[0] = red.reshape(1, _BK)
    keep = jnp.broadcast_to(red[None, :], (_D, _BK)) != 0
    out_ref[0] = jnp.where(keep, rows_ref[0], 0.0)


_tc_mask = pl.pallas_call(
    _tc_mask_body,
    grid=(_B, _N // _BK),
    in_specs=[
        pl.BlockSpec((1, _BK, _BK), lambda b, j: (b, j, j)),
        pl.BlockSpec((1, _D, _BK), lambda b, j: (b, 0, j)),
    ],
    out_specs=[
        pl.BlockSpec((1, _D, _BK), lambda b, j: (b, 0, j)),
        pl.BlockSpec((1, 1, _BK), lambda b, j: (b, 0, j)),
    ],
    out_shape=[
        jax.ShapeDtypeStruct((_B, _D, _N), jnp.float32),
        jax.ShapeDtypeStruct((_B, 1, _N), jnp.int32),
    ],
)


def kernel(X_data, X_mask):
    table = (
        X_data.reshape(_B, _N, 4, 128, 2, 8)
        .transpose(0, 1, 4, 2, 5, 3)
        .reshape(_B * _N * _N * _D)
    )
    rows_t = _sc_gather()(table)
    out_t, red = _tc_mask(X_mask.astype(jnp.int8), rows_t)
    return out_t.transpose(0, 2, 1), red.reshape(_B, _N).astype(jnp.bool_)

# --- scband reference (transcript-rebuilt; emitter-appended) ---
"""Pipeline reference for scband-op-diag2-d-42666205119416 (READ-ONLY COPY).

The authoritative reference and input builder live on the scoring server;
editing this copy changes nothing except your own understanding.
"""

import jax, jax.numpy as jnp
import numpy as np

B, N, D = 16, 512, 16

def setup_inputs(seed: int = 0) -> dict:
    key = jax.random.key(seed)
    k1, k2 = jax.random.split(key)
    X_data = jax.random.normal(k1, (B, N, N, D), dtype=jnp.float32)
    X_mask = jnp.ones((B, N, N), dtype=bool)
    return {"X_data": X_data, "X_mask": X_mask}

def reference(X_data, X_mask):
    # OpDiag2D: extract diagonal along dims (1, 2) of a MaskedTensor (b, n, n, *dense)
    # MaskedTensor.diag takes the diagonal of both data and mask, and zero-fills
    # (padding value) the data wherever the mask is False.
    idx = jnp.arange(X_data.shape[1])
    diag_data = X_data[:, idx, idx, :]          # (b, n, d) gather along the diagonal
    diag_mask = X_mask[:, idx, idx]             # (b, n)
    out_data = jnp.where(diag_mask[..., None], diag_data, 0.0)
    return (out_data, diag_mask)

if __name__ == "__main__":
    import jax
    _d = setup_inputs()
    print(jax.jit(kernel)(*tuple(_d.values())))

</pallas_src>

<mosaic_0001>
#map = affine_map<(d0, d1) -> (0)>
#map1 = affine_map<(d0, d1) -> (0, 0, 0)>
module attributes {stable_mosaic.version = 14 : i64} {
  func.func @_sc_gather_body(%arg0: i32, %arg1: i32, %arg2: memref<67108864xf32, #tpu.memory_space<hbm>>, %arg3: memref<16x16x512xf32, #tpu.memory_space<hbm>>, %arg4: memref<256xi32, #tpu.memory_space<vmem>>, %arg5: memref<32x128xi32, #tpu.memory_space<vmem>>, %arg6: memref<16x256xf32, #tpu.memory_space<vmem>>, %arg7: memref<!tpu.dma_semaphore, #tpu.memory_space<semaphore_mem>>) attributes {dimension_semantics = [#tpu.dimension_semantics<core_parallel>, #tpu.dimension_semantics<subcore_parallel>], iteration_bounds = array<i64: 2, 16>, scalar_prefetch = 0 : i64, scratch_operands = 4 : i64, tpu.core_type = #tpu.core_type<sc_vector_subcore>, window_params = [{transform_indices = #map}, {transform_indices = #map1}]} {
    %mul3A = arith.constant 2 : i32
    %mul3A_0 = arith.muli %arg1, %mul3A : i32
    %add3A = arith.addi %mul3A_0, %arg0 : i32
    %mul3A_1 = arith.constant 256 : i32
    %mul3A_2 = arith.muli %add3A, %mul3A_1 : i32
    %shift_right_arithmetic3A = arith.constant 9 : i32
    %shift_right_arithmetic3A_3 = arith.shrsi %mul3A_2, %shift_right_arithmetic3A : i32
    %and3A = arith.constant 511 : i32
    %and3A_4 = arith.andi %mul3A_2, %and3A : i32
    %multiple_of3A = tpu.assume_multiple %and3A_4, 256 : i32
    %iota3A = tpu.iota {dimensions = array<i32: 0>} : vector<16xi32>
    %add3A_5 = arith.constant 0 : i32
    %add3A_6 = arith.addi %multiple_of3A, %add3A_5 : i32
    %add3A_7 = vector.broadcast %add3A_6 : i32 to vector<16xi32>
    %add3A_8 = arith.addi %add3A_7, %iota3A : vector<16xi32>
    %shift_left3A = arith.constant 22 : i32
    %shift_left3A_9 = arith.shli %shift_right_arithmetic3A_3, %shift_left3A : i32
    %shift_left3A_10 = arith.constant 13 : i32
    %shift_left3A_11 = vector.broadcast %shift_left3A_10 : i32 to vector<16xi32>
    %shift_left3A_12 = arith.shli %add3A_8, %shift_left3A_11 : vector<16xi32>
    %add3A_13 = vector.broadcast %shift_left3A_9 : i32 to vector<16xi32>
    %add3A_14 = arith.addi %add3A_13, %shift_left3A_12 : vector<16xi32>
    %shift_right_arithmetic3A_15 = arith.constant 7 : i32
    %shift_right_arithmetic3A_16 = vector.broadcast %shift_right_arithmetic3A_15 : i32 to vector<16xi32>
    %shift_right_arithmetic3A_17 = arith.shrsi %add3A_8, %shift_right_arithmetic3A_16 : vector<16xi32>
    %shift_left3A_18 = arith.constant 10 : i32
    %shift_left3A_19 = vector.broadcast %shift_left3A_18 : i32 to vector<16xi32>
    %shift_left3A_20 = arith.shli %shift_right_arithmetic3A_17, %shift_left3A_19 : vector<16xi32>
    %add3A_21 = arith.addi %add3A_14, %shift_left3A_20 : vector<16xi32>
    %and3A_22 = arith.constant 127 : i32
    %and3A_23 = vector.broadcast %and3A_22 : i32 to vector<16xi32>
    %and3A_24 = arith.andi %add3A_8, %and3A_23 : vector<16xi32>
    %add3A_25 = arith.addi %add3A_21, %and3A_24 : vector<16xi32>
    %swap3A = arith.constant 0 : index
    %swap3A_26 = tpu.vector_load %arg4[%swap3A] {strides = array<i32>} : memref<256xi32, #tpu.memory_space<vmem>>, vector<16xi32>,
    %swap3A_27 = vector.shape_cast %swap3A_26 : vector<16xi32> to vector<16xi32>
    %swap3A_28 = vector.shape_cast %add3A_25 : vector<16xi32> to vector<16xi32>
    tpu.vector_store %arg4[%swap3A], %swap3A_28 {strides = array<i32>} : memref<256xi32, #tpu.memory_space<vmem>>, vector<16xi32>,
    %add3A_29 = arith.constant 16 : i32
    %add3A_30 = arith.addi %multiple_of3A, %add3A_29 : i32
    %add3A_31 = vector.broadcast %add3A_30 : i32 to vector<16xi32>
    %add3A_32 = arith.addi %add3A_31, %iota3A : vector<16xi32>
    %shift_left3A_33 = arith.constant 22 : i32
    %shift_left3A_34 = arith.shli %shift_right_arithmetic3A_3, %shift_left3A_33 : i32
    %shift_left3A_35 = arith.constant 13 : i32
    %shift_left3A_36 = vector.broadcast %shift_left3A_35 : i32 to vector<16xi32>
    %shift_left3A_37 = arith.shli %add3A_32, %shift_left3A_36 : vector<16xi32>
    %add3A_38 = vector.broadcast %shift_left3A_34 : i32 to vector<16xi32>
    %add3A_39 = arith.addi %add3A_38, %shift_left3A_37 : vector<16xi32>
    %shift_right_arithmetic3A_40 = arith.constant 7 : i32
    %shift_right_arithmetic3A_41 = vector.broadcast %shift_right_arithmetic3A_40 : i32 to vector<16xi32>
    %shift_right_arithmetic3A_42 = arith.shrsi %add3A_32, %shift_right_arithmetic3A_41 : vector<16xi32>
    %shift_left3A_43 = arith.constant 10 : i32
    %shift_left3A_44 = vector.broadcast %shift_left3A_43 : i32 to vector<16xi32>
    %shift_left3A_45 = arith.shli %shift_right_arithmetic3A_42, %shift_left3A_44 : vector<16xi32>
    %add3A_46 = arith.addi %add3A_39, %shift_left3A_45 : vector<16xi32>
    %and3A_47 = arith.constant 127 : i32
    %and3A_48 = vector.broadcast %and3A_47 : i32 to vector<16xi32>
    %and3A_49 = arith.andi %add3A_32, %and3A_48 : vector<16xi32>
    %add3A_50 = arith.addi %add3A_46, %and3A_49 : vector<16xi32>
    %swap3A_51 = arith.constant 16 : index
    %swap3A_52 = tpu.vector_load %arg4[%swap3A_51] {strides = array<i32>} : memref<256xi32, #tpu.memory_space<vmem>>, vector<16xi32>,
    %swap3A_53 = vector.shape_cast %swap3A_52 : vector<16xi32> to vector<16xi32>
    %swap3A_54 = vector.shape_cast %add3A_50 : vector<16xi32> to vector<16xi32>
    tpu.vector_store %arg4[%swap3A_51], %swap3A_54 {strides = array<i32>} : memref<256xi32, #tpu.memory_space<vmem>>, vector<16xi32>,
    %add3A_55 = arith.constant 32 : i32
    %add3A_56 = arith.addi %multiple_of3A, %add3A_55 : i32
    %add3A_57 = vector.broadcast %add3A_56 : i32 to vector<16xi32>
    %add3A_58 = arith.addi %add3A_57, %iota3A : vector<16xi32>
    %shift_left3A_59 = arith.constant 22 : i32
    %shift_left3A_60 = arith.shli %shift_right_arithmetic3A_3, %shift_left3A_59 : i32
    %shift_left3A_61 = arith.constant 13 : i32
    %shift_left3A_62 = vector.broadcast %shift_left3A_61 : i32 to vector<16xi32>
    %shift_left3A_63 = arith.shli %add3A_58, %shift_left3A_62 : vector<16xi32>
    %add3A_64 = vector.broadcast %shift_left3A_60 : i32 to vector<16xi32>
    %add3A_65 = arith.addi %add3A_64, %shift_left3A_63 : vector<16xi32>
    %shift_right_arithmetic3A_66 = arith.constant 7 : i32
    %shift_right_arithmetic3A_67 = vector.broadcast %shift_right_arithmetic3A_66 : i32 to vector<16xi32>
    %shift_right_arithmetic3A_68 = arith.shrsi %add3A_58, %shift_right_arithmetic3A_67 : vector<16xi32>
    %shift_left3A_69 = arith.constant 10 : i32
    %shift_left3A_70 = vector.broadcast %shift_left3A_69 : i32 to vector<16xi32>
    %shift_left3A_71 = arith.shli %shift_right_arithmetic3A_68, %shift_left3A_70 : vector<16xi32>
    %add3A_72 = arith.addi %add3A_65, %shift_left3A_71 : vector<16xi32>
    %and3A_73 = arith.constant 127 : i32
    %and3A_74 = vector.broadcast %and3A_73 : i32 to vector<16xi32>
    %and3A_75 = arith.andi %add3A_58, %and3A_74 : vector<16xi32>
    %add3A_76 = arith.addi %add3A_72, %and3A_75 : vector<16xi32>
    %swap3A_77 = arith.constant 32 : index
    %swap3A_78 = tpu.vector_load %arg4[%swap3A_77] {strides = array<i32>} : memref<256xi32, #tpu.memory_space<vmem>>, vector<16xi32>,
    %swap3A_79 = vector.shape_cast %swap3A_78 : vector<16xi32> to vector<16xi32>
    %swap3A_80 = vector.shape_cast %add3A_76 : vector<16xi32> to vector<16xi32>
    tpu.vector_store %arg4[%swap3A_77], %swap3A_80 {strides = array<i32>} : memref<256xi32, #tpu.memory_space<vmem>>, vector<16xi32>,
    %add3A_81 = arith.constant 48 : i32
    %add3A_82 = arith.addi %multiple_of3A, %add3A_81 : i32
    %add3A_83 = vector.broadcast %add3A_82 : i32 to vector<16xi32>
    %add3A_84 = arith.addi %add3A_83, %iota3A : vector<16xi32>
    %shift_left3A_85 = arith.constant 22 : i32
    %shift_left3A_86 = arith.shli %shift_right_arithmetic3A_3, %shift_left3A_85 : i32
    %shift_left3A_87 = arith.constant 13 : i32
    %shift_left3A_88 = vector.broadcast %shift_left3A_87 : i32 to vector<16xi32>
    %shift_left3A_89 = arith.shli %add3A_84, %shift_left3A_88 : vector<16xi32>
    %add3A_90 = vector.broadcast %shift_left3A_86 : i32 to vector<16xi32>
    %add3A_91 = arith.addi %add3A_90, %shift_left3A_89 : vector<16xi32>
    %shift_right_arithmetic3A_92 = arith.constant 7 : i32
    %shift_right_arithmetic3A_93 = vector.broadcast %shift_right_arithmetic3A_92 : i32 to vector<16xi32>
    %shift_right_arithmetic3A_94 = arith.shrsi %add3A_84, %shift_right_arithmetic3A_93 : vector<16xi32>
    %shift_left3A_95 = arith.constant 10 : i32
    %shift_left3A_96 = vector.broadcast %shift_left3A_95 : i32 to vector<16xi32>
    %shift_left3A_97 = arith.shli %shift_right_arithmetic3A_94, %shift_left3A_96 : vector<16xi32>
    %add3A_98 = arith.addi %add3A_91, %shift_left3A_97 : vector<16xi32>
    %and3A_99 = arith.constant 127 : i32
    %and3A_100 = vector.broadcast %and3A_99 : i32 to vector<16xi32>
    %and3A_101 = arith.andi %add3A_84, %and3A_100 : vector<16xi32>
    %add3A_102 = arith.addi %add3A_98, %and3A_101 : vector<16xi32>
    %swap3A_103 = arith.constant 48 : index
    %swap3A_104 = tpu.vector_load %arg4[%swap3A_103] {strides = array<i32>} : memref<256xi32, #tpu.memory_space<vmem>>, vector<16xi32>,
    %swap3A_105 = vector.shape_cast %swap3A_104 : vector<16xi32> to vector<16xi32>
    %swap3A_106 = vector.shape_cast %add3A_102 : vector<16xi32> to vector<16xi32>
    tpu.vector_store %arg4[%swap3A_103], %swap3A_106 {strides = array<i32>} : memref<256xi32, #tpu.memory_space<vmem>>, vector<16xi32>,
    %add3A_107 = arith.constant 64 : i32
    %add3A_108 = arith.addi %multiple_of3A, %add3A_107 : i32
    %add3A_109 = vector.broadcast %add3A_108 : i32 to vector<16xi32>
    %add3A_110 = arith.addi %add3A_109, %iota3A : vector<16xi32>
    %shift_left3A_111 = arith.constant 22 : i32
    %shift_left3A_112 = arith.shli %shift_right_arithmetic3A_3, %shift_left3A_111 : i32
    %shift_left3A_113 = arith.constant 13 : i32
    %shift_left3A_114 = vector.broadcast %shift_left3A_113 : i32 to vector<16xi32>
    %shift_left3A_115 = arith.shli %add3A_110, %shift_left3A_114 : vector<16xi32>
    %add3A_116 = vector.broadcast %shift_left3A_112 : i32 to vector<16xi32>
    %add3A_117 = arith.addi %add3A_116, %shift_left3A_115 : vector<16xi32>
    %shift_right_arithmetic3A_118 = arith.constant 7 : i32
    %shift_right_arithmetic3A_119 = vector.broadcast %shift_right_arithmetic3A_118 : i32 to vector<16xi32>
    %shift_right_arithmetic3A_120 = arith.shrsi %add3A_110, %shift_right_arithmetic3A_119 : vector<16xi32>
    %shift_left3A_121 = arith.constant 10 : i32
    %shift_left3A_122 = vector.broadcast %shift_left3A_121 : i32 to vector<16xi32>
    %shift_left3A_123 = arith.shli %shift_right_arithmetic3A_120, %shift_left3A_122 : vector<16xi32>
    %add3A_124 = arith.addi %add3A_117, %shift_left3A_123 : vector<16xi32>
    %and3A_125 = arith.constant 127 : i32
    %and3A_126 = vector.broadcast %and3A_125 : i32 to vector<16xi32>
    %and3A_127 = arith.andi %add3A_110, %and3A_126 : vector<16xi32>
    %add3A_128 = arith.addi %add3A_124, %and3A_127 : vector<16xi32>
    %swap3A_129 = arith.constant 64 : index
    %swap3A_130 = tpu.vector_load %arg4[%swap3A_129] {strides = array<i32>} : memref<256xi32, #tpu.memory_space<vmem>>, vector<16xi32>,
    %swap3A_131 = vector.shape_cast %swap3A_130 : vector<16xi32> to vector<16xi32>
    %swap3A_132 = vector.shape_cast %add3A_128 : vector<16xi32> to vector<16xi32>
    tpu.vector_store %arg4[%swap3A_129], %swap3A_132 {strides = array<i32>} : memref<256xi32, #tpu.memory_space<vmem>>, vector<16xi32>,
    %add3A_133 = arith.constant 80 : i32
    %add3A_134 = arith.addi %multiple_of3A, %add3A_133 : i32
    %add3A_135 = vector.broadcast %add3A_134 : i32 to vector<16xi32>
    %add3A_136 = arith.addi %add3A_135, %iota3A : vector<16xi32>
    %shift_left3A_137 = arith.constant 22 : i32
    %shift_left3A_138 = arith.shli %shift_right_arithmetic3A_3, %shift_left3A_137 : i32
    %shift_left3A_139 = arith.constant 13 : i32
    %shift_left3A_140 = vector.broadcast %shift_left3A_139 : i32 to vector<16xi32>
    %shift_left3A_141 = arith.shli %add3A_136, %shift_left3A_140 : vector<16xi32>
    %add3A_142 = vector.broadcast %shift_left3A_138 : i32 to vector<16xi32>
    %add3A_143 = arith.addi %add3A_142, %shift_left3A_141 : vector<16xi32>
    %shift_right_arithmetic3A_144 = arith.constant 7 : i32
    %shift_right_arithmetic3A_145 = vector.broadcast %shift_right_arithmetic3A_144 : i32 to vector<16xi32>
    %shift_right_arithmetic3A_146 = arith.shrsi %add3A_136, %shift_right_arithmetic3A_145 : vector<16xi32>
    %shift_left3A_147 = arith.constant 10 : i32
    %shift_left3A_148 = vector.broadcast %shift_left3A_147 : i32 to vector<16xi32>
    %shift_left3A_149 = arith.shli %shift_right_arithmetic3A_146, %shift_left3A_148 : vector<16xi32>
    %add3A_150 = arith.addi %add3A_143, %shift_left3A_149 : vector<16xi32>
    %and3A_151 = arith.constant 127 : i32
    %and3A_152 = vector.broadcast %and3A_151 : i32 to vector<16xi32>
    %and3A_153 = arith.andi %add3A_136, %and3A_152 : vector<16xi32>
    %add3A_154 = arith.addi %add3A_150, %and3A_153 : vector<16xi32>
    %swap3A_155 = arith.constant 80 : index
    %swap3A_156 = tpu.vector_load %arg4[%swap3A_155] {strides = array<i32>} : memref<256xi32, #tpu.memory_space<vmem>>, vector<16xi32>,
    %swap3A_157 = vector.shape_cast %swap3A_156 : vector<16xi32> to vector<16xi32>
    %swap3A_158 = vector.shape_cast %add3A_154 : vector<16xi32> to vector<16xi32>
    tpu.vector_store %arg4[%swap3A_155], %swap3A_158 {strides = array<i32>} : memref<256xi32, #tpu.memory_space<vmem>>, vector<16xi32>,
    %add3A_159 = arith.constant 96 : i32
    %add3A_160 = arith.addi %multiple_of3A, %add3A_159 : i32
    %add3A_161 = vector.broadcast %add3A_160 : i32 to vector<16xi32>
    %add3A_162 = arith.addi %add3A_161, %iota3A : vector<16xi32>
    %shift_left3A_163 = arith.constant 22 : i32
    %shift_left3A_164 = arith.shli %shift_right_arithmetic3A_3, %shift_left3A_163 : i32
    %shift_left3A_165 = arith.constant 13 : i32
    %shift_left3A_166 = vector.broadcast %shift_left3A_165 : i32 to vector<16xi32>
    %shift_left3A_167 = arith.shli %add3A_162, %shift_left3A_166 : vector<16xi32>
    %add3A_168 = vector.broadcast %shift_left3A_164 : i32 to vector<16xi32>
    %add3A_169 = arith.addi %add3A_168, %shift_left3A_167 : vector<16xi32>
    %shift_right_arithmetic3A_170 = arith.constant 7 : i32
    %shift_right_arithmetic3A_171 = vector.broadcast %shift_right_arithmetic3A_170 : i32 to vector<16xi32>
    %shift_right_arithmetic3A_172 = arith.shrsi %add3A_162, %shift_right_arithmetic3A_171 : vector<16xi32>
    %shift_left3A_173 = arith.constant 10 : i32
    %shift_left3A_174 = vector.broadcast %shift_left3A_173 : i32 to vector<16xi32>
    %shift_left3A_175 = arith.shli %shift_right_arithmetic3A_172, %shift_left3A_174 : vector<16xi32>
    %add3A_176 = arith.addi %add3A_169, %shift_left3A_175 : vector<16xi32>
    %and3A_177 = arith.constant 127 : i32
    %and3A_178 = vector.broadcast %and3A_177 : i32 to vector<16xi32>
    %and3A_179 = arith.andi %add3A_162, %and3A_178 : vector<16xi32>
    %add3A_180 = arith.addi %add3A_176, %and3A_179 : vector<16xi32>
    %swap3A_181 = arith.constant 96 : index
    %swap3A_182 = tpu.vector_load %arg4[%swap3A_181] {strides = array<i32>} : memref<256xi32, #tpu.memory_space<vmem>>, vector<16xi32>,
    %swap3A_183 = vector.shape_cast %swap3A_182 : vector<16xi32> to vector<16xi32>
    %swap3A_184 = vector.shape_cast %add3A_180 : vector<16xi32> to vector<16xi32>
    tpu.vector_store %arg4[%swap3A_181], %swap3A_184 {strides = array<i32>} : memref<256xi32, #tpu.memory_space<vmem>>, vector<16xi32>,
    %add3A_185 = arith.constant 112 : i32
    %add3A_186 = arith.addi %multiple_of3A, %add3A_185 : i32
    %add3A_187 = vector.broadcast %add3A_186 : i32 to vector<16xi32>
    %add3A_188 = arith.addi %add3A_187, %iota3A : vector<16xi32>
    %shift_left3A_189 = arith.constant 22 : i32
    %shift_left3A_190 = arith.shli %shift_right_arithmetic3A_3, %shift_left3A_189 : i32
    %shift_left3A_191 = arith.constant 13 : i32
    %shift_left3A_192 = vector.broadcast %shift_left3A_191 : i32 to vector<16xi32>
    %shift_left3A_193 = arith.shli %add3A_188, %shift_left3A_192 : vector<16xi32>
    %add3A_194 = vector.broadcast %shift_left3A_190 : i32 to vector<16xi32>
    %add3A_195 = arith.addi %add3A_194, %shift_left3A_193 : vector<16xi32>
    %shift_right_arithmetic3A_196 = arith.constant 7 : i32
    %shift_right_arithmetic3A_197 = vector.broadcast %shift_right_arithmetic3A_196 : i32 to vector<16xi32>
    %shift_right_arithmetic3A_198 = arith.shrsi %add3A_188, %shift_right_arithmetic3A_197 : vector<16xi32>
    %shift_left3A_199 = arith.constant 10 : i32
    %shift_left3A_200 = vector.broadcast %shift_left3A_199 : i32 to vector<16xi32>
    %shift_left3A_201 = arith.shli %shift_right_arithmetic3A_198, %shift_left3A_200 : vector<16xi32>
    %add3A_202 = arith.addi %add3A_195, %shift_left3A_201 : vector<16xi32>
    %and3A_203 = arith.constant 127 : i32
    %and3A_204 = vector.broadcast %and3A_203 : i32 to vector<16xi32>
    %and3A_205 = arith.andi %add3A_188, %and3A_204 : vector<16xi32>
    %add3A_206 = arith.addi %add3A_202, %and3A_205 : vector<16xi32>
    %swap3A_207 = arith.constant 112 : index
    %swap3A_208 = tpu.vector_load %arg4[%swap3A_207] {strides = array<i32>} : memref<256xi32, #tpu.memory_space<vmem>>, vector<16xi32>,
    %swap3A_209 = vector.shape_cast %swap3A_208 : vector<16xi32> to vector<16xi32>
    %swap3A_210 = vector.shape_cast %add3A_206 : vector<16xi32> to vector<16xi32>
    tpu.vector_store %arg4[%swap3A_207], %swap3A_210 {strides = array<i32>} : memref<256xi32, #tpu.memory_space<vmem>>, vector<16xi32>,
    %add3A_211 = arith.constant 128 : i32
    %add3A_212 = arith.addi %multiple_of3A, %add3A_211 : i32
    %add3A_213 = vector.broadcast %add3A_212 : i32 to vector<16xi32>
    %add3A_214 = arith.addi %add3A_213, %iota3A : vector<16xi32>
    %shift_left3A_215 = arith.constant 22 : i32
    %shift_left3A_216 = arith.shli %shift_right_arithmetic3A_3, %shift_left3A_215 : i32
    %shift_left3A_217 = arith.constant 13 : i32
    %shift_left3A_218 = vector.broadcast %shift_left3A_217 : i32 to vector<16xi32>
    %shift_left3A_219 = arith.shli %add3A_214, %shift_left3A_218 : vector<16xi32>
    %add3A_220 = vector.broadcast %shift_left3A_216 : i32 to vector<16xi32>
    %add3A_221 = arith.addi %add3A_220, %shift_left3A_219 : vector<16xi32>
    %shift_right_arithmetic3A_222 = arith.constant 7 : i32
    %shift_right_arithmetic3A_223 = vector.broadcast %shift_right_arithmetic3A_222 : i32 to vector<16xi32>
    %shift_right_arithmetic3A_224 = arith.shrsi %add3A_214, %shift_right_arithmetic3A_223 : vector<16xi32>
    %shift_left3A_225 = arith.constant 10 : i32
    %shift_left3A_226 = vector.broadcast %shift_left3A_225 : i32 to vector<16xi32>
    %shift_left3A_227 = arith.shli %shift_right_arithmetic3A_224, %shift_left3A_226 : vector<16xi32>
    %add3A_228 = arith.addi %add3A_221, %shift_left3A_227 : vector<16xi32>
    %and3A_229 = arith.constant 127 : i32
    %and3A_230 = vector.broadcast %and3A_229 : i32 to vector<16xi32>
    %and3A_231 = arith.andi %add3A_214, %and3A_230 : vector<16xi32>
    %add3A_232 = arith.addi %add3A_228, %and3A_231 : vector<16xi32>
    %swap3A_233 = arith.constant 128 : index
    %swap3A_234 = tpu.vector_load %arg4[%swap3A_233] {strides = array<i32>} : memref<256xi32, #tpu.memory_space<vmem>>, vector<16xi32>,
    %swap3A_235 = vector.shape_cast %swap3A_234 : vector<16xi32> to vector<16xi32>
    %swap3A_236 = vector.shape_cast %add3A_232 : vector<16xi32> to vector<16xi32>
    tpu.vector_store %arg4[%swap3A_233], %swap3A_236 {strides = array<i32>} : memref<256xi32, #tpu.memory_space<vmem>>, vector<16xi32>,
    %add3A_237 = arith.constant 144 : i32
    %add3A_238 = arith.addi %multiple_of3A, %add3A_237 : i32
    %add3A_239 = vector.broadcast %add3A_238 : i32 to vector<16xi32>
    %add3A_240 = arith.addi %add3A_239, %iota3A : vector<16xi32>
    %shift_left3A_241 = arith.constant 22 : i32
    %shift_left3A_242 = arith.shli %shift_right_arithmetic3A_3, %shift_left3A_241 : i32
    %shift_left3A_243 = arith.constant 13 : i32
    %shift_left3A_244 = vector.broadcast %shift_left3A_243 : i32 to vector<16xi32>
    %shift_left3A_245 = arith.shli %add3A_240, %shift_left3A_244 : vector<16xi32>
    %add3A_246 = vector.broadcast %shift_left3A_242 : i32 to vector<16xi32>
    %add3A_247 = arith.addi %add3A_246, %shift_left3A_245 : vector<16xi32>
    %shift_right_arithmetic3A_248 = arith.constant 7 : i32
    %shift_right_arithmetic3A_249 = vector.broadcast %shift_right_arithmetic3A_248 : i32 to vector<16xi32>
    %shift_right_arithmetic3A_250 = arith.shrsi %add3A_240, %shift_right_arithmetic3A_249 : vector<16xi32>
    %shift_left3A_251 = arith.constant 10 : i32
    %shift_left3A_252 = vector.broadcast %shift_left3A_251 : i32 to vector<16xi32>
    %shift_left3A_253 = arith.shli %shift_right_arithmetic3A_250, %shift_left3A_252 : vector<16xi32>
    %add3A_254 = arith.addi %add3A_247, %shift_left3A_253 : vector<16xi32>
    %and3A_255 = arith.constant 127 : i32
    %and3A_256 = vector.broadcast %and3A_255 : i32 to vector<16xi32>
    %and3A_257 = arith.andi %add3A_240, %and3A_256 : vector<16xi32>
    %add3A_258 = arith.addi %add3A_254, %and3A_257 : vector<16xi32>
    %swap3A_259 = arith.constant 144 : index
    %swap3A_260 = tpu.vector_load %arg4[%swap3A_259] {strides = array<i32>} : memref<256xi32, #tpu.memory_space<vmem>>, vector<16xi32>,
    %swap3A_261 = vector.shape_cast %swap3A_260 : vector<16xi32> to vector<16xi32>
    %swap3A_262 = vector.shape_cast %add3A_258 : vector<16xi32> to vector<16xi32>
    tpu.vector_store %arg4[%swap3A_259], %swap3A_262 {strides = array<i32>} : memref<256xi32, #tpu.memory_space<vmem>>, vector<16xi32>,
    %add3A_263 = arith.constant 160 : i32
    %add3A_264 = arith.addi %multiple_of3A, %add3A_263 : i32
    %add3A_265 = vector.broadcast %add3A_264 : i32 to vector<16xi32>
    %add3A_266 = arith.addi %add3A_265, %iota3A : vector<16xi32>
    %shift_left3A_267 = arith.constant 22 : i32
    %shift_left3A_268 = arith.shli %shift_right_arithmetic3A_3, %shift_left3A_267 : i32
    %shift_left3A_269 = arith.constant 13 : i32
    %shift_left3A_270 = vector.broadcast %shift_left3A_269 : i32 to vector<16xi32>
    %shift_left3A_271 = arith.shli %add3A_266, %shift_left3A_270 : vector<16xi32>
    %add3A_272 = vector.broadcast %shift_left3A_268 : i32 to vector<16xi32>
    %add3A_273 = arith.addi %add3A_272, %shift_left3A_271 : vector<16xi32>
    %shift_right_arithmetic3A_274 = arith.constant 7 : i32
    %shift_right_arithmetic3A_275 = vector.broadcast %shift_right_arithmetic3A_274 : i32 to vector<16xi32>
    %shift_right_arithmetic3A_276 = arith.shrsi %add3A_266, %shift_right_arithmetic3A_275 : vector<16xi32>
    %shift_left3A_277 = arith.constant 10 : i32
    %shift_left3A_278 = vector.broadcast %shift_left3A_277 : i32 to vector<16xi32>
    %shift_left3A_279 = arith.shli %shift_right_arithmetic3A_276, %shift_left3A_278 : vector<16xi32>
    %add3A_280 = arith.addi %add3A_273, %shift_left3A_279 : vector<16xi32>
    %and3A_281 = arith.constant 127 : i32
    %and3A_282 = vector.broadcast %and3A_281 : i32 to vector<16xi32>
    %and3A_283 = arith.andi %add3A_266, %and3A_282 : vector<16xi32>
    %add3A_284 = arith.addi %add3A_280, %and3A_283 : vector<16xi32>
    %swap3A_285 = arith.constant 160 : index
    %swap3A_286 = tpu.vector_load %arg4[%swap3A_285] {strides = array<i32>} : memref<256xi32, #tpu.memory_space<vmem>>, vector<16xi32>,
    %swap3A_287 = vector.shape_cast %swap3A_286 : vector<16xi32> to vector<16xi32>
    %swap3A_288 = vector.shape_cast %add3A_284 : vector<16xi32> to vector<16xi32>
    tpu.vector_store %arg4[%swap3A_285], %swap3A_288 {strides = array<i32>} : memref<256xi32, #tpu.memory_space<vmem>>, vector<16xi32>,
    %add3A_289 = arith.constant 176 : i32
    %add3A_290 = arith.addi %multiple_of3A, %add3A_289 : i32
    %add3A_291 = vector.broadcast %add3A_290 : i32 to vector<16xi32>
    %add3A_292 = arith.addi %add3A_291, %iota3A : vector<16xi32>
    %shift_left3A_293 = arith.constant 22 : i32
    %shift_left3A_294 = arith.shli %shift_right_arithmetic3A_3, %shift_left3A_293 : i32
    %shift_left3A_295 = arith.constant 13 : i32
    %shift_left3A_296 = vector.broadcast %shift_left3A_295 : i32 to vector<16xi32>
    %shift_left3A_297 = arith.shli %add3A_292, %shift_left3A_296 : vector<16xi32>
    %add3A_298 = vector.broadcast %shift_left3A_294 : i32 to vector<16xi32>
    %add3A_299 = arith.addi %add3A_298, %shift_left3A_297 : vector<16xi32>
    %shift_right_arithmetic3A_300 = arith.constant 7 : i32
    %shift_right_arithmetic3A_301 = vector.broadcast %shift_right_arithmetic3A_300 : i32 to vector<16xi32>
    %shift_right_arithmetic3A_302 = arith.shrsi %add3A_292, %shift_right_arithmetic3A_301 : vector<16xi32>
    %shift_left3A_303 = arith.constant 10 : i32
    %shift_left3A_304 = vector.broadcast %shift_left3A_303 : i32 to vector<16xi32>
    %shift_left3A_305 = arith.shli %shift_right_arithmetic3A_302, %shift_left3A_304 : vector<16xi32>
    %add3A_306 = arith.addi %add3A_299, %shift_left3A_305 : vector<16xi32>
    %and3A_307 = arith.constant 127 : i32
    %and3A_308 = vector.broadcast %and3A_307 : i32 to vector<16xi32>
    %and3A_309 = arith.andi %add3A_292, %and3A_308 : vector<16xi32>
    %add3A_310 = arith.addi %add3A_306, %and3A_309 : vector<16xi32>
    %swap3A_311 = arith.constant 176 : index
    %swap3A_312 = tpu.vector_load %arg4[%swap3A_311] {strides = array<i32>} : memref<256xi32, #tpu.memory_space<vmem>>, vector<16xi32>,
    %swap3A_313 = vector.shape_cast %swap3A_312 : vector<16xi32> to vector<16xi32>
    %swap3A_314 = vector.shape_cast %add3A_310 : vector<16xi32> to vector<16xi32>
    tpu.vector_store %arg4[%swap3A_311], %swap3A_314 {strides = array<i32>} : memref<256xi32, #tpu.memory_space<vmem>>, vector<16xi32>,
    %add3A_315 = arith.constant 192 : i32
    %add3A_316 = arith.addi %multiple_of3A, %add3A_315 : i32
    %add3A_317 = vector.broadcast %add3A_316 : i32 to vector<16xi32>
    %add3A_318 = arith.addi %add3A_317, %iota3A : vector<16xi32>
    %shift_left3A_319 = arith.constant 22 : i32
    %shift_left3A_320 = arith.shli %shift_right_arithmetic3A_3, %shift_left3A_319 : i32
    %shift_left3A_321 = arith.constant 13 : i32
    %shift_left3A_322 = vector.broadcast %shift_left3A_321 : i32 to vector<16xi32>
    %shift_left3A_323 = arith.shli %add3A_318, %shift_left3A_322 : vector<16xi32>
    %add3A_324 = vector.broadcast %shift_left3A_320 : i32 to vector<16xi32>
    %add3A_325 = arith.addi %add3A_324, %shift_left3A_323 : vector<16xi32>
    %shift_right_arithmetic3A_326 = arith.constant 7 : i32
    %shift_right_arithmetic3A_327 = vector.broadcast %shift_right_arithmetic3A_326 : i32 to vector<16xi32>
    %shift_right_arithmetic3A_328 = arith.shrsi %add3A_318, %shift_right_arithmetic3A_327 : vector<16xi32>
    %shift_left3A_329 = arith.constant 10 : i32
    %shift_left3A_330 = vector.broadcast %shift_left3A_329 : i32 to vector<16xi32>
    %shift_left3A_331 = arith.shli %shift_right_arithmetic3A_328, %shift_left3A_330 : vector<16xi32>
    %add3A_332 = arith.addi %add3A_325, %shift_left3A_331 : vector<16xi32>
    %and3A_333 = arith.constant 127 : i32
    %and3A_334 = vector.broadcast %and3A_333 : i32 to vector<16xi32>
    %and3A_335 = arith.andi %add3A_318, %and3A_334 : vector<16xi32>
    %add3A_336 = arith.addi %add3A_332, %and3A_335 : vector<16xi32>
    %swap3A_337 = arith.constant 192 : index
    %swap3A_338 = tpu.vector_load %arg4[%swap3A_337] {strides = array<i32>} : memref<256xi32, #tpu.memory_space<vmem>>, vector<16xi32>,
    %swap3A_339 = vector.shape_cast %swap3A_338 : vector<16xi32> to vector<16xi32>
    %swap3A_340 = vector.shape_cast %add3A_336 : vector<16xi32> to vector<16xi32>
    tpu.vector_store %arg4[%swap3A_337], %swap3A_340 {strides = array<i32>} : memref<256xi32, #tpu.memory_space<vmem>>, vector<16xi32>,
    %add3A_341 = arith.constant 208 : i32
    %add3A_342 = arith.addi %multiple_of3A, %add3A_341 : i32
    %add3A_343 = vector.broadcast %add3A_342 : i32 to vector<16xi32>
    %add3A_344 = arith.addi %add3A_343, %iota3A : vector<16xi32>
    %shift_left3A_345 = arith.constant 22 : i32
    %shift_left3A_346 = arith.shli %shift_right_arithmetic3A_3, %shift_left3A_345 : i32
    %shift_left3A_347 = arith.constant 13 : i32
    %shift_left3A_348 = vector.broadcast %shift_left3A_347 : i32 to vector<16xi32>
    %shift_left3A_349 = arith.shli %add3A_344, %shift_left3A_348 : vector<16xi32>
    %add3A_350 = vector.broadcast %shift_left3A_346 : i32 to vector<16xi32>
    %add3A_351 = arith.addi %add3A_350, %shift_left3A_349 : vector<16xi32>
    %shift_right_arithmetic3A_352 = arith.constant 7 : i32
    %shift_right_arithmetic3A_353 = vector.broadcast %shift_right_arithmetic3A_352 : i32 to vector<16xi32>
    %shift_right_arithmetic3A_354 = arith.shrsi %add3A_344, %shift_right_arithmetic3A_353 : vector<16xi32>
    %shift_left3A_355 = arith.constant 10 : i32
    %shift_left3A_356 = vector.broadcast %shift_left3A_355 : i32 to vector<16xi32>
    %shift_left3A_357 = arith.shli %shift_right_arithmetic3A_354, %shift_left3A_356 : vector<16xi32>
    %add3A_358 = arith.addi %add3A_351, %shift_left3A_357 : vector<16xi32>
    %and3A_359 = arith.constant 127 : i32
    %and3A_360 = vector.broadcast %and3A_359 : i32 to vector<16xi32>
    %and3A_361 = arith.andi %add3A_344, %and3A_360 : vector<16xi32>
    %add3A_362 = arith.addi %add3A_358, %and3A_361 : vector<16xi32>
    %swap3A_363 = arith.constant 208 : index
    %swap3A_364 = tpu.vector_load %arg4[%swap3A_363] {strides = array<i32>} : memref<256xi32, #tpu.memory_space<vmem>>, vector<16xi32>,
    %swap3A_365 = vector.shape_cast %swap3A_364 : vector<16xi32> to vector<16xi32>
    %swap3A_366 = vector.shape_cast %add3A_362 : vector<16xi32> to vector<16xi32>
    tpu.vector_store %arg4[%swap3A_363], %swap3A_366 {strides = array<i32>} : memref<256xi32, #tpu.memory_space<vmem>>, vector<16xi32>,
    %add3A_367 = arith.constant 224 : i32
    %add3A_368 = arith.addi %multiple_of3A, %add3A_367 : i32
    %add3A_369 = vector.broadcast %add3A_368 : i32 to vector<16xi32>
    %add3A_370 = arith.addi %add3A_369, %iota3A : vector<16xi32>
    %shift_left3A_371 = arith.constant 22 : i32
    %shift_left3A_372 = arith.shli %shift_right_arithmetic3A_3, %shift_left3A_371 : i32
    %shift_left3A_373 = arith.constant 13 : i32
    %shift_left3A_374 = vector.broadcast %shift_left3A_373 : i32 to vector<16xi32>
    %shift_left3A_375 = arith.shli %add3A_370, %shift_left3A_374 : vector<16xi32>
    %add3A_376 = vector.broadcast %shift_left3A_372 : i32 to vector<16xi32>
    %add3A_377 = arith.addi %add3A_376, %shift_left3A_375 : vector<16xi32>
    %shift_right_arithmetic3A_378 = arith.constant 7 : i32
    %shift_right_arithmetic3A_379 = vector.broadcast %shift_right_arithmetic3A_378 : i32 to vector<16xi32>
    %shift_right_arithmetic3A_380 = arith.shrsi %add3A_370, %shift_right_arithmetic3A_379 : vector<16xi32>
    %shift_left3A_381 = arith.constant 10 : i32
    %shift_left3A_382 = vector.broadcast %shift_left3A_381 : i32 to vector<16xi32>
    %shift_left3A_383 = arith.shli %shift_right_arithmetic3A_380, %shift_left3A_382 : vector<16xi32>
    %add3A_384 = arith.addi %add3A_377, %shift_left3A_383 : vector<16xi32>
    %and3A_385 = arith.constant 127 : i32
    %and3A_386 = vector.broadcast %and3A_385 : i32 to vector<16xi32>
    %and3A_387 = arith.andi %add3A_370, %and3A_386 : vector<16xi32>
    %add3A_388 = arith.addi %add3A_384, %and3A_387 : vector<16xi32>
    %swap3A_389 = arith.constant 224 : index
    %swap3A_390 = tpu.vector_load %arg4[%swap3A_389] {strides = array<i32>} : memref<256xi32, #tpu.memory_space<vmem>>, vector<16xi32>,
    %swap3A_391 = vector.shape_cast %swap3A_390 : vector<16xi32> to vector<16xi32>
    %swap3A_392 = vector.shape_cast %add3A_388 : vector<16xi32> to vector<16xi32>
    tpu.vector_store %arg4[%swap3A_389], %swap3A_392 {strides = array<i32>} : memref<256xi32, #tpu.memory_space<vmem>>, vector<16xi32>,
    %add3A_393 = arith.constant 240 : i32
    %add3A_394 = arith.addi %multiple_of3A, %add3A_393 : i32
    %add3A_395 = vector.broadcast %add3A_394 : i32 to vector<16xi32>
    %add3A_396 = arith.addi %add3A_395, %iota3A : vector<16xi32>
    %shift_left3A_397 = arith.constant 22 : i32
    %shift_left3A_398 = arith.shli %shift_right_arithmetic3A_3, %shift_left3A_397 : i32
    %shift_left3A_399 = arith.constant 13 : i32
    %shift_left3A_400 = vector.broadcast %shift_left3A_399 : i32 to vector<16xi32>
    %shift_left3A_401 = arith.shli %add3A_396, %shift_left3A_400 : vector<16xi32>
    %add3A_402 = vector.broadcast %shift_left3A_398 : i32 to vector<16xi32>
    %add3A_403 = arith.addi %add3A_402, %shift_left3A_401 : vector<16xi32>
    %shift_right_arithmetic3A_404 = arith.constant 7 : i32
    %shift_right_arithmetic3A_405 = vector.broadcast %shift_right_arithmetic3A_404 : i32 to vector<16xi32>
    %shift_right_arithmetic3A_406 = arith.shrsi %add3A_396, %shift_right_arithmetic3A_405 : vector<16xi32>
    %shift_left3A_407 = arith.constant 10 : i32
    %shift_left3A_408 = vector.broadcast %shift_left3A_407 : i32 to vector<16xi32>
    %shift_left3A_409 = arith.shli %shift_right_arithmetic3A_406, %shift_left3A_408 : vector<16xi32>
    %add3A_410 = arith.addi %add3A_403, %shift_left3A_409 : vector<16xi32>
    %and3A_411 = arith.constant 127 : i32
    %and3A_412 = vector.broadcast %and3A_411 : i32 to vector<16xi32>
    %and3A_413 = arith.andi %add3A_396, %and3A_412 : vector<16xi32>
    %add3A_414 = arith.addi %add3A_410, %and3A_413 : vector<16xi32>
    %swap3A_415 = arith.constant 240 : index
    %swap3A_416 = tpu.vector_load %arg4[%swap3A_415] {strides = array<i32>} : memref<256xi32, #tpu.memory_space<vmem>>, vector<16xi32>,
    %swap3A_417 = vector.shape_cast %swap3A_416 : vector<16xi32> to vector<16xi32>
    %swap3A_418 = vector.shape_cast %add3A_414 : vector<16xi32> to vector<16xi32>
    tpu.vector_store %arg4[%swap3A_415], %swap3A_418 {strides = array<i32>} : memref<256xi32, #tpu.memory_space<vmem>>, vector<16xi32>,
    %get3A = arith.constant 0 : index
    %get3A_419 = tpu.vector_load %arg4[%get3A] {strides = array<i32>} : memref<256xi32, #tpu.memory_space<vmem>>, vector<16xi32>,
    %get3A_420 = vector.shape_cast %get3A_419 : vector<16xi32> to vector<16xi32>
    %add3A_421 = arith.constant 0 : i32
    %add3A_422 = vector.broadcast %add3A_421 : i32 to vector<16xi32>
    %add3A_423 = arith.addi %get3A_420, %add3A_422 : vector<16xi32>
    %swap3A_424 = arith.constant 0 : i32
    %swap3A_425 = arith.index_cast %swap3A_424 : i32 to index
    %swap3A_426 = arith.constant 0 : index
    %swap3A_427 = tpu.vector_load %arg5[%swap3A_425, %swap3A_426] {strides = array<i32>} : memref<32x128xi32, #tpu.memory_space<vmem>>, vector<1x16xi32>,
    %swap3A_428 = vector.shape_cast %swap3A_427 : vector<1x16xi32> to vector<16xi32>
    %swap3A_429 = vector.shape_cast %add3A_423 : vector<16xi32> to vector<1x16xi32>
    tpu.vector_store %arg5[%swap3A_425, %swap3A_426], %swap3A_429 {strides = array<i32>} : memref<32x128xi32, #tpu.memory_space<vmem>>, vector<1x16xi32>,
    %get3A_430 = arith.constant 16 : index
    %get3A_431 = tpu.vector_load %arg4[%get3A_430] {strides = array<i32>} : memref<256xi32, #tpu.memory_space<vmem>>, vector<16xi32>,
    %get3A_432 = vector.shape_cast %get3A_431 : vector<16xi32> to vector<16xi32>
    %add3A_433 = arith.constant 0 : i32
    %add3A_434 = vector.broadcast %add3A_433 : i32 to vector<16xi32>
    %add3A_435 = arith.addi %get3A_432, %add3A_434 : vector<16xi32>
    %swap3A_436 = arith.constant 0 : i32
    %swap3A_437 = arith.index_cast %swap3A_436 : i32 to index
    %swap3A_438 = arith.constant 16 : index
    %swap3A_439 = tpu.vector_load %arg5[%swap3A_437, %swap3A_438] {strides = array<i32>} : memref<32x128xi32, #tpu.memory_space<vmem>>, vector<1x16xi32>,
    %swap3A_440 = vector.shape_cast %swap3A_439 : vector<1x16xi32> to vector<16xi32>
    %swap3A_441 = vector.shape_cast %add3A_435 : vector<16xi32> to vector<1x16xi32>
    tpu.vector_store %arg5[%swap3A_437, %swap3A_438], %swap3A_441 {strides = array<i32>} : memref<32x128xi32, #tpu.memory_space<vmem>>, vector<1x16xi32>,
    %get3A_442 = arith.constant 32 : index
    %get3A_443 = tpu.vector_load %arg4[%get3A_442] {strides = array<i32>} : memref<256xi32, #tpu.memory_space<vmem>>, vector<16xi32>,
    %get3A_444 = vector.shape_cast %get3A_443 : vector<16xi32> to vector<16xi32>
    %add3A_445 = arith.constant 0 : i32
    %add3A_446 = vector.broadcast %add3A_445 : i32 to vector<16xi32>
    %add3A_447 = arith.addi %get3A_444, %add3A_446 : vector<16xi32>
    %swap3A_448 = arith.constant 0 : i32
    %swap3A_449 = arith.index_cast %swap3A_448 : i32 to index
    %swap3A_450 = arith.constant 32 : index
    %swap3A_451 = tpu.vector_load %arg5[%swap3A_449, %swap3A_450] {strides = array<i32>} : memref<32x128xi32, #tpu.memory_space<vmem>>, vector<1x16xi32>,
    %swap3A_452 = vector.shape_cast %swap3A_451 : vector<1x16xi32> to vector<16xi32>
    %swap3A_453 = vector.shape_cast %add3A_447 : vector<16xi32> to vector<1x16xi32>
    tpu.vector_store %arg5[%swap3A_449, %swap3A_450], %swap3A_453 {strides = array<i32>} : memref<32x128xi32, #tpu.memory_space<vmem>>, vector<1x16xi32>,
    %get3A_454 = arith.constant 48 : index
    %get3A_455 = tpu.vector_load %arg4[%get3A_454] {strides = array<i32>} : memref<256xi32, #tpu.memory_space<vmem>>, vector<16xi32>,
    %get3A_456 = vector.shape_cast %get3A_455 : vector<16xi32> to vector<16xi32>
    %add3A_457 = arith.constant 0 : i32
    %add3A_458 = vector.broadcast %add3A_457 : i32 to vector<16xi32>
    %add3A_459 = arith.addi %get3A_456, %add3A_458 : vector<16xi32>
    %swap3A_460 = arith.constant 0 : i32
    %swap3A_461 = arith.index_cast %swap3A_460 : i32 to index
    %swap3A_462 = arith.constant 48 : index
    %swap3A_463 = tpu.vector_load %arg5[%swap3A_461, %swap3A_462] {strides = array<i32>} : memref<32x128xi32, #tpu.memory_space<vmem>>, vector<1x16xi32>,
    %swap3A_464 = vector.shape_cast %swap3A_463 : vector<1x16xi32> to vector<16xi32>
    %swap3A_465 = vector.shape_cast %add3A_459 : vector<16xi32> to vector<1x16xi32>
    tpu.vector_store %arg5[%swap3A_461, %swap3A_462], %swap3A_465 {strides = array<i32>} : memref<32x128xi32, #tpu.memory_space<vmem>>, vector<1x16xi32>,
    %get3A_466 = arith.constant 64 : index
    %get3A_467 = tpu.vector_load %arg4[%get3A_466] {strides = array<i32>} : memref<256xi32, #tpu.memory_space<vmem>>, vector<16xi32>,
    %get3A_468 = vector.shape_cast %get3A_467 : vector<16xi32> to vector<16xi32>
    %add3A_469 = arith.constant 0 : i32
    %add3A_470 = vector.broadcast %add3A_469 : i32 to vector<16xi32>
    %add3A_471 = arith.addi %get3A_468, %add3A_470 : vector<16xi32>
    %swap3A_472 = arith.constant 0 : i32
    %swap3A_473 = arith.index_cast %swap3A_472 : i32 to index
    %swap3A_474 = arith.constant 64 : index
    %swap3A_475 = tpu.vector_load %arg5[%swap3A_473, %swap3A_474] {strides = array<i32>} : memref<32x128xi32, #tpu.memory_space<vmem>>, vector<1x16xi32>,
    %swap3A_476 = vector.shape_cast %swap3A_475 : vector<1x16xi32> to vector<16xi32>
    %swap3A_477 = vector.shape_cast %add3A_471 : vector<16xi32> to vector<1x16xi32>
    tpu.vector_store %arg5[%swap3A_473, %swap3A_474], %swap3A_477 {strides = array<i32>} : memref<32x128xi32, #tpu.memory_space<vmem>>, vector<1x16xi32>,
    %get3A_478 = arith.constant 80 : index
    %get3A_479 = tpu.vector_load %arg4[%get3A_478] {strides = array<i32>} : memref<256xi32, #tpu.memory_space<vmem>>, vector<16xi32>,
    %get3A_480 = vector.shape_cast %get3A_479 : vector<16xi32> to vector<16xi32>
    %add3A_481 = arith.constant 0 : i32
    %add3A_482 = vector.broadcast %add3A_481 : i32 to vector<16xi32>
    %add3A_483 = arith.addi %get3A_480, %add3A_482 : vector<16xi32>
    %swap3A_484 = arith.constant 0 : i32
    %swap3A_485 = arith.index_cast %swap3A_484 : i32 to index
    %swap3A_486 = arith.constant 80 : index
    %swap3A_487 = tpu.vector_load %arg5[%swap3A_485, %swap3A_486] {strides = array<i32>} : memref<32x128xi32, #tpu.memory_space<vmem>>, vector<1x16xi32>,
    %swap3A_488 = vector.shape_cast %swap3A_487 : vector<1x16xi32> to vector<16xi32>
    %swap3A_489 = vector.shape_cast %add3A_483 : vector<16xi32> to vector<1x16xi32>
    tpu.vector_store %arg5[%swap3A_485, %swap3A_486], %swap3A_489 {strides = array<i32>} : memref<32x128xi32, #tpu.memory_space<vmem>>, vector<1x16xi32>,
    %get3A_490 = arith.constant 96 : index
    %get3A_491 = tpu.vector_load %arg4[%get3A_490] {strides = array<i32>} : memref<256xi32, #tpu.memory_space<vmem>>, vector<16xi32>,
    %get3A_492 = vector.shape_cast %get3A_491 : vector<16xi32> to vector<16xi32>
    %add3A_493 = arith.constant 0 : i32
    %add3A_494 = vector.broadcast %add3A_493 : i32 to vector<16xi32>
    %add3A_495 = arith.addi %get3A_492, %add3A_494 : vector<16xi32>
    %swap3A_496 = arith.constant 0 : i32
    %swap3A_497 = arith.index_cast %swap3A_496 : i32 to index
    %swap3A_498 = arith.constant 96 : index
    %swap3A_499 = tpu.vector_load %arg5[%swap3A_497, %swap3A_498] {strides = array<i32>} : memref<32x128xi32, #tpu.memory_space<vmem>>, vector<1x16xi32>,
    %swap3A_500 = vector.shape_cast %swap3A_499 : vector<1x16xi32> to vector<16xi32>
    %swap3A_501 = vector.shape_cast %add3A_495 : vector<16xi32> to vector<1x16xi32>
    tpu.vector_store %arg5[%swap3A_497, %swap3A_498], %swap3A_501 {strides = array<i32>} : memref<32x128xi32, #tpu.memory_space<vmem>>, vector<1x16xi32>,
    %get3A_502 = arith.constant 112 : index
    %get3A_503 = tpu.vector_load %arg4[%get3A_502] {strides = array<i32>} : memref<256xi32, #tpu.memory_space<vmem>>, vector<16xi32>,
    %get3A_504 = vector.shape_cast %get3A_503 : vector<16xi32> to vector<16xi32>
    %add3A_505 = arith.constant 0 : i32
    %add3A_506 = vector.broadcast %add3A_505 : i32 to vector<16xi32>
    %add3A_507 = arith.addi %get3A_504, %add3A_506 : vector<16xi32>
    %swap3A_508 = arith.constant 0 : i32
    %swap3A_509 = arith.index_cast %swap3A_508 : i32 to index
    %swap3A_510 = arith.constant 112 : index
    %swap3A_511 = tpu.vector_load %arg5[%swap3A_509, %swap3A_510] {strides = array<i32>} : memref<32x128xi32, #tpu.memory_space<vmem>>, vector<1x16xi32>,
    %swap3A_512 = vector.shape_cast %swap3A_511 : vector<1x16xi32> to vector<16xi32>
    %swap3A_513 = vector.shape_cast %add3A_507 : vector<16xi32> to vector<1x16xi32>
    tpu.vector_store %arg5[%swap3A_509, %swap3A_510], %swap3A_513 {strides = array<i32>} : memref<32x128xi32, #tpu.memory_space<vmem>>, vector<1x16xi32>,
    %get3A_514 = arith.constant 128 : index
    %get3A_515 = tpu.vector_load %arg4[%get3A_514] {strides = array<i32>} : memref<256xi32, #tpu.memory_space<vmem>>, vector<16xi32>,
    %get3A_516 = vector.shape_cast %get3A_515 : vector<16xi32> to vector<16xi32>
    %add3A_517 = arith.constant 0 : i32
    %add3A_518 = vector.broadcast %add3A_517 : i32 to vector<16xi32>
    %add3A_519 = arith.addi %get3A_516, %add3A_518 : vector<16xi32>
    %swap3A_520 = arith.constant 1 : i32
    %swap3A_521 = arith.index_cast %swap3A_520 : i32 to index
    %swap3A_522 = arith.constant 0 : index
    %swap3A_523 = tpu.vector_load %arg5[%swap3A_521, %swap3A_522] {strides = array<i32>} : memref<32x128xi32, #tpu.memory_space<vmem>>, vector<1x16xi32>,
    %swap3A_524 = vector.shape_cast %swap3A_523 : vector<1x16xi32> to vector<16xi32>
    %swap3A_525 = vector.shape_cast %add3A_519 : vector<16xi32> to vector<1x16xi32>
    tpu.vector_store %arg5[%swap3A_521, %swap3A_522], %swap3A_525 {strides = array<i32>} : memref<32x128xi32, #tpu.memory_space<vmem>>, vector<1x16xi32>,
    %get3A_526 = arith.constant 144 : index
    %get3A_527 = tpu.vector_load %arg4[%get3A_526] {strides = array<i32>} : memref<256xi32, #tpu.memory_space<vmem>>, vector<16xi32>,
    %get3A_528 = vector.shape_cast %get3A_527 : vector<16xi32> to vector<16xi32>
    %add3A_529 = arith.constant 0 : i32
    %add3A_530 = vector.broadcast %add3A_529 : i32 to vector<16xi32>
    %add3A_531 = arith.addi %get3A_528, %add3A_530 : vector<16xi32>
    %swap3A_532 = arith.constant 1 : i32
    %swap3A_533 = arith.index_cast %swap3A_532 : i32 to index
    %swap3A_534 = arith.constant 16 : index
    %swap3A_535 = tpu.vector_load %arg5[%swap3A_533, %swap3A_534] {strides = array<i32>} : memref<32x128xi32, #tpu.memory_space<vmem>>, vector<1x16xi32>,
    %swap3A_536 = vector.shape_cast %swap3A_535 : vector<1x16xi32> to vector<16xi32>
    %swap3A_537 = vector.shape_cast %add3A_531 : vector<16xi32> to vector<1x16xi32>
    tpu.vector_store %arg5[%swap3A_533, %swap3A_534], %swap3A_537 {strides = array<i32>} : memref<32x128xi32, #tpu.memory_space<vmem>>, vector<1x16xi32>,
    %get3A_538 = arith.constant 160 : index
    %get3A_539 = tpu.vector_load %arg4[%get3A_538] {strides = array<i32>} : memref<256xi32, #tpu.memory_space<vmem>>, vector<16xi32>,
    %get3A_540 = vector.shape_cast %get3A_539 : vector<16xi32> to vector<16xi32>
    %add3A_541 = arith.constant 0 : i32
    %add3A_542 = vector.broadcast %add3A_541 : i32 to vector<16xi32>
    %add3A_543 = arith.addi %get3A_540, %add3A_542 : vector<16xi32>
    %swap3A_544 = arith.constant 1 : i32
    %swap3A_545 = arith.index_cast %swap3A_544 : i32 to index
    %swap3A_546 = arith.constant 32 : index
    %swap3A_547 = tpu.vector_load %arg5[%swap3A_545, %swap3A_546] {strides = array<i32>} : memref<32x128xi32, #tpu.memory_space<vmem>>, vector<1x16xi32>,
    %swap3A_548 = vector.shape_cast %swap3A_547 : vector<1x16xi32> to vector<16xi32>
    %swap3A_549 = vector.shape_cast %add3A_543 : vector<16xi32> to vector<1x16xi32>
    tpu.vector_store %arg5[%swap3A_545, %swap3A_546], %swap3A_549 {strides = array<i32>} : memref<32x128xi32, #tpu.memory_space<vmem>>, vector<1x16xi32>,
    %get3A_550 = arith.constant 176 : index
    %get3A_551 = tpu.vector_load %arg4[%get3A_550] {strides = array<i32>} : memref<256xi32, #tpu.memory_space<vmem>>, vector<16xi32>,
    %get3A_552 = vector.shape_cast %get3A_551 : vector<16xi32> to vector<16xi32>
    %add3A_553 = arith.constant 0 : i32
    %add3A_554 = vector.broadcast %add3A_553 : i32 to vector<16xi32>
    %add3A_555 = arith.addi %get3A_552, %add3A_554 : vector<16xi32>
    %swap3A_556 = arith.constant 1 : i32
    %swap3A_557 = arith.index_cast %swap3A_556 : i32 to index
    %swap3A_558 = arith.constant 48 : index
    %swap3A_559 = tpu.vector_load %arg5[%swap3A_557, %swap3A_558] {strides = array<i32>} : memref<32x128xi32, #tpu.memory_space<vmem>>, vector<1x16xi32>,
    %swap3A_560 = vector.shape_cast %swap3A_559 : vector<1x16xi32> to vector<16xi32>
    %swap3A_561 = vector.shape_cast %add3A_555 : vector<16xi32> to vector<1x16xi32>
    tpu.vector_store %arg5[%swap3A_557, %swap3A_558], %swap3A_561 {strides = array<i32>} : memref<32x128xi32, #tpu.memory_space<vmem>>, vector<1x16xi32>,
    %get3A_562 = arith.constant 192 : index
    %get3A_563 = tpu.vector_load %arg4[%get3A_562] {strides = array<i32>} : memref<256xi32, #tpu.memory_space<vmem>>, vector<16xi32>,
    %get3A_564 = vector.shape_cast %get3A_563 : vector<16xi32> to vector<16xi32>
    %add3A_565 = arith.constant 0 : i32
    %add3A_566 = vector.broadcast %add3A_565 : i32 to vector<16xi32>
    %add3A_567 = arith.addi %get3A_564, %add3A_566 : vector<16xi32>
    %swap3A_568 = arith.constant 1 : i32
    %swap3A_569 = arith.index_cast %swap3A_568 : i32 to index
    %swap3A_570 = arith.constant 64 : index
    %swap3A_571 = tpu.vector_load %arg5[%swap3A_569, %swap3A_570] {strides = array<i32>} : memref<32x128xi32, #tpu.memory_space<vmem>>, vector<1x16xi32>,
    %swap3A_572 = vector.shape_cast %swap3A_571 : vector<1x16xi32> to vector<16xi32>
    %swap3A_573 = vector.shape_cast %add3A_567 : vector<16xi32> to vector<1x16xi32>
    tpu.vector_store %arg5[%swap3A_569, %swap3A_570], %swap3A_573 {strides = array<i32>} : memref<32x128xi32, #tpu.memory_space<vmem>>, vector<1x16xi32>,
    %get3A_574 = arith.constant 208 : index
    %get3A_575 = tpu.vector_load %arg4[%get3A_574] {strides = array<i32>} : memref<256xi32, #tpu.memory_space<vmem>>, vector<16xi32>,
    %get3A_576 = vector.shape_cast %get3A_575 : vector<16xi32> to vector<16xi32>
    %add3A_577 = arith.constant 0 : i32
    %add3A_578 = vector.broadcast %add3A_577 : i32 to vector<16xi32>
    %add3A_579 = arith.addi %get3A_576, %add3A_578 : vector<16xi32>
    %swap3A_580 = arith.constant 1 : i32
    %swap3A_581 = arith.index_cast %swap3A_580 : i32 to index
    %swap3A_582 = arith.constant 80 : index
    %swap3A_583 = tpu.vector_load %arg5[%swap3A_581, %swap3A_582] {strides = array<i32>} : memref<32x128xi32, #tpu.memory_space<vmem>>, vector<1x16xi32>,
    %swap3A_584 = vector.shape_cast %swap3A_583 : vector<1x16xi32> to vector<16xi32>
    %swap3A_585 = vector.shape_cast %add3A_579 : vector<16xi32> to vector<1x16xi32>
    tpu.vector_store %arg5[%swap3A_581, %swap3A_582], %swap3A_585 {strides = array<i32>} : memref<32x128xi32, #tpu.memory_space<vmem>>, vector<1x16xi32>,
    %get3A_586 = arith.constant 224 : index
    %get3A_587 = tpu.vector_load %arg4[%get3A_586] {strides = array<i32>} : memref<256xi32, #tpu.memory_space<vmem>>, vector<16xi32>,
    %get3A_588 = vector.shape_cast %get3A_587 : vector<16xi32> to vector<16xi32>
    %add3A_589 = arith.constant 0 : i32
    %add3A_590 = vector.broadcast %add3A_589 : i32 to vector<16xi32>
    %add3A_591 = arith.addi %get3A_588, %add3A_590 : vector<16xi32>
    %swap3A_592 = arith.constant 1 : i32
    %swap3A_593 = arith.index_cast %swap3A_592 : i32 to index
    %swap3A_594 = arith.constant 96 : index
    %swap3A_595 = tpu.vector_load %arg5[%swap3A_593, %swap3A_594] {strides = array<i32>} : memref<32x128xi32, #tpu.memory_space<vmem>>, vector<1x16xi32>,
    %swap3A_596 = vector.shape_cast %swap3A_595 : vector<1x16xi32> to vector<16xi32>
    %swap3A_597 = vector.shape_cast %add3A_591 : vector<16xi32> to vector<1x16xi32>
    tpu.vector_store %arg5[%swap3A_593, %swap3A_594], %swap3A_597 {strides = array<i32>} : memref<32x128xi32, #tpu.memory_space<vmem>>, vector<1x16xi32>,
    %get3A_598 = arith.constant 240 : index
    %get3A_599 = tpu.vector_load %arg4[%get3A_598] {strides = array<i32>} : memref<256xi32, #tpu.memory_space<vmem>>, vector<16xi32>,
    %get3A_600 = vector.shape_cast %get3A_599 : vector<16xi32> to vector<16xi32>
    %add3A_601 = arith.constant 0 : i32
    %add3A_602 = vector.broadcast %add3A_601 : i32 to vector<16xi32>
    %add3A_603 = arith.addi %get3A_600, %add3A_602 : vector<16xi32>
    %swap3A_604 = arith.constant 1 : i32
    %swap3A_605 = arith.index_cast %swap3A_604 : i32 to index
    %swap3A_606 = arith.constant 112 : index
    %swap3A_607 = tpu.vector_load %arg5[%swap3A_605, %swap3A_606] {strides = array<i32>} : memref<32x128xi32, #tpu.memory_space<vmem>>, vector<1x16xi32>,
    %swap3A_608 = vector.shape_cast %swap3A_607 : vector<1x16xi32> to vector<16xi32>
    %swap3A_609 = vector.shape_cast %add3A_603 : vector<16xi32> to vector<1x16xi32>
    tpu.vector_store %arg5[%swap3A_605, %swap3A_606], %swap3A_609 {strides = array<i32>} : memref<32x128xi32, #tpu.memory_space<vmem>>, vector<1x16xi32>,
    %get3A_610 = arith.constant 0 : index
    %get3A_611 = tpu.vector_load %arg4[%get3A_610] {strides = array<i32>} : memref<256xi32, #tpu.memory_space<vmem>>, vector<16xi32>,
    %get3A_612 = vector.shape_cast %get3A_611 : vector<16xi32> to vector<16xi32>
    %add3A_613 = arith.constant 128 : i32
    %add3A_614 = vector.broadcast %add3A_613 : i32 to vector<16xi32>
    %add3A_615 = arith.addi %get3A_612, %add3A_614 : vector<16xi32>
    %swap3A_616 = arith.constant 2 : i32
    %swap3A_617 = arith.index_cast %swap3A_616 : i32 to index
    %swap3A_618 = arith.constant 0 : index
    %swap3A_619 = tpu.vector_load %arg5[%swap3A_617, %swap3A_618] {strides = array<i32>} : memref<32x128xi32, #tpu.memory_space<vmem>>, vector<1x16xi32>,
    %swap3A_620 = vector.shape_cast %swap3A_619 : vector<1x16xi32> to vector<16xi32>
    %swap3A_621 = vector.shape_cast %add3A_615 : vector<16xi32> to vector<1x16xi32>
    tpu.vector_store %arg5[%swap3A_617, %swap3A_618], %swap3A_621 {strides = array<i32>} : memref<32x128xi32, #tpu.memory_space<vmem>>, vector<1x16xi32>,
    %get3A_622 = arith.constant 16 : index
    %get3A_623 = tpu.vector_load %arg4[%get3A_622] {strides = array<i32>} : memref<256xi32, #tpu.memory_space<vmem>>, vector<16xi32>,
    %get3A_624 = vector.shape_cast %get3A_623 : vector<16xi32> to vector<16xi32>
    %add3A_625 = arith.constant 128 : i32
    %add3A_626 = vector.broadcast %add3A_625 : i32 to vector<16xi32>
    %add3A_627 = arith.addi %get3A_624, %add3A_626 : vector<16xi32>
    %swap3A_628 = arith.constant 2 : i32
    %swap3A_629 = arith.index_cast %swap3A_628 : i32 to index
    %swap3A_630 = arith.constant 16 : index
    %swap3A_631 = tpu.vector_load %arg5[%swap3A_629, %swap3A_630] {strides = array<i32>} : memref<32x128xi32, #tpu.memory_space<vmem>>, vector<1x16xi32>,
    %swap3A_632 = vector.shape_cast %swap3A_631 : vector<1x16xi32> to vector<16xi32>
    %swap3A_633 = vector.shape_cast %add3A_627 : vector<16xi32> to vector<1x16xi32>
    tpu.vector_store %arg5[%swap3A_629, %swap3A_630], %swap3A_633 {strides = array<i32>} : memref<32x128xi32, #tpu.memory_space<vmem>>, vector<1x16xi32>,
    %get3A_634 = arith.constant 32 : index
    %get3A_635 = tpu.vector_load %arg4[%get3A_634] {strides = array<i32>} : memref<256xi32, #tpu.memory_space<vmem>>, vector<16xi32>,
    %get3A_636 = vector.shape_cast %get3A_635 : vector<16xi32> to vector<16xi32>
    %add3A_637 = arith.constant 128 : i32
    %add3A_638 = vector.broadcast %add3A_637 : i32 to vector<16xi32>
    %add3A_639 = arith.addi %get3A_636, %add3A_638 : vector<16xi32>
    %swap3A_640 = arith.constant 2 : i32
    %swap3A_641 = arith.index_cast %swap3A_640 : i32 to index
    %swap3A_642 = arith.constant 32 : index
    %swap3A_643 = tpu.vector_load %arg5[%swap3A_641, %swap3A_642] {strides = array<i32>} : memref<32x128xi32, #tpu.memory_space<vmem>>, vector<1x16xi32>,
    %swap3A_644 = vector.shape_cast %swap3A_643 : vector<1x16xi32> to vector<16xi32>
    %swap3A_645 = vector.shape_cast %add3A_639 : vector<16xi32> to vector<1x16xi32>
    tpu.vector_store %arg5[%swap3A_641, %swap3A_642], %swap3A_645 {strides = array<i32>} : memref<32x128xi32, #tpu.memory_space<vmem>>, vector<1x16xi32>,
    %get3A_646 = arith.constant 48 : index
    %get3A_647 = tpu.vector_load %arg4[%get3A_646] {strides = array<i32>} : memref<256xi32, #tpu.memory_space<vmem>>, vector<16xi32>,
    %get3A_648 = vector.shape_cast %get3A_647 : vector<16xi32> to vector<16xi32>
    %add3A_649 = arith.constant 128 : i32
    %add3A_650 = vector.broadcast %add3A_649 : i32 to vector<16xi32>
    %add3A_651 = arith.addi %get3A_648, %add3A_650 : vector<16xi32>
    %swap3A_652 = arith.constant 2 : i32
    %swap3A_653 = arith.index_cast %swap3A_652 : i32 to index
    %swap3A_654 = arith.constant 48 : index
    %swap3A_655 = tpu.vector_load %arg5[%swap3A_653, %swap3A_654] {strides = array<i32>} : memref<32x128xi32, #tpu.memory_space<vmem>>, vector<1x16xi32>,
    %swap3A_656 = vector.shape_cast %swap3A_655 : vector<1x16xi32> to vector<16xi32>
    %swap3A_657 = vector.shape_cast %add3A_651 : vector<16xi32> to vector<1x16xi32>
    tpu.vector_store %arg5[%swap3A_653, %swap3A_654], %swap3A_657 {strides = array<i32>} : memref<32x128xi32, #tpu.memory_space<vmem>>, vector<1x16xi32>,
    %get3A_658 = arith.constant 64 : index
    %get3A_659 = tpu.vector_load %arg4[%get3A_658] {strides = array<i32>} : memref<256xi32, #tpu.memory_space<vmem>>, vector<16xi32>,
    %get3A_660 = vector.shape_cast %get3A_659 : vector<16xi32> to vector<16xi32>
    %add3A_661 = arith.constant 128 : i32
    %add3A_662 = vector.broadcast %add3A_661 : i32 to vector<16xi32>
    %add3A_663 = arith.addi %get3A_660, %add3A_662 : vector<16xi32>
    %swap3A_664 = arith.constant 2 : i32
    %swap3A_665 = arith.index_cast %swap3A_664 : i32 to index
    %swap3A_666 = arith.constant 64 : index
    %swap3A_667 = tpu.vector_load %arg5[%swap3A_665, %swap3A_666] {strides = array<i32>} : memref<32x128xi32, #tpu.memory_space<vmem>>, vector<1x16xi32>,
    %swap3A_668 = vector.shape_cast %swap3A_667 : vector<1x16xi32> to vector<16xi32>
    %swap3A_669 = vector.shape_cast %add3A_663 : vector<16xi32> to vector<1x16xi32>
    tpu.vector_store %arg5[%swap3A_665, %swap3A_666], %swap3A_669 {strides = array<i32>} : memref<32x128xi32, #tpu.memory_space<vmem>>, vector<1x16xi32>,
    %get3A_670 = arith.constant 80 : index
    %get3A_671 = tpu.vector_load %arg4[%get3A_670] {strides = array<i32>} : memref<256xi32, #tpu.memory_space<vmem>>, vector<16xi32>,
    %get3A_672 = vector.shape_cast %get3A_671 : vector<16xi32> to vector<16xi32>
    %add3A_673 = arith.constant 128 : i32
    %add3A_674 = vector.broadcast %add3A_673 : i32 to vector<16xi32>
    %add3A_675 = arith.addi %get3A_672, %add3A_674 : vector<16xi32>
    %swap3A_676 = arith.constant 2 : i32
    %swap3A_677 = arith.index_cast %swap3A_676 : i32 to index
    %swap3A_678 = arith.constant 80 : index
    %swap3A_679 = tpu.vector_load %arg5[%swap3A_677, %swap3A_678] {strides = array<i32>} : memref<32x128xi32, #tpu.memory_space<vmem>>, vector<1x16xi32>,
    %swap3A_680 = vector.shape_cast %swap3A_679 : vector<1x16xi32> to vector<16xi32>
    %swap3A_681 = vector.shape_cast %add3A_675 : vector<16xi32> to vector<1x16xi32>
    tpu.vector_store %arg5[%swap3A_677, %swap3A_678], %swap3A_681 {strides = array<i32>} : memref<32x128xi32, #tpu.memory_space<vmem>>, vector<1x16xi32>,
    %get3A_682 = arith.constant 96 : index
    %get3A_683 = tpu.vector_load %arg4[%get3A_682] {strides = array<i32>} : memref<256xi32, #tpu.memory_space<vmem>>, vector<16xi32>,
    %get3A_684 = vector.shape_cast %get3A_683 : vector<16xi32> to vector<16xi32>
    %add3A_685 = arith.constant 128 : i32
    %add3A_686 = vector.broadcast %add3A_685 : i32 to vector<16xi32>
    %add3A_687 = arith.addi %get3A_684, %add3A_686 : vector<16xi32>
    %swap3A_688 = arith.constant 2 : i32
    %swap3A_689 = arith.index_cast %swap3A_688 : i32 to index
    %swap3A_690 = arith.constant 96 : index
    %swap3A_691 = tpu.vector_load %arg5[%swap3A_689, %swap3A_690] {strides = array<i32>} : memref<32x128xi32, #tpu.memory_space<vmem>>, vector<1x16xi32>,
    %swap3A_692 = vector.shape_cast %swap3A_691 : vector<1x16xi32> to vector<16xi32>
    %swap3A_693 = vector.shape_cast %add3A_687 : vector<16xi32> to vector<1x16xi32>
    tpu.vector_store %arg5[%swap3A_689, %swap3A_690], %swap3A_693 {strides = array<i32>} : memref<32x128xi32, #tpu.memory_space<vmem>>, vector<1x16xi32>,
    %get3A_694 = arith.constant 112 : index
    %get3A_695 = tpu.vector_load %arg4[%get3A_694] {strides = array<i32>} : memref<256xi32, #tpu.memory_space<vmem>>, vector<16xi32>,
    %get3A_696 = vector.shape_cast %get3A_695 : vector<16xi32> to vector<16xi32>
    %add3A_697 = arith.constant 128 : i32
    %add3A_698 = vector.broadcast %add3A_697 : i32 to vector<16xi32>
    %add3A_699 = arith.addi %get3A_696, %add3A_698 : vector<16xi32>
    %swap3A_700 = arith.constant 2 : i32
    %swap3A_701 = arith.index_cast %swap3A_700 : i32 to index
    %swap3A_702 = arith.constant 112 : index
    %swap3A_703 = tpu.vector_load %arg5[%swap3A_701, %swap3A_702] {strides = array<i32>} : memref<32x128xi32, #tpu.memory_space<vmem>>, vector<1x16xi32>,
    %swap3A_704 = vector.shape_cast %swap3A_703 : vector<1x16xi32> to vector<16xi32>
    %swap3A_705 = vector.shape_cast %add3A_699 : vector<16xi32> to vector<1x16xi32>
    tpu.vector_store %arg5[%swap3A_701, %swap3A_702], %swap3A_705 {strides = array<i32>} : memref<32x128xi32, #tpu.memory_space<vmem>>, vector<1x16xi32>,
    %get3A_706 = arith.constant 128 : index
    %get3A_707 = tpu.vector_load %arg4[%get3A_706] {strides = array<i32>} : memref<256xi32, #tpu.memory_space<vmem>>, vector<16xi32>,
    %get3A_708 = vector.shape_cast %get3A_707 : vector<16xi32> to vector<16xi32>
    %add3A_709 = arith.constant 128 : i32
    %add3A_710 = vector.broadcast %add3A_709 : i32 to vector<16xi32>
    %add3A_711 = arith.addi %get3A_708, %add3A_710 : vector<16xi32>
    %swap3A_712 = arith.constant 3 : i32
    %swap3A_713 = arith.index_cast %swap3A_712 : i32 to index
    %swap3A_714 = arith.constant 0 : index
    %swap3A_715 = tpu.vector_load %arg5[%swap3A_713, %swap3A_714] {strides = array<i32>} : memref<32x128xi32, #tpu.memory_space<vmem>>, vector<1x16xi32>,
    %swap3A_716 = vector.shape_cast %swap3A_715 : vector<1x16xi32> to vector<16xi32>
    %swap3A_717 = vector.shape_cast %add3A_711 : vector<16xi32> to vector<1x16xi32>
    tpu.vector_store %arg5[%swap3A_713, %swap3A_714], %swap3A_717 {strides = array<i32>} : memref<32x128xi32, #tpu.memory_space<vmem>>, vector<1x16xi32>,
    %get3A_718 = arith.constant 144 : index
    %get3A_719 = tpu.vector_load %arg4[%get3A_718] {strides = array<i32>} : memref<256xi32, #tpu.memory_space<vmem>>, vector<16xi32>,
    %get3A_720 = vector.shape_cast %get3A_719 : vector<16xi32> to vector<16xi32>
    %add3A_721 = arith.constant 128 : i32
    %add3A_722 = vector.broadcast %add3A_721 : i32 to vector<16xi32>
    %add3A_723 = arith.addi %get3A_720, %add3A_722 : vector<16xi32>
    %swap3A_724 = arith.constant 3 : i32
    %swap3A_725 = arith.index_cast %swap3A_724 : i32 to index
    %swap3A_726 = arith.constant 16 : index
    %swap3A_727 = tpu.vector_load %arg5[%swap3A_725, %swap3A_726] {strides = array<i32>} : memref<32x128xi32, #tpu.memory_space<vmem>>, vector<1x16xi32>,
    %swap3A_728 = vector.shape_cast %swap3A_727 : vector<1x16xi32> to vector<16xi32>
    %swap3A_729 = vector.shape_cast %add3A_723 : vector<16xi32> to vector<1x16xi32>
    tpu.vector_store %arg5[%swap3A_725, %swap3A_726], %swap3A_729 {strides = array<i32>} : memref<32x128xi32, #tpu.memory_space<vmem>>, vector<1x16xi32>,
    %get3A_730 = arith.constant 160 : index
    %get3A_731 = tpu.vector_load %arg4[%get3A_730] {strides = array<i32>} : memref<256xi32, #tpu.memory_space<vmem>>, vector<16xi32>,
    %get3A_732 = vector.shape_cast %get3A_731 : vector<16xi32> to vector<16xi32>
    %add3A_733 = arith.constant 128 : i32
    %add3A_734 = vector.broadcast %add3A_733 : i32 to vector<16xi32>
    %add3A_735 = arith.addi %get3A_732, %add3A_734 : vector<16xi32>
    %swap3A_736 = arith.constant 3 : i32
    %swap3A_737 = arith.index_cast %swap3A_736 : i32 to index
    %swap3A_738 = arith.constant 32 : index
    %swap3A_739 = tpu.vector_load %arg5[%swap3A_737, %swap3A_738] {strides = array<i32>} : memref<32x128xi32, #tpu.memory_space<vmem>>, vector<1x16xi32>,
    %swap3A_740 = vector.shape_cast %swap3A_739 : vector<1x16xi32> to vector<16xi32>
    %swap3A_741 = vector.shape_cast %add3A_735 : vector<16xi32> to vector<1x16xi32>
    tpu.vector_store %arg5[%swap3A_737, %swap3A_738], %swap3A_741 {strides = array<i32>} : memref<32x128xi32, #tpu.memory_space<vmem>>, vector<1x16xi32>,
    %get3A_742 = arith.constant 176 : index
    %get3A_743 = tpu.vector_load %arg4[%get3A_742] {strides = array<i32>} : memref<256xi32, #tpu.memory_space<vmem>>, vector<16xi32>,
    %get3A_744 = vector.shape_cast %get3A_743 : vector<16xi32> to vector<16xi32>
    %add3A_745 = arith.constant 128 : i32
    %add3A_746 = vector.broadcast %add3A_745 : i32 to vector<16xi32>
    %add3A_747 = arith.addi %get3A_744, %add3A_746 : vector<16xi32>
    %swap3A_748 = arith.constant 3 : i32
    %swap3A_749 = arith.index_cast %swap3A_748 : i32 to index
    %swap3A_750 = arith.constant 48 : index
    %swap3A_751 = tpu.vector_load %arg5[%swap3A_749, %swap3A_750] {strides = array<i32>} : memref<32x128xi32, #tpu.memory_space<vmem>>, vector<1x16xi32>,
    %swap3A_752 = vector.shape_cast %swap3A_751 : vector<1x16xi32> to vector<16xi32>
    %swap3A_753 = vector.shape_cast %add3A_747 : vector<16xi32> to vector<1x16xi32>
    tpu.vector_store %arg5[%swap3A_749, %swap3A_750], %swap3A_753 {strides = array<i32>} : memref<32x128xi32, #tpu.memory_space<vmem>>, vector<1x16xi32>,
    %get3A_754 = arith.constant 192 : index
    %get3A_755 = tpu.vector_load %arg4[%get3A_754] {strides = array<i32>} : memref<256xi32, #tpu.memory_space<vmem>>, vector<16xi32>,
    %get3A_756 = vector.shape_cast %get3A_755 : vector<16xi32> to vector<16xi32>
    %add3A_757 = arith.constant 128 : i32
    %add3A_758 = vector.broadcast %add3A_757 : i32 to vector<16xi32>
    %add3A_759 = arith.addi %get3A_756, %add3A_758 : vector<16xi32>
    %swap3A_760 = arith.constant 3 : i32
    %swap3A_761 = arith.index_cast %swap3A_760 : i32 to index
    %swap3A_762 = arith.constant 64 : index
    %swap3A_763 = tpu.vector_load %arg5[%swap3A_761, %swap3A_762] {strides = array<i32>} : memref<32x128xi32, #tpu.memory_space<vmem>>, vector<1x16xi32>,
    %swap3A_764 = vector.shape_cast %swap3A_763 : vector<1x16xi32> to vector<16xi32>
    %swap3A_765 = vector.shape_cast %add3A_759 : vector<16xi32> to vector<1x16xi32>
    tpu.vector_store %arg5[%swap3A_761, %swap3A_762], %swap3A_765 {strides = array<i32>} : memref<32x128xi32, #tpu.memory_space<vmem>>, vector<1x16xi32>,
    %get3A_766 = arith.constant 208 : index
    %get3A_767 = tpu.vector_load %arg4[%get3A_766] {strides = array<i32>} : memref<256xi32, #tpu.memory_space<vmem>>, vector<16xi32>,
    %get3A_768 = vector.shape_cast %get3A_767 : vector<16xi32> to vector<16xi32>
    %add3A_769 = arith.constant 128 : i32
    %add3A_770 = vector.broadcast %add3A_769 : i32 to vector<16xi32>
    %add3A_771 = arith.addi %get3A_768, %add3A_770 : vector<16xi32>
    %swap3A_772 = arith.constant 3 : i32
    %swap3A_773 = arith.index_cast %swap3A_772 : i32 to index
    %swap3A_774 = arith.constant 80 : index
    %swap3A_775 = tpu.vector_load %arg5[%swap3A_773, %swap3A_774] {strides = array<i32>} : memref<32x128xi32, #tpu.memory_space<vmem>>, vector<1x16xi32>,
    %swap3A_776 = vector.shape_cast %swap3A_775 : vector<1x16xi32> to vector<16xi32>
    %swap3A_777 = vector.shape_cast %add3A_771 : vector<16xi32> to vector<1x16xi32>
    tpu.vector_store %arg5[%swap3A_773, %swap3A_774], %swap3A_777 {strides = array<i32>} : memref<32x128xi32, #tpu.memory_space<vmem>>, vector<1x16xi32>,
    %get3A_778 = arith.constant 224 : index
    %get3A_779 = tpu.vector_load %arg4[%get3A_778] {strides = array<i32>} : memref<256xi32, #tpu.memory_space<vmem>>, vector<16xi32>,
    %get3A_780 = vector.shape_cast %get3A_779 : vector<16xi32> to vector<16xi32>
    %add3A_781 = arith.constant 128 : i32
    %add3A_782 = vector.broadcast %add3A_781 : i32 to vector<16xi32>
    %add3A_783 = arith.addi %get3A_780, %add3A_782 : vector<16xi32>
    %swap3A_784 = arith.constant 3 : i32
    %swap3A_785 = arith.index_cast %swap3A_784 : i32 to index
    %swap3A_786 = arith.constant 96 : index
    %swap3A_787 = tpu.vector_load %arg5[%swap3A_785, %swap3A_786] {strides = array<i32>} : memref<32x128xi32, #tpu.memory_space<vmem>>, vector<1x16xi32>,
    %swap3A_788 = vector.shape_cast %swap3A_787 : vector<1x16xi32> to vector<16xi32>
    %swap3A_789 = vector.shape_cast %add3A_783 : vector<16xi32> to vector<1x16xi32>
    tpu.vector_store %arg5[%swap3A_785, %swap3A_786], %swap3A_789 {strides = array<i32>} : memref<32x128xi32, #tpu.memory_space<vmem>>, vector<1x16xi32>,
    %get3A_790 = arith.constant 240 : index
    %get3A_791 = tpu.vector_load %arg4[%get3A_790] {strides = array<i32>} : memref<256xi32, #tpu.memory_space<vmem>>, vector<16xi32>,
    %get3A_792 = vector.shape_cast %get3A_791 : vector<16xi32> to vector<16xi32>
    %add3A_793 = arith.constant 128 : i32
    %add3A_794 = vector.broadcast %add3A_793 : i32 to vector<16xi32>
    %add3A_795 = arith.addi %get3A_792, %add3A_794 : vector<16xi32>
    %swap3A_796 = arith.constant 3 : i32
    %swap3A_797 = arith.index_cast %swap3A_796 : i32 to index
    %swap3A_798 = arith.constant 112 : index
    %swap3A_799 = tpu.vector_load %arg5[%swap3A_797, %swap3A_798] {strides = array<i32>} : memref<32x128xi32, #tpu.memory_space<vmem>>, vector<1x16xi32>,
    %swap3A_800 = vector.shape_cast %swap3A_799 : vector<1x16xi32> to vector<16xi32>
    %swap3A_801 = vector.shape_cast %add3A_795 : vector<16xi32> to vector<1x16xi32>
    tpu.vector_store %arg5[%swap3A_797, %swap3A_798], %swap3A_801 {strides = array<i32>} : memref<32x128xi32, #tpu.memory_space<vmem>>, vector<1x16xi32>,
    %get3A_802 = arith.constant 0 : index
    %get3A_803 = tpu.vector_load %arg4[%get3A_802] {strides = array<i32>} : memref<256xi32, #tpu.memory_space<vmem>>, vector<16xi32>,
    %get3A_804 = vector.shape_cast %get3A_803 : vector<16xi32> to vector<16xi32>
    %add3A_805 = arith.constant 256 : i32
    %add3A_806 = vector.broadcast %add3A_805 : i32 to vector<16xi32>
    %add3A_807 = arith.addi %get3A_804, %add3A_806 : vector<16xi32>
    %swap3A_808 = arith.constant 4 : i32
    %swap3A_809 = arith.index_cast %swap3A_808 : i32 to index
    %swap3A_810 = arith.constant 0 : index
    %swap3A_811 = tpu.vector_load %arg5[%swap3A_809, %swap3A_810] {strides = array<i32>} : memref<32x128xi32, #tpu.memory_space<vmem>>, vector<1x16xi32>,
    %swap3A_812 = vector.shape_cast %swap3A_811 : vector<1x16xi32> to vector<16xi32>
    %swap3A_813 = vector.shape_cast %add3A_807 : vector<16xi32> to vector<1x16xi32>
    tpu.vector_store %arg5[%swap3A_809, %swap3A_810], %swap3A_813 {strides = array<i32>} : memref<32x128xi32, #tpu.memory_space<vmem>>, vector<1x16xi32>,
    %get3A_814 = arith.constant 16 : index
    %get3A_815 = tpu.vector_load %arg4[%get3A_814] {strides = array<i32>} : memref<256xi32, #tpu.memory_space<vmem>>, vector<16xi32>,
    %get3A_816 = vector.shape_cast %get3A_815 : vector<16xi32> to vector<16xi32>
    %add3A_817 = arith.constant 256 : i32
    %add3A_818 = vector.broadcast %add3A_817 : i32 to vector<16xi32>
    %add3A_819 = arith.addi %get3A_816, %add3A_818 : vector<16xi32>
    %swap3A_820 = arith.constant 4 : i32
    %swap3A_821 = arith.index_cast %swap3A_820 : i32 to index
    %swap3A_822 = arith.constant 16 : index
    %swap3A_823 = tpu.vector_load %arg5[%swap3A_821, %swap3A_822] {strides = array<i32>} : memref<32x128xi32, #tpu.memory_space<vmem>>, vector<1x16xi32>,
    %swap3A_824 = vector.shape_cast %swap3A_823 : vector<1x16xi32> to vector<16xi32>
    %swap3A_825 = vector.shape_cast %add3A_819 : vector<16xi32> to vector<1x16xi32>
    tpu.vector_store %arg5[%swap3A_821, %swap3A_822], %swap3A_825 {strides = array<i32>} : memref<32x128xi32, #tpu.memory_space<vmem>>, vector<1x16xi32>,
    %get3A_826 = arith.constant 32 : index
    %get3A_827 = tpu.vector_load %arg4[%get3A_826] {strides = array<i32>} : memref<256xi32, #tpu.memory_space<vmem>>, vector<16xi32>,
    %get3A_828 = vector.shape_cast %get3A_827 : vector<16xi32> to vector<16xi32>
    %add3A_829 = arith.constant 256 : i32
    %add3A_830 = vector.broadcast %add3A_829 : i32 to vector<16xi32>
    %add3A_831 = arith.addi %get3A_828, %add3A_830 : vector<16xi32>
    %swap3A_832 = arith.constant 4 : i32
    %swap3A_833 = arith.index_cast %swap3A_832 : i32 to index
    %swap3A_834 = arith.constant 32 : index
    %swap3A_835 = tpu.vector_load %arg5[%swap3A_833, %swap3A_834] {strides = array<i32>} : memref<32x128xi32, #tpu.memory_space<vmem>>, vector<1x16xi32>,
    %swap3A_836 = vector.shape_cast %swap3A_835 : vector<1x16xi32> to vector<16xi32>
    %swap3A_837 = vector.shape_cast %add3A_831 : vector<16xi32> to vector<1x16xi32>
    tpu.vector_store %arg5[%swap3A_833, %swap3A_834], %swap3A_837 {strides = array<i32>} : memref<32x128xi32, #tpu.memory_space<vmem>>, vector<1x16xi32>,
    %get3A_838 = arith.constant 48 : index
    %get3A_839 = tpu.vector_load %arg4[%get3A_838] {strides = array<i32>} : memref<256xi32, #tpu.memory_space<vmem>>, vector<16xi32>,
    %get3A_840 = vector.shape_cast %get3A_839 : vector<16xi32> to vector<16xi32>
    %add3A_841 = arith.constant 256 : i32
    %add3A_842 = vector.broadcast %add3A_841 : i32 to vector<16xi32>
    %add3A_843 = arith.addi %get3A_840, %add3A_842 : vector<16xi32>
    %swap3A_844 = arith.constant 4 : i32
    %swap3A_845 = arith.index_cast %swap3A_844 : i32 to index
    %swap3A_846 = arith.constant 48 : index
    %swap3A_847 = tpu.vector_load %arg5[%swap3A_845, %swap3A_846] {strides = array<i32>} : memref<32x128xi32, #tpu.memory_space<vmem>>, vector<1x16xi32>,
    %swap3A_848 = vector.shape_cast %swap3A_847 : vector<1x16xi32> to vector<16xi32>
    %swap3A_849 = vector.shape_cast %add3A_843 : vector<16xi32> to vector<1x16xi32>
    tpu.vector_store %arg5[%swap3A_845, %swap3A_846], %swap3A_849 {strides = array<i32>} : memref<32x128xi32, #tpu.memory_space<vmem>>, vector<1x16xi32>,
    %get3A_850 = arith.constant 64 : index
    %get3A_851 = tpu.vector_load %arg4[%get3A_850] {strides = array<i32>} : memref<256xi32, #tpu.memory_space<vmem>>, vector<16xi32>,
    %get3A_852 = vector.shape_cast %get3A_851 : vector<16xi32> to vector<16xi32>
    %add3A_853 = arith.constant 256 : i32
    %add3A_854 = vector.broadcast %add3A_853 : i32 to vector<16xi32>
    %add3A_855 = arith.addi %get3A_852, %add3A_854 : vector<16xi32>
    %swap3A_856 = arith.constant 4 : i32
    %swap3A_857 = arith.index_cast %swap3A_856 : i32 to index
    %swap3A_858 = arith.constant 64 : index
    %swap3A_859 = tpu.vector_load %arg5[%swap3A_857, %swap3A_858] {strides = array<i32>} : memref<32x128xi32, #tpu.memory_space<vmem>>, vector<1x16xi32>,
    %swap3A_860 = vector.shape_cast %swap3A_859 : vector<1x16xi32> to vector<16xi32>
    %swap3A_861 = vector.shape_cast %add3A_855 : vector<16xi32> to vector<1x16xi32>
    tpu.vector_store %arg5[%swap3A_857, %swap3A_858], %swap3A_861 {strides = array<i32>} : memref<32x128xi32, #tpu.memory_space<vmem>>, vector<1x16xi32>,
    %get3A_862 = arith.constant 80 : index
    %get3A_863 = tpu.vector_load %arg4[%get3A_862] {strides = array<i32>} : memref<256xi32, #tpu.memory_space<vmem>>, vector<16xi32>,
    %get3A_864 = vector.shape_cast %get3A_863 : vector<16xi32> to vector<16xi32>
    %add3A_865 = arith.constant 256 : i32
    %add3A_866 = vector.broadcast %add3A_865 : i32 to vector<16xi32>
    %add3A_867 = arith.addi %get3A_864, %add3A_866 : vector<16xi32>
    %swap3A_868 = arith.constant 4 : i32
    %swap3A_869 = arith.index_cast %swap3A_868 : i32 to index
    %swap3A_870 = arith.constant 80 : index
    %swap3A_871 = tpu.vector_load %arg5[%swap3A_869, %swap3A_870] {strides = array<i32>} : memref<32x128xi32, #tpu.memory_space<vmem>>, vector<1x16xi32>,
    %swap3A_872 = vector.shape_cast %swap3A_871 : vector<1x16xi32> to vector<16xi32>
    %swap3A_873 = vector.shape_cast %add3A_867 : vector<16xi32> to vector<1x16xi32>
    tpu.vector_store %arg5[%swap3A_869, %swap3A_870], %swap3A_873 {strides = array<i32>} : memref<32x128xi32, #tpu.memory_space<vmem>>, vector<1x16xi32>,
    %get3A_874 = arith.constant 96 : index
    %get3A_875 = tpu.vector_load %arg4[%get3A_874] {strides = array<i32>} : memref<256xi32, #tpu.memory_space<vmem>>, vector<16xi32>,
    %get3A_876 = vector.shape_cast %get3A_875 : vector<16xi32> to vector<16xi32>
    %add3A_877 = arith.constant 256 : i32
    %add3A_878 = vector.broadcast %add3A_877 : i32 to vector<16xi32>
    %add3A_879 = arith.addi %get3A_876, %add3A_878 : vector<16xi32>
    %swap3A_880 = arith.constant 4 : i32
    %swap3A_881 = arith.index_cast %swap3A_880 : i32 to index
    %swap3A_882 = arith.constant 96 : index
    %swap3A_883 = tpu.vector_load %arg5[%swap3A_881, %swap3A_882] {strides = array<i32>} : memref<32x128xi32, #tpu.memory_space<vmem>>, vector<1x16xi32>,
    %swap3A_884 = vector.shape_cast %swap3A_883 : vector<1x16xi32> to vector<16xi32>
    %swap3A_885 = vector.shape_cast %add3A_879 : vector<16xi32> to vector<1x16xi32>
    tpu.vector_store %arg5[%swap3A_881, %swap3A_882], %swap3A_885 {strides = array<i32>} : memref<32x128xi32, #tpu.memory_space<vmem>>, vector<1x16xi32>,
    %get3A_886 = arith.constant 112 : index
    %get3A_887 = tpu.vector_load %arg4[%get3A_886] {strides = array<i32>} : memref<256xi32, #tpu.memory_space<vmem>>, vector<16xi32>,
    %get3A_888 = vector.shape_cast %get3A_887 : vector<16xi32> to vector<16xi32>
    %add3A_889 = arith.constant 256 : i32
    %add3A_890 = vector.broadcast %add3A_889 : i32 to vector<16xi32>
    %add3A_891 = arith.addi %get3A_888, %add3A_890 : vector<16xi32>
    %swap3A_892 = arith.constant 4 : i32
    %swap3A_893 = arith.index_cast %swap3A_892 : i32 to index
    %swap3A_894 = arith.constant 112 : index
    %swap3A_895 = tpu.vector_load %arg5[%swap3A_893, %swap3A_894] {strides = array<i32>} : memref<32x128xi32, #tpu.memory_space<vmem>>, vector<1x16xi32>,
    %swap3A_896 = vector.shape_cast %swap3A_895 : vector<1x16xi32> to vector<16xi32>
    %swap3A_897 = vector.shape_cast %add3A_891 : vector<16xi32> to vector<1x16xi32>
    tpu.vector_store %arg5[%swap3A_893, %swap3A_894], %swap3A_897 {strides = array<i32>} : memref<32x128xi32, #tpu.memory_space<vmem>>, vector<1x16xi32>,
    %get3A_898 = arith.constant 128 : index
    %get3A_899 = tpu.vector_load %arg4[%get3A_898] {strides = array<i32>} : memref<256xi32, #tpu.memory_space<vmem>>, vector<16xi32>,
    %get3A_900 = vector.shape_cast %get3A_899 : vector<16xi32> to vector<16xi32>
    %add3A_901 = arith.constant 256 : i32
    %add3A_902 = vector.broadcast %add3A_901 : i32 to vector<16xi32>
    %add3A_903 = arith.addi %get3A_900, %add3A_902 : vector<16xi32>
    %swap3A_904 = arith.constant 5 : i32
    %swap3A_905 = arith.index_cast %swap3A_904 : i32 to index
    %swap3A_906 = arith.constant 0 : index
    %swap3A_907 = tpu.vector_load %arg5[%swap3A_905, %swap3A_906] {strides = array<i32>} : memref<32x128xi32, #tpu.memory_space<vmem>>, vector<1x16xi32>,
    %swap3A_908 = vector.shape_cast %swap3A_907 : vector<1x16xi32> to vector<16xi32>
    %swap3A_909 = vector.shape_cast %add3A_903 : vector<16xi32> to vector<1x16xi32>
    tpu.vector_store %arg5[%swap3A_905, %swap3A_906], %swap3A_909 {strides = array<i32>} : memref<32x128xi32, #tpu.memory_space<vmem>>, vector<1x16xi32>,
    %get3A_910 = arith.constant 144 : index
    %get3A_911 = tpu.vector_load %arg4[%get3A_910] {strides = array<i32>} : memref<256xi32, #tpu.memory_space<vmem>>, vector<16xi32>,
    %get3A_912 = vector.shape_cast %get3A_911 : vector<16xi32> to vector<16xi32>
    %add3A_913 = arith.constant 256 : i32
    %add3A_914 = vector.broadcast %add3A_913 : i32 to vector<16xi32>
    %add3A_915 = arith.addi %get3A_912, %add3A_914 : vector<16xi32>
    %swap3A_916 = arith.constant 5 : i32
    %swap3A_917 = arith.index_cast %swap3A_916 : i32 to index
    %swap3A_918 = arith.constant 16 : index
    %swap3A_919 = tpu.vector_load %arg5[%swap3A_917, %swap3A_918] {strides = array<i32>} : memref<32x128xi32, #tpu.memory_space<vmem>>, vector<1x16xi32>,
    %swap3A_920 = vector.shape_cast %swap3A_919 : vector<1x16xi32> to vector<16xi32>
    %swap3A_921 = vector.shape_cast %add3A_915 : vector<16xi32> to vector<1x16xi32>
    tpu.vector_store %arg5[%swap3A_917, %swap3A_918], %swap3A_921 {strides = array<i32>} : memref<32x128xi32, #tpu.memory_space<vmem>>, vector<1x16xi32>,
    %get3A_922 = arith.constant 160 : index
    %get3A_923 = tpu.vector_load %arg4[%get3A_922] {strides = array<i32>} : memref<256xi32, #tpu.memory_space<vmem>>, vector<16xi32>,
    %get3A_924 = vector.shape_cast %get3A_923 : vector<16xi32> to vector<16xi32>
    %add3A_925 = arith.constant 256 : i32
    %add3A_926 = vector.broadcast %add3A_925 : i32 to vector<16xi32>
    %add3A_927 = arith.addi %get3A_924, %add3A_926 : vector<16xi32>
    %swap3A_928 = arith.constant 5 : i32
    %swap3A_929 = arith.index_cast %swap3A_928 : i32 to index
    %swap3A_930 = arith.constant 32 : index
    %swap3A_931 = tpu.vector_load %arg5[%swap3A_929, %swap3A_930] {strides = array<i32>} : memref<32x128xi32, #tpu.memory_space<vmem>>, vector<1x16xi32>,
    %swap3A_932 = vector.shape_cast %swap3A_931 : vector<1x16xi32> to vector<16xi32>
    %swap3A_933 = vector.shape_cast %add3A_927 : vector<16xi32> to vector<1x16xi32>
    tpu.vector_store %arg5[%swap3A_929, %swap3A_930], %swap3A_933 {strides = array<i32>} : memref<32x128xi32, #tpu.memory_space<vmem>>, vector<1x16xi32>,
    %get3A_934 = arith.constant 176 : index
    %get3A_935 = tpu.vector_load %arg4[%get3A_934] {strides = array<i32>} : memref<256xi32, #tpu.memory_space<vmem>>, vector<16xi32>,
    %get3A_936 = vector.shape_cast %get3A_935 : vector<16xi32> to vector<16xi32>
    %add3A_937 = arith.constant 256 : i32
    %add3A_938 = vector.broadcast %add3A_937 : i32 to vector<16xi32>
    %add3A_939 = arith.addi %get3A_936, %add3A_938 : vector<16xi32>
    %swap3A_940 = arith.constant 5 : i32
    %swap3A_941 = arith.index_cast %swap3A_940 : i32 to index
    %swap3A_942 = arith.constant 48 : index
    %swap3A_943 = tpu.vector_load %arg5[%swap3A_941, %swap3A_942] {strides = array<i32>} : memref<32x128xi32, #tpu.memory_space<vmem>>, vector<1x16xi32>,
    %swap3A_944 = vector.shape_cast %swap3A_943 : vector<1x16xi32> to vector<16xi32>
    %swap3A_945 = vector.shape_cast %add3A_939 : vector<16xi32> to vector<1x16xi32>
    tpu.vector_store %arg5[%swap3A_941, %swap3A_942], %swap3A_945 {strides = array<i32>} : memref<32x128xi32, #tpu.memory_space<vmem>>, vector<1x16xi32>,
    %get3A_946 = arith.constant 192 : index
    %get3A_947 = tpu.vector_load %arg4[%get3A_946] {strides = array<i32>} : memref<256xi32, #tpu.memory_space<vmem>>, vector<16xi32>,
    %get3A_948 = vector.shape_cast %get3A_947 : vector<16xi32> to vector<16xi32>
    %add3A_949 = arith.constant 256 : i32
    %add3A_950 = vector.broadcast %add3A_949 : i32 to vector<16xi32>
    %add3A_951 = arith.addi %get3A_948, %add3A_950 : vector<16xi32>
    %swap3A_952 = arith.constant 5 : i32
    %swap3A_953 = arith.index_cast %swap3A_952 : i32 to index
    %swap3A_954 = arith.constant 64 : index
    %swap3A_955 = tpu.vector_load %arg5[%swap3A_953, %swap3A_954] {strides = array<i32>} : memref<32x128xi32, #tpu.memory_space<vmem>>, vector<1x16xi32>,
    %swap3A_956 = vector.shape_cast %swap3A_955 : vector<1x16xi32> to vector<16xi32>
    %swap3A_957 = vector.shape_cast %add3A_951 : vector<16xi32> to vector<1x16xi32>
    tpu.vector_store %arg5[%swap3A_953, %swap3A_954], %swap3A_957 {strides = array<i32>} : memref<32x128xi32, #tpu.memory_space<vmem>>, vector<1x16xi32>,
    %get3A_958 = arith.constant 208 : index
    %get3A_959 = tpu.vector_load %arg4[%get3A_958] {strides = array<i32>} : memref<256xi32, #tpu.memory_space<vmem>>, vector<16xi32>,
    %get3A_960 = vector.shape_cast %get3A_959 : vector<16xi32> to vector<16xi32>
    %add3A_961 = arith.constant 256 : i32
    %add3A_962 = vector.broadcast %add3A_961 : i32 to vector<16xi32>
    %add3A_963 = arith.addi %get3A_960, %add3A_962 : vector<16xi32>
    %swap3A_964 = arith.constant 5 : i32
    %swap3A_965 = arith.index_cast %swap3A_964 : i32 to index
    %swap3A_966 = arith.constant 80 : index
    %swap3A_967 = tpu.vector_load %arg5[%swap3A_965, %swap3A_966] {strides = array<i32>} : memref<32x128xi32, #tpu.memory_space<vmem>>, vector<1x16xi32>,
    %swap3A_968 = vector.shape_cast %swap3A_967 : vector<1x16xi32> to vector<16xi32>
    %swap3A_969 = vector.shape_cast %add3A_963 : vector<16xi32> to vector<1x16xi32>
    tpu.vector_store %arg5[%swap3A_965, %swap3A_966], %swap3A_969 {strides = array<i32>} : memref<32x128xi32, #tpu.memory_space<vmem>>, vector<1x16xi32>,
    %get3A_970 = arith.constant 224 : index
    %get3A_971 = tpu.vector_load %arg4[%get3A_970] {strides = array<i32>} : memref<256xi32, #tpu.memory_space<vmem>>, vector<16xi32>,
    %get3A_972 = vector.shape_cast %get3A_971 : vector<16xi32> to vector<16xi32>
    %add3A_973 = arith.constant 256 : i32
    %add3A_974 = vector.broadcast %add3A_973 : i32 to vector<16xi32>
    %add3A_975 = arith.addi %get3A_972, %add3A_974 : vector<16xi32>
    %swap3A_976 = arith.constant 5 : i32
    %swap3A_977 = arith.index_cast %swap3A_976 : i32 to index
    %swap3A_978 = arith.constant 96 : index
    %swap3A_979 = tpu.vector_load %arg5[%swap3A_977, %swap3A_978] {strides = array<i32>} : memref<32x128xi32, #tpu.memory_space<vmem>>, vector<1x16xi32>,
    %swap3A_980 = vector.shape_cast %swap3A_979 : vector<1x16xi32> to vector<16xi32>
    %swap3A_981 = vector.shape_cast %add3A_975 : vector<16xi32> to vector<1x16xi32>
    tpu.vector_store %arg5[%swap3A_977, %swap3A_978], %swap3A_981 {strides = array<i32>} : memref<32x128xi32, #tpu.memory_space<vmem>>, vector<1x16xi32>,
    %get3A_982 = arith.constant 240 : index
    %get3A_983 = tpu.vector_load %arg4[%get3A_982] {strides = array<i32>} : memref<256xi32, #tpu.memory_space<vmem>>, vector<16xi32>,
    %get3A_984 = vector.shape_cast %get3A_983 : vector<16xi32> to vector<16xi32>
    %add3A_985 = arith.constant 256 : i32
    %add3A_986 = vector.broadcast %add3A_985 : i32 to vector<16xi32>
    %add3A_987 = arith.addi %get3A_984, %add3A_986 : vector<16xi32>
    %swap3A_988 = arith.constant 5 : i32
    %swap3A_989 = arith.index_cast %swap3A_988 : i32 to index
    %swap3A_990 = arith.constant 112 : index
    %swap3A_991 = tpu.vector_load %arg5[%swap3A_989, %swap3A_990] {strides = array<i32>} : memref<32x128xi32, #tpu.memory_space<vmem>>, vector<1x16xi32>,
    %swap3A_992 = vector.shape_cast %swap3A_991 : vector<1x16xi32> to vector<16xi32>
    %swap3A_993 = vector.shape_cast %add3A_987 : vector<16xi32> to vector<1x16xi32>
    tpu.vector_store %arg5[%swap3A_989, %swap3A_990], %swap3A_993 {strides = array<i32>} : memref<32x128xi32, #tpu.memory_space<vmem>>, vector<1x16xi32>,
    %get3A_994 = arith.constant 0 : index
    %get3A_995 = tpu.vector_load %arg4[%get3A_994] {strides = array<i32>} : memref<256xi32, #tpu.memory_space<vmem>>, vector<16xi32>,
    %get3A_996 = vector.shape_cast %get3A_995 : vector<16xi32> to vector<16xi32>
    %add3A_997 = arith.constant 384 : i32
    %add3A_998 = vector.broadcast %add3A_997 : i32 to vector<16xi32>
    %add3A_999 = arith.addi %get3A_996, %add3A_998 : vector<16xi32>
    %swap3A_1000 = arith.constant 6 : i32
    %swap3A_1001 = arith.index_cast %swap3A_1000 : i32 to index
    %swap3A_1002 = arith.constant 0 : index
    %swap3A_1003 = tpu.vector_load %arg5[%swap3A_1001, %swap3A_1002] {strides = array<i32>} : memref<32x128xi32, #tpu.memory_space<vmem>>, vector<1x16xi32>,
    %swap3A_1004 = vector.shape_cast %swap3A_1003 : vector<1x16xi32> to vector<16xi32>
    %swap3A_1005 = vector.shape_cast %add3A_999 : vector<16xi32> to vector<1x16xi32>
    tpu.vector_store %arg5[%swap3A_1001, %swap3A_1002], %swap3A_1005 {strides = array<i32>} : memref<32x128xi32, #tpu.memory_space<vmem>>, vector<1x16xi32>,
    %get3A_1006 = arith.constant 16 : index
    %get3A_1007 = tpu.vector_load %arg4[%get3A_1006] {strides = array<i32>} : memref<256xi32, #tpu.memory_space<vmem>>, vector<16xi32>,
    %get3A_1008 = vector.shape_cast %get3A_1007 : vector<16xi32> to vector<16xi32>
    %add3A_1009 = arith.constant 384 : i32
    %add3A_1010 = vector.broadcast %add3A_1009 : i32 to vector<16xi32>
    %add3A_1011 = arith.addi %get3A_1008, %add3A_1010 : vector<16xi32>
    %swap3A_1012 = arith.constant 6 : i32
    %swap3A_1013 = arith.index_cast %swap3A_1012 : i32 to index
    %swap3A_1014 = arith.constant 16 : index
    %swap3A_1015 = tpu.vector_load %arg5[%swap3A_1013, %swap3A_1014] {strides = array<i32>} : memref<32x128xi32, #tpu.memory_space<vmem>>, vector<1x16xi32>,
    %swap3A_1016 = vector.shape_cast %swap3A_1015 : vector<1x16xi32> to vector<16xi32>
    %swap3A_1017 = vector.shape_cast %add3A_1011 : vector<16xi32> to vector<1x16xi32>
    tpu.vector_store %arg5[%swap3A_1013, %swap3A_1014], %swap3A_1017 {strides = array<i32>} : memref<32x128xi32, #tpu.memory_space<vmem>>, vector<1x16xi32>,
    %get3A_1018 = arith.constant 32 : index
    %get3A_1019 = tpu.vector_load %arg4[%get3A_1018] {strides = array<i32>} : memref<256xi32, #tpu.memory_space<vmem>>, vector<16xi32>,
    %get3A_1020 = vector.shape_cast %get3A_1019 : vector<16xi32> to vector<16xi32>
    %add3A_1021 = arith.constant 384 : i32
    %add3A_1022 = vector.broadcast %add3A_1021 : i32 to vector<16xi32>
    %add3A_1023 = arith.addi %get3A_1020, %add3A_1022 : vector<16xi32>
    %swap3A_1024 = arith.constant 6 : i32
    %swap3A_1025 = arith.index_cast %swap3A_1024 : i32 to index
    %swap3A_1026 = arith.constant 32 : index
    %swap3A_1027 = tpu.vector_load %arg5[%swap3A_1025, %swap3A_1026] {strides = array<i32>} : memref<32x128xi32, #tpu.memory_space<vmem>>, vector<1x16xi32>,
    %swap3A_1028 = vector.shape_cast %swap3A_1027 : vector<1x16xi32> to vector<16xi32>
    %swap3A_1029 = vector.shape_cast %add3A_1023 : vector<16xi32> to vector<1x16xi32>
    tpu.vector_store %arg5[%swap3A_1025, %swap3A_1026], %swap3A_1029 {strides = array<i32>} : memref<32x128xi32, #tpu.memory_space<vmem>>, vector<1x16xi32>,
    %get3A_1030 = arith.constant 48 : index
    %get3A_1031 = tpu.vector_load %arg4[%get3A_1030] {strides = array<i32>} : memref<256xi32, #tpu.memory_space<vmem>>, vector<16xi32>,
    %get3A_1032 = vector.shape_cast %get3A_1031 : vector<16xi32> to vector<16xi32>
    %add3A_1033 = arith.constant 384 : i32
    %add3A_1034 = vector.broadcast %add3A_1033 : i32 to vector<16xi32>
    %add3A_1035 = arith.addi %get3A_1032, %add3A_1034 : vector<16xi32>
    %swap3A_1036 = arith.constant 6 : i32
    %swap3A_1037 = arith.index_cast %swap3A_1036 : i32 to index
    %swap3A_1038 = arith.constant 48 : index
    %swap3A_1039 = tpu.vector_load %arg5[%swap3A_1037, %swap3A_1038] {strides = array<i32>} : memref<32x128xi32, #tpu.memory_space<vmem>>, vector<1x16xi32>,
    %swap3A_1040 = vector.shape_cast %swap3A_1039 : vector<1x16xi32> to vector<16xi32>
    %swap3A_1041 = vector.shape_cast %add3A_1035 : vector<16xi32> to vector<1x16xi32>
    tpu.vector_store %arg5[%swap3A_1037, %swap3A_1038], %swap3A_1041 {strides = array<i32>} : memref<32x128xi32, #tpu.memory_space<vmem>>, vector<1x16xi32>,
    %get3A_1042 = arith.constant 64 : index
    %get3A_1043 = tpu.vector_load %arg4[%get3A_1042] {strides = array<i32>} : memref<256xi32, #tpu.memory_space<vmem>>, vector<16xi32>,
    %get3A_1044 = vector.shape_cast %get3A_1043 : vector<16xi32> to vector<16xi32>
    %add3A_1045 = arith.constant 384 : i32
    %add3A_1046 = vector.broadcast %add3A_1045 : i32 to vector<16xi32>
    %add3A_1047 = arith.addi %get3A_1044, %add3A_1046 : vector<16xi32>
    %swap3A_1048 = arith.constant 6 : i32
    %swap3A_1049 = arith.index_cast %swap3A_1048 : i32 to index
    %swap3A_1050 = arith.constant 64 : index
    %swap3A_1051 = tpu.vector_load %arg5[%swap3A_1049, %swap3A_1050] {strides = array<i32>} : memref<32x128xi32, #tpu.memory_space<vmem>>, vector<1x16xi32>,
    %swap3A_1052 = vector.shape_cast %swap3A_1051 : vector<1x16xi32> to vector<16xi32>
    %swap3A_1053 = vector.shape_cast %add3A_1047 : vector<16xi32> to vector<1x16xi32>
    tpu.vector_store %arg5[%swap3A_1049, %swap3A_1050], %swap3A_1053 {strides = array<i32>} : memref<32x128xi32, #tpu.memory_space<vmem>>, vector<1x16xi32>,
    %get3A_1054 = arith.constant 80 : index
    %get3A_1055 = tpu.vector_load %arg4[%get3A_1054] {strides = array<i32>} : memref<256xi32, #tpu.memory_space<vmem>>, vector<16xi32>,
    %get3A_1056 = vector.shape_cast %get3A_1055 : vector<16xi32> to vector<16xi32>
    %add3A_1057 = arith.constant 384 : i32
    %add3A_1058 = vector.broadcast %add3A_1057 : i32 to vector<16xi32>
    %add3A_1059 = arith.addi %get3A_1056, %add3A_1058 : vector<16xi32>
    %swap3A_1060 = arith.constant 6 : i32
    %swap3A_1061 = arith.index_cast %swap3A_1060 : i32 to index
    %swap3A_1062 = arith.constant 80 : index
    %swap3A_1063 = tpu.vector_load %arg5[%swap3A_1061, %swap3A_1062] {strides = array<i32>} : memref<32x128xi32, #tpu.memory_space<vmem>>, vector<1x16xi32>,
    %swap3A_1064 = vector.shape_cast %swap3A_1063 : vector<1x16xi32> to vector<16xi32>
    %swap3A_1065 = vector.shape_cast %add3A_1059 : vector<16xi32> to vector<1x16xi32>
    tpu.vector_store %arg5[%swap3A_1061, %swap3A_1062], %swap3A_1065 {strides = array<i32>} : memref<32x128xi32, #tpu.memory_space<vmem>>, vector<1x16xi32>,
    %get3A_1066 = arith.constant 96 : index
    %get3A_1067 = tpu.vector_load %arg4[%get3A_1066] {strides = array<i32>} : memref<256xi32, #tpu.memory_space<vmem>>, vector<16xi32>,
    %get3A_1068 = vector.shape_cast %get3A_1067 : vector<16xi32> to vector<16xi32>
    %add3A_1069 = arith.constant 384 : i32
    %add3A_1070 = vector.broadcast %add3A_1069 : i32 to vector<16xi32>
    %add3A_1071 = arith.addi %get3A_1068, %add3A_1070 : vector<16xi32>
    %swap3A_1072 = arith.constant 6 : i32
    %swap3A_1073 = arith.index_cast %swap3A_1072 : i32 to index
    %swap3A_1074 = arith.constant 96 : index
    %swap3A_1075 = tpu.vector_load %arg5[%swap3A_1073, %swap3A_1074] {strides = array<i32>} : memref<32x128xi32, #tpu.memory_space<vmem>>, vector<1x16xi32>,
    %swap3A_1076 = vector.shape_cast %swap3A_1075 : vector<1x16xi32> to vector<16xi32>
    %swap3A_1077 = vector.shape_cast %add3A_1071 : vector<16xi32> to vector<1x16xi32>
    tpu.vector_store %arg5[%swap3A_1073, %swap3A_1074], %swap3A_1077 {strides = array<i32>} : memref<32x128xi32, #tpu.memory_space<vmem>>, vector<1x16xi32>,
    %get3A_1078 = arith.constant 112 : index
    %get3A_1079 = tpu.vector_load %arg4[%get3A_1078] {strides = array<i32>} : memref<256xi32, #tpu.memory_space<vmem>>, vector<16xi32>,
    %get3A_1080 = vector.shape_cast %get3A_1079 : vector<16xi32> to vector<16xi32>
    %add3A_1081 = arith.constant 384 : i32
    %add3A_1082 = vector.broadcast %add3A_1081 : i32 to vector<16xi32>
    %add3A_1083 = arith.addi %get3A_1080, %add3A_1082 : vector<16xi32>
    %swap3A_1084 = arith.constant 6 : i32
    %swap3A_1085 = arith.index_cast %swap3A_1084 : i32 to index
    %swap3A_1086 = arith.constant 112 : index
    %swap3A_1087 = tpu.vector_load %arg5[%swap3A_1085, %swap3A_1086] {strides = array<i32>} : memref<32x128xi32, #tpu.memory_space<vmem>>, vector<1x16xi32>,
    %swap3A_1088 = vector.shape_cast %swap3A_1087 : vector<1x16xi32> to vector<16xi32>
    %swap3A_1089 = vector.shape_cast %add3A_1083 : vector<16xi32> to vector<1x16xi32>
    tpu.vector_store %arg5[%swap3A_1085, %swap3A_1086], %swap3A_1089 {strides = array<i32>} : memref<32x128xi32, #tpu.memory_space<vmem>>, vector<1x16xi32>,
    %get3A_1090 = arith.constant 128 : index
    %get3A_1091 = tpu.vector_load %arg4[%get3A_1090] {strides = array<i32>} : memref<256xi32, #tpu.memory_space<vmem>>, vector<16xi32>,
    %get3A_1092 = vector.shape_cast %get3A_1091 : vector<16xi32> to vector<16xi32>
    %add3A_1093 = arith.constant 384 : i32
    %add3A_1094 = vector.broadcast %add3A_1093 : i32 to vector<16xi32>
    %add3A_1095 = arith.addi %get3A_1092, %add3A_1094 : vector<16xi32>
    %swap3A_1096 = arith.constant 7 : i32
    %swap3A_1097 = arith.index_cast %swap3A_1096 : i32 to index
    %swap3A_1098 = arith.constant 0 : index
    %swap3A_1099 = tpu.vector_load %arg5[%swap3A_1097, %swap3A_1098] {strides = array<i32>} : memref<32x128xi32, #tpu.memory_space<vmem>>, vector<1x16xi32>,
    %swap3A_1100 = vector.shape_cast %swap3A_1099 : vector<1x16xi32> to vector<16xi32>
    %swap3A_1101 = vector.shape_cast %add3A_1095 : vector<16xi32> to vector<1x16xi32>
    tpu.vector_store %arg5[%swap3A_1097, %swap3A_1098], %swap3A_1101 {strides = array<i32>} : memref<32x128xi32, #tpu.memory_space<vmem>>, vector<1x16xi32>,
    %get3A_1102 = arith.constant 144 : index
    %get3A_1103 = tpu.vector_load %arg4[%get3A_1102] {strides = array<i32>} : memref<256xi32, #tpu.memory_space<vmem>>, vector<16xi32>,
    %get3A_1104 = vector.shape_cast %get3A_1103 : vector<16xi32> to vector<16xi32>
    %add3A_1105 = arith.constant 384 : i32
    %add3A_1106 = vector.broadcast %add3A_1105 : i32 to vector<16xi32>
    %add3A_1107 = arith.addi %get3A_1104, %add3A_1106 : vector<16xi32>
    %swap3A_1108 = arith.constant 7 : i32
    %swap3A_1109 = arith.index_cast %swap3A_1108 : i32 to index
    %swap3A_1110 = arith.constant 16 : index
    %swap3A_1111 = tpu.vector_load %arg5[%swap3A_1109, %swap3A_1110] {strides = array<i32>} : memref<32x128xi32, #tpu.memory_space<vmem>>, vector<1x16xi32>,
    %swap3A_1112 = vector.shape_cast %swap3A_1111 : vector<1x16xi32> to vector<16xi32>
    %swap3A_1113 = vector.shape_cast %add3A_1107 : vector<16xi32> to vector<1x16xi32>
    tpu.vector_store %arg5[%swap3A_1109, %swap3A_1110], %swap3A_1113 {strides = array<i32>} : memref<32x128xi32, #tpu.memory_space<vmem>>, vector<1x16xi32>,
    %get3A_1114 = arith.constant 160 : index
    %get3A_1115 = tpu.vector_load %arg4[%get3A_1114] {strides = array<i32>} : memref<256xi32, #tpu.memory_space<vmem>>, vector<16xi32>,
    %get3A_1116 = vector.shape_cast %get3A_1115 : vector<16xi32> to vector<16xi32>
    %add3A_1117 = arith.constant 384 : i32
    %add3A_1118 = vector.broadcast %add3A_1117 : i32 to vector<16xi32>
    %add3A_1119 = arith.addi %get3A_1116, %add3A_1118 : vector<16xi32>
    %swap3A_1120 = arith.constant 7 : i32
    %swap3A_1121 = arith.index_cast %swap3A_1120 : i32 to index
    %swap3A_1122 = arith.constant 32 : index
    %swap3A_1123 = tpu.vector_load %arg5[%swap3A_1121, %swap3A_1122] {strides = array<i32>} : memref<32x128xi32, #tpu.memory_space<vmem>>, vector<1x16xi32>,
    %swap3A_1124 = vector.shape_cast %swap3A_1123 : vector<1x16xi32> to vector<16xi32>
    %swap3A_1125 = vector.shape_cast %add3A_1119 : vector<16xi32> to vector<1x16xi32>
    tpu.vector_store %arg5[%swap3A_1121, %swap3A_1122], %swap3A_1125 {strides = array<i32>} : memref<32x128xi32, #tpu.memory_space<vmem>>, vector<1x16xi32>,
    %get3A_1126 = arith.constant 176 : index
    %get3A_1127 = tpu.vector_load %arg4[%get3A_1126] {strides = array<i32>} : memref<256xi32, #tpu.memory_space<vmem>>, vector<16xi32>,
    %get3A_1128 = vector.shape_cast %get3A_1127 : vector<16xi32> to vector<16xi32>
    %add3A_1129 = arith.constant 384 : i32
    %add3A_1130 = vector.broadcast %add3A_1129 : i32 to vector<16xi32>
    %add3A_1131 = arith.addi %get3A_1128, %add3A_1130 : vector<16xi32>
    %swap3A_1132 = arith.constant 7 : i32
    %swap3A_1133 = arith.index_cast %swap3A_1132 : i32 to index
    %swap3A_1134 = arith.constant 48 : index
    %swap3A_1135 = tpu.vector_load %arg5[%swap3A_1133, %swap3A_1134] {strides = array<i32>} : memref<32x128xi32, #tpu.memory_space<vmem>>, vector<1x16xi32>,
    %swap3A_1136 = vector.shape_cast %swap3A_1135 : vector<1x16xi32> to vector<16xi32>
    %swap3A_1137 = vector.shape_cast %add3A_1131 : vector<16xi32> to vector<1x16xi32>
    tpu.vector_store %arg5[%swap3A_1133, %swap3A_1134], %swap3A_1137 {strides = array<i32>} : memref<32x128xi32, #tpu.memory_space<vmem>>, vector<1x16xi32>,
    %get3A_1138 = arith.constant 192 : index
    %get3A_1139 = tpu.vector_load %arg4[%get3A_1138] {strides = array<i32>} : memref<256xi32, #tpu.memory_space<vmem>>, vector<16xi32>,
    %get3A_1140 = vector.shape_cast %get3A_1139 : vector<16xi32> to vector<16xi32>
    %add3A_1141 = arith.constant 384 : i32
    %add3A_1142 = vector.broadcast %add3A_1141 : i32 to vector<16xi32>
    %add3A_1143 = arith.addi %get3A_1140, %add3A_1142 : vector<16xi32>
    %swap3A_1144 = arith.constant 7 : i32
    %swap3A_1145 = arith.index_cast %swap3A_1144 : i32 to index
    %swap3A_1146 = arith.constant 64 : index
    %swap3A_1147 = tpu.vector_load %arg5[%swap3A_1145, %swap3A_1146] {strides = array<i32>} : memref<32x128xi32, #tpu.memory_space<vmem>>, vector<1x16xi32>,
    %swap3A_1148 = vector.shape_cast %swap3A_1147 : vector<1x16xi32> to vector<16xi32>
    %swap3A_1149 = vector.shape_cast %add3A_1143 : vector<16xi32> to vector<1x16xi32>
    tpu.vector_store %arg5[%swap3A_1145, %swap3A_1146], %swap3A_1149 {strides = array<i32>} : memref<32x128xi32, #tpu.memory_space<vmem>>, vector<1x16xi32>,
    %get3A_1150 = arith.constant 208 : index
    %get3A_1151 = tpu.vector_load %arg4[%get3A_1150] {strides = array<i32>} : memref<256xi32, #tpu.memory_space<vmem>>, vector<16xi32>,
    %get3A_1152 = vector.shape_cast %get3A_1151 : vector<16xi32> to vector<16xi32>
    %add3A_1153 = arith.constant 384 : i32
    %add3A_1154 = vector.broadcast %add3A_1153 : i32 to vector<16xi32>
    %add3A_1155 = arith.addi %get3A_1152, %add3A_1154 : vector<16xi32>
    %swap3A_1156 = arith.constant 7 : i32
    %swap3A_1157 = arith.index_cast %swap3A_1156 : i32 to index
    %swap3A_1158 = arith.constant 80 : index
    %swap3A_1159 = tpu.vector_load %arg5[%swap3A_1157, %swap3A_1158] {strides = array<i32>} : memref<32x128xi32, #tpu.memory_space<vmem>>, vector<1x16xi32>,
    %swap3A_1160 = vector.shape_cast %swap3A_1159 : vector<1x16xi32> to vector<16xi32>
    %swap3A_1161 = vector.shape_cast %add3A_1155 : vector<16xi32> to vector<1x16xi32>
    tpu.vector_store %arg5[%swap3A_1157, %swap3A_1158], %swap3A_1161 {strides = array<i32>} : memref<32x128xi32, #tpu.memory_space<vmem>>, vector<1x16xi32>,
    %get3A_1162 = arith.constant 224 : index
    %get3A_1163 = tpu.vector_load %arg4[%get3A_1162] {strides = array<i32>} : memref<256xi32, #tpu.memory_space<vmem>>, vector<16xi32>,
    %get3A_1164 = vector.shape_cast %get3A_1163 : vector<16xi32> to vector<16xi32>
    %add3A_1165 = arith.constant 384 : i32
    %add3A_1166 = vector.broadcast %add3A_1165 : i32 to vector<16xi32>
    %add3A_1167 = arith.addi %get3A_1164, %add3A_1166 : vector<16xi32>
    %swap3A_1168 = arith.constant 7 : i32
    %swap3A_1169 = arith.index_cast %swap3A_1168 : i32 to index
    %swap3A_1170 = arith.constant 96 : index
    %swap3A_1171 = tpu.vector_load %arg5[%swap3A_1169, %swap3A_1170] {strides = array<i32>} : memref<32x128xi32, #tpu.memory_space<vmem>>, vector<1x16xi32>,
    %swap3A_1172 = vector.shape_cast %swap3A_1171 : vector<1x16xi32> to vector<16xi32>
    %swap3A_1173 = vector.shape_cast %add3A_1167 : vector<16xi32> to vector<1x16xi32>
    tpu.vector_store %arg5[%swap3A_1169, %swap3A_1170], %swap3A_1173 {strides = array<i32>} : memref<32x128xi32, #tpu.memory_space<vmem>>, vector<1x16xi32>,
    %get3A_1174 = arith.constant 240 : index
    %get3A_1175 = tpu.vector_load %arg4[%get3A_1174] {strides = array<i32>} : memref<256xi32, #tpu.memory_space<vmem>>, vector<16xi32>,
    %get3A_1176 = vector.shape_cast %get3A_1175 : vector<16xi32> to vector<16xi32>
    %add3A_1177 = arith.constant 384 : i32
    %add3A_1178 = vector.broadcast %add3A_1177 : i32 to vector<16xi32>
    %add3A_1179 = arith.addi %get3A_1176, %add3A_1178 : vector<16xi32>
    %swap3A_1180 = arith.constant 7 : i32
    %swap3A_1181 = arith.index_cast %swap3A_1180 : i32 to index
    %swap3A_1182 = arith.constant 112 : index
    %swap3A_1183 = tpu.vector_load %arg5[%swap3A_1181, %swap3A_1182] {strides = array<i32>} : memref<32x128xi32, #tpu.memory_space<vmem>>, vector<1x16xi32>,
    %swap3A_1184 = vector.shape_cast %swap3A_1183 : vector<1x16xi32> to vector<16xi32>
    %swap3A_1185 = vector.shape_cast %add3A_1179 : vector<16xi32> to vector<1x16xi32>
    tpu.vector_store %arg5[%swap3A_1181, %swap3A_1182], %swap3A_1185 {strides = array<i32>} : memref<32x128xi32, #tpu.memory_space<vmem>>, vector<1x16xi32>,
    %get3A_1186 = arith.constant 0 : index
    %get3A_1187 = tpu.vector_load %arg4[%get3A_1186] {strides = array<i32>} : memref<256xi32, #tpu.memory_space<vmem>>, vector<16xi32>,
    %get3A_1188 = vector.shape_cast %get3A_1187 : vector<16xi32> to vector<16xi32>
    %add3A_1189 = arith.constant 512 : i32
    %add3A_1190 = vector.broadcast %add3A_1189 : i32 to vector<16xi32>
    %add3A_1191 = arith.addi %get3A_1188, %add3A_1190 : vector<16xi32>
    %swap3A_1192 = arith.constant 8 : i32
    %swap3A_1193 = arith.index_cast %swap3A_1192 : i32 to index
    %swap3A_1194 = arith.constant 0 : index
    %swap3A_1195 = tpu.vector_load %arg5[%swap3A_1193, %swap3A_1194] {strides = array<i32>} : memref<32x128xi32, #tpu.memory_space<vmem>>, vector<1x16xi32>,
    %swap3A_1196 = vector.shape_cast %swap3A_1195 : vector<1x16xi32> to vector<16xi32>
    %swap3A_1197 = vector.shape_cast %add3A_1191 : vector<16xi32> to vector<1x16xi32>
    tpu.vector_store %arg5[%swap3A_1193, %swap3A_1194], %swap3A_1197 {strides = array<i32>} : memref<32x128xi32, #tpu.memory_space<vmem>>, vector<1x16xi32>,
    %get3A_1198 = arith.constant 16 : index
    %get3A_1199 = tpu.vector_load %arg4[%get3A_1198] {strides = array<i32>} : memref<256xi32, #tpu.memory_space<vmem>>, vector<16xi32>,
    %get3A_1200 = vector.shape_cast %get3A_1199 : vector<16xi32> to vector<16xi32>
    %add3A_1201 = arith.constant 512 : i32
    %add3A_1202 = vector.broadcast %add3A_1201 : i32 to vector<16xi32>
    %add3A_1203 = arith.addi %get3A_1200, %add3A_1202 : vector<16xi32>
    %swap3A_1204 = arith.constant 8 : i32
    %swap3A_1205 = arith.index_cast %swap3A_1204 : i32 to index
    %swap3A_1206 = arith.constant 16 : index
    %swap3A_1207 = tpu.vector_load %arg5[%swap3A_1205, %swap3A_1206] {strides = array<i32>} : memref<32x128xi32, #tpu.memory_space<vmem>>, vector<1x16xi32>,
    %swap3A_1208 = vector.shape_cast %swap3A_1207 : vector<1x16xi32> to vector<16xi32>
    %swap3A_1209 = vector.shape_cast %add3A_1203 : vector<16xi32> to vector<1x16xi32>
    tpu.vector_store %arg5[%swap3A_1205, %swap3A_1206], %swap3A_1209 {strides = array<i32>} : memref<32x128xi32, #tpu.memory_space<vmem>>, vector<1x16xi32>,
    %get3A_1210 = arith.constant 32 : index
    %get3A_1211 = tpu.vector_load %arg4[%get3A_1210] {strides = array<i32>} : memref<256xi32, #tpu.memory_space<vmem>>, vector<16xi32>,
    %get3A_1212 = vector.shape_cast %get3A_1211 : vector<16xi32> to vector<16xi32>
    %add3A_1213 = arith.constant 512 : i32
    %add3A_1214 = vector.broadcast %add3A_1213 : i32 to vector<16xi32>
    %add3A_1215 = arith.addi %get3A_1212, %add3A_1214 : vector<16xi32>
    %swap3A_1216 = arith.constant 8 : i32
    %swap3A_1217 = arith.index_cast %swap3A_1216 : i32 to index
    %swap3A_1218 = arith.constant 32 : index
    %swap3A_1219 = tpu.vector_load %arg5[%swap3A_1217, %swap3A_1218] {strides = array<i32>} : memref<32x128xi32, #tpu.memory_space<vmem>>, vector<1x16xi32>,
    %swap3A_1220 = vector.shape_cast %swap3A_1219 : vector<1x16xi32> to vector<16xi32>
    %swap3A_1221 = vector.shape_cast %add3A_1215 : vector<16xi32> to vector<1x16xi32>
    tpu.vector_store %arg5[%swap3A_1217, %swap3A_1218], %swap3A_1221 {strides = array<i32>} : memref<32x128xi32, #tpu.memory_space<vmem>>, vector<1x16xi32>,
    %get3A_1222 = arith.constant 48 : index
    %get3A_1223 = tpu.vector_load %arg4[%get3A_1222] {strides = array<i32>} : memref<256xi32, #tpu.memory_space<vmem>>, vector<16xi32>,
    %get3A_1224 = vector.shape_cast %get3A_1223 : vector<16xi32> to vector<16xi32>
    %add3A_1225 = arith.constant 512 : i32
    %add3A_1226 = vector.broadcast %add3A_1225 : i32 to vector<16xi32>
    %add3A_1227 = arith.addi %get3A_1224, %add3A_1226 : vector<16xi32>
    %swap3A_1228 = arith.constant 8 : i32
    %swap3A_1229 = arith.index_cast %swap3A_1228 : i32 to index
    %swap3A_1230 = arith.constant 48 : index
    %swap3A_1231 = tpu.vector_load %arg5[%swap3A_1229, %swap3A_1230] {strides = array<i32>} : memref<32x128xi32, #tpu.memory_space<vmem>>, vector<1x16xi32>,
    %swap3A_1232 = vector.shape_cast %swap3A_1231 : vector<1x16xi32> to vector<16xi32>
    %swap3A_1233 = vector.shape_cast %add3A_1227 : vector<16xi32> to vector<1x16xi32>
    tpu.vector_store %arg5[%swap3A_1229, %swap3A_1230], %swap3A_1233 {strides = array<i32>} : memref<32x128xi32, #tpu.memory_space<vmem>>, vector<1x16xi32>,
    %get3A_1234 = arith.constant 64 : index
    %get3A_1235 = tpu.vector_load %arg4[%get3A_1234] {strides = array<i32>} : memref<256xi32, #tpu.memory_space<vmem>>, vector<16xi32>,
    %get3A_1236 = vector.shape_cast %get3A_1235 : vector<16xi32> to vector<16xi32>
    %add3A_1237 = arith.constant 512 : i32
    %add3A_1238 = vector.broadcast %add3A_1237 : i32 to vector<16xi32>
    %add3A_1239 = arith.addi %get3A_1236, %add3A_1238 : vector<16xi32>
    %swap3A_1240 = arith.constant 8 : i32
    %swap3A_1241 = arith.index_cast %swap3A_1240 : i32 to index
    %swap3A_1242 = arith.constant 64 : index
    %swap3A_1243 = tpu.vector_load %arg5[%swap3A_1241, %swap3A_1242] {strides = array<i32>} : memref<32x128xi32, #tpu.memory_space<vmem>>, vector<1x16xi32>,
    %swap3A_1244 = vector.shape_cast %swap3A_1243 : vector<1x16xi32> to vector<16xi32>
    %swap3A_1245 = vector.shape_cast %add3A_1239 : vector<16xi32> to vector<1x16xi32>
    tpu.vector_store %arg5[%swap3A_1241, %swap3A_1242], %swap3A_1245 {strides = array<i32>} : memref<32x128xi32, #tpu.memory_space<vmem>>, vector<1x16xi32>,
    %get3A_1246 = arith.constant 80 : index
    %get3A_1247 = tpu.vector_load %arg4[%get3A_1246] {strides = array<i32>} : memref<256xi32, #tpu.memory_space<vmem>>, vector<16xi32>,
    %get3A_1248 = vector.shape_cast %get3A_1247 : vector<16xi32> to vector<16xi32>
    %add3A_1249 = arith.constant 512 : i32
    %add3A_1250 = vector.broadcast %add3A_1249 : i32 to vector<16xi32>
    %add3A_1251 = arith.addi %get3A_1248, %add3A_1250 : vector<16xi32>
    %swap3A_1252 = arith.constant 8 : i32
    %swap3A_1253 = arith.index_cast %swap3A_1252 : i32 to index
    %swap3A_1254 = arith.constant 80 : index
    %swap3A_1255 = tpu.vector_load %arg5[%swap3A_1253, %swap3A_1254] {strides = array<i32>} : memref<32x128xi32, #tpu.memory_space<vmem>>, vector<1x16xi32>,
    %swap3A_1256 = vector.shape_cast %swap3A_1255 : vector<1x16xi32> to vector<16xi32>
    %swap3A_1257 = vector.shape_cast %add3A_1251 : vector<16xi32> to vector<1x16xi32>
    tpu.vector_store %arg5[%swap3A_1253, %swap3A_1254], %swap3A_1257 {strides = array<i32>} : memref<32x128xi32, #tpu.memory_space<vmem>>, vector<1x16xi32>,
    %get3A_1258 = arith.constant 96 : index
    %get3A_1259 = tpu.vector_load %arg4[%get3A_1258] {strides = array<i32>} : memref<256xi32, #tpu.memory_space<vmem>>, vector<16xi32>,
    %get3A_1260 = vector.shape_cast %get3A_1259 : vector<16xi32> to vector<16xi32>
    %add3A_1261 = arith.constant 512 : i32
    %add3A_1262 = vector.broadcast %add3A_1261 : i32 to vector<16xi32>
    %add3A_1263 = arith.addi %get3A_1260, %add3A_1262 : vector<16xi32>
    %swap3A_1264 = arith.constant 8 : i32
    %swap3A_1265 = arith.index_cast %swap3A_1264 : i32 to index
    %swap3A_1266 = arith.constant 96 : index
    %swap3A_1267 = tpu.vector_load %arg5[%swap3A_1265, %swap3A_1266] {strides = array<i32>} : memref<32x128xi32, #tpu.memory_space<vmem>>, vector<1x16xi32>,
    %swap3A_1268 = vector.shape_cast %swap3A_1267 : vector<1x16xi32> to vector<16xi32>
    %swap3A_1269 = vector.shape_cast %add3A_1263 : vector<16xi32> to vector<1x16xi32>
    tpu.vector_store %arg5[%swap3A_1265, %swap3A_1266], %swap3A_1269 {strides = array<i32>} : memref<32x128xi32, #tpu.memory_space<vmem>>, vector<1x16xi32>,
    %get3A_1270 = arith.constant 112 : index
    %get3A_1271 = tpu.vector_load %arg4[%get3A_1270] {strides = array<i32>} : memref<256xi32, #tpu.memory_space<vmem>>, vector<16xi32>,
    %get3A_1272 = vector.shape_cast %get3A_1271 : vector<16xi32> to vector<16xi32>
    %add3A_1273 = arith.constant 512 : i32
    %add3A_1274 = vector.broadcast %add3A_1273 : i32 to vector<16xi32>
    %add3A_1275 = arith.addi %get3A_1272, %add3A_1274 : vector<16xi32>
    %swap3A_1276 = arith.constant 8 : i32
    %swap3A_1277 = arith.index_cast %swap3A_1276 : i32 to index
    %swap3A_1278 = arith.constant 112 : index
    %swap3A_1279 = tpu.vector_load %arg5[%swap3A_1277, %swap3A_1278] {strides = array<i32>} : memref<32x128xi32, #tpu.memory_space<vmem>>, vector<1x16xi32>,
    %swap3A_1280 = vector.shape_cast %swap3A_1279 : vector<1x16xi32> to vector<16xi32>
    %swap3A_1281 = vector.shape_cast %add3A_1275 : vector<16xi32> to vector<1x16xi32>
    tpu.vector_store %arg5[%swap3A_1277, %swap3A_1278], %swap3A_1281 {strides = array<i32>} : memref<32x128xi32, #tpu.memory_space<vmem>>, vector<1x16xi32>,
    %get3A_1282 = arith.constant 128 : index
    %get3A_1283 = tpu.vector_load %arg4[%get3A_1282] {strides = array<i32>} : memref<256xi32, #tpu.memory_space<vmem>>, vector<16xi32>,
    %get3A_1284 = vector.shape_cast %get3A_1283 : vector<16xi32> to vector<16xi32>
    %add3A_1285 = arith.constant 512 : i32
    %add3A_1286 = vector.broadcast %add3A_1285 : i32 to vector<16xi32>
    %add3A_1287 = arith.addi %get3A_1284, %add3A_1286 : vector<16xi32>
    %swap3A_1288 = arith.constant 9 : i32
    %swap3A_1289 = arith.index_cast %swap3A_1288 : i32 to index
    %swap3A_1290 = arith.constant 0 : index
    %swap3A_1291 = tpu.vector_load %arg5[%swap3A_1289, %swap3A_1290] {strides = array<i32>} : memref<32x128xi32, #tpu.memory_space<vmem>>, vector<1x16xi32>,
    %swap3A_1292 = vector.shape_cast %swap3A_1291 : vector<1x16xi32> to vector<16xi32>
    %swap3A_1293 = vector.shape_cast %add3A_1287 : vector<16xi32> to vector<1x16xi32>
    tpu.vector_store %arg5[%swap3A_1289, %swap3A_1290], %swap3A_1293 {strides = array<i32>} : memref<32x128xi32, #tpu.memory_space<vmem>>, vector<1x16xi32>,
    %get3A_1294 = arith.constant 144 : index
    %get3A_1295 = tpu.vector_load %arg4[%get3A_1294] {strides = array<i32>} : memref<256xi32, #tpu.memory_space<vmem>>, vector<16xi32>,
    %get3A_1296 = vector.shape_cast %get3A_1295 : vector<16xi32> to vector<16xi32>
    %add3A_1297 = arith.constant 512 : i32
    %add3A_1298 = vector.broadcast %add3A_1297 : i32 to vector<16xi32>
    %add3A_1299 = arith.addi %get3A_1296, %add3A_1298 : vector<16xi32>
    %swap3A_1300 = arith.constant 9 : i32
    %swap3A_1301 = arith.index_cast %swap3A_1300 : i32 to index
    %swap3A_1302 = arith.constant 16 : index
    %swap3A_1303 = tpu.vector_load %arg5[%swap3A_1301, %swap3A_1302] {strides = array<i32>} : memref<32x128xi32, #tpu.memory_space<vmem>>, vector<1x16xi32>,
    %swap3A_1304 = vector.shape_cast %swap3A_1303 : vector<1x16xi32> to vector<16xi32>
    %swap3A_1305 = vector.shape_cast %add3A_1299 : vector<16xi32> to vector<1x16xi32>
    tpu.vector_store %arg5[%swap3A_1301, %swap3A_1302], %swap3A_1305 {strides = array<i32>} : memref<32x128xi32, #tpu.memory_space<vmem>>, vector<1x16xi32>,
    %get3A_1306 = arith.constant 160 : index
    %get3A_1307 = tpu.vector_load %arg4[%get3A_1306] {strides = array<i32>} : memref<256xi32, #tpu.memory_space<vmem>>, vector<16xi32>,
    %get3A_1308 = vector.shape_cast %get3A_1307 : vector<16xi32> to vector<16xi32>
    %add3A_1309 = arith.constant 512 : i32
    %add3A_1310 = vector.broadcast %add3A_1309 : i32 to vector<16xi32>
    %add3A_1311 = arith.addi %get3A_1308, %add3A_1310 : vector<16xi32>
    %swap3A_1312 = arith.constant 9 : i32
    %swap3A_1313 = arith.index_cast %swap3A_1312 : i32 to index
    %swap3A_1314 = arith.constant 32 : index
    %swap3A_1315 = tpu.vector_load %arg5[%swap3A_1313, %swap3A_1314] {strides = array<i32>} : memref<32x128xi32, #tpu.memory_space<vmem>>, vector<1x16xi32>,
    %swap3A_1316 = vector.shape_cast %swap3A_1315 : vector<1x16xi32> to vector<16xi32>
    %swap3A_1317 = vector.shape_cast %add3A_1311 : vector<16xi32> to vector<1x16xi32>
    tpu.vector_store %arg5[%swap3A_1313, %swap3A_1314], %swap3A_1317 {strides = array<i32>} : memref<32x128xi32, #tpu.memory_space<vmem>>, vector<1x16xi32>,
    %get3A_1318 = arith.constant 176 : index
    %get3A_1319 = tpu.vector_load %arg4[%get3A_1318] {strides = array<i32>} : memref<256xi32, #tpu.memory_space<vmem>>, vector<16xi32>,
    %get3A_1320 = vector.shape_cast %get3A_1319 : vector<16xi32> to vector<16xi32>
    %add3A_1321 = arith.constant 512 : i32
    %add3A_1322 = vector.broadcast %add3A_1321 : i32 to vector<16xi32>
    %add3A_1323 = arith.addi %get3A_1320, %add3A_1322 : vector<16xi32>
    %swap3A_1324 = arith.constant 9 : i32
    %swap3A_1325 = arith.index_cast %swap3A_1324 : i32 to index
    %swap3A_1326 = arith.constant 48 : index
    %swap3A_1327 = tpu.vector_load %arg5[%swap3A_1325, %swap3A_1326] {strides = array<i32>} : memref<32x128xi32, #tpu.memory_space<vmem>>, vector<1x16xi32>,
    %swap3A_1328 = vector.shape_cast %swap3A_1327 : vector<1x16xi32> to vector<16xi32>
    %swap3A_1329 = vector.shape_cast %add3A_1323 : vector<16xi32> to vector<1x16xi32>
    tpu.vector_store %arg5[%swap3A_1325, %swap3A_1326], %swap3A_1329 {strides = array<i32>} : memref<32x128xi32, #tpu.memory_space<vmem>>, vector<1x16xi32>,
    %get3A_1330 = arith.constant 192 : index
    %get3A_1331 = tpu.vector_load %arg4[%get3A_1330] {strides = array<i32>} : memref<256xi32, #tpu.memory_space<vmem>>, vector<16xi32>,
    %get3A_1332 = vector.shape_cast %get3A_1331 : vector<16xi32> to vector<16xi32>
    %add3A_1333 = arith.constant 512 : i32
    %add3A_1334 = vector.broadcast %add3A_1333 : i32 to vector<16xi32>
    %add3A_1335 = arith.addi %get3A_1332, %add3A_1334 : vector<16xi32>
    %swap3A_1336 = arith.constant 9 : i32
    %swap3A_1337 = arith.index_cast %swap3A_1336 : i32 to index
    %swap3A_1338 = arith.constant 64 : index
    %swap3A_1339 = tpu.vector_load %arg5[%swap3A_1337, %swap3A_1338] {strides = array<i32>} : memref<32x128xi32, #tpu.memory_space<vmem>>, vector<1x16xi32>,
    %swap3A_1340 = vector.shape_cast %swap3A_1339 : vector<1x16xi32> to vector<16xi32>
    %swap3A_1341 = vector.shape_cast %add3A_1335 : vector<16xi32> to vector<1x16xi32>
    tpu.vector_store %arg5[%swap3A_1337, %swap3A_1338], %swap3A_1341 {strides = array<i32>} : memref<32x128xi32, #tpu.memory_space<vmem>>, vector<1x16xi32>,
    %get3A_1342 = arith.constant 208 : index
    %get3A_1343 = tpu.vector_load %arg4[%get3A_1342] {strides = array<i32>} : memref<256xi32, #tpu.memory_space<vmem>>, vector<16xi32>,
    %get3A_1344 = vector.shape_cast %get3A_1343 : vector<16xi32> to vector<16xi32>
    %add3A_1345 = arith.constant 512 : i32
    %add3A_1346 = vector.broadcast %add3A_1345 : i32 to vector<16xi32>
    %add3A_1347 = arith.addi %get3A_1344, %add3A_1346 : vector<16xi32>
    %swap3A_1348 = arith.constant 9 : i32
    %swap3A_1349 = arith.index_cast %swap3A_1348 : i32 to index
    %swap3A_1350 = arith.constant 80 : index
    %swap3A_1351 = tpu.vector_load %arg5[%swap3A_1349, %swap3A_1350] {strides = array<i32>} : memref<32x128xi32, #tpu.memory_space<vmem>>, vector<1x16xi32>,
    %swap3A_1352 = vector.shape_cast %swap3A_1351 : vector<1x16xi32> to vector<16xi32>
    %swap3A_1353 = vector.shape_cast %add3A_1347 : vector<16xi32> to vector<1x16xi32>
    tpu.vector_store %arg5[%swap3A_1349, %swap3A_1350], %swap3A_1353 {strides = array<i32>} : memref<32x128xi32, #tpu.memory_space<vmem>>, vector<1x16xi32>,
    %get3A_1354 = arith.constant 224 : index
    %get3A_1355 = tpu.vector_load %arg4[%get3A_1354] {strides = array<i32>} : memref<256xi32, #tpu.memory_space<vmem>>, vector<16xi32>,
    %get3A_1356 = vector.shape_cast %get3A_1355 : vector<16xi32> to vector<16xi32>
    %add3A_1357 = arith.constant 512 : i32
    %add3A_1358 = vector.broadcast %add3A_1357 : i32 to vector<16xi32>
    %add3A_1359 = arith.addi %get3A_1356, %add3A_1358 : vector<16xi32>
    %swap3A_1360 = arith.constant 9 : i32
    %swap3A_1361 = arith.index_cast %swap3A_1360 : i32 to index
    %swap3A_1362 = arith.constant 96 : index
    %swap3A_1363 = tpu.vector_load %arg5[%swap3A_1361, %swap3A_1362] {strides = array<i32>} : memref<32x128xi32, #tpu.memory_space<vmem>>, vector<1x16xi32>,
    %swap3A_1364 = vector.shape_cast %swap3A_1363 : vector<1x16xi32> to vector<16xi32>
    %swap3A_1365 = vector.shape_cast %add3A_1359 : vector<16xi32> to vector<1x16xi32>
    tpu.vector_store %arg5[%swap3A_1361, %swap3A_1362], %swap3A_1365 {strides = array<i32>} : memref<32x128xi32, #tpu.memory_space<vmem>>, vector<1x16xi32>,
    %get3A_1366 = arith.constant 240 : index
    %get3A_1367 = tpu.vector_load %arg4[%get3A_1366] {strides = array<i32>} : memref<256xi32, #tpu.memory_space<vmem>>, vector<16xi32>,
    %get3A_1368 = vector.shape_cast %get3A_1367 : vector<16xi32> to vector<16xi32>
    %add3A_1369 = arith.constant 512 : i32
    %add3A_1370 = vector.broadcast %add3A_1369 : i32 to vector<16xi32>
    %add3A_1371 = arith.addi %get3A_1368, %add3A_1370 : vector<16xi32>
    %swap3A_1372 = arith.constant 9 : i32
    %swap3A_1373 = arith.index_cast %swap3A_1372 : i32 to index
    %swap3A_1374 = arith.constant 112 : index
    %swap3A_1375 = tpu.vector_load %arg5[%swap3A_1373, %swap3A_1374] {strides = array<i32>} : memref<32x128xi32, #tpu.memory_space<vmem>>, vector<1x16xi32>,
    %swap3A_1376 = vector.shape_cast %swap3A_1375 : vector<1x16xi32> to vector<16xi32>
    %swap3A_1377 = vector.shape_cast %add3A_1371 : vector<16xi32> to vector<1x16xi32>
    tpu.vector_store %arg5[%swap3A_1373, %swap3A_1374], %swap3A_1377 {strides = array<i32>} : memref<32x128xi32, #tpu.memory_space<vmem>>, vector<1x16xi32>,
    %get3A_1378 = arith.constant 0 : index
    %get3A_1379 = tpu.vector_load %arg4[%get3A_1378] {strides = array<i32>} : memref<256xi32, #tpu.memory_space<vmem>>, vector<16xi32>,
    %get3A_1380 = vector.shape_cast %get3A_1379 : vector<16xi32> to vector<16xi32>
    %add3A_1381 = arith.constant 640 : i32
    %add3A_1382 = vector.broadcast %add3A_1381 : i32 to vector<16xi32>
    %add3A_1383 = arith.addi %get3A_1380, %add3A_1382 : vector<16xi32>
    %swap3A_1384 = arith.constant 10 : i32
    %swap3A_1385 = arith.index_cast %swap3A_1384 : i32 to index
    %swap3A_1386 = arith.constant 0 : index
    %swap3A_1387 = tpu.vector_load %arg5[%swap3A_1385, %swap3A_1386] {strides = array<i32>} : memref<32x128xi32, #tpu.memory_space<vmem>>, vector<1x16xi32>,
    %swap3A_1388 = vector.shape_cast %swap3A_1387 : vector<1x16xi32> to vector<16xi32>
    %swap3A_1389 = vector.shape_cast %add3A_1383 : vector<16xi32> to vector<1x16xi32>
    tpu.vector_store %arg5[%swap3A_1385, %swap3A_1386], %swap3A_1389 {strides = array<i32>} : memref<32x128xi32, #tpu.memory_space<vmem>>, vector<1x16xi32>,
    %get3A_1390 = arith.constant 16 : index
    %get3A_1391 = tpu.vector_load %arg4[%get3A_1390] {strides = array<i32>} : memref<256xi32, #tpu.memory_space<vmem>>, vector<16xi32>,
    %get3A_1392 = vector.shape_cast %get3A_1391 : vector<16xi32> to vector<16xi32>
    %add3A_1393 = arith.constant 640 : i32
    %add3A_1394 = vector.broadcast %add3A_1393 : i32 to vector<16xi32>
    %add3A_1395 = arith.addi %get3A_1392, %add3A_1394 : vector<16xi32>
    %swap3A_1396 = arith.constant 10 : i32
    %swap3A_1397 = arith.index_cast %swap3A_1396 : i32 to index
    %swap3A_1398 = arith.constant 16 : index
    %swap3A_1399 = tpu.vector_load %arg5[%swap3A_1397, %swap3A_1398] {strides = array<i32>} : memref<32x128xi32, #tpu.memory_space<vmem>>, vector<1x16xi32>,
    %swap3A_1400 = vector.shape_cast %swap3A_1399 : vector<1x16xi32> to vector<16xi32>
    %swap3A_1401 = vector.shape_cast %add3A_1395 : vector<16xi32> to vector<1x16xi32>
    tpu.vector_store %arg5[%swap3A_1397, %swap3A_1398], %swap3A_1401 {strides = array<i32>} : memref<32x128xi32, #tpu.memory_space<vmem>>, vector<1x16xi32>,
    %get3A_1402 = arith.constant 32 : index
    %get3A_1403 = tpu.vector_load %arg4[%get3A_1402] {strides = array<i32>} : memref<256xi32, #tpu.memory_space<vmem>>, vector<16xi32>,
    %get3A_1404 = vector.shape_cast %get3A_1403 : vector<16xi32> to vector<16xi32>
    %add3A_1405 = arith.constant 640 : i32
    %add3A_1406 = vector.broadcast %add3A_1405 : i32 to vector<16xi32>
    %add3A_1407 = arith.addi %get3A_1404, %add3A_1406 : vector<16xi32>
    %swap3A_1408 = arith.constant 10 : i32
    %swap3A_1409 = arith.index_cast %swap3A_1408 : i32 to index
    %swap3A_1410 = arith.constant 32 : index
    %swap3A_1411 = tpu.vector_load %arg5[%swap3A_1409, %swap3A_1410] {strides = array<i32>} : memref<32x128xi32, #tpu.memory_space<vmem>>, vector<1x16xi32>,
    %swap3A_1412 = vector.shape_cast %swap3A_1411 : vector<1x16xi32> to vector<16xi32>
    %swap3A_1413 = vector.shape_cast %add3A_1407 : vector<16xi32> to vector<1x16xi32>
    tpu.vector_store %arg5[%swap3A_1409, %swap3A_1410], %swap3A_1413 {strides = array<i32>} : memref<32x128xi32, #tpu.memory_space<vmem>>, vector<1x16xi32>,
    %get3A_1414 = arith.constant 48 : index
    %get3A_1415 = tpu.vector_load %arg4[%get3A_1414] {strides = array<i32>} : memref<256xi32, #tpu.memory_space<vmem>>, vector<16xi32>,
    %get3A_1416 = vector.shape_cast %get3A_1415 : vector<16xi32> to vector<16xi32>
    %add3A_1417 = arith.constant 640 : i32
    %add3A_1418 = vector.broadcast %add3A_1417 : i32 to vector<16xi32>
    %add3A_1419 = arith.addi %get3A_1416, %add3A_1418 : vector<16xi32>
    %swap3A_1420 = arith.constant 10 : i32
    %swap3A_1421 = arith.index_cast %swap3A_1420 : i32 to index
    %swap3A_1422 = arith.constant 48 : index
    %swap3A_1423 = tpu.vector_load %arg5[%swap3A_1421, %swap3A_1422] {strides = array<i32>} : memref<32x128xi32, #tpu.memory_space<vmem>>, vector<1x16xi32>,
    %swap3A_1424 = vector.shape_cast %swap3A_1423 : vector<1x16xi32> to vector<16xi32>
    %swap3A_1425 = vector.shape_cast %add3A_1419 : vector<16xi32> to vector<1x16xi32>
    tpu.vector_store %arg5[%swap3A_1421, %swap3A_1422], %swap3A_1425 {strides = array<i32>} : memref<32x128xi32, #tpu.memory_space<vmem>>, vector<1x16xi32>,
    %get3A_1426 = arith.constant 64 : index
    %get3A_1427 = tpu.vector_load %arg4[%get3A_1426] {strides = array<i32>} : memref<256xi32, #tpu.memory_space<vmem>>, vector<16xi32>,
    %get3A_1428 = vector.shape_cast %get3A_1427 : vector<16xi32> to vector<16xi32>
    %add3A_1429 = arith.constant 640 : i32
    %add3A_1430 = vector.broadcast %add3A_1429 : i32 to vector<16xi32>
    %add3A_1431 = arith.addi %get3A_1428, %add3A_1430 : vector<16xi32>
    %swap3A_1432 = arith.constant 10 : i32
    %swap3A_1433 = arith.index_cast %swap3A_1432 : i32 to index
    %swap3A_1434 = arith.constant 64 : index
    %swap3A_1435 = tpu.vector_load %arg5[%swap3A_1433, %swap3A_1434] {strides = array<i32>} : memref<32x128xi32, #tpu.memory_space<vmem>>, vector<1x16xi32>,
    %swap3A_1436 = vector.shape_cast %swap3A_1435 : vector<1x16xi32> to vector<16xi32>
    %swap3A_1437 = vector.shape_cast %add3A_1431 : vector<16xi32> to vector<1x16xi32>
    tpu.vector_store %arg5[%swap3A_1433, %swap3A_1434], %swap3A_1437 {strides = array<i32>} : memref<32x128xi32, #tpu.memory_space<vmem>>, vector<1x16xi32>,
    %get3A_1438 = arith.constant 80 : index
    %get3A_1439 = tpu.vector_load %arg4[%get3A_1438] {strides = array<i32>} : memref<256xi32, #tpu.memory_space<vmem>>, vector<16xi32>,
    %get3A_1440 = vector.shape_cast %get3A_1439 : vector<16xi32> to vector<16xi32>
    %add3A_1441 = arith.constant 640 : i32
    %add3A_1442 = vector.broadcast %add3A_1441 : i32 to vector<16xi32>
    %add3A_1443 = arith.addi %get3A_1440, %add3A_1442 : vector<16xi32>
    %swap3A_1444 = arith.constant 10 : i32
    %swap3A_1445 = arith.index_cast %swap3A_1444 : i32 to index
    %swap3A_1446 = arith.constant 80 : index
    %swap3A_1447 = tpu.vector_load %arg5[%swap3A_1445, %swap3A_1446] {strides = array<i32>} : memref<32x128xi32, #tpu.memory_space<vmem>>, vector<1x16xi32>,
    %swap3A_1448 = vector.shape_cast %swap3A_1447 : vector<1x16xi32> to vector<16xi32>
    %swap3A_1449 = vector.shape_cast %add3A_1443 : vector<16xi32> to vector<1x16xi32>
    tpu.vector_store %arg5[%swap3A_1445, %swap3A_1446], %swap3A_1449 {strides = array<i32>} : memref<32x128xi32, #tpu.memory_space<vmem>>, vector<1x16xi32>,
    %get3A_1450 = arith.constant 96 : index
    %get3A_1451 = tpu.vector_load %arg4[%get3A_1450] {strides = array<i32>} : memref<256xi32, #tpu.memory_space<vmem>>, vector<16xi32>,
    %get3A_1452 = vector.shape_cast %get3A_1451 : vector<16xi32> to vector<16xi32>
    %add3A_1453 = arith.constant 640 : i32
    %add3A_1454 = vector.broadcast %add3A_1453 : i32 to vector<16xi32>
    %add3A_1455 = arith.addi %get3A_1452, %add3A_1454 : vector<16xi32>
    %swap3A_1456 = arith.constant 10 : i32
    %swap3A_1457 = arith.index_cast %swap3A_1456 : i32 to index
    %swap3A_1458 = arith.constant 96 : index
    %swap3A_1459 = tpu.vector_load %arg5[%swap3A_1457, %swap3A_1458] {strides = array<i32>} : memref<32x128xi32, #tpu.memory_space<vmem>>, vector<1x16xi32>,
    %swap3A_1460 = vector.shape_cast %swap3A_1459 : vector<1x16xi32> to vector<16xi32>
    %swap3A_1461 = vector.shape_cast %add3A_1455 : vector<16xi32> to vector<1x16xi32>
    tpu.vector_store %arg5[%swap3A_1457, %swap3A_1458], %swap3A_1461 {strides = array<i32>} : memref<32x128xi32, #tpu.memory_space<vmem>>, vector<1x16xi32>,
    %get3A_1462 = arith.constant 112 : index
    %get3A_1463 = tpu.vector_load %arg4[%get3A_1462] {strides = array<i32>} : memref<256xi32, #tpu.memory_space<vmem>>, vector<16xi32>,
    %get3A_1464 = vector.shape_cast %get3A_1463 : vector<16xi32> to vector<16xi32>
    %add3A_1465 = arith.constant 640 : i32
    %add3A_1466 = vector.broadcast %add3A_1465 : i32 to vector<16xi32>
    %add3A_1467 = arith.addi %get3A_1464, %add3A_1466 : vector<16xi32>
    %swap3A_1468 = arith.constant 10 : i32
    %swap3A_1469 = arith.index_cast %swap3A_1468 : i32 to index
    %swap3A_1470 = arith.constant 112 : index
    %swap3A_1471 = tpu.vector_load %arg5[%swap3A_1469, %swap3A_1470] {strides = array<i32>} : memref<32x128xi32, #tpu.memory_space<vmem>>, vector<1x16xi32>,
    %swap3A_1472 = vector.shape_cast %swap3A_1471 : vector<1x16xi32> to vector<16xi32>
    %swap3A_1473 = vector.shape_cast %add3A_1467 : vector<16xi32> to vector<1x16xi32>
    tpu.vector_store %arg5[%swap3A_1469, %swap3A_1470], %swap3A_1473 {strides = array<i32>} : memref<32x128xi32, #tpu.memory_space<vmem>>, vector<1x16xi32>,
    %get3A_1474 = arith.constant 128 : index
    %get3A_1475 = tpu.vector_load %arg4[%get3A_1474] {strides = array<i32>} : memref<256xi32, #tpu.memory_space<vmem>>, vector<16xi32>,
    %get3A_1476 = vector.shape_cast %get3A_1475 : vector<16xi32> to vector<16xi32>
    %add3A_1477 = arith.constant 640 : i32
    %add3A_1478 = vector.broadcast %add3A_1477 : i32 to vector<16xi32>
    %add3A_1479 = arith.addi %get3A_1476, %add3A_1478 : vector<16xi32>
    %swap3A_1480 = arith.constant 11 : i32
    %swap3A_1481 = arith.index_cast %swap3A_1480 : i32 to index
    %swap3A_1482 = arith.constant 0 : index
    %swap3A_1483 = tpu.vector_load %arg5[%swap3A_1481, %swap3A_1482] {strides = array<i32>} : memref<32x128xi32, #tpu.memory_space<vmem>>, vector<1x16xi32>,
    %swap3A_1484 = vector.shape_cast %swap3A_1483 : vector<1x16xi32> to vector<16xi32>
    %swap3A_1485 = vector.shape_cast %add3A_1479 : vector<16xi32> to vector<1x16xi32>
    tpu.vector_store %arg5[%swap3A_1481, %swap3A_1482], %swap3A_1485 {strides = array<i32>} : memref<32x128xi32, #tpu.memory_space<vmem>>, vector<1x16xi32>,
    %get3A_1486 = arith.constant 144 : index
    %get3A_1487 = tpu.vector_load %arg4[%get3A_1486] {strides = array<i32>} : memref<256xi32, #tpu.memory_space<vmem>>, vector<16xi32>,
    %get3A_1488 = vector.shape_cast %get3A_1487 : vector<16xi32> to vector<16xi32>
    %add3A_1489 = arith.constant 640 : i32
    %add3A_1490 = vector.broadcast %add3A_1489 : i32 to vector<16xi32>
    %add3A_1491 = arith.addi %get3A_1488, %add3A_1490 : vector<16xi32>
    %swap3A_1492 = arith.constant 11 : i32
    %swap3A_1493 = arith.index_cast %swap3A_1492 : i32 to index
    %swap3A_1494 = arith.constant 16 : index
    %swap3A_1495 = tpu.vector_load %arg5[%swap3A_1493, %swap3A_1494] {strides = array<i32>} : memref<32x128xi32, #tpu.memory_space<vmem>>, vector<1x16xi32>,
    %swap3A_1496 = vector.shape_cast %swap3A_1495 : vector<1x16xi32> to vector<16xi32>
    %swap3A_1497 = vector.shape_cast %add3A_1491 : vector<16xi32> to vector<1x16xi32>
    tpu.vector_store %arg5[%swap3A_1493, %swap3A_1494], %swap3A_1497 {strides = array<i32>} : memref<32x128xi32, #tpu.memory_space<vmem>>, vector<1x16xi32>,
    %get3A_1498 = arith.constant 160 : index
    %get3A_1499 = tpu.vector_load %arg4[%get3A_1498] {strides = array<i32>} : memref<256xi32, #tpu.memory_space<vmem>>, vector<16xi32>,
    %get3A_1500 = vector.shape_cast %get3A_1499 : vector<16xi32> to vector<16xi32>
    %add3A_1501 = arith.constant 640 : i32
    %add3A_1502 = vector.broadcast %add3A_1501 : i32 to vector<16xi32>
    %add3A_1503 = arith.addi %get3A_1500, %add3A_1502 : vector<16xi32>
    %swap3A_1504 = arith.constant 11 : i32
    %swap3A_1505 = arith.index_cast %swap3A_1504 : i32 to index
    %swap3A_1506 = arith.constant 32 : index
    %swap3A_1507 = tpu.vector_load %arg5[%swap3A_1505, %swap3A_1506] {strides = array<i32>} : memref<32x128xi32, #tpu.memory_space<vmem>>, vector<1x16xi32>,
    %swap3A_1508 = vector.shape_cast %swap3A_1507 : vector<1x16xi32> to vector<16xi32>
    %swap3A_1509 = vector.shape_cast %add3A_1503 : vector<16xi32> to vector<1x16xi32>
    tpu.vector_store %arg5[%swap3A_1505, %swap3A_1506], %swap3A_1509 {strides = array<i32>} : memref<32x128xi32, #tpu.memory_space<vmem>>, vector<1x16xi32>,
    %get3A_1510 = arith.constant 176 : index
    %get3A_1511 = tpu.vector_load %arg4[%get3A_1510] {strides = array<i32>} : memref<256xi32, #tpu.memory_space<vmem>>, vector<16xi32>,
    %get3A_1512 = vector.shape_cast %get3A_1511 : vector<16xi32> to vector<16xi32>
    %add3A_1513 = arith.constant 640 : i32
    %add3A_1514 = vector.broadcast %add3A_1513 : i32 to vector<16xi32>
    %add3A_1515 = arith.addi %get3A_1512, %add3A_1514 : vector<16xi32>
    %swap3A_1516 = arith.constant 11 : i32
    %swap3A_1517 = arith.index_cast %swap3A_1516 : i32 to index
    %swap3A_1518 = arith.constant 48 : index
    %swap3A_1519 = tpu.vector_load %arg5[%swap3A_1517, %swap3A_1518] {strides = array<i32>} : memref<32x128xi32, #tpu.memory_space<vmem>>, vector<1x16xi32>,
    %swap3A_1520 = vector.shape_cast %swap3A_1519 : vector<1x16xi32> to vector<16xi32>
    %swap3A_1521 = vector.shape_cast %add3A_1515 : vector<16xi32> to vector<1x16xi32>
    tpu.vector_store %arg5[%swap3A_1517, %swap3A_1518], %swap3A_1521 {strides = array<i32>} : memref<32x128xi32, #tpu.memory_space<vmem>>, vector<1x16xi32>,
    %get3A_1522 = arith.constant 192 : index
    %get3A_1523 = tpu.vector_load %arg4[%get3A_1522] {strides = array<i32>} : memref<256xi32, #tpu.memory_space<vmem>>, vector<16xi32>,
    %get3A_1524 = vector.shape_cast %get3A_1523 : vector<16xi32> to vector<16xi32>
    %add3A_1525 = arith.constant 640 : i32
    %add3A_1526 = vector.broadcast %add3A_1525 : i32 to vector<16xi32>
    %add3A_1527 = arith.addi %get3A_1524, %add3A_1526 : vector<16xi32>
    %swap3A_1528 = arith.constant 11 : i32
    %swap3A_1529 = arith.index_cast %swap3A_1528 : i32 to index
    %swap3A_1530 = arith.constant 64 : index
    %swap3A_1531 = tpu.vector_load %arg5[%swap3A_1529, %swap3A_1530] {strides = array<i32>} : memref<32x128xi32, #tpu.memory_space<vmem>>, vector<1x16xi32>,
    %swap3A_1532 = vector.shape_cast %swap3A_1531 : vector<1x16xi32> to vector<16xi32>
    %swap3A_1533 = vector.shape_cast %add3A_1527 : vector<16xi32> to vector<1x16xi32>
    tpu.vector_store %arg5[%swap3A_1529, %swap3A_1530], %swap3A_1533 {strides = array<i32>} : memref<32x128xi32, #tpu.memory_space<vmem>>, vector<1x16xi32>,
    %get3A_1534 = arith.constant 208 : index
    %get3A_1535 = tpu.vector_load %arg4[%get3A_1534] {strides = array<i32>} : memref<256xi32, #tpu.memory_space<vmem>>, vector<16xi32>,
    %get3A_1536 = vector.shape_cast %get3A_1535 : vector<16xi32> to vector<16xi32>
    %add3A_1537 = arith.constant 640 : i32
    %add3A_1538 = vector.broadcast %add3A_1537 : i32 to vector<16xi32>
    %add3A_1539 = arith.addi %get3A_1536, %add3A_1538 : vector<16xi32>
    %swap3A_1540 = arith.constant 11 : i32
    %swap3A_1541 = arith.index_cast %swap3A_1540 : i32 to index
    %swap3A_1542 = arith.constant 80 : index
    %swap3A_1543 = tpu.vector_load %arg5[%swap3A_1541, %swap3A_1542] {strides = array<i32>} : memref<32x128xi32, #tpu.memory_space<vmem>>, vector<1x16xi32>,
    %swap3A_1544 = vector.shape_cast %swap3A_1543 : vector<1x16xi32> to vector<16xi32>
    %swap3A_1545 = vector.shape_cast %add3A_1539 : vector<16xi32> to vector<1x16xi32>
    tpu.vector_store %arg5[%swap3A_1541, %swap3A_1542], %swap3A_1545 {strides = array<i32>} : memref<32x128xi32, #tpu.memory_space<vmem>>, vector<1x16xi32>,
    %get3A_1546 = arith.constant 224 : index
    %get3A_1547 = tpu.vector_load %arg4[%get3A_1546] {strides = array<i32>} : memref<256xi32, #tpu.memory_space<vmem>>, vector<16xi32>,
    %get3A_1548 = vector.shape_cast %get3A_1547 : vector<16xi32> to vector<16xi32>
    %add3A_1549 = arith.constant 640 : i32
    %add3A_1550 = vector.broadcast %add3A_1549 : i32 to vector<16xi32>
    %add3A_1551 = arith.addi %get3A_1548, %add3A_1550 : vector<16xi32>
    %swap3A_1552 = arith.constant 11 : i32
    %swap3A_1553 = arith.index_cast %swap3A_1552 : i32 to index
    %swap3A_1554 = arith.constant 96 : index
    %swap3A_1555 = tpu.vector_load %arg5[%swap3A_1553, %swap3A_1554] {strides = array<i32>} : memref<32x128xi32, #tpu.memory_space<vmem>>, vector<1x16xi32>,
    %swap3A_1556 = vector.shape_cast %swap3A_1555 : vector<1x16xi32> to vector<16xi32>
    %swap3A_1557 = vector.shape_cast %add3A_1551 : vector<16xi32> to vector<1x16xi32>
    tpu.vector_store %arg5[%swap3A_1553, %swap3A_1554], %swap3A_1557 {strides = array<i32>} : memref<32x128xi32, #tpu.memory_space<vmem>>, vector<1x16xi32>,
    %get3A_1558 = arith.constant 240 : index
    %get3A_1559 = tpu.vector_load %arg4[%get3A_1558] {strides = array<i32>} : memref<256xi32, #tpu.memory_space<vmem>>, vector<16xi32>,
    %get3A_1560 = vector.shape_cast %get3A_1559 : vector<16xi32> to vector<16xi32>
    %add3A_1561 = arith.constant 640 : i32
    %add3A_1562 = vector.broadcast %add3A_1561 : i32 to vector<16xi32>
    %add3A_1563 = arith.addi %get3A_1560, %add3A_1562 : vector<16xi32>
    %swap3A_1564 = arith.constant 11 : i32
    %swap3A_1565 = arith.index_cast %swap3A_1564 : i32 to index
    %swap3A_1566 = arith.constant 112 : index
    %swap3A_1567 = tpu.vector_load %arg5[%swap3A_1565, %swap3A_1566] {strides = array<i32>} : memref<32x128xi32, #tpu.memory_space<vmem>>, vector<1x16xi32>,
    %swap3A_1568 = vector.shape_cast %swap3A_1567 : vector<1x16xi32> to vector<16xi32>
    %swap3A_1569 = vector.shape_cast %add3A_1563 : vector<16xi32> to vector<1x16xi32>
    tpu.vector_store %arg5[%swap3A_1565, %swap3A_1566], %swap3A_1569 {strides = array<i32>} : memref<32x128xi32, #tpu.memory_space<vmem>>, vector<1x16xi32>,
    %get3A_1570 = arith.constant 0 : index
    %get3A_1571 = tpu.vector_load %arg4[%get3A_1570] {strides = array<i32>} : memref<256xi32, #tpu.memory_space<vmem>>, vector<16xi32>,
    %get3A_1572 = vector.shape_cast %get3A_1571 : vector<16xi32> to vector<16xi32>
    %add3A_1573 = arith.constant 768 : i32
    %add3A_1574 = vector.broadcast %add3A_1573 : i32 to vector<16xi32>
    %add3A_1575 = arith.addi %get3A_1572, %add3A_1574 : vector<16xi32>
    %swap3A_1576 = arith.constant 12 : i32
    %swap3A_1577 = arith.index_cast %swap3A_1576 : i32 to index
    %swap3A_1578 = arith.constant 0 : index
    %swap3A_1579 = tpu.vector_load %arg5[%swap3A_1577, %swap3A_1578] {strides = array<i32>} : memref<32x128xi32, #tpu.memory_space<vmem>>, vector<1x16xi32>,
    %swap3A_1580 = vector.shape_cast %swap3A_1579 : vector<1x16xi32> to vector<16xi32>
    %swap3A_1581 = vector.shape_cast %add3A_1575 : vector<16xi32> to vector<1x16xi32>
    tpu.vector_store %arg5[%swap3A_1577, %swap3A_1578], %swap3A_1581 {strides = array<i32>} : memref<32x128xi32, #tpu.memory_space<vmem>>, vector<1x16xi32>,
    %get3A_1582 = arith.constant 16 : index
    %get3A_1583 = tpu.vector_load %arg4[%get3A_1582] {strides = array<i32>} : memref<256xi32, #tpu.memory_space<vmem>>, vector<16xi32>,
    %get3A_1584 = vector.shape_cast %get3A_1583 : vector<16xi32> to vector<16xi32>
    %add3A_1585 = arith.constant 768 : i32
    %add3A_1586 = vector.broadcast %add3A_1585 : i32 to vector<16xi32>
    %add3A_1587 = arith.addi %get3A_1584, %add3A_1586 : vector<16xi32>
    %swap3A_1588 = arith.constant 12 : i32
    %swap3A_1589 = arith.index_cast %swap3A_1588 : i32 to index
    %swap3A_1590 = arith.constant 16 : index
    %swap3A_1591 = tpu.vector_load %arg5[%swap3A_1589, %swap3A_1590] {strides = array<i32>} : memref<32x128xi32, #tpu.memory_space<vmem>>, vector<1x16xi32>,
    %swap3A_1592 = vector.shape_cast %swap3A_1591 : vector<1x16xi32> to vector<16xi32>
    %swap3A_1593 = vector.shape_cast %add3A_1587 : vector<16xi32> to vector<1x16xi32>
    tpu.vector_store %arg5[%swap3A_1589, %swap3A_1590], %swap3A_1593 {strides = array<i32>} : memref<32x128xi32, #tpu.memory_space<vmem>>, vector<1x16xi32>,
    %get3A_1594 = arith.constant 32 : index
    %get3A_1595 = tpu.vector_load %arg4[%get3A_1594] {strides = array<i32>} : memref<256xi32, #tpu.memory_space<vmem>>, vector<16xi32>,
    %get3A_1596 = vector.shape_cast %get3A_1595 : vector<16xi32> to vector<16xi32>
    %add3A_1597 = arith.constant 768 : i32
    %add3A_1598 = vector.broadcast %add3A_1597 : i32 to vector<16xi32>
    %add3A_1599 = arith.addi %get3A_1596, %add3A_1598 : vector<16xi32>
    %swap3A_1600 = arith.constant 12 : i32
    %swap3A_1601 = arith.index_cast %swap3A_1600 : i32 to index
    %swap3A_1602 = arith.constant 32 : index
    %swap3A_1603 = tpu.vector_load %arg5[%swap3A_1601, %swap3A_1602] {strides = array<i32>} : memref<32x128xi32, #tpu.memory_space<vmem>>, vector<1x16xi32>,
    %swap3A_1604 = vector.shape_cast %swap3A_1603 : vector<1x16xi32> to vector<16xi32>
    %swap3A_1605 = vector.shape_cast %add3A_1599 : vector<16xi32> to vector<1x16xi32>
    tpu.vector_store %arg5[%swap3A_1601, %swap3A_1602], %swap3A_1605 {strides = array<i32>} : memref<32x128xi32, #tpu.memory_space<vmem>>, vector<1x16xi32>,
    %get3A_1606 = arith.constant 48 : index
    %get3A_1607 = tpu.vector_load %arg4[%get3A_1606] {strides = array<i32>} : memref<256xi32, #tpu.memory_space<vmem>>, vector<16xi32>,
    %get3A_1608 = vector.shape_cast %get3A_1607 : vector<16xi32> to vector<16xi32>
    %add3A_1609 = arith.constant 768 : i32
    %add3A_1610 = vector.broadcast %add3A_1609 : i32 to vector<16xi32>
    %add3A_1611 = arith.addi %get3A_1608, %add3A_1610 : vector<16xi32>
    %swap3A_1612 = arith.constant 12 : i32
    %swap3A_1613 = arith.index_cast %swap3A_1612 : i32 to index
    %swap3A_1614 = arith.constant 48 : index
    %swap3A_1615 = tpu.vector_load %arg5[%swap3A_1613, %swap3A_1614] {strides = array<i32>} : memref<32x128xi32, #tpu.memory_space<vmem>>, vector<1x16xi32>,
    %swap3A_1616 = vector.shape_cast %swap3A_1615 : vector<1x16xi32> to vector<16xi32>
    %swap3A_1617 = vector.shape_cast %add3A_1611 : vector<16xi32> to vector<1x16xi32>
    tpu.vector_store %arg5[%swap3A_1613, %swap3A_1614], %swap3A_1617 {strides = array<i32>} : memref<32x128xi32, #tpu.memory_space<vmem>>, vector<1x16xi32>,
    %get3A_1618 = arith.constant 64 : index
    %get3A_1619 = tpu.vector_load %arg4[%get3A_1618] {strides = array<i32>} : memref<256xi32, #tpu.memory_space<vmem>>, vector<16xi32>,
    %get3A_1620 = vector.shape_cast %get3A_1619 : vector<16xi32> to vector<16xi32>
    %add3A_1621 = arith.constant 768 : i32
    %add3A_1622 = vector.broadcast %add3A_1621 : i32 to vector<16xi32>
    %add3A_1623 = arith.addi %get3A_1620, %add3A_1622 : vector<16xi32>
    %swap3A_1624 = arith.constant 12 : i32
    %swap3A_1625 = arith.index_cast %swap3A_1624 : i32 to index
    %swap3A_1626 = arith.constant 64 : index
    %swap3A_1627 = tpu.vector_load %arg5[%swap3A_1625, %swap3A_1626] {strides = array<i32>} : memref<32x128xi32, #tpu.memory_space<vmem>>, vector<1x16xi32>,
    %swap3A_1628 = vector.shape_cast %swap3A_1627 : vector<1x16xi32> to vector<16xi32>
    %swap3A_1629 = vector.shape_cast %add3A_1623 : vector<16xi32> to vector<1x16xi32>
    tpu.vector_store %arg5[%swap3A_1625, %swap3A_1626], %swap3A_1629 {strides = array<i32>} : memref<32x128xi32, #tpu.memory_space<vmem>>, vector<1x16xi32>,
    %get3A_1630 = arith.constant 80 : index
    %get3A_1631 = tpu.vector_load %arg4[%get3A_1630] {strides = array<i32>} : memref<256xi32, #tpu.memory_space<vmem>>, vector<16xi32>,
    %get3A_1632 = vector.shape_cast %get3A_1631 : vector<16xi32> to vector<16xi32>
    %add3A_1633 = arith.constant 768 : i32
    %add3A_1634 = vector.broadcast %add3A_1633 : i32 to vector<16xi32>
    %add3A_1635 = arith.addi %get3A_1632, %add3A_1634 : vector<16xi32>
    %swap3A_1636 = arith.constant 12 : i32
    %swap3A_1637 = arith.index_cast %swap3A_1636 : i32 to index
    %swap3A_1638 = arith.constant 80 : index
    %swap3A_1639 = tpu.vector_load %arg5[%swap3A_1637, %swap3A_1638] {strides = array<i32>} : memref<32x128xi32, #tpu.memory_space<vmem>>, vector<1x16xi32>,
    %swap3A_1640 = vector.shape_cast %swap3A_1639 : vector<1x16xi32> to vector<16xi32>
    %swap3A_1641 = vector.shape_cast %add3A_1635 : vector<16xi32> to vector<1x16xi32>
    tpu.vector_store %arg5[%swap3A_1637, %swap3A_1638], %swap3A_1641 {strides = array<i32>} : memref<32x128xi32, #tpu.memory_space<vmem>>, vector<1x16xi32>,
    %get3A_1642 = arith.constant 96 : index
    %get3A_1643 = tpu.vector_load %arg4[%get3A_1642] {strides = array<i32>} : memref<256xi32, #tpu.memory_space<vmem>>, vector<16xi32>,
    %get3A_1644 = vector.shape_cast %get3A_1643 : vector<16xi32> to vector<16xi32>
    %add3A_1645 = arith.constant 768 : i32
    %add3A_1646 = vector.broadcast %add3A_1645 : i32 to vector<16xi32>
    %add3A_1647 = arith.addi %get3A_1644, %add3A_1646 : vector<16xi32>
    %swap3A_1648 = arith.constant 12 : i32
    %swap3A_1649 = arith.index_cast %swap3A_1648 : i32 to index
    %swap3A_1650 = arith.constant 96 : index
    %swap3A_1651 = tpu.vector_load %arg5[%swap3A_1649, %swap3A_1650] {strides = array<i32>} : memref<32x128xi32, #tpu.memory_space<vmem>>, vector<1x16xi32>,
    %swap3A_1652 = vector.shape_cast %swap3A_1651 : vector<1x16xi32> to vector<16xi32>
    %swap3A_1653 = vector.shape_cast %add3A_1647 : vector<16xi32> to vector<1x16xi32>
    tpu.vector_store %arg5[%swap3A_1649, %swap3A_1650], %swap3A_1653 {strides = array<i32>} : memref<32x128xi32, #tpu.memory_space<vmem>>, vector<1x16xi32>,
    %get3A_1654 = arith.constant 112 : index
    %get3A_1655 = tpu.vector_load %arg4[%get3A_1654] {strides = array<i32>} : memref<256xi32, #tpu.memory_space<vmem>>, vector<16xi32>,
    %get3A_1656 = vector.shape_cast %get3A_1655 : vector<16xi32> to vector<16xi32>
    %add3A_1657 = arith.constant 768 : i32
    %add3A_1658 = vector.broadcast %add3A_1657 : i32 to vector<16xi32>
    %add3A_1659 = arith.addi %get3A_1656, %add3A_1658 : vector<16xi32>
    %swap3A_1660 = arith.constant 12 : i32
    %swap3A_1661 = arith.index_cast %swap3A_1660 : i32 to index
    %swap3A_1662 = arith.constant 112 : index
    %swap3A_1663 = tpu.vector_load %arg5[%swap3A_1661, %swap3A_1662] {strides = array<i32>} : memref<32x128xi32, #tpu.memory_space<vmem>>, vector<1x16xi32>,
    %swap3A_1664 = vector.shape_cast %swap3A_1663 : vector<1x16xi32> to vector<16xi32>
    %swap3A_1665 = vector.shape_cast %add3A_1659 : vector<16xi32> to vector<1x16xi32>
    tpu.vector_store %arg5[%swap3A_1661, %swap3A_1662], %swap3A_1665 {strides = array<i32>} : memref<32x128xi32, #tpu.memory_space<vmem>>, vector<1x16xi32>,
    %get3A_1666 = arith.constant 128 : index
    %get3A_1667 = tpu.vector_load %arg4[%get3A_1666] {strides = array<i32>} : memref<256xi32, #tpu.memory_space<vmem>>, vector<16xi32>,
    %get3A_1668 = vector.shape_cast %get3A_1667 : vector<16xi32> to vector<16xi32>
    %add3A_1669 = arith.constant 768 : i32
    %add3A_1670 = vector.broadcast %add3A_1669 : i32 to vector<16xi32>
    %add3A_1671 = arith.addi %get3A_1668, %add3A_1670 : vector<16xi32>
    %swap3A_1672 = arith.constant 13 : i32
    %swap3A_1673 = arith.index_cast %swap3A_1672 : i32 to index
    %swap3A_1674 = arith.constant 0 : index
    %swap3A_1675 = tpu.vector_load %arg5[%swap3A_1673, %swap3A_1674] {strides = array<i32>} : memref<32x128xi32, #tpu.memory_space<vmem>>, vector<1x16xi32>,
    %swap3A_1676 = vector.shape_cast %swap3A_1675 : vector<1x16xi32> to vector<16xi32>
    %swap3A_1677 = vector.shape_cast %add3A_1671 : vector<16xi32> to vector<1x16xi32>
    tpu.vector_store %arg5[%swap3A_1673, %swap3A_1674], %swap3A_1677 {strides = array<i32>} : memref<32x128xi32, #tpu.memory_space<vmem>>, vector<1x16xi32>,
    %get3A_1678 = arith.constant 144 : index
    %get3A_1679 = tpu.vector_load %arg4[%get3A_1678] {strides = array<i32>} : memref<256xi32, #tpu.memory_space<vmem>>, vector<16xi32>,
    %get3A_1680 = vector.shape_cast %get3A_1679 : vector<16xi32> to vector<16xi32>
    %add3A_1681 = arith.constant 768 : i32
    %add3A_1682 = vector.broadcast %add3A_1681 : i32 to vector<16xi32>
    %add3A_1683 = arith.addi %get3A_1680, %add3A_1682 : vector<16xi32>
    %swap3A_1684 = arith.constant 13 : i32
    %swap3A_1685 = arith.index_cast %swap3A_1684 : i32 to index
    %swap3A_1686 = arith.constant 16 : index
    %swap3A_1687 = tpu.vector_load %arg5[%swap3A_1685, %swap3A_1686] {strides = array<i32>} : memref<32x128xi32, #tpu.memory_space<vmem>>, vector<1x16xi32>,
    %swap3A_1688 = vector.shape_cast %swap3A_1687 : vector<1x16xi32> to vector<16xi32>
    %swap3A_1689 = vector.shape_cast %add3A_1683 : vector<16xi32> to vector<1x16xi32>
    tpu.vector_store %arg5[%swap3A_1685, %swap3A_1686], %swap3A_1689 {strides = array<i32>} : memref<32x128xi32, #tpu.memory_space<vmem>>, vector<1x16xi32>,
    %get3A_1690 = arith.constant 160 : index
    %get3A_1691 = tpu.vector_load %arg4[%get3A_1690] {strides = array<i32>} : memref<256xi32, #tpu.memory_space<vmem>>, vector<16xi32>,
    %get3A_1692 = vector.shape_cast %get3A_1691 : vector<16xi32> to vector<16xi32>
    %add3A_1693 = arith.constant 768 : i32
    %add3A_1694 = vector.broadcast %add3A_1693 : i32 to vector<16xi32>
    %add3A_1695 = arith.addi %get3A_1692, %add3A_1694 : vector<16xi32>
    %swap3A_1696 = arith.constant 13 : i32
    %swap3A_1697 = arith.index_cast %swap3A_1696 : i32 to index
    %swap3A_1698 = arith.constant 32 : index
    %swap3A_1699 = tpu.vector_load %arg5[%swap3A_1697, %swap3A_1698] {strides = array<i32>} : memref<32x128xi32, #tpu.memory_space<vmem>>, vector<1x16xi32>,
    %swap3A_1700 = vector.shape_cast %swap3A_1699 : vector<1x16xi32> to vector<16xi32>
    %swap3A_1701 = vector.shape_cast %add3A_1695 : vector<16xi32> to vector<1x16xi32>
    tpu.vector_store %arg5[%swap3A_1697, %swap3A_1698], %swap3A_1701 {strides = array<i32>} : memref<32x128xi32, #tpu.memory_space<vmem>>, vector<1x16xi32>,
    %get3A_1702 = arith.constant 176 : index
    %get3A_1703 = tpu.vector_load %arg4[%get3A_1702] {strides = array<i32>} : memref<256xi32, #tpu.memory_space<vmem>>, vector<16xi32>,
    %get3A_1704 = vector.shape_cast %get3A_1703 : vector<16xi32> to vector<16xi32>
    %add3A_1705 = arith.constant 768 : i32
    %add3A_1706 = vector.broadcast %add3A_1705 : i32 to vector<16xi32>
    %add3A_1707 = arith.addi %get3A_1704, %add3A_1706 : vector<16xi32>
    %swap3A_1708 = arith.constant 13 : i32
    %swap3A_1709 = arith.index_cast %swap3A_1708 : i32 to index
    %swap3A_1710 = arith.constant 48 : index
    %swap3A_1711 = tpu.vector_load %arg5[%swap3A_1709, %swap3A_1710] {strides = array<i32>} : memref<32x128xi32, #tpu.memory_space<vmem>>, vector<1x16xi32>,
    %swap3A_1712 = vector.shape_cast %swap3A_1711 : vector<1x16xi32> to vector<16xi32>
    %swap3A_1713 = vector.shape_cast %add3A_1707 : vector<16xi32> to vector<1x16xi32>
    tpu.vector_store %arg5[%swap3A_1709, %swap3A_1710], %swap3A_1713 {strides = array<i32>} : memref<32x128xi32, #tpu.memory_space<vmem>>, vector<1x16xi32>,
    %get3A_1714 = arith.constant 192 : index
    %get3A_1715 = tpu.vector_load %arg4[%get3A_1714] {strides = array<i32>} : memref<256xi32, #tpu.memory_space<vmem>>, vector<16xi32>,
    %get3A_1716 = vector.shape_cast %get3A_1715 : vector<16xi32> to vector<16xi32>
    %add3A_1717 = arith.constant 768 : i32
    %add3A_1718 = vector.broadcast %add3A_1717 : i32 to vector<16xi32>
    %add3A_1719 = arith.addi %get3A_1716, %add3A_1718 : vector<16xi32>
    %swap3A_1720 = arith.constant 13 : i32
    %swap3A_1721 = arith.index_cast %swap3A_1720 : i32 to index
    %swap3A_1722 = arith.constant 64 : index
    %swap3A_1723 = tpu.vector_load %arg5[%swap3A_1721, %swap3A_1722] {strides = array<i32>} : memref<32x128xi32, #tpu.memory_space<vmem>>, vector<1x16xi32>,
    %swap3A_1724 = vector.shape_cast %swap3A_1723 : vector<1x16xi32> to vector<16xi32>
    %swap3A_1725 = vector.shape_cast %add3A_1719 : vector<16xi32> to vector<1x16xi32>
    tpu.vector_store %arg5[%swap3A_1721, %swap3A_1722], %swap3A_1725 {strides = array<i32>} : memref<32x128xi32, #tpu.memory_space<vmem>>, vector<1x16xi32>,
    %get3A_1726 = arith.constant 208 : index
    %get3A_1727 = tpu.vector_load %arg4[%get3A_1726] {strides = array<i32>} : memref<256xi32, #tpu.memory_space<vmem>>, vector<16xi32>,
    %get3A_1728 = vector.shape_cast %get3A_1727 : vector<16xi32> to vector<16xi32>
    %add3A_1729 = arith.constant 768 : i32
    %add3A_1730 = vector.broadcast %add3A_1729 : i32 to vector<16xi32>
    %add3A_1731 = arith.addi %get3A_1728, %add3A_1730 : vector<16xi32>
    %swap3A_1732 = arith.constant 13 : i32
    %swap3A_1733 = arith.index_cast %swap3A_1732 : i32 to index
    %swap3A_1734 = arith.constant 80 : index
    %swap3A_1735 = tpu.vector_load %arg5[%swap3A_1733, %swap3A_1734] {strides = array<i32>} : memref<32x128xi32, #tpu.memory_space<vmem>>, vector<1x16xi32>,
    %swap3A_1736 = vector.shape_cast %swap3A_1735 : vector<1x16xi32> to vector<16xi32>
    %swap3A_1737 = vector.shape_cast %add3A_1731 : vector<16xi32> to vector<1x16xi32>
    tpu.vector_store %arg5[%swap3A_1733, %swap3A_1734], %swap3A_1737 {strides = array<i32>} : memref<32x128xi32, #tpu.memory_space<vmem>>, vector<1x16xi32>,
    %get3A_1738 = arith.constant 224 : index
    %get3A_1739 = tpu.vector_load %arg4[%get3A_1738] {strides = array<i32>} : memref<256xi32, #tpu.memory_space<vmem>>, vector<16xi32>,
    %get3A_1740 = vector.shape_cast %get3A_1739 : vector<16xi32> to vector<16xi32>
    %add3A_1741 = arith.constant 768 : i32
    %add3A_1742 = vector.broadcast %add3A_1741 : i32 to vector<16xi32>
    %add3A_1743 = arith.addi %get3A_1740, %add3A_1742 : vector<16xi32>
    %swap3A_1744 = arith.constant 13 : i32
    %swap3A_1745 = arith.index_cast %swap3A_1744 : i32 to index
    %swap3A_1746 = arith.constant 96 : index
    %swap3A_1747 = tpu.vector_load %arg5[%swap3A_1745, %swap3A_1746] {strides = array<i32>} : memref<32x128xi32, #tpu.memory_space<vmem>>, vector<1x16xi32>,
    %swap3A_1748 = vector.shape_cast %swap3A_1747 : vector<1x16xi32> to vector<16xi32>
    %swap3A_1749 = vector.shape_cast %add3A_1743 : vector<16xi32> to vector<1x16xi32>
    tpu.vector_store %arg5[%swap3A_1745, %swap3A_1746], %swap3A_1749 {strides = array<i32>} : memref<32x128xi32, #tpu.memory_space<vmem>>, vector<1x16xi32>,
    %get3A_1750 = arith.constant 240 : index
    %get3A_1751 = tpu.vector_load %arg4[%get3A_1750] {strides = array<i32>} : memref<256xi32, #tpu.memory_space<vmem>>, vector<16xi32>,
    %get3A_1752 = vector.shape_cast %get3A_1751 : vector<16xi32> to vector<16xi32>
    %add3A_1753 = arith.constant 768 : i32
    %add3A_1754 = vector.broadcast %add3A_1753 : i32 to vector<16xi32>
    %add3A_1755 = arith.addi %get3A_1752, %add3A_1754 : vector<16xi32>
    %swap3A_1756 = arith.constant 13 : i32
    %swap3A_1757 = arith.index_cast %swap3A_1756 : i32 to index
    %swap3A_1758 = arith.constant 112 : index
    %swap3A_1759 = tpu.vector_load %arg5[%swap3A_1757, %swap3A_1758] {strides = array<i32>} : memref<32x128xi32, #tpu.memory_space<vmem>>, vector<1x16xi32>,
    %swap3A_1760 = vector.shape_cast %swap3A_1759 : vector<1x16xi32> to vector<16xi32>
    %swap3A_1761 = vector.shape_cast %add3A_1755 : vector<16xi32> to vector<1x16xi32>
    tpu.vector_store %arg5[%swap3A_1757, %swap3A_1758], %swap3A_1761 {strides = array<i32>} : memref<32x128xi32, #tpu.memory_space<vmem>>, vector<1x16xi32>,
    %get3A_1762 = arith.constant 0 : index
    %get3A_1763 = tpu.vector_load %arg4[%get3A_1762] {strides = array<i32>} : memref<256xi32, #tpu.memory_space<vmem>>, vector<16xi32>,
    %get3A_1764 = vector.shape_cast %get3A_1763 : vector<16xi32> to vector<16xi32>
    %add3A_1765 = arith.constant 896 : i32
    %add3A_1766 = vector.broadcast %add3A_1765 : i32 to vector<16xi32>
    %add3A_1767 = arith.addi %get3A_1764, %add3A_1766 : vector<16xi32>
    %swap3A_1768 = arith.constant 14 : i32
    %swap3A_1769 = arith.index_cast %swap3A_1768 : i32 to index
    %swap3A_1770 = arith.constant 0 : index
    %swap3A_1771 = tpu.vector_load %arg5[%swap3A_1769, %swap3A_1770] {strides = array<i32>} : memref<32x128xi32, #tpu.memory_space<vmem>>, vector<1x16xi32>,
    %swap3A_1772 = vector.shape_cast %swap3A_1771 : vector<1x16xi32> to vector<16xi32>
    %swap3A_1773 = vector.shape_cast %add3A_1767 : vector<16xi32> to vector<1x16xi32>
    tpu.vector_store %arg5[%swap3A_1769, %swap3A_1770], %swap3A_1773 {strides = array<i32>} : memref<32x128xi32, #tpu.memory_space<vmem>>, vector<1x16xi32>,
    %get3A_1774 = arith.constant 16 : index
    %get3A_1775 = tpu.vector_load %arg4[%get3A_1774] {strides = array<i32>} : memref<256xi32, #tpu.memory_space<vmem>>, vector<16xi32>,
    %get3A_1776 = vector.shape_cast %get3A_1775 : vector<16xi32> to vector<16xi32>
    %add3A_1777 = arith.constant 896 : i32
    %add3A_1778 = vector.broadcast %add3A_1777 : i32 to vector<16xi32>
    %add3A_1779 = arith.addi %get3A_1776, %add3A_1778 : vector<16xi32>
    %swap3A_1780 = arith.constant 14 : i32
    %swap3A_1781 = arith.index_cast %swap3A_1780 : i32 to index
    %swap3A_1782 = arith.constant 16 : index
    %swap3A_1783 = tpu.vector_load %arg5[%swap3A_1781, %swap3A_1782] {strides = array<i32>} : memref<32x128xi32, #tpu.memory_space<vmem>>, vector<1x16xi32>,
    %swap3A_1784 = vector.shape_cast %swap3A_1783 : vector<1x16xi32> to vector<16xi32>
    %swap3A_1785 = vector.shape_cast %add3A_1779 : vector<16xi32> to vector<1x16xi32>
    tpu.vector_store %arg5[%swap3A_1781, %swap3A_1782], %swap3A_1785 {strides = array<i32>} : memref<32x128xi32, #tpu.memory_space<vmem>>, vector<1x16xi32>,
    %get3A_1786 = arith.constant 32 : index
    %get3A_1787 = tpu.vector_load %arg4[%get3A_1786] {strides = array<i32>} : memref<256xi32, #tpu.memory_space<vmem>>, vector<16xi32>,
    %get3A_1788 = vector.shape_cast %get3A_1787 : vector<16xi32> to vector<16xi32>
    %add3A_1789 = arith.constant 896 : i32
    %add3A_1790 = vector.broadcast %add3A_1789 : i32 to vector<16xi32>
    %add3A_1791 = arith.addi %get3A_1788, %add3A_1790 : vector<16xi32>
    %swap3A_1792 = arith.constant 14 : i32
    %swap3A_1793 = arith.index_cast %swap3A_1792 : i32 to index
    %swap3A_1794 = arith.constant 32 : index
    %swap3A_1795 = tpu.vector_load %arg5[%swap3A_1793, %swap3A_1794] {strides = array<i32>} : memref<32x128xi32, #tpu.memory_space<vmem>>, vector<1x16xi32>,
    %swap3A_1796 = vector.shape_cast %swap3A_1795 : vector<1x16xi32> to vector<16xi32>
    %swap3A_1797 = vector.shape_cast %add3A_1791 : vector<16xi32> to vector<1x16xi32>
    tpu.vector_store %arg5[%swap3A_1793, %swap3A_1794], %swap3A_1797 {strides = array<i32>} : memref<32x128xi32, #tpu.memory_space<vmem>>, vector<1x16xi32>,
    %get3A_1798 = arith.constant 48 : index
    %get3A_1799 = tpu.vector_load %arg4[%get3A_1798] {strides = array<i32>} : memref<256xi32, #tpu.memory_space<vmem>>, vector<16xi32>,
    %get3A_1800 = vector.shape_cast %get3A_1799 : vector<16xi32> to vector<16xi32>
    %add3A_1801 = arith.constant 896 : i32
    %add3A_1802 = vector.broadcast %add3A_1801 : i32 to vector<16xi32>
    %add3A_1803 = arith.addi %get3A_1800, %add3A_1802 : vector<16xi32>
    %swap3A_1804 = arith.constant 14 : i32
    %swap3A_1805 = arith.index_cast %swap3A_1804 : i32 to index
    %swap3A_1806 = arith.constant 48 : index
    %swap3A_1807 = tpu.vector_load %arg5[%swap3A_1805, %swap3A_1806] {strides = array<i32>} : memref<32x128xi32, #tpu.memory_space<vmem>>, vector<1x16xi32>,
    %swap3A_1808 = vector.shape_cast %swap3A_1807 : vector<1x16xi32> to vector<16xi32>
    %swap3A_1809 = vector.shape_cast %add3A_1803 : vector<16xi32> to vector<1x16xi32>
    tpu.vector_store %arg5[%swap3A_1805, %swap3A_1806], %swap3A_1809 {strides = array<i32>} : memref<32x128xi32, #tpu.memory_space<vmem>>, vector<1x16xi32>,
    %get3A_1810 = arith.constant 64 : index
    %get3A_1811 = tpu.vector_load %arg4[%get3A_1810] {strides = array<i32>} : memref<256xi32, #tpu.memory_space<vmem>>, vector<16xi32>,
    %get3A_1812 = vector.shape_cast %get3A_1811 : vector<16xi32> to vector<16xi32>
    %add3A_1813 = arith.constant 896 : i32
    %add3A_1814 = vector.broadcast %add3A_1813 : i32 to vector<16xi32>
    %add3A_1815 = arith.addi %get3A_1812, %add3A_1814 : vector<16xi32>
    %swap3A_1816 = arith.constant 14 : i32
    %swap3A_1817 = arith.index_cast %swap3A_1816 : i32 to index
    %swap3A_1818 = arith.constant 64 : index
    %swap3A_1819 = tpu.vector_load %arg5[%swap3A_1817, %swap3A_1818] {strides = array<i32>} : memref<32x128xi32, #tpu.memory_space<vmem>>, vector<1x16xi32>,
    %swap3A_1820 = vector.shape_cast %swap3A_1819 : vector<1x16xi32> to vector<16xi32>
    %swap3A_1821 = vector.shape_cast %add3A_1815 : vector<16xi32> to vector<1x16xi32>
    tpu.vector_store %arg5[%swap3A_1817, %swap3A_1818], %swap3A_1821 {strides = array<i32>} : memref<32x128xi32, #tpu.memory_space<vmem>>, vector<1x16xi32>,
    %get3A_1822 = arith.constant 80 : index
    %get3A_1823 = tpu.vector_load %arg4[%get3A_1822] {strides = array<i32>} : memref<256xi32, #tpu.memory_space<vmem>>, vector<16xi32>,
    %get3A_1824 = vector.shape_cast %get3A_1823 : vector<16xi32> to vector<16xi32>
    %add3A_1825 = arith.constant 896 : i32
    %add3A_1826 = vector.broadcast %add3A_1825 : i32 to vector<16xi32>
    %add3A_1827 = arith.addi %get3A_1824, %add3A_1826 : vector<16xi32>
    %swap3A_1828 = arith.constant 14 : i32
    %swap3A_1829 = arith.index_cast %swap3A_1828 : i32 to index
    %swap3A_1830 = arith.constant 80 : index
    %swap3A_1831 = tpu.vector_load %arg5[%swap3A_1829, %swap3A_1830] {strides = array<i32>} : memref<32x128xi32, #tpu.memory_space<vmem>>, vector<1x16xi32>,
    %swap3A_1832 = vector.shape_cast %swap3A_1831 : vector<1x16xi32> to vector<16xi32>
    %swap3A_1833 = vector.shape_cast %add3A_1827 : vector<16xi32> to vector<1x16xi32>
    tpu.vector_store %arg5[%swap3A_1829, %swap3A_1830], %swap3A_1833 {strides = array<i32>} : memref<32x128xi32, #tpu.memory_space<vmem>>, vector<1x16xi32>,
    %get3A_1834 = arith.constant 96 : index
    %get3A_1835 = tpu.vector_load %arg4[%get3A_1834] {strides = array<i32>} : memref<256xi32, #tpu.memory_space<vmem>>, vector<16xi32>,
    %get3A_1836 = vector.shape_cast %get3A_1835 : vector<16xi32> to vector<16xi32>
    %add3A_1837 = arith.constant 896 : i32
    %add3A_1838 = vector.broadcast %add3A_1837 : i32 to vector<16xi32>
    %add3A_1839 = arith.addi %get3A_1836, %add3A_1838 : vector<16xi32>
    %swap3A_1840 = arith.constant 14 : i32
    %swap3A_1841 = arith.index_cast %swap3A_1840 : i32 to index
    %swap3A_1842 = arith.constant 96 : index
    %swap3A_1843 = tpu.vector_load %arg5[%swap3A_1841, %swap3A_1842] {strides = array<i32>} : memref<32x128xi32, #tpu.memory_space<vmem>>, vector<1x16xi32>,
    %swap3A_1844 = vector.shape_cast %swap3A_1843 : vector<1x16xi32> to vector<16xi32>
    %swap3A_1845 = vector.shape_cast %add3A_1839 : vector<16xi32> to vector<1x16xi32>
    tpu.vector_store %arg5[%swap3A_1841, %swap3A_1842], %swap3A_1845 {strides = array<i32>} : memref<32x128xi32, #tpu.memory_space<vmem>>, vector<1x16xi32>,
    %get3A_1846 = arith.constant 112 : index
    %get3A_1847 = tpu.vector_load %arg4[%get3A_1846] {strides = array<i32>} : memref<256xi32, #tpu.memory_space<vmem>>, vector<16xi32>,
    %get3A_1848 = vector.shape_cast %get3A_1847 : vector<16xi32> to vector<16xi32>
    %add3A_1849 = arith.constant 896 : i32
    %add3A_1850 = vector.broadcast %add3A_1849 : i32 to vector<16xi32>
    %add3A_1851 = arith.addi %get3A_1848, %add3A_1850 : vector<16xi32>
    %swap3A_1852 = arith.constant 14 : i32
    %swap3A_1853 = arith.index_cast %swap3A_1852 : i32 to index
    %swap3A_1854 = arith.constant 112 : index
    %swap3A_1855 = tpu.vector_load %arg5[%swap3A_1853, %swap3A_1854] {strides = array<i32>} : memref<32x128xi32, #tpu.memory_space<vmem>>, vector<1x16xi32>,
    %swap3A_1856 = vector.shape_cast %swap3A_1855 : vector<1x16xi32> to vector<16xi32>
    %swap3A_1857 = vector.shape_cast %add3A_1851 : vector<16xi32> to vector<1x16xi32>
    tpu.vector_store %arg5[%swap3A_1853, %swap3A_1854], %swap3A_1857 {strides = array<i32>} : memref<32x128xi32, #tpu.memory_space<vmem>>, vector<1x16xi32>,
    %get3A_1858 = arith.constant 128 : index
    %get3A_1859 = tpu.vector_load %arg4[%get3A_1858] {strides = array<i32>} : memref<256xi32, #tpu.memory_space<vmem>>, vector<16xi32>,
    %get3A_1860 = vector.shape_cast %get3A_1859 : vector<16xi32> to vector<16xi32>
    %add3A_1861 = arith.constant 896 : i32
    %add3A_1862 = vector.broadcast %add3A_1861 : i32 to vector<16xi32>
    %add3A_1863 = arith.addi %get3A_1860, %add3A_1862 : vector<16xi32>
    %swap3A_1864 = arith.constant 15 : i32
    %swap3A_1865 = arith.index_cast %swap3A_1864 : i32 to index
    %swap3A_1866 = arith.constant 0 : index
    %swap3A_1867 = tpu.vector_load %arg5[%swap3A_1865, %swap3A_1866] {strides = array<i32>} : memref<32x128xi32, #tpu.memory_space<vmem>>, vector<1x16xi32>,
    %swap3A_1868 = vector.shape_cast %swap3A_1867 : vector<1x16xi32> to vector<16xi32>
    %swap3A_1869 = vector.shape_cast %add3A_1863 : vector<16xi32> to vector<1x16xi32>
    tpu.vector_store %arg5[%swap3A_1865, %swap3A_1866], %swap3A_1869 {strides = array<i32>} : memref<32x128xi32, #tpu.memory_space<vmem>>, vector<1x16xi32>,
    %get3A_1870 = arith.constant 144 : index
    %get3A_1871 = tpu.vector_load %arg4[%get3A_1870] {strides = array<i32>} : memref<256xi32, #tpu.memory_space<vmem>>, vector<16xi32>,
    %get3A_1872 = vector.shape_cast %get3A_1871 : vector<16xi32> to vector<16xi32>
    %add3A_1873 = arith.constant 896 : i32
    %add3A_1874 = vector.broadcast %add3A_1873 : i32 to vector<16xi32>
    %add3A_1875 = arith.addi %get3A_1872, %add3A_1874 : vector<16xi32>
    %swap3A_1876 = arith.constant 15 : i32
    %swap3A_1877 = arith.index_cast %swap3A_1876 : i32 to index
    %swap3A_1878 = arith.constant 16 : index
    %swap3A_1879 = tpu.vector_load %arg5[%swap3A_1877, %swap3A_1878] {strides = array<i32>} : memref<32x128xi32, #tpu.memory_space<vmem>>, vector<1x16xi32>,
    %swap3A_1880 = vector.shape_cast %swap3A_1879 : vector<1x16xi32> to vector<16xi32>
    %swap3A_1881 = vector.shape_cast %add3A_1875 : vector<16xi32> to vector<1x16xi32>
    tpu.vector_store %arg5[%swap3A_1877, %swap3A_1878], %swap3A_1881 {strides = array<i32>} : memref<32x128xi32, #tpu.memory_space<vmem>>, vector<1x16xi32>,
    %get3A_1882 = arith.constant 160 : index
    %get3A_1883 = tpu.vector_load %arg4[%get3A_1882] {strides = array<i32>} : memref<256xi32, #tpu.memory_space<vmem>>, vector<16xi32>,
    %get3A_1884 = vector.shape_cast %get3A_1883 : vector<16xi32> to vector<16xi32>
    %add3A_1885 = arith.constant 896 : i32
    %add3A_1886 = vector.broadcast %add3A_1885 : i32 to vector<16xi32>
    %add3A_1887 = arith.addi %get3A_1884, %add3A_1886 : vector<16xi32>
    %swap3A_1888 = arith.constant 15 : i32
    %swap3A_1889 = arith.index_cast %swap3A_1888 : i32 to index
    %swap3A_1890 = arith.constant 32 : index
    %swap3A_1891 = tpu.vector_load %arg5[%swap3A_1889, %swap3A_1890] {strides = array<i32>} : memref<32x128xi32, #tpu.memory_space<vmem>>, vector<1x16xi32>,
    %swap3A_1892 = vector.shape_cast %swap3A_1891 : vector<1x16xi32> to vector<16xi32>
    %swap3A_1893 = vector.shape_cast %add3A_1887 : vector<16xi32> to vector<1x16xi32>
    tpu.vector_store %arg5[%swap3A_1889, %swap3A_1890], %swap3A_1893 {strides = array<i32>} : memref<32x128xi32, #tpu.memory_space<vmem>>, vector<1x16xi32>,
    %get3A_1894 = arith.constant 176 : index
    %get3A_1895 = tpu.vector_load %arg4[%get3A_1894] {strides = array<i32>} : memref<256xi32, #tpu.memory_space<vmem>>, vector<16xi32>,
    %get3A_1896 = vector.shape_cast %get3A_1895 : vector<16xi32> to vector<16xi32>
    %add3A_1897 = arith.constant 896 : i32
    %add3A_1898 = vector.broadcast %add3A_1897 : i32 to vector<16xi32>
    %add3A_1899 = arith.addi %get3A_1896, %add3A_1898 : vector<16xi32>
    %swap3A_1900 = arith.constant 15 : i32
    %swap3A_1901 = arith.index_cast %swap3A_1900 : i32 to index
    %swap3A_1902 = arith.constant 48 : index
    %swap3A_1903 = tpu.vector_load %arg5[%swap3A_1901, %swap3A_1902] {strides = array<i32>} : memref<32x128xi32, #tpu.memory_space<vmem>>, vector<1x16xi32>,
    %swap3A_1904 = vector.shape_cast %swap3A_1903 : vector<1x16xi32> to vector<16xi32>
    %swap3A_1905 = vector.shape_cast %add3A_1899 : vector<16xi32> to vector<1x16xi32>
    tpu.vector_store %arg5[%swap3A_1901, %swap3A_1902], %swap3A_1905 {strides = array<i32>} : memref<32x128xi32, #tpu.memory_space<vmem>>, vector<1x16xi32>,
    %get3A_1906 = arith.constant 192 : index
    %get3A_1907 = tpu.vector_load %arg4[%get3A_1906] {strides = array<i32>} : memref<256xi32, #tpu.memory_space<vmem>>, vector<16xi32>,
    %get3A_1908 = vector.shape_cast %get3A_1907 : vector<16xi32> to vector<16xi32>
    %add3A_1909 = arith.constant 896 : i32
    %add3A_1910 = vector.broadcast %add3A_1909 : i32 to vector<16xi32>
    %add3A_1911 = arith.addi %get3A_1908, %add3A_1910 : vector<16xi32>
    %swap3A_1912 = arith.constant 15 : i32
    %swap3A_1913 = arith.index_cast %swap3A_1912 : i32 to index
    %swap3A_1914 = arith.constant 64 : index
    %swap3A_1915 = tpu.vector_load %arg5[%swap3A_1913, %swap3A_1914] {strides = array<i32>} : memref<32x128xi32, #tpu.memory_space<vmem>>, vector<1x16xi32>,
    %swap3A_1916 = vector.shape_cast %swap3A_1915 : vector<1x16xi32> to vector<16xi32>
    %swap3A_1917 = vector.shape_cast %add3A_1911 : vector<16xi32> to vector<1x16xi32>
    tpu.vector_store %arg5[%swap3A_1913, %swap3A_1914], %swap3A_1917 {strides = array<i32>} : memref<32x128xi32, #tpu.memory_space<vmem>>, vector<1x16xi32>,
    %get3A_1918 = arith.constant 208 : index
    %get3A_1919 = tpu.vector_load %arg4[%get3A_1918] {strides = array<i32>} : memref<256xi32, #tpu.memory_space<vmem>>, vector<16xi32>,
    %get3A_1920 = vector.shape_cast %get3A_1919 : vector<16xi32> to vector<16xi32>
    %add3A_1921 = arith.constant 896 : i32
    %add3A_1922 = vector.broadcast %add3A_1921 : i32 to vector<16xi32>
    %add3A_1923 = arith.addi %get3A_1920, %add3A_1922 : vector<16xi32>
    %swap3A_1924 = arith.constant 15 : i32
    %swap3A_1925 = arith.index_cast %swap3A_1924 : i32 to index
    %swap3A_1926 = arith.constant 80 : index
    %swap3A_1927 = tpu.vector_load %arg5[%swap3A_1925, %swap3A_1926] {strides = array<i32>} : memref<32x128xi32, #tpu.memory_space<vmem>>, vector<1x16xi32>,
    %swap3A_1928 = vector.shape_cast %swap3A_1927 : vector<1x16xi32> to vector<16xi32>
    %swap3A_1929 = vector.shape_cast %add3A_1923 : vector<16xi32> to vector<1x16xi32>
    tpu.vector_store %arg5[%swap3A_1925, %swap3A_1926], %swap3A_1929 {strides = array<i32>} : memref<32x128xi32, #tpu.memory_space<vmem>>, vector<1x16xi32>,
    %get3A_1930 = arith.constant 224 : index
    %get3A_1931 = tpu.vector_load %arg4[%get3A_1930] {strides = array<i32>} : memref<256xi32, #tpu.memory_space<vmem>>, vector<16xi32>,
    %get3A_1932 = vector.shape_cast %get3A_1931 : vector<16xi32> to vector<16xi32>
    %add3A_1933 = arith.constant 896 : i32
    %add3A_1934 = vector.broadcast %add3A_1933 : i32 to vector<16xi32>
    %add3A_1935 = arith.addi %get3A_1932, %add3A_1934 : vector<16xi32>
    %swap3A_1936 = arith.constant 15 : i32
    %swap3A_1937 = arith.index_cast %swap3A_1936 : i32 to index
    %swap3A_1938 = arith.constant 96 : index
    %swap3A_1939 = tpu.vector_load %arg5[%swap3A_1937, %swap3A_1938] {strides = array<i32>} : memref<32x128xi32, #tpu.memory_space<vmem>>, vector<1x16xi32>,
    %swap3A_1940 = vector.shape_cast %swap3A_1939 : vector<1x16xi32> to vector<16xi32>
    %swap3A_1941 = vector.shape_cast %add3A_1935 : vector<16xi32> to vector<1x16xi32>
    tpu.vector_store %arg5[%swap3A_1937, %swap3A_1938], %swap3A_1941 {strides = array<i32>} : memref<32x128xi32, #tpu.memory_space<vmem>>, vector<1x16xi32>,
    %get3A_1942 = arith.constant 240 : index
    %get3A_1943 = tpu.vector_load %arg4[%get3A_1942] {strides = array<i32>} : memref<256xi32, #tpu.memory_space<vmem>>, vector<16xi32>,
    %get3A_1944 = vector.shape_cast %get3A_1943 : vector<16xi32> to vector<16xi32>
    %add3A_1945 = arith.constant 896 : i32
    %add3A_1946 = vector.broadcast %add3A_1945 : i32 to vector<16xi32>
    %add3A_1947 = arith.addi %get3A_1944, %add3A_1946 : vector<16xi32>
    %swap3A_1948 = arith.constant 15 : i32
    %swap3A_1949 = arith.index_cast %swap3A_1948 : i32 to index
    %swap3A_1950 = arith.constant 112 : index
    %swap3A_1951 = tpu.vector_load %arg5[%swap3A_1949, %swap3A_1950] {strides = array<i32>} : memref<32x128xi32, #tpu.memory_space<vmem>>, vector<1x16xi32>,
    %swap3A_1952 = vector.shape_cast %swap3A_1951 : vector<1x16xi32> to vector<16xi32>
    %swap3A_1953 = vector.shape_cast %add3A_1947 : vector<16xi32> to vector<1x16xi32>
    tpu.vector_store %arg5[%swap3A_1949, %swap3A_1950], %swap3A_1953 {strides = array<i32>} : memref<32x128xi32, #tpu.memory_space<vmem>>, vector<1x16xi32>,
    %get3A_1954 = arith.constant 0 : index
    %get3A_1955 = tpu.vector_load %arg4[%get3A_1954] {strides = array<i32>} : memref<256xi32, #tpu.memory_space<vmem>>, vector<16xi32>,
    %get3A_1956 = vector.shape_cast %get3A_1955 : vector<16xi32> to vector<16xi32>
    %add3A_1957 = arith.constant 4096 : i32
    %add3A_1958 = vector.broadcast %add3A_1957 : i32 to vector<16xi32>
    %add3A_1959 = arith.addi %get3A_1956, %add3A_1958 : vector<16xi32>
    %swap3A_1960 = arith.constant 16 : i32
    %swap3A_1961 = arith.index_cast %swap3A_1960 : i32 to index
    %swap3A_1962 = arith.constant 0 : index
    %swap3A_1963 = tpu.vector_load %arg5[%swap3A_1961, %swap3A_1962] {strides = array<i32>} : memref<32x128xi32, #tpu.memory_space<vmem>>, vector<1x16xi32>,
    %swap3A_1964 = vector.shape_cast %swap3A_1963 : vector<1x16xi32> to vector<16xi32>
    %swap3A_1965 = vector.shape_cast %add3A_1959 : vector<16xi32> to vector<1x16xi32>
    tpu.vector_store %arg5[%swap3A_1961, %swap3A_1962], %swap3A_1965 {strides = array<i32>} : memref<32x128xi32, #tpu.memory_space<vmem>>, vector<1x16xi32>,
    %get3A_1966 = arith.constant 16 : index
    %get3A_1967 = tpu.vector_load %arg4[%get3A_1966] {strides = array<i32>} : memref<256xi32, #tpu.memory_space<vmem>>, vector<16xi32>,
    %get3A_1968 = vector.shape_cast %get3A_1967 : vector<16xi32> to vector<16xi32>
    %add3A_1969 = arith.constant 4096 : i32
    %add3A_1970 = vector.broadcast %add3A_1969 : i32 to vector<16xi32>
    %add3A_1971 = arith.addi %get3A_1968, %add3A_1970 : vector<16xi32>
    %swap3A_1972 = arith.constant 16 : i32
    %swap3A_1973 = arith.index_cast %swap3A_1972 : i32 to index
    %swap3A_1974 = arith.constant 16 : index
    %swap3A_1975 = tpu.vector_load %arg5[%swap3A_1973, %swap3A_1974] {strides = array<i32>} : memref<32x128xi32, #tpu.memory_space<vmem>>, vector<1x16xi32>,
    %swap3A_1976 = vector.shape_cast %swap3A_1975 : vector<1x16xi32> to vector<16xi32>
    %swap3A_1977 = vector.shape_cast %add3A_1971 : vector<16xi32> to vector<1x16xi32>
    tpu.vector_store %arg5[%swap3A_1973, %swap3A_1974], %swap3A_1977 {strides = array<i32>} : memref<32x128xi32, #tpu.memory_space<vmem>>, vector<1x16xi32>,
    %get3A_1978 = arith.constant 32 : index
    %get3A_1979 = tpu.vector_load %arg4[%get3A_1978] {strides = array<i32>} : memref<256xi32, #tpu.memory_space<vmem>>, vector<16xi32>,
    %get3A_1980 = vector.shape_cast %get3A_1979 : vector<16xi32> to vector<16xi32>
    %add3A_1981 = arith.constant 4096 : i32
    %add3A_1982 = vector.broadcast %add3A_1981 : i32 to vector<16xi32>
    %add3A_1983 = arith.addi %get3A_1980, %add3A_1982 : vector<16xi32>
    %swap3A_1984 = arith.constant 16 : i32
    %swap3A_1985 = arith.index_cast %swap3A_1984 : i32 to index
    %swap3A_1986 = arith.constant 32 : index
    %swap3A_1987 = tpu.vector_load %arg5[%swap3A_1985, %swap3A_1986] {strides = array<i32>} : memref<32x128xi32, #tpu.memory_space<vmem>>, vector<1x16xi32>,
    %swap3A_1988 = vector.shape_cast %swap3A_1987 : vector<1x16xi32> to vector<16xi32>
    %swap3A_1989 = vector.shape_cast %add3A_1983 : vector<16xi32> to vector<1x16xi32>
    tpu.vector_store %arg5[%swap3A_1985, %swap3A_1986], %swap3A_1989 {strides = array<i32>} : memref<32x128xi32, #tpu.memory_space<vmem>>, vector<1x16xi32>,
    %get3A_1990 = arith.constant 48 : index
    %get3A_1991 = tpu.vector_load %arg4[%get3A_1990] {strides = array<i32>} : memref<256xi32, #tpu.memory_space<vmem>>, vector<16xi32>,
    %get3A_1992 = vector.shape_cast %get3A_1991 : vector<16xi32> to vector<16xi32>
    %add3A_1993 = arith.constant 4096 : i32
    %add3A_1994 = vector.broadcast %add3A_1993 : i32 to vector<16xi32>
    %add3A_1995 = arith.addi %get3A_1992, %add3A_1994 : vector<16xi32>
    %swap3A_1996 = arith.constant 16 : i32
    %swap3A_1997 = arith.index_cast %swap3A_1996 : i32 to index
    %swap3A_1998 = arith.constant 48 : index
    %swap3A_1999 = tpu.vector_load %arg5[%swap3A_1997, %swap3A_1998] {strides = array<i32>} : memref<32x128xi32, #tpu.memory_space<vmem>>, vector<1x16xi32>,
    %swap3A_2000 = vector.shape_cast %swap3A_1999 : vector<1x16xi32> to vector<16xi32>
    %swap3A_2001 = vector.shape_cast %add3A_1995 : vector<16xi32> to vector<1x16xi32>
    tpu.vector_store %arg5[%swap3A_1997, %swap3A_1998], %swap3A_2001 {strides = array<i32>} : memref<32x128xi32, #tpu.memory_space<vmem>>, vector<1x16xi32>,
    %get3A_2002 = arith.constant 64 : index
    %get3A_2003 = tpu.vector_load %arg4[%get3A_2002] {strides = array<i32>} : memref<256xi32, #tpu.memory_space<vmem>>, vector<16xi32>,
    %get3A_2004 = vector.shape_cast %get3A_2003 : vector<16xi32> to vector<16xi32>
    %add3A_2005 = arith.constant 4096 : i32
    %add3A_2006 = vector.broadcast %add3A_2005 : i32 to vector<16xi32>
    %add3A_2007 = arith.addi %get3A_2004, %add3A_2006 : vector<16xi32>
    %swap3A_2008 = arith.constant 16 : i32
    %swap3A_2009 = arith.index_cast %swap3A_2008 : i32 to index
    %swap3A_2010 = arith.constant 64 : index
    %swap3A_2011 = tpu.vector_load %arg5[%swap3A_2009, %swap3A_2010] {strides = array<i32>} : memref<32x128xi32, #tpu.memory_space<vmem>>, vector<1x16xi32>,
    %swap3A_2012 = vector.shape_cast %swap3A_2011 : vector<1x16xi32> to vector<16xi32>
    %swap3A_2013 = vector.shape_cast %add3A_2007 : vector<16xi32> to vector<1x16xi32>
    tpu.vector_store %arg5[%swap3A_2009, %swap3A_2010], %swap3A_2013 {strides = array<i32>} : memref<32x128xi32, #tpu.memory_space<vmem>>, vector<1x16xi32>,
    %get3A_2014 = arith.constant 80 : index
    %get3A_2015 = tpu.vector_load %arg4[%get3A_2014] {strides = array<i32>} : memref<256xi32, #tpu.memory_space<vmem>>, vector<16xi32>,
    %get3A_2016 = vector.shape_cast %get3A_2015 : vector<16xi32> to vector<16xi32>
    %add3A_2017 = arith.constant 4096 : i32
    %add3A_2018 = vector.broadcast %add3A_2017 : i32 to vector<16xi32>
    %add3A_2019 = arith.addi %get3A_2016, %add3A_2018 : vector<16xi32>
    %swap3A_2020 = arith.constant 16 : i32
    %swap3A_2021 = arith.index_cast %swap3A_2020 : i32 to index
    %swap3A_2022 = arith.constant 80 : index
    %swap3A_2023 = tpu.vector_load %arg5[%swap3A_2021, %swap3A_2022] {strides = array<i32>} : memref<32x128xi32, #tpu.memory_space<vmem>>, vector<1x16xi32>,
    %swap3A_2024 = vector.shape_cast %swap3A_2023 : vector<1x16xi32> to vector<16xi32>
    %swap3A_2025 = vector.shape_cast %add3A_2019 : vector<16xi32> to vector<1x16xi32>
    tpu.vector_store %arg5[%swap3A_2021, %swap3A_2022], %swap3A_2025 {strides = array<i32>} : memref<32x128xi32, #tpu.memory_space<vmem>>, vector<1x16xi32>,
    %get3A_2026 = arith.constant 96 : index
    %get3A_2027 = tpu.vector_load %arg4[%get3A_2026] {strides = array<i32>} : memref<256xi32, #tpu.memory_space<vmem>>, vector<16xi32>,
    %get3A_2028 = vector.shape_cast %get3A_2027 : vector<16xi32> to vector<16xi32>
    %add3A_2029 = arith.constant 4096 : i32
    %add3A_2030 = vector.broadcast %add3A_2029 : i32 to vector<16xi32>
    %add3A_2031 = arith.addi %get3A_2028, %add3A_2030 : vector<16xi32>
    %swap3A_2032 = arith.constant 16 : i32
    %swap3A_2033 = arith.index_cast %swap3A_2032 : i32 to index
    %swap3A_2034 = arith.constant 96 : index
    %swap3A_2035 = tpu.vector_load %arg5[%swap3A_2033, %swap3A_2034] {strides = array<i32>} : memref<32x128xi32, #tpu.memory_space<vmem>>, vector<1x16xi32>,
    %swap3A_2036 = vector.shape_cast %swap3A_2035 : vector<1x16xi32> to vector<16xi32>
    %swap3A_2037 = vector.shape_cast %add3A_2031 : vector<16xi32> to vector<1x16xi32>
    tpu.vector_store %arg5[%swap3A_2033, %swap3A_2034], %swap3A_2037 {strides = array<i32>} : memref<32x128xi32, #tpu.memory_space<vmem>>, vector<1x16xi32>,
    %get3A_2038 = arith.constant 112 : index
    %get3A_2039 = tpu.vector_load %arg4[%get3A_2038] {strides = array<i32>} : memref<256xi32, #tpu.memory_space<vmem>>, vector<16xi32>,
    %get3A_2040 = vector.shape_cast %get3A_2039 : vector<16xi32> to vector<16xi32>
    %add3A_2041 = arith.constant 4096 : i32
    %add3A_2042 = vector.broadcast %add3A_2041 : i32 to vector<16xi32>
    %add3A_2043 = arith.addi %get3A_2040, %add3A_2042 : vector<16xi32>
    %swap3A_2044 = arith.constant 16 : i32
    %swap3A_2045 = arith.index_cast %swap3A_2044 : i32 to index
    %swap3A_2046 = arith.constant 112 : index
    %swap3A_2047 = tpu.vector_load %arg5[%swap3A_2045, %swap3A_2046] {strides = array<i32>} : memref<32x128xi32, #tpu.memory_space<vmem>>, vector<1x16xi32>,
    %swap3A_2048 = vector.shape_cast %swap3A_2047 : vector<1x16xi32> to vector<16xi32>
    %swap3A_2049 = vector.shape_cast %add3A_2043 : vector<16xi32> to vector<1x16xi32>
    tpu.vector_store %arg5[%swap3A_2045, %swap3A_2046], %swap3A_2049 {strides = array<i32>} : memref<32x128xi32, #tpu.memory_space<vmem>>, vector<1x16xi32>,
    %get3A_2050 = arith.constant 128 : index
    %get3A_2051 = tpu.vector_load %arg4[%get3A_2050] {strides = array<i32>} : memref<256xi32, #tpu.memory_space<vmem>>, vector<16xi32>,
    %get3A_2052 = vector.shape_cast %get3A_2051 : vector<16xi32> to vector<16xi32>
    %add3A_2053 = arith.constant 4096 : i32
    %add3A_2054 = vector.broadcast %add3A_2053 : i32 to vector<16xi32>
    %add3A_2055 = arith.addi %get3A_2052, %add3A_2054 : vector<16xi32>
    %swap3A_2056 = arith.constant 17 : i32
    %swap3A_2057 = arith.index_cast %swap3A_2056 : i32 to index
    %swap3A_2058 = arith.constant 0 : index
    %swap3A_2059 = tpu.vector_load %arg5[%swap3A_2057, %swap3A_2058] {strides = array<i32>} : memref<32x128xi32, #tpu.memory_space<vmem>>, vector<1x16xi32>,
    %swap3A_2060 = vector.shape_cast %swap3A_2059 : vector<1x16xi32> to vector<16xi32>
    %swap3A_2061 = vector.shape_cast %add3A_2055 : vector<16xi32> to vector<1x16xi32>
    tpu.vector_store %arg5[%swap3A_2057, %swap3A_2058], %swap3A_2061 {strides = array<i32>} : memref<32x128xi32, #tpu.memory_space<vmem>>, vector<1x16xi32>,
    %get3A_2062 = arith.constant 144 : index
    %get3A_2063 = tpu.vector_load %arg4[%get3A_2062] {strides = array<i32>} : memref<256xi32, #tpu.memory_space<vmem>>, vector<16xi32>,
    %get3A_2064 = vector.shape_cast %get3A_2063 : vector<16xi32> to vector<16xi32>
    %add3A_2065 = arith.constant 4096 : i32
    %add3A_2066 = vector.broadcast %add3A_2065 : i32 to vector<16xi32>
    %add3A_2067 = arith.addi %get3A_2064, %add3A_2066 : vector<16xi32>
    %swap3A_2068 = arith.constant 17 : i32
    %swap3A_2069 = arith.index_cast %swap3A_2068 : i32 to index
    %swap3A_2070 = arith.constant 16 : index
    %swap3A_2071 = tpu.vector_load %arg5[%swap3A_2069, %swap3A_2070] {strides = array<i32>} : memref<32x128xi32, #tpu.memory_space<vmem>>, vector<1x16xi32>,
    %swap3A_2072 = vector.shape_cast %swap3A_2071 : vector<1x16xi32> to vector<16xi32>
    %swap3A_2073 = vector.shape_cast %add3A_2067 : vector<16xi32> to vector<1x16xi32>
    tpu.vector_store %arg5[%swap3A_2069, %swap3A_2070], %swap3A_2073 {strides = array<i32>} : memref<32x128xi32, #tpu.memory_space<vmem>>, vector<1x16xi32>,
    %get3A_2074 = arith.constant 160 : index
    %get3A_2075 = tpu.vector_load %arg4[%get3A_2074] {strides = array<i32>} : memref<256xi32, #tpu.memory_space<vmem>>, vector<16xi32>,
    %get3A_2076 = vector.shape_cast %get3A_2075 : vector<16xi32> to vector<16xi32>
    %add3A_2077 = arith.constant 4096 : i32
    %add3A_2078 = vector.broadcast %add3A_2077 : i32 to vector<16xi32>
    %add3A_2079 = arith.addi %get3A_2076, %add3A_2078 : vector<16xi32>
    %swap3A_2080 = arith.constant 17 : i32
    %swap3A_2081 = arith.index_cast %swap3A_2080 : i32 to index
    %swap3A_2082 = arith.constant 32 : index
    %swap3A_2083 = tpu.vector_load %arg5[%swap3A_2081, %swap3A_2082] {strides = array<i32>} : memref<32x128xi32, #tpu.memory_space<vmem>>, vector<1x16xi32>,
    %swap3A_2084 = vector.shape_cast %swap3A_2083 : vector<1x16xi32> to vector<16xi32>
    %swap3A_2085 = vector.shape_cast %add3A_2079 : vector<16xi32> to vector<1x16xi32>
    tpu.vector_store %arg5[%swap3A_2081, %swap3A_2082], %swap3A_2085 {strides = array<i32>} : memref<32x128xi32, #tpu.memory_space<vmem>>, vector<1x16xi32>,
    %get3A_2086 = arith.constant 176 : index
    %get3A_2087 = tpu.vector_load %arg4[%get3A_2086] {strides = array<i32>} : memref<256xi32, #tpu.memory_space<vmem>>, vector<16xi32>,
    %get3A_2088 = vector.shape_cast %get3A_2087 : vector<16xi32> to vector<16xi32>
    %add3A_2089 = arith.constant 4096 : i32
    %add3A_2090 = vector.broadcast %add3A_2089 : i32 to vector<16xi32>
    %add3A_2091 = arith.addi %get3A_2088, %add3A_2090 : vector<16xi32>
    %swap3A_2092 = arith.constant 17 : i32
    %swap3A_2093 = arith.index_cast %swap3A_2092 : i32 to index
    %swap3A_2094 = arith.constant 48 : index
    %swap3A_2095 = tpu.vector_load %arg5[%swap3A_2093, %swap3A_2094] {strides = array<i32>} : memref<32x128xi32, #tpu.memory_space<vmem>>, vector<1x16xi32>,
    %swap3A_2096 = vector.shape_cast %swap3A_2095 : vector<1x16xi32> to vector<16xi32>
    %swap3A_2097 = vector.shape_cast %add3A_2091 : vector<16xi32> to vector<1x16xi32>
    tpu.vector_store %arg5[%swap3A_2093, %swap3A_2094], %swap3A_2097 {strides = array<i32>} : memref<32x128xi32, #tpu.memory_space<vmem>>, vector<1x16xi32>,
    %get3A_2098 = arith.constant 192 : index
    %get3A_2099 = tpu.vector_load %arg4[%get3A_2098] {strides = array<i32>} : memref<256xi32, #tpu.memory_space<vmem>>, vector<16xi32>,
    %get3A_2100 = vector.shape_cast %get3A_2099 : vector<16xi32> to vector<16xi32>
    %add3A_2101 = arith.constant 4096 : i32
    %add3A_2102 = vector.broadcast %add3A_2101 : i32 to vector<16xi32>
    %add3A_2103 = arith.addi %get3A_2100, %add3A_2102 : vector<16xi32>
    %swap3A_2104 = arith.constant 17 : i32
    %swap3A_2105 = arith.index_cast %swap3A_2104 : i32 to index
    %swap3A_2106 = arith.constant 64 : index
    %swap3A_2107 = tpu.vector_load %arg5[%swap3A_2105, %swap3A_2106] {strides = array<i32>} : memref<32x128xi32, #tpu.memory_space<vmem>>, vector<1x16xi32>,
    %swap3A_2108 = vector.shape_cast %swap3A_2107 : vector<1x16xi32> to vector<16xi32>
    %swap3A_2109 = vector.shape_cast %add3A_2103 : vector<16xi32> to vector<1x16xi32>
    tpu.vector_store %arg5[%swap3A_2105, %swap3A_2106], %swap3A_2109 {strides = array<i32>} : memref<32x128xi32, #tpu.memory_space<vmem>>, vector<1x16xi32>,
    %get3A_2110 = arith.constant 208 : index
    %get3A_2111 = tpu.vector_load %arg4[%get3A_2110] {strides = array<i32>} : memref<256xi32, #tpu.memory_space<vmem>>, vector<16xi32>,
    %get3A_2112 = vector.shape_cast %get3A_2111 : vector<16xi32> to vector<16xi32>
    %add3A_2113 = arith.constant 4096 : i32
    %add3A_2114 = vector.broadcast %add3A_2113 : i32 to vector<16xi32>
    %add3A_2115 = arith.addi %get3A_2112, %add3A_2114 : vector<16xi32>
    %swap3A_2116 = arith.constant 17 : i32
    %swap3A_2117 = arith.index_cast %swap3A_2116 : i32 to index
    %swap3A_2118 = arith.constant 80 : index
    %swap3A_2119 = tpu.vector_load %arg5[%swap3A_2117, %swap3A_2118] {strides = array<i32>} : memref<32x128xi32, #tpu.memory_space<vmem>>, vector<1x16xi32>,
    %swap3A_2120 = vector.shape_cast %swap3A_2119 : vector<1x16xi32> to vector<16xi32>
    %swap3A_2121 = vector.shape_cast %add3A_2115 : vector<16xi32> to vector<1x16xi32>
    tpu.vector_store %arg5[%swap3A_2117, %swap3A_2118], %swap3A_2121 {strides = array<i32>} : memref<32x128xi32, #tpu.memory_space<vmem>>, vector<1x16xi32>,
    %get3A_2122 = arith.constant 224 : index
    %get3A_2123 = tpu.vector_load %arg4[%get3A_2122] {strides = array<i32>} : memref<256xi32, #tpu.memory_space<vmem>>, vector<16xi32>,
    %get3A_2124 = vector.shape_cast %get3A_2123 : vector<16xi32> to vector<16xi32>
    %add3A_2125 = arith.constant 4096 : i32
    %add3A_2126 = vector.broadcast %add3A_2125 : i32 to vector<16xi32>
    %add3A_2127 = arith.addi %get3A_2124, %add3A_2126 : vector<16xi32>
    %swap3A_2128 = arith.constant 17 : i32
    %swap3A_2129 = arith.index_cast %swap3A_2128 : i32 to index
    %swap3A_2130 = arith.constant 96 : index
    %swap3A_2131 = tpu.vector_load %arg5[%swap3A_2129, %swap3A_2130] {strides = array<i32>} : memref<32x128xi32, #tpu.memory_space<vmem>>, vector<1x16xi32>,
    %swap3A_2132 = vector.shape_cast %swap3A_2131 : vector<1x16xi32> to vector<16xi32>
    %swap3A_2133 = vector.shape_cast %add3A_2127 : vector<16xi32> to vector<1x16xi32>
    tpu.vector_store %arg5[%swap3A_2129, %swap3A_2130], %swap3A_2133 {strides = array<i32>} : memref<32x128xi32, #tpu.memory_space<vmem>>, vector<1x16xi32>,
    %get3A_2134 = arith.constant 240 : index
    %get3A_2135 = tpu.vector_load %arg4[%get3A_2134] {strides = array<i32>} : memref<256xi32, #tpu.memory_space<vmem>>, vector<16xi32>,
    %get3A_2136 = vector.shape_cast %get3A_2135 : vector<16xi32> to vector<16xi32>
    %add3A_2137 = arith.constant 4096 : i32
    %add3A_2138 = vector.broadcast %add3A_2137 : i32 to vector<16xi32>
    %add3A_2139 = arith.addi %get3A_2136, %add3A_2138 : vector<16xi32>
    %swap3A_2140 = arith.constant 17 : i32
    %swap3A_2141 = arith.index_cast %swap3A_2140 : i32 to index
    %swap3A_2142 = arith.constant 112 : index
    %swap3A_2143 = tpu.vector_load %arg5[%swap3A_2141, %swap3A_2142] {strides = array<i32>} : memref<32x128xi32, #tpu.memory_space<vmem>>, vector<1x16xi32>,
    %swap3A_2144 = vector.shape_cast %swap3A_2143 : vector<1x16xi32> to vector<16xi32>
    %swap3A_2145 = vector.shape_cast %add3A_2139 : vector<16xi32> to vector<1x16xi32>
    tpu.vector_store %arg5[%swap3A_2141, %swap3A_2142], %swap3A_2145 {strides = array<i32>} : memref<32x128xi32, #tpu.memory_space<vmem>>, vector<1x16xi32>,
    %get3A_2146 = arith.constant 0 : index
    %get3A_2147 = tpu.vector_load %arg4[%get3A_2146] {strides = array<i32>} : memref<256xi32, #tpu.memory_space<vmem>>, vector<16xi32>,
    %get3A_2148 = vector.shape_cast %get3A_2147 : vector<16xi32> to vector<16xi32>
    %add3A_2149 = arith.constant 4224 : i32
    %add3A_2150 = vector.broadcast %add3A_2149 : i32 to vector<16xi32>
    %add3A_2151 = arith.addi %get3A_2148, %add3A_2150 : vector<16xi32>
    %swap3A_2152 = arith.constant 18 : i32
    %swap3A_2153 = arith.index_cast %swap3A_2152 : i32 to index
    %swap3A_2154 = arith.constant 0 : index
    %swap3A_2155 = tpu.vector_load %arg5[%swap3A_2153, %swap3A_2154] {strides = array<i32>} : memref<32x128xi32, #tpu.memory_space<vmem>>, vector<1x16xi32>,
    %swap3A_2156 = vector.shape_cast %swap3A_2155 : vector<1x16xi32> to vector<16xi32>
    %swap3A_2157 = vector.shape_cast %add3A_2151 : vector<16xi32> to vector<1x16xi32>
    tpu.vector_store %arg5[%swap3A_2153, %swap3A_2154], %swap3A_2157 {strides = array<i32>} : memref<32x128xi32, #tpu.memory_space<vmem>>, vector<1x16xi32>,
    %get3A_2158 = arith.constant 16 : index
    %get3A_2159 = tpu.vector_load %arg4[%get3A_2158] {strides = array<i32>} : memref<256xi32, #tpu.memory_space<vmem>>, vector<16xi32>,
    %get3A_2160 = vector.shape_cast %get3A_2159 : vector<16xi32> to vector<16xi32>
    %add3A_2161 = arith.constant 4224 : i32
    %add3A_2162 = vector.broadcast %add3A_2161 : i32 to vector<16xi32>
    %add3A_2163 = arith.addi %get3A_2160, %add3A_2162 : vector<16xi32>
    %swap3A_2164 = arith.constant 18 : i32
    %swap3A_2165 = arith.index_cast %swap3A_2164 : i32 to index
    %swap3A_2166 = arith.constant 16 : index
    %swap3A_2167 = tpu.vector_load %arg5[%swap3A_2165, %swap3A_2166] {strides = array<i32>} : memref<32x128xi32, #tpu.memory_space<vmem>>, vector<1x16xi32>,
    %swap3A_2168 = vector.shape_cast %swap3A_2167 : vector<1x16xi32> to vector<16xi32>
    %swap3A_2169 = vector.shape_cast %add3A_2163 : vector<16xi32> to vector<1x16xi32>
    tpu.vector_store %arg5[%swap3A_2165, %swap3A_2166], %swap3A_2169 {strides = array<i32>} : memref<32x128xi32, #tpu.memory_space<vmem>>, vector<1x16xi32>,
    %get3A_2170 = arith.constant 32 : index
    %get3A_2171 = tpu.vector_load %arg4[%get3A_2170] {strides = array<i32>} : memref<256xi32, #tpu.memory_space<vmem>>, vector<16xi32>,
    %get3A_2172 = vector.shape_cast %get3A_2171 : vector<16xi32> to vector<16xi32>
    %add3A_2173 = arith.constant 4224 : i32
    %add3A_2174 = vector.broadcast %add3A_2173 : i32 to vector<16xi32>
    %add3A_2175 = arith.addi %get3A_2172, %add3A_2174 : vector<16xi32>
    %swap3A_2176 = arith.constant 18 : i32
    %swap3A_2177 = arith.index_cast %swap3A_2176 : i32 to index
    %swap3A_2178 = arith.constant 32 : index
    %swap3A_2179 = tpu.vector_load %arg5[%swap3A_2177, %swap3A_2178] {strides = array<i32>} : memref<32x128xi32, #tpu.memory_space<vmem>>, vector<1x16xi32>,
    %swap3A_2180 = vector.shape_cast %swap3A_2179 : vector<1x16xi32> to vector<16xi32>
    %swap3A_2181 = vector.shape_cast %add3A_2175 : vector<16xi32> to vector<1x16xi32>
    tpu.vector_store %arg5[%swap3A_2177, %swap3A_2178], %swap3A_2181 {strides = array<i32>} : memref<32x128xi32, #tpu.memory_space<vmem>>, vector<1x16xi32>,
    %get3A_2182 = arith.constant 48 : index
    %get3A_2183 = tpu.vector_load %arg4[%get3A_2182] {strides = array<i32>} : memref<256xi32, #tpu.memory_space<vmem>>, vector<16xi32>,
    %get3A_2184 = vector.shape_cast %get3A_2183 : vector<16xi32> to vector<16xi32>
    %add3A_2185 = arith.constant 4224 : i32
    %add3A_2186 = vector.broadcast %add3A_2185 : i32 to vector<16xi32>
    %add3A_2187 = arith.addi %get3A_2184, %add3A_2186 : vector<16xi32>
    %swap3A_2188 = arith.constant 18 : i32
    %swap3A_2189 = arith.index_cast %swap3A_2188 : i32 to index
    %swap3A_2190 = arith.constant 48 : index
    %swap3A_2191 = tpu.vector_load %arg5[%swap3A_2189, %swap3A_2190] {strides = array<i32>} : memref<32x128xi32, #tpu.memory_space<vmem>>, vector<1x16xi32>,
    %swap3A_2192 = vector.shape_cast %swap3A_2191 : vector<1x16xi32> to vector<16xi32>
    %swap3A_2193 = vector.shape_cast %add3A_2187 : vector<16xi32> to vector<1x16xi32>
    tpu.vector_store %arg5[%swap3A_2189, %swap3A_2190], %swap3A_2193 {strides = array<i32>} : memref<32x128xi32, #tpu.memory_space<vmem>>, vector<1x16xi32>,
    %get3A_2194 = arith.constant 64 : index
    %get3A_2195 = tpu.vector_load %arg4[%get3A_2194] {strides = array<i32>} : memref<256xi32, #tpu.memory_space<vmem>>, vector<16xi32>,
    %get3A_2196 = vector.shape_cast %get3A_2195 : vector<16xi32> to vector<16xi32>
    %add3A_2197 = arith.constant 4224 : i32
    %add3A_2198 = vector.broadcast %add3A_2197 : i32 to vector<16xi32>
    %add3A_2199 = arith.addi %get3A_2196, %add3A_2198 : vector<16xi32>
    %swap3A_2200 = arith.constant 18 : i32
    %swap3A_2201 = arith.index_cast %swap3A_2200 : i32 to index
    %swap3A_2202 = arith.constant 64 : index
    %swap3A_2203 = tpu.vector_load %arg5[%swap3A_2201, %swap3A_2202] {strides = array<i32>} : memref<32x128xi32, #tpu.memory_space<vmem>>, vector<1x16xi32>,
    %swap3A_2204 = vector.shape_cast %swap3A_2203 : vector<1x16xi32> to vector<16xi32>
    %swap3A_2205 = vector.shape_cast %add3A_2199 : vector<16xi32> to vector<1x16xi32>
    tpu.vector_store %arg5[%swap3A_2201, %swap3A_2202], %swap3A_2205 {strides = array<i32>} : memref<32x128xi32, #tpu.memory_space<vmem>>, vector<1x16xi32>,
    %get3A_2206 = arith.constant 80 : index
    %get3A_2207 = tpu.vector_load %arg4[%get3A_2206] {strides = array<i32>} : memref<256xi32, #tpu.memory_space<vmem>>, vector<16xi32>,
    %get3A_2208 = vector.shape_cast %get3A_2207 : vector<16xi32> to vector<16xi32>
    %add3A_2209 = arith.constant 4224 : i32
    %add3A_2210 = vector.broadcast %add3A_2209 : i32 to vector<16xi32>
    %add3A_2211 = arith.addi %get3A_2208, %add3A_2210 : vector<16xi32>
    %swap3A_2212 = arith.constant 18 : i32
    %swap3A_2213 = arith.index_cast %swap3A_2212 : i32 to index
    %swap3A_2214 = arith.constant 80 : index
    %swap3A_2215 = tpu.vector_load %arg5[%swap3A_2213, %swap3A_2214] {strides = array<i32>} : memref<32x128xi32, #tpu.memory_space<vmem>>, vector<1x16xi32>,
    %swap3A_2216 = vector.shape_cast %swap3A_2215 : vector<1x16xi32> to vector<16xi32>
    %swap3A_2217 = vector.shape_cast %add3A_2211 : vector<16xi32> to vector<1x16xi32>
    tpu.vector_store %arg5[%swap3A_2213, %swap3A_2214], %swap3A_2217 {strides = array<i32>} : memref<32x128xi32, #tpu.memory_space<vmem>>, vector<1x16xi32>,
    %get3A_2218 = arith.constant 96 : index
    %get3A_2219 = tpu.vector_load %arg4[%get3A_2218] {strides = array<i32>} : memref<256xi32, #tpu.memory_space<vmem>>, vector<16xi32>,
    %get3A_2220 = vector.shape_cast %get3A_2219 : vector<16xi32> to vector<16xi32>
    %add3A_2221 = arith.constant 4224 : i32
    %add3A_2222 = vector.broadcast %add3A_2221 : i32 to vector<16xi32>
    %add3A_2223 = arith.addi %get3A_2220, %add3A_2222 : vector<16xi32>
    %swap3A_2224 = arith.constant 18 : i32
    %swap3A_2225 = arith.index_cast %swap3A_2224 : i32 to index
    %swap3A_2226 = arith.constant 96 : index
    %swap3A_2227 = tpu.vector_load %arg5[%swap3A_2225, %swap3A_2226] {strides = array<i32>} : memref<32x128xi32, #tpu.memory_space<vmem>>, vector<1x16xi32>,
    %swap3A_2228 = vector.shape_cast %swap3A_2227 : vector<1x16xi32> to vector<16xi32>
    %swap3A_2229 = vector.shape_cast %add3A_2223 : vector<16xi32> to vector<1x16xi32>
    tpu.vector_store %arg5[%swap3A_2225, %swap3A_2226], %swap3A_2229 {strides = array<i32>} : memref<32x128xi32, #tpu.memory_space<vmem>>, vector<1x16xi32>,
    %get3A_2230 = arith.constant 112 : index
    %get3A_2231 = tpu.vector_load %arg4[%get3A_2230] {strides = array<i32>} : memref<256xi32, #tpu.memory_space<vmem>>, vector<16xi32>,
    %get3A_2232 = vector.shape_cast %get3A_2231 : vector<16xi32> to vector<16xi32>
    %add3A_2233 = arith.constant 4224 : i32
    %add3A_2234 = vector.broadcast %add3A_2233 : i32 to vector<16xi32>
    %add3A_2235 = arith.addi %get3A_2232, %add3A_2234 : vector<16xi32>
    %swap3A_2236 = arith.constant 18 : i32
    %swap3A_2237 = arith.index_cast %swap3A_2236 : i32 to index
    %swap3A_2238 = arith.constant 112 : index
    %swap3A_2239 = tpu.vector_load %arg5[%swap3A_2237, %swap3A_2238] {strides = array<i32>} : memref<32x128xi32, #tpu.memory_space<vmem>>, vector<1x16xi32>,
    %swap3A_2240 = vector.shape_cast %swap3A_2239 : vector<1x16xi32> to vector<16xi32>
    %swap3A_2241 = vector.shape_cast %add3A_2235 : vector<16xi32> to vector<1x16xi32>
    tpu.vector_store %arg5[%swap3A_2237, %swap3A_2238], %swap3A_2241 {strides = array<i32>} : memref<32x128xi32, #tpu.memory_space<vmem>>, vector<1x16xi32>,
    %get3A_2242 = arith.constant 128 : index
    %get3A_2243 = tpu.vector_load %arg4[%get3A_2242] {strides = array<i32>} : memref<256xi32, #tpu.memory_space<vmem>>, vector<16xi32>,
    %get3A_2244 = vector.shape_cast %get3A_2243 : vector<16xi32> to vector<16xi32>
    %add3A_2245 = arith.constant 4224 : i32
    %add3A_2246 = vector.broadcast %add3A_2245 : i32 to vector<16xi32>
    %add3A_2247 = arith.addi %get3A_2244, %add3A_2246 : vector<16xi32>
    %swap3A_2248 = arith.constant 19 : i32
    %swap3A_2249 = arith.index_cast %swap3A_2248 : i32 to index
    %swap3A_2250 = arith.constant 0 : index
    %swap3A_2251 = tpu.vector_load %arg5[%swap3A_2249, %swap3A_2250] {strides = array<i32>} : memref<32x128xi32, #tpu.memory_space<vmem>>, vector<1x16xi32>,
    %swap3A_2252 = vector.shape_cast %swap3A_2251 : vector<1x16xi32> to vector<16xi32>
    %swap3A_2253 = vector.shape_cast %add3A_2247 : vector<16xi32> to vector<1x16xi32>
    tpu.vector_store %arg5[%swap3A_2249, %swap3A_2250], %swap3A_2253 {strides = array<i32>} : memref<32x128xi32, #tpu.memory_space<vmem>>, vector<1x16xi32>,
    %get3A_2254 = arith.constant 144 : index
    %get3A_2255 = tpu.vector_load %arg4[%get3A_2254] {strides = array<i32>} : memref<256xi32, #tpu.memory_space<vmem>>, vector<16xi32>,
    %get3A_2256 = vector.shape_cast %get3A_2255 : vector<16xi32> to vector<16xi32>
    %add3A_2257 = arith.constant 4224 : i32
    %add3A_2258 = vector.broadcast %add3A_2257 : i32 to vector<16xi32>
    %add3A_2259 = arith.addi %get3A_2256, %add3A_2258 : vector<16xi32>
    %swap3A_2260 = arith.constant 19 : i32
    %swap3A_2261 = arith.index_cast %swap3A_2260 : i32 to index
    %swap3A_2262 = arith.constant 16 : index
    %swap3A_2263 = tpu.vector_load %arg5[%swap3A_2261, %swap3A_2262] {strides = array<i32>} : memref<32x128xi32, #tpu.memory_space<vmem>>, vector<1x16xi32>,
    %swap3A_2264 = vector.shape_cast %swap3A_2263 : vector<1x16xi32> to vector<16xi32>
    %swap3A_2265 = vector.shape_cast %add3A_2259 : vector<16xi32> to vector<1x16xi32>
    tpu.vector_store %arg5[%swap3A_2261, %swap3A_2262], %swap3A_2265 {strides = array<i32>} : memref<32x128xi32, #tpu.memory_space<vmem>>, vector<1x16xi32>,
    %get3A_2266 = arith.constant 160 : index
    %get3A_2267 = tpu.vector_load %arg4[%get3A_2266] {strides = array<i32>} : memref<256xi32, #tpu.memory_space<vmem>>, vector<16xi32>,
    %get3A_2268 = vector.shape_cast %get3A_2267 : vector<16xi32> to vector<16xi32>
    %add3A_2269 = arith.constant 4224 : i32
    %add3A_2270 = vector.broadcast %add3A_2269 : i32 to vector<16xi32>
    %add3A_2271 = arith.addi %get3A_2268, %add3A_2270 : vector<16xi32>
    %swap3A_2272 = arith.constant 19 : i32
    %swap3A_2273 = arith.index_cast %swap3A_2272 : i32 to index
    %swap3A_2274 = arith.constant 32 : index
    %swap3A_2275 = tpu.vector_load %arg5[%swap3A_2273, %swap3A_2274] {strides = array<i32>} : memref<32x128xi32, #tpu.memory_space<vmem>>, vector<1x16xi32>,
    %swap3A_2276 = vector.shape_cast %swap3A_2275 : vector<1x16xi32> to vector<16xi32>
    %swap3A_2277 = vector.shape_cast %add3A_2271 : vector<16xi32> to vector<1x16xi32>
    tpu.vector_store %arg5[%swap3A_2273, %swap3A_2274], %swap3A_2277 {strides = array<i32>} : memref<32x128xi32, #tpu.memory_space<vmem>>, vector<1x16xi32>,
    %get3A_2278 = arith.constant 176 : index
    %get3A_2279 = tpu.vector_load %arg4[%get3A_2278] {strides = array<i32>} : memref<256xi32, #tpu.memory_space<vmem>>, vector<16xi32>,
    %get3A_2280 = vector.shape_cast %get3A_2279 : vector<16xi32> to vector<16xi32>
    %add3A_2281 = arith.constant 4224 : i32
    %add3A_2282 = vector.broadcast %add3A_2281 : i32 to vector<16xi32>
    %add3A_2283 = arith.addi %get3A_2280, %add3A_2282 : vector<16xi32>
    %swap3A_2284 = arith.constant 19 : i32
    %swap3A_2285 = arith.index_cast %swap3A_2284 : i32 to index
    %swap3A_2286 = arith.constant 48 : index
    %swap3A_2287 = tpu.vector_load %arg5[%swap3A_2285, %swap3A_2286] {strides = array<i32>} : memref<32x128xi32, #tpu.memory_space<vmem>>, vector<1x16xi32>,
    %swap3A_2288 = vector.shape_cast %swap3A_2287 : vector<1x16xi32> to vector<16xi32>
    %swap3A_2289 = vector.shape_cast %add3A_2283 : vector<16xi32> to vector<1x16xi32>
    tpu.vector_store %arg5[%swap3A_2285, %swap3A_2286], %swap3A_2289 {strides = array<i32>} : memref<32x128xi32, #tpu.memory_space<vmem>>, vector<1x16xi32>,
    %get3A_2290 = arith.constant 192 : index
    %get3A_2291 = tpu.vector_load %arg4[%get3A_2290] {strides = array<i32>} : memref<256xi32, #tpu.memory_space<vmem>>, vector<16xi32>,
    %get3A_2292 = vector.shape_cast %get3A_2291 : vector<16xi32> to vector<16xi32>
    %add3A_2293 = arith.constant 4224 : i32
    %add3A_2294 = vector.broadcast %add3A_2293 : i32 to vector<16xi32>
    %add3A_2295 = arith.addi %get3A_2292, %add3A_2294 : vector<16xi32>
    %swap3A_2296 = arith.constant 19 : i32
    %swap3A_2297 = arith.index_cast %swap3A_2296 : i32 to index
    %swap3A_2298 = arith.constant 64 : index
    %swap3A_2299 = tpu.vector_load %arg5[%swap3A_2297, %swap3A_2298] {strides = array<i32>} : memref<32x128xi32, #tpu.memory_space<vmem>>, vector<1x16xi32>,
    %swap3A_2300 = vector.shape_cast %swap3A_2299 : vector<1x16xi32> to vector<16xi32>
    %swap3A_2301 = vector.shape_cast %add3A_2295 : vector<16xi32> to vector<1x16xi32>
    tpu.vector_store %arg5[%swap3A_2297, %swap3A_2298], %swap3A_2301 {strides = array<i32>} : memref<32x128xi32, #tpu.memory_space<vmem>>, vector<1x16xi32>,
    %get3A_2302 = arith.constant 208 : index
    %get3A_2303 = tpu.vector_load %arg4[%get3A_2302] {strides = array<i32>} : memref<256xi32, #tpu.memory_space<vmem>>, vector<16xi32>,
    %get3A_2304 = vector.shape_cast %get3A_2303 : vector<16xi32> to vector<16xi32>
    %add3A_2305 = arith.constant 4224 : i32
    %add3A_2306 = vector.broadcast %add3A_2305 : i32 to vector<16xi32>
    %add3A_2307 = arith.addi %get3A_2304, %add3A_2306 : vector<16xi32>
    %swap3A_2308 = arith.constant 19 : i32
    %swap3A_2309 = arith.index_cast %swap3A_2308 : i32 to index
    %swap3A_2310 = arith.constant 80 : index
    %swap3A_2311 = tpu.vector_load %arg5[%swap3A_2309, %swap3A_2310] {strides = array<i32>} : memref<32x128xi32, #tpu.memory_space<vmem>>, vector<1x16xi32>,
    %swap3A_2312 = vector.shape_cast %swap3A_2311 : vector<1x16xi32> to vector<16xi32>
    %swap3A_2313 = vector.shape_cast %add3A_2307 : vector<16xi32> to vector<1x16xi32>
    tpu.vector_store %arg5[%swap3A_2309, %swap3A_2310], %swap3A_2313 {strides = array<i32>} : memref<32x128xi32, #tpu.memory_space<vmem>>, vector<1x16xi32>,
    %get3A_2314 = arith.constant 224 : index
    %get3A_2315 = tpu.vector_load %arg4[%get3A_2314] {strides = array<i32>} : memref<256xi32, #tpu.memory_space<vmem>>, vector<16xi32>,
    %get3A_2316 = vector.shape_cast %get3A_2315 : vector<16xi32> to vector<16xi32>
    %add3A_2317 = arith.constant 4224 : i32
    %add3A_2318 = vector.broadcast %add3A_2317 : i32 to vector<16xi32>
    %add3A_2319 = arith.addi %get3A_2316, %add3A_2318 : vector<16xi32>
    %swap3A_2320 = arith.constant 19 : i32
    %swap3A_2321 = arith.index_cast %swap3A_2320 : i32 to index
    %swap3A_2322 = arith.constant 96 : index
    %swap3A_2323 = tpu.vector_load %arg5[%swap3A_2321, %swap3A_2322] {strides = array<i32>} : memref<32x128xi32, #tpu.memory_space<vmem>>, vector<1x16xi32>,
    %swap3A_2324 = vector.shape_cast %swap3A_2323 : vector<1x16xi32> to vector<16xi32>
    %swap3A_2325 = vector.shape_cast %add3A_2319 : vector<16xi32> to vector<1x16xi32>
    tpu.vector_store %arg5[%swap3A_2321, %swap3A_2322], %swap3A_2325 {strides = array<i32>} : memref<32x128xi32, #tpu.memory_space<vmem>>, vector<1x16xi32>,
    %get3A_2326 = arith.constant 240 : index
    %get3A_2327 = tpu.vector_load %arg4[%get3A_2326] {strides = array<i32>} : memref<256xi32, #tpu.memory_space<vmem>>, vector<16xi32>,
    %get3A_2328 = vector.shape_cast %get3A_2327 : vector<16xi32> to vector<16xi32>
    %add3A_2329 = arith.constant 4224 : i32
    %add3A_2330 = vector.broadcast %add3A_2329 : i32 to vector<16xi32>
    %add3A_2331 = arith.addi %get3A_2328, %add3A_2330 : vector<16xi32>
    %swap3A_2332 = arith.constant 19 : i32
    %swap3A_2333 = arith.index_cast %swap3A_2332 : i32 to index
    %swap3A_2334 = arith.constant 112 : index
    %swap3A_2335 = tpu.vector_load %arg5[%swap3A_2333, %swap3A_2334] {strides = array<i32>} : memref<32x128xi32, #tpu.memory_space<vmem>>, vector<1x16xi32>,
    %swap3A_2336 = vector.shape_cast %swap3A_2335 : vector<1x16xi32> to vector<16xi32>
    %swap3A_2337 = vector.shape_cast %add3A_2331 : vector<16xi32> to vector<1x16xi32>
    tpu.vector_store %arg5[%swap3A_2333, %swap3A_2334], %swap3A_2337 {strides = array<i32>} : memref<32x128xi32, #tpu.memory_space<vmem>>, vector<1x16xi32>,
    %get3A_2338 = arith.constant 0 : index
    %get3A_2339 = tpu.vector_load %arg4[%get3A_2338] {strides = array<i32>} : memref<256xi32, #tpu.memory_space<vmem>>, vector<16xi32>,
    %get3A_2340 = vector.shape_cast %get3A_2339 : vector<16xi32> to vector<16xi32>
    %add3A_2341 = arith.constant 4352 : i32
    %add3A_2342 = vector.broadcast %add3A_2341 : i32 to vector<16xi32>
    %add3A_2343 = arith.addi %get3A_2340, %add3A_2342 : vector<16xi32>
    %swap3A_2344 = arith.constant 20 : i32
    %swap3A_2345 = arith.index_cast %swap3A_2344 : i32 to index
    %swap3A_2346 = arith.constant 0 : index
    %swap3A_2347 = tpu.vector_load %arg5[%swap3A_2345, %swap3A_2346] {strides = array<i32>} : memref<32x128xi32, #tpu.memory_space<vmem>>, vector<1x16xi32>,
    %swap3A_2348 = vector.shape_cast %swap3A_2347 : vector<1x16xi32> to vector<16xi32>
    %swap3A_2349 = vector.shape_cast %add3A_2343 : vector<16xi32> to vector<1x16xi32>
    tpu.vector_store %arg5[%swap3A_2345, %swap3A_2346], %swap3A_2349 {strides = array<i32>} : memref<32x128xi32, #tpu.memory_space<vmem>>, vector<1x16xi32>,
    %get3A_2350 = arith.constant 16 : index
    %get3A_2351 = tpu.vector_load %arg4[%get3A_2350] {strides = array<i32>} : memref<256xi32, #tpu.memory_space<vmem>>, vector<16xi32>,
    %get3A_2352 = vector.shape_cast %get3A_2351 : vector<16xi32> to vector<16xi32>
    %add3A_2353 = arith.constant 4352 : i32
    %add3A_2354 = vector.broadcast %add3A_2353 : i32 to vector<16xi32>
    %add3A_2355 = arith.addi %get3A_2352, %add3A_2354 : vector<16xi32>
    %swap3A_2356 = arith.constant 20 : i32
    %swap3A_2357 = arith.index_cast %swap3A_2356 : i32 to index
    %swap3A_2358 = arith.constant 16 : index
    %swap3A_2359 = tpu.vector_load %arg5[%swap3A_2357, %swap3A_2358] {strides = array<i32>} : memref<32x128xi32, #tpu.memory_space<vmem>>, vector<1x16xi32>,
    %swap3A_2360 = vector.shape_cast %swap3A_2359 : vector<1x16xi32> to vector<16xi32>
    %swap3A_2361 = vector.shape_cast %add3A_2355 : vector<16xi32> to vector<1x16xi32>
    tpu.vector_store %arg5[%swap3A_2357, %swap3A_2358], %swap3A_2361 {strides = array<i32>} : memref<32x128xi32, #tpu.memory_space<vmem>>, vector<1x16xi32>,
    %get3A_2362 = arith.constant 32 : index
    %get3A_2363 = tpu.vector_load %arg4[%get3A_2362] {strides = array<i32>} : memref<256xi32, #tpu.memory_space<vmem>>, vector<16xi32>,
    %get3A_2364 = vector.shape_cast %get3A_2363 : vector<16xi32> to vector<16xi32>
    %add3A_2365 = arith.constant 4352 : i32
    %add3A_2366 = vector.broadcast %add3A_2365 : i32 to vector<16xi32>
    %add3A_2367 = arith.addi %get3A_2364, %add3A_2366 : vector<16xi32>
    %swap3A_2368 = arith.constant 20 : i32
    %swap3A_2369 = arith.index_cast %swap3A_2368 : i32 to index
    %swap3A_2370 = arith.constant 32 : index
    %swap3A_2371 = tpu.vector_load %arg5[%swap3A_2369, %swap3A_2370] {strides = array<i32>} : memref<32x128xi32, #tpu.memory_space<vmem>>, vector<1x16xi32>,
    %swap3A_2372 = vector.shape_cast %swap3A_2371 : vector<1x16xi32> to vector<16xi32>
    %swap3A_2373 = vector.shape_cast %add3A_2367 : vector<16xi32> to vector<1x16xi32>
    tpu.vector_store %arg5[%swap3A_2369, %swap3A_2370], %swap3A_2373 {strides = array<i32>} : memref<32x128xi32, #tpu.memory_space<vmem>>, vector<1x16xi32>,
    %get3A_2374 = arith.constant 48 : index
    %get3A_2375 = tpu.vector_load %arg4[%get3A_2374] {strides = array<i32>} : memref<256xi32, #tpu.memory_space<vmem>>, vector<16xi32>,
    %get3A_2376 = vector.shape_cast %get3A_2375 : vector<16xi32> to vector<16xi32>
    %add3A_2377 = arith.constant 4352 : i32
    %add3A_2378 = vector.broadcast %add3A_2377 : i32 to vector<16xi32>
    %add3A_2379 = arith.addi %get3A_2376, %add3A_2378 : vector<16xi32>
    %swap3A_2380 = arith.constant 20 : i32
    %swap3A_2381 = arith.index_cast %swap3A_2380 : i32 to index
    %swap3A_2382 = arith.constant 48 : index
    %swap3A_2383 = tpu.vector_load %arg5[%swap3A_2381, %swap3A_2382] {strides = array<i32>} : memref<32x128xi32, #tpu.memory_space<vmem>>, vector<1x16xi32>,
    %swap3A_2384 = vector.shape_cast %swap3A_2383 : vector<1x16xi32> to vector<16xi32>
    %swap3A_2385 = vector.shape_cast %add3A_2379 : vector<16xi32> to vector<1x16xi32>
    tpu.vector_store %arg5[%swap3A_2381, %swap3A_2382], %swap3A_2385 {strides = array<i32>} : memref<32x128xi32, #tpu.memory_space<vmem>>, vector<1x16xi32>,
    %get3A_2386 = arith.constant 64 : index
    %get3A_2387 = tpu.vector_load %arg4[%get3A_2386] {strides = array<i32>} : memref<256xi32, #tpu.memory_space<vmem>>, vector<16xi32>,
    %get3A_2388 = vector.shape_cast %get3A_2387 : vector<16xi32> to vector<16xi32>
    %add3A_2389 = arith.constant 4352 : i32
    %add3A_2390 = vector.broadcast %add3A_2389 : i32 to vector<16xi32>
    %add3A_2391 = arith.addi %get3A_2388, %add3A_2390 : vector<16xi32>
    %swap3A_2392 = arith.constant 20 : i32
    %swap3A_2393 = arith.index_cast %swap3A_2392 : i32 to index
    %swap3A_2394 = arith.constant 64 : index
    %swap3A_2395 = tpu.vector_load %arg5[%swap3A_2393, %swap3A_2394] {strides = array<i32>} : memref<32x128xi32, #tpu.memory_space<vmem>>, vector<1x16xi32>,
    %swap3A_2396 = vector.shape_cast %swap3A_2395 : vector<1x16xi32> to vector<16xi32>
    %swap3A_2397 = vector.shape_cast %add3A_2391 : vector<16xi32> to vector<1x16xi32>
    tpu.vector_store %arg5[%swap3A_2393, %swap3A_2394], %swap3A_2397 {strides = array<i32>} : memref<32x128xi32, #tpu.memory_space<vmem>>, vector<1x16xi32>,
    %get3A_2398 = arith.constant 80 : index
    %get3A_2399 = tpu.vector_load %arg4[%get3A_2398] {strides = array<i32>} : memref<256xi32, #tpu.memory_space<vmem>>, vector<16xi32>,
    %get3A_2400 = vector.shape_cast %get3A_2399 : vector<16xi32> to vector<16xi32>
    %add3A_2401 = arith.constant 4352 : i32
    %add3A_2402 = vector.broadcast %add3A_2401 : i32 to vector<16xi32>
    %add3A_2403 = arith.addi %get3A_2400, %add3A_2402 : vector<16xi32>
    %swap3A_2404 = arith.constant 20 : i32
    %swap3A_2405 = arith.index_cast %swap3A_2404 : i32 to index
    %swap3A_2406 = arith.constant 80 : index
    %swap3A_2407 = tpu.vector_load %arg5[%swap3A_2405, %swap3A_2406] {strides = array<i32>} : memref<32x128xi32, #tpu.memory_space<vmem>>, vector<1x16xi32>,
    %swap3A_2408 = vector.shape_cast %swap3A_2407 : vector<1x16xi32> to vector<16xi32>
    %swap3A_2409 = vector.shape_cast %add3A_2403 : vector<16xi32> to vector<1x16xi32>
    tpu.vector_store %arg5[%swap3A_2405, %swap3A_2406], %swap3A_2409 {strides = array<i32>} : memref<32x128xi32, #tpu.memory_space<vmem>>, vector<1x16xi32>,
    %get3A_2410 = arith.constant 96 : index
    %get3A_2411 = tpu.vector_load %arg4[%get3A_2410] {strides = array<i32>} : memref<256xi32, #tpu.memory_space<vmem>>, vector<16xi32>,
    %get3A_2412 = vector.shape_cast %get3A_2411 : vector<16xi32> to vector<16xi32>
    %add3A_2413 = arith.constant 4352 : i32
    %add3A_2414 = vector.broadcast %add3A_2413 : i32 to vector<16xi32>
    %add3A_2415 = arith.addi %get3A_2412, %add3A_2414 : vector<16xi32>
    %swap3A_2416 = arith.constant 20 : i32
    %swap3A_2417 = arith.index_cast %swap3A_2416 : i32 to index
    %swap3A_2418 = arith.constant 96 : index
    %swap3A_2419 = tpu.vector_load %arg5[%swap3A_2417, %swap3A_2418] {strides = array<i32>} : memref<32x128xi32, #tpu.memory_space<vmem>>, vector<1x16xi32>,
    %swap3A_2420 = vector.shape_cast %swap3A_2419 : vector<1x16xi32> to vector<16xi32>
    %swap3A_2421 = vector.shape_cast %add3A_2415 : vector<16xi32> to vector<1x16xi32>
    tpu.vector_store %arg5[%swap3A_2417, %swap3A_2418], %swap3A_2421 {strides = array<i32>} : memref<32x128xi32, #tpu.memory_space<vmem>>, vector<1x16xi32>,
    %get3A_2422 = arith.constant 112 : index
    %get3A_2423 = tpu.vector_load %arg4[%get3A_2422] {strides = array<i32>} : memref<256xi32, #tpu.memory_space<vmem>>, vector<16xi32>,
    %get3A_2424 = vector.shape_cast %get3A_2423 : vector<16xi32> to vector<16xi32>
    %add3A_2425 = arith.constant 4352 : i32
    %add3A_2426 = vector.broadcast %add3A_2425 : i32 to vector<16xi32>
    %add3A_2427 = arith.addi %get3A_2424, %add3A_2426 : vector<16xi32>
    %swap3A_2428 = arith.constant 20 : i32
    %swap3A_2429 = arith.index_cast %swap3A_2428 : i32 to index
    %swap3A_2430 = arith.constant 112 : index
    %swap3A_2431 = tpu.vector_load %arg5[%swap3A_2429, %swap3A_2430] {strides = array<i32>} : memref<32x128xi32, #tpu.memory_space<vmem>>, vector<1x16xi32>,
    %swap3A_2432 = vector.shape_cast %swap3A_2431 : vector<1x16xi32> to vector<16xi32>
    %swap3A_2433 = vector.shape_cast %add3A_2427 : vector<16xi32> to vector<1x16xi32>
    tpu.vector_store %arg5[%swap3A_2429, %swap3A_2430], %swap3A_2433 {strides = array<i32>} : memref<32x128xi32, #tpu.memory_space<vmem>>, vector<1x16xi32>,
    %get3A_2434 = arith.constant 128 : index
    %get3A_2435 = tpu.vector_load %arg4[%get3A_2434] {strides = array<i32>} : memref<256xi32, #tpu.memory_space<vmem>>, vector<16xi32>,
    %get3A_2436 = vector.shape_cast %get3A_2435 : vector<16xi32> to vector<16xi32>
    %add3A_2437 = arith.constant 4352 : i32
    %add3A_2438 = vector.broadcast %add3A_2437 : i32 to vector<16xi32>
    %add3A_2439 = arith.addi %get3A_2436, %add3A_2438 : vector<16xi32>
    %swap3A_2440 = arith.constant 21 : i32
    %swap3A_2441 = arith.index_cast %swap3A_2440 : i32 to index
    %swap3A_2442 = arith.constant 0 : index
    %swap3A_2443 = tpu.vector_load %arg5[%swap3A_2441, %swap3A_2442] {strides = array<i32>} : memref<32x128xi32, #tpu.memory_space<vmem>>, vector<1x16xi32>,
    %swap3A_2444 = vector.shape_cast %swap3A_2443 : vector<1x16xi32> to vector<16xi32>
    %swap3A_2445 = vector.shape_cast %add3A_2439 : vector<16xi32> to vector<1x16xi32>
    tpu.vector_store %arg5[%swap3A_2441, %swap3A_2442], %swap3A_2445 {strides = array<i32>} : memref<32x128xi32, #tpu.memory_space<vmem>>, vector<1x16xi32>,
    %get3A_2446 = arith.constant 144 : index
    %get3A_2447 = tpu.vector_load %arg4[%get3A_2446] {strides = array<i32>} : memref<256xi32, #tpu.memory_space<vmem>>, vector<16xi32>,
    %get3A_2448 = vector.shape_cast %get3A_2447 : vector<16xi32> to vector<16xi32>
    %add3A_2449 = arith.constant 4352 : i32
    %add3A_2450 = vector.broadcast %add3A_2449 : i32 to vector<16xi32>
    %add3A_2451 = arith.addi %get3A_2448, %add3A_2450 : vector<16xi32>
    %swap3A_2452 = arith.constant 21 : i32
    %swap3A_2453 = arith.index_cast %swap3A_2452 : i32 to index
    %swap3A_2454 = arith.constant 16 : index
    %swap3A_2455 = tpu.vector_load %arg5[%swap3A_2453, %swap3A_2454] {strides = array<i32>} : memref<32x128xi32, #tpu.memory_space<vmem>>, vector<1x16xi32>,
    %swap3A_2456 = vector.shape_cast %swap3A_2455 : vector<1x16xi32> to vector<16xi32>
    %swap3A_2457 = vector.shape_cast %add3A_2451 : vector<16xi32> to vector<1x16xi32>
    tpu.vector_store %arg5[%swap3A_2453, %swap3A_2454], %swap3A_2457 {strides = array<i32>} : memref<32x128xi32, #tpu.memory_space<vmem>>, vector<1x16xi32>,
    %get3A_2458 = arith.constant 160 : index
    %get3A_2459 = tpu.vector_load %arg4[%get3A_2458] {strides = array<i32>} : memref<256xi32, #tpu.memory_space<vmem>>, vector<16xi32>,
    %get3A_2460 = vector.shape_cast %get3A_2459 : vector<16xi32> to vector<16xi32>
    %add3A_2461 = arith.constant 4352 : i32
    %add3A_2462 = vector.broadcast %add3A_2461 : i32 to vector<16xi32>
    %add3A_2463 = arith.addi %get3A_2460, %add3A_2462 : vector<16xi32>
    %swap3A_2464 = arith.constant 21 : i32
    %swap3A_2465 = arith.index_cast %swap3A_2464 : i32 to index
    %swap3A_2466 = arith.constant 32 : index
    %swap3A_2467 = tpu.vector_load %arg5[%swap3A_2465, %swap3A_2466] {strides = array<i32>} : memref<32x128xi32, #tpu.memory_space<vmem>>, vector<1x16xi32>,
    %swap3A_2468 = vector.shape_cast %swap3A_2467 : vector<1x16xi32> to vector<16xi32>
    %swap3A_2469 = vector.shape_cast %add3A_2463 : vector<16xi32> to vector<1x16xi32>
    tpu.vector_store %arg5[%swap3A_2465, %swap3A_2466], %swap3A_2469 {strides = array<i32>} : memref<32x128xi32, #tpu.memory_space<vmem>>, vector<1x16xi32>,
    %get3A_2470 = arith.constant 176 : index
    %get3A_2471 = tpu.vector_load %arg4[%get3A_2470] {strides = array<i32>} : memref<256xi32, #tpu.memory_space<vmem>>, vector<16xi32>,
    %get3A_2472 = vector.shape_cast %get3A_2471 : vector<16xi32> to vector<16xi32>
    %add3A_2473 = arith.constant 4352 : i32
    %add3A_2474 = vector.broadcast %add3A_2473 : i32 to vector<16xi32>
    %add3A_2475 = arith.addi %get3A_2472, %add3A_2474 : vector<16xi32>
    %swap3A_2476 = arith.constant 21 : i32
    %swap3A_2477 = arith.index_cast %swap3A_2476 : i32 to index
    %swap3A_2478 = arith.constant 48 : index
    %swap3A_2479 = tpu.vector_load %arg5[%swap3A_2477, %swap3A_2478] {strides = array<i32>} : memref<32x128xi32, #tpu.memory_space<vmem>>, vector<1x16xi32>,
    %swap3A_2480 = vector.shape_cast %swap3A_2479 : vector<1x16xi32> to vector<16xi32>
    %swap3A_2481 = vector.shape_cast %add3A_2475 : vector<16xi32> to vector<1x16xi32>
    tpu.vector_store %arg5[%swap3A_2477, %swap3A_2478], %swap3A_2481 {strides = array<i32>} : memref<32x128xi32, #tpu.memory_space<vmem>>, vector<1x16xi32>,
    %get3A_2482 = arith.constant 192 : index
    %get3A_2483 = tpu.vector_load %arg4[%get3A_2482] {strides = array<i32>} : memref<256xi32, #tpu.memory_space<vmem>>, vector<16xi32>,
    %get3A_2484 = vector.shape_cast %get3A_2483 : vector<16xi32> to vector<16xi32>
    %add3A_2485 = arith.constant 4352 : i32
    %add3A_2486 = vector.broadcast %add3A_2485 : i32 to vector<16xi32>
    %add3A_2487 = arith.addi %get3A_2484, %add3A_2486 : vector<16xi32>
    %swap3A_2488 = arith.constant 21 : i32
    %swap3A_2489 = arith.index_cast %swap3A_2488 : i32 to index
    %swap3A_2490 = arith.constant 64 : index
    %swap3A_2491 = tpu.vector_load %arg5[%swap3A_2489, %swap3A_2490] {strides = array<i32>} : memref<32x128xi32, #tpu.memory_space<vmem>>, vector<1x16xi32>,
    %swap3A_2492 = vector.shape_cast %swap3A_2491 : vector<1x16xi32> to vector<16xi32>
    %swap3A_2493 = vector.shape_cast %add3A_2487 : vector<16xi32> to vector<1x16xi32>
    tpu.vector_store %arg5[%swap3A_2489, %swap3A_2490], %swap3A_2493 {strides = array<i32>} : memref<32x128xi32, #tpu.memory_space<vmem>>, vector<1x16xi32>,
    %get3A_2494 = arith.constant 208 : index
    %get3A_2495 = tpu.vector_load %arg4[%get3A_2494] {strides = array<i32>} : memref<256xi32, #tpu.memory_space<vmem>>, vector<16xi32>,
    %get3A_2496 = vector.shape_cast %get3A_2495 : vector<16xi32> to vector<16xi32>
    %add3A_2497 = arith.constant 4352 : i32
    %add3A_2498 = vector.broadcast %add3A_2497 : i32 to vector<16xi32>
    %add3A_2499 = arith.addi %get3A_2496, %add3A_2498 : vector<16xi32>
    %swap3A_2500 = arith.constant 21 : i32
    %swap3A_2501 = arith.index_cast %swap3A_2500 : i32 to index
    %swap3A_2502 = arith.constant 80 : index
    %swap3A_2503 = tpu.vector_load %arg5[%swap3A_2501, %swap3A_2502] {strides = array<i32>} : memref<32x128xi32, #tpu.memory_space<vmem>>, vector<1x16xi32>,
    %swap3A_2504 = vector.shape_cast %swap3A_2503 : vector<1x16xi32> to vector<16xi32>
    %swap3A_2505 = vector.shape_cast %add3A_2499 : vector<16xi32> to vector<1x16xi32>
    tpu.vector_store %arg5[%swap3A_2501, %swap3A_2502], %swap3A_2505 {strides = array<i32>} : memref<32x128xi32, #tpu.memory_space<vmem>>, vector<1x16xi32>,
    %get3A_2506 = arith.constant 224 : index
    %get3A_2507 = tpu.vector_load %arg4[%get3A_2506] {strides = array<i32>} : memref<256xi32, #tpu.memory_space<vmem>>, vector<16xi32>,
    %get3A_2508 = vector.shape_cast %get3A_2507 : vector<16xi32> to vector<16xi32>
    %add3A_2509 = arith.constant 4352 : i32
    %add3A_2510 = vector.broadcast %add3A_2509 : i32 to vector<16xi32>
    %add3A_2511 = arith.addi %get3A_2508, %add3A_2510 : vector<16xi32>
    %swap3A_2512 = arith.constant 21 : i32
    %swap3A_2513 = arith.index_cast %swap3A_2512 : i32 to index
    %swap3A_2514 = arith.constant 96 : index
    %swap3A_2515 = tpu.vector_load %arg5[%swap3A_2513, %swap3A_2514] {strides = array<i32>} : memref<32x128xi32, #tpu.memory_space<vmem>>, vector<1x16xi32>,
    %swap3A_2516 = vector.shape_cast %swap3A_2515 : vector<1x16xi32> to vector<16xi32>
    %swap3A_2517 = vector.shape_cast %add3A_2511 : vector<16xi32> to vector<1x16xi32>
    tpu.vector_store %arg5[%swap3A_2513, %swap3A_2514], %swap3A_2517 {strides = array<i32>} : memref<32x128xi32, #tpu.memory_space<vmem>>, vector<1x16xi32>,
    %get3A_2518 = arith.constant 240 : index
    %get3A_2519 = tpu.vector_load %arg4[%get3A_2518] {strides = array<i32>} : memref<256xi32, #tpu.memory_space<vmem>>, vector<16xi32>,
    %get3A_2520 = vector.shape_cast %get3A_2519 : vector<16xi32> to vector<16xi32>
    %add3A_2521 = arith.constant 4352 : i32
    %add3A_2522 = vector.broadcast %add3A_2521 : i32 to vector<16xi32>
    %add3A_2523 = arith.addi %get3A_2520, %add3A_2522 : vector<16xi32>
    %swap3A_2524 = arith.constant 21 : i32
    %swap3A_2525 = arith.index_cast %swap3A_2524 : i32 to index
    %swap3A_2526 = arith.constant 112 : index
    %swap3A_2527 = tpu.vector_load %arg5[%swap3A_2525, %swap3A_2526] {strides = array<i32>} : memref<32x128xi32, #tpu.memory_space<vmem>>, vector<1x16xi32>,
    %swap3A_2528 = vector.shape_cast %swap3A_2527 : vector<1x16xi32> to vector<16xi32>
    %swap3A_2529 = vector.shape_cast %add3A_2523 : vector<16xi32> to vector<1x16xi32>
    tpu.vector_store %arg5[%swap3A_2525, %swap3A_2526], %swap3A_2529 {strides = array<i32>} : memref<32x128xi32, #tpu.memory_space<vmem>>, vector<1x16xi32>,
    %get3A_2530 = arith.constant 0 : index
    %get3A_2531 = tpu.vector_load %arg4[%get3A_2530] {strides = array<i32>} : memref<256xi32, #tpu.memory_space<vmem>>, vector<16xi32>,
    %get3A_2532 = vector.shape_cast %get3A_2531 : vector<16xi32> to vector<16xi32>
    %add3A_2533 = arith.constant 4480 : i32
    %add3A_2534 = vector.broadcast %add3A_2533 : i32 to vector<16xi32>
    %add3A_2535 = arith.addi %get3A_2532, %add3A_2534 : vector<16xi32>
    %swap3A_2536 = arith.constant 22 : i32
    %swap3A_2537 = arith.index_cast %swap3A_2536 : i32 to index
    %swap3A_2538 = arith.constant 0 : index
    %swap3A_2539 = tpu.vector_load %arg5[%swap3A_2537, %swap3A_2538] {strides = array<i32>} : memref<32x128xi32, #tpu.memory_space<vmem>>, vector<1x16xi32>,
    %swap3A_2540 = vector.shape_cast %swap3A_2539 : vector<1x16xi32> to vector<16xi32>
    %swap3A_2541 = vector.shape_cast %add3A_2535 : vector<16xi32> to vector<1x16xi32>
    tpu.vector_store %arg5[%swap3A_2537, %swap3A_2538], %swap3A_2541 {strides = array<i32>} : memref<32x128xi32, #tpu.memory_space<vmem>>, vector<1x16xi32>,
    %get3A_2542 = arith.constant 16 : index
    %get3A_2543 = tpu.vector_load %arg4[%get3A_2542] {strides = array<i32>} : memref<256xi32, #tpu.memory_space<vmem>>, vector<16xi32>,
    %get3A_2544 = vector.shape_cast %get3A_2543 : vector<16xi32> to vector<16xi32>
    %add3A_2545 = arith.constant 4480 : i32
    %add3A_2546 = vector.broadcast %add3A_2545 : i32 to vector<16xi32>
    %add3A_2547 = arith.addi %get3A_2544, %add3A_2546 : vector<16xi32>
    %swap3A_2548 = arith.constant 22 : i32
    %swap3A_2549 = arith.index_cast %swap3A_2548 : i32 to index
    %swap3A_2550 = arith.constant 16 : index
    %swap3A_2551 = tpu.vector_load %arg5[%swap3A_2549, %swap3A_2550] {strides = array<i32>} : memref<32x128xi32, #tpu.memory_space<vmem>>, vector<1x16xi32>,
    %swap3A_2552 = vector.shape_cast %swap3A_2551 : vector<1x16xi32> to vector<16xi32>
    %swap3A_2553 = vector.shape_cast %add3A_2547 : vector<16xi32> to vector<1x16xi32>
    tpu.vector_store %arg5[%swap3A_2549, %swap3A_2550], %swap3A_2553 {strides = array<i32>} : memref<32x128xi32, #tpu.memory_space<vmem>>, vector<1x16xi32>,
    %get3A_2554 = arith.constant 32 : index
    %get3A_2555 = tpu.vector_load %arg4[%get3A_2554] {strides = array<i32>} : memref<256xi32, #tpu.memory_space<vmem>>, vector<16xi32>,
    %get3A_2556 = vector.shape_cast %get3A_2555 : vector<16xi32> to vector<16xi32>
    %add3A_2557 = arith.constant 4480 : i32
    %add3A_2558 = vector.broadcast %add3A_2557 : i32 to vector<16xi32>
    %add3A_2559 = arith.addi %get3A_2556, %add3A_2558 : vector<16xi32>
    %swap3A_2560 = arith.constant 22 : i32
    %swap3A_2561 = arith.index_cast %swap3A_2560 : i32 to index
    %swap3A_2562 = arith.constant 32 : index
    %swap3A_2563 = tpu.vector_load %arg5[%swap3A_2561, %swap3A_2562] {strides = array<i32>} : memref<32x128xi32, #tpu.memory_space<vmem>>, vector<1x16xi32>,
    %swap3A_2564 = vector.shape_cast %swap3A_2563 : vector<1x16xi32> to vector<16xi32>
    %swap3A_2565 = vector.shape_cast %add3A_2559 : vector<16xi32> to vector<1x16xi32>
    tpu.vector_store %arg5[%swap3A_2561, %swap3A_2562], %swap3A_2565 {strides = array<i32>} : memref<32x128xi32, #tpu.memory_space<vmem>>, vector<1x16xi32>,
    %get3A_2566 = arith.constant 48 : index
    %get3A_2567 = tpu.vector_load %arg4[%get3A_2566] {strides = array<i32>} : memref<256xi32, #tpu.memory_space<vmem>>, vector<16xi32>,
    %get3A_2568 = vector.shape_cast %get3A_2567 : vector<16xi32> to vector<16xi32>
    %add3A_2569 = arith.constant 4480 : i32
    %add3A_2570 = vector.broadcast %add3A_2569 : i32 to vector<16xi32>
    %add3A_2571 = arith.addi %get3A_2568, %add3A_2570 : vector<16xi32>
    %swap3A_2572 = arith.constant 22 : i32
    %swap3A_2573 = arith.index_cast %swap3A_2572 : i32 to index
    %swap3A_2574 = arith.constant 48 : index
    %swap3A_2575 = tpu.vector_load %arg5[%swap3A_2573, %swap3A_2574] {strides = array<i32>} : memref<32x128xi32, #tpu.memory_space<vmem>>, vector<1x16xi32>,
    %swap3A_2576 = vector.shape_cast %swap3A_2575 : vector<1x16xi32> to vector<16xi32>
    %swap3A_2577 = vector.shape_cast %add3A_2571 : vector<16xi32> to vector<1x16xi32>
    tpu.vector_store %arg5[%swap3A_2573, %swap3A_2574], %swap3A_2577 {strides = array<i32>} : memref<32x128xi32, #tpu.memory_space<vmem>>, vector<1x16xi32>,
    %get3A_2578 = arith.constant 64 : index
    %get3A_2579 = tpu.vector_load %arg4[%get3A_2578] {strides = array<i32>} : memref<256xi32, #tpu.memory_space<vmem>>, vector<16xi32>,
    %get3A_2580 = vector.shape_cast %get3A_2579 : vector<16xi32> to vector<16xi32>
    %add3A_2581 = arith.constant 4480 : i32
    %add3A_2582 = vector.broadcast %add3A_2581 : i32 to vector<16xi32>
    %add3A_2583 = arith.addi %get3A_2580, %add3A_2582 : vector<16xi32>
    %swap3A_2584 = arith.constant 22 : i32
    %swap3A_2585 = arith.index_cast %swap3A_2584 : i32 to index
    %swap3A_2586 = arith.constant 64 : index
    %swap3A_2587 = tpu.vector_load %arg5[%swap3A_2585, %swap3A_2586] {strides = array<i32>} : memref<32x128xi32, #tpu.memory_space<vmem>>, vector<1x16xi32>,
    %swap3A_2588 = vector.shape_cast %swap3A_2587 : vector<1x16xi32> to vector<16xi32>
    %swap3A_2589 = vector.shape_cast %add3A_2583 : vector<16xi32> to vector<1x16xi32>
    tpu.vector_store %arg5[%swap3A_2585, %swap3A_2586], %swap3A_2589 {strides = array<i32>} : memref<32x128xi32, #tpu.memory_space<vmem>>, vector<1x16xi32>,
    %get3A_2590 = arith.constant 80 : index
    %get3A_2591 = tpu.vector_load %arg4[%get3A_2590] {strides = array<i32>} : memref<256xi32, #tpu.memory_space<vmem>>, vector<16xi32>,
    %get3A_2592 = vector.shape_cast %get3A_2591 : vector<16xi32> to vector<16xi32>
    %add3A_2593 = arith.constant 4480 : i32
    %add3A_2594 = vector.broadcast %add3A_2593 : i32 to vector<16xi32>
    %add3A_2595 = arith.addi %get3A_2592, %add3A_2594 : vector<16xi32>
    %swap3A_2596 = arith.constant 22 : i32
    %swap3A_2597 = arith.index_cast %swap3A_2596 : i32 to index
    %swap3A_2598 = arith.constant 80 : index
    %swap3A_2599 = tpu.vector_load %arg5[%swap3A_2597, %swap3A_2598] {strides = array<i32>} : memref<32x128xi32, #tpu.memory_space<vmem>>, vector<1x16xi32>,
    %swap3A_2600 = vector.shape_cast %swap3A_2599 : vector<1x16xi32> to vector<16xi32>
    %swap3A_2601 = vector.shape_cast %add3A_2595 : vector<16xi32> to vector<1x16xi32>
    tpu.vector_store %arg5[%swap3A_2597, %swap3A_2598], %swap3A_2601 {strides = array<i32>} : memref<32x128xi32, #tpu.memory_space<vmem>>, vector<1x16xi32>,
    %get3A_2602 = arith.constant 96 : index
    %get3A_2603 = tpu.vector_load %arg4[%get3A_2602] {strides = array<i32>} : memref<256xi32, #tpu.memory_space<vmem>>, vector<16xi32>,
    %get3A_2604 = vector.shape_cast %get3A_2603 : vector<16xi32> to vector<16xi32>
    %add3A_2605 = arith.constant 4480 : i32
    %add3A_2606 = vector.broadcast %add3A_2605 : i32 to vector<16xi32>
    %add3A_2607 = arith.addi %get3A_2604, %add3A_2606 : vector<16xi32>
    %swap3A_2608 = arith.constant 22 : i32
    %swap3A_2609 = arith.index_cast %swap3A_2608 : i32 to index
    %swap3A_2610 = arith.constant 96 : index
    %swap3A_2611 = tpu.vector_load %arg5[%swap3A_2609, %swap3A_2610] {strides = array<i32>} : memref<32x128xi32, #tpu.memory_space<vmem>>, vector<1x16xi32>,
    %swap3A_2612 = vector.shape_cast %swap3A_2611 : vector<1x16xi32> to vector<16xi32>
    %swap3A_2613 = vector.shape_cast %add3A_2607 : vector<16xi32> to vector<1x16xi32>
    tpu.vector_store %arg5[%swap3A_2609, %swap3A_2610], %swap3A_2613 {strides = array<i32>} : memref<32x128xi32, #tpu.memory_space<vmem>>, vector<1x16xi32>,
    %get3A_2614 = arith.constant 112 : index
    %get3A_2615 = tpu.vector_load %arg4[%get3A_2614] {strides = array<i32>} : memref<256xi32, #tpu.memory_space<vmem>>, vector<16xi32>,
    %get3A_2616 = vector.shape_cast %get3A_2615 : vector<16xi32> to vector<16xi32>
    %add3A_2617 = arith.constant 4480 : i32
    %add3A_2618 = vector.broadcast %add3A_2617 : i32 to vector<16xi32>
    %add3A_2619 = arith.addi %get3A_2616, %add3A_2618 : vector<16xi32>
    %swap3A_2620 = arith.constant 22 : i32
    %swap3A_2621 = arith.index_cast %swap3A_2620 : i32 to index
    %swap3A_2622 = arith.constant 112 : index
    %swap3A_2623 = tpu.vector_load %arg5[%swap3A_2621, %swap3A_2622] {strides = array<i32>} : memref<32x128xi32, #tpu.memory_space<vmem>>, vector<1x16xi32>,
    %swap3A_2624 = vector.shape_cast %swap3A_2623 : vector<1x16xi32> to vector<16xi32>
    %swap3A_2625 = vector.shape_cast %add3A_2619 : vector<16xi32> to vector<1x16xi32>
    tpu.vector_store %arg5[%swap3A_2621, %swap3A_2622], %swap3A_2625 {strides = array<i32>} : memref<32x128xi32, #tpu.memory_space<vmem>>, vector<1x16xi32>,
    %get3A_2626 = arith.constant 128 : index
    %get3A_2627 = tpu.vector_load %arg4[%get3A_2626] {strides = array<i32>} : memref<256xi32, #tpu.memory_space<vmem>>, vector<16xi32>,
    %get3A_2628 = vector.shape_cast %get3A_2627 : vector<16xi32> to vector<16xi32>
    %add3A_2629 = arith.constant 4480 : i32
    %add3A_2630 = vector.broadcast %add3A_2629 : i32 to vector<16xi32>
    %add3A_2631 = arith.addi %get3A_2628, %add3A_2630 : vector<16xi32>
    %swap3A_2632 = arith.constant 23 : i32
    %swap3A_2633 = arith.index_cast %swap3A_2632 : i32 to index
    %swap3A_2634 = arith.constant 0 : index
    %swap3A_2635 = tpu.vector_load %arg5[%swap3A_2633, %swap3A_2634] {strides = array<i32>} : memref<32x128xi32, #tpu.memory_space<vmem>>, vector<1x16xi32>,
    %swap3A_2636 = vector.shape_cast %swap3A_2635 : vector<1x16xi32> to vector<16xi32>
    %swap3A_2637 = vector.shape_cast %add3A_2631 : vector<16xi32> to vector<1x16xi32>
    tpu.vector_store %arg5[%swap3A_2633, %swap3A_2634], %swap3A_2637 {strides = array<i32>} : memref<32x128xi32, #tpu.memory_space<vmem>>, vector<1x16xi32>,
    %get3A_2638 = arith.constant 144 : index
    %get3A_2639 = tpu.vector_load %arg4[%get3A_2638] {strides = array<i32>} : memref<256xi32, #tpu.memory_space<vmem>>, vector<16xi32>,
    %get3A_2640 = vector.shape_cast %get3A_2639 : vector<16xi32> to vector<16xi32>
    %add3A_2641 = arith.constant 4480 : i32
    %add3A_2642 = vector.broadcast %add3A_2641 : i32 to vector<16xi32>
    %add3A_2643 = arith.addi %get3A_2640, %add3A_2642 : vector<16xi32>
    %swap3A_2644 = arith.constant 23 : i32
    %swap3A_2645 = arith.index_cast %swap3A_2644 : i32 to index
    %swap3A_2646 = arith.constant 16 : index
    %swap3A_2647 = tpu.vector_load %arg5[%swap3A_2645, %swap3A_2646] {strides = array<i32>} : memref<32x128xi32, #tpu.memory_space<vmem>>, vector<1x16xi32>,
    %swap3A_2648 = vector.shape_cast %swap3A_2647 : vector<1x16xi32> to vector<16xi32>
    %swap3A_2649 = vector.shape_cast %add3A_2643 : vector<16xi32> to vector<1x16xi32>
    tpu.vector_store %arg5[%swap3A_2645, %swap3A_2646], %swap3A_2649 {strides = array<i32>} : memref<32x128xi32, #tpu.memory_space<vmem>>, vector<1x16xi32>,
    %get3A_2650 = arith.constant 160 : index
    %get3A_2651 = tpu.vector_load %arg4[%get3A_2650] {strides = array<i32>} : memref<256xi32, #tpu.memory_space<vmem>>, vector<16xi32>,
    %get3A_2652 = vector.shape_cast %get3A_2651 : vector<16xi32> to vector<16xi32>
    %add3A_2653 = arith.constant 4480 : i32
    %add3A_2654 = vector.broadcast %add3A_2653 : i32 to vector<16xi32>
    %add3A_2655 = arith.addi %get3A_2652, %add3A_2654 : vector<16xi32>
    %swap3A_2656 = arith.constant 23 : i32
    %swap3A_2657 = arith.index_cast %swap3A_2656 : i32 to index
    %swap3A_2658 = arith.constant 32 : index
    %swap3A_2659 = tpu.vector_load %arg5[%swap3A_2657, %swap3A_2658] {strides = array<i32>} : memref<32x128xi32, #tpu.memory_space<vmem>>, vector<1x16xi32>,
    %swap3A_2660 = vector.shape_cast %swap3A_2659 : vector<1x16xi32> to vector<16xi32>
    %swap3A_2661 = vector.shape_cast %add3A_2655 : vector<16xi32> to vector<1x16xi32>
    tpu.vector_store %arg5[%swap3A_2657, %swap3A_2658], %swap3A_2661 {strides = array<i32>} : memref<32x128xi32, #tpu.memory_space<vmem>>, vector<1x16xi32>,
    %get3A_2662 = arith.constant 176 : index
    %get3A_2663 = tpu.vector_load %arg4[%get3A_2662] {strides = array<i32>} : memref<256xi32, #tpu.memory_space<vmem>>, vector<16xi32>,
    %get3A_2664 = vector.shape_cast %get3A_2663 : vector<16xi32> to vector<16xi32>
    %add3A_2665 = arith.constant 4480 : i32
    %add3A_2666 = vector.broadcast %add3A_2665 : i32 to vector<16xi32>
    %add3A_2667 = arith.addi %get3A_2664, %add3A_2666 : vector<16xi32>
    %swap3A_2668 = arith.constant 23 : i32
    %swap3A_2669 = arith.index_cast %swap3A_2668 : i32 to index
    %swap3A_2670 = arith.constant 48 : index
    %swap3A_2671 = tpu.vector_load %arg5[%swap3A_2669, %swap3A_2670] {strides = array<i32>} : memref<32x128xi32, #tpu.memory_space<vmem>>, vector<1x16xi32>,
    %swap3A_2672 = vector.shape_cast %swap3A_2671 : vector<1x16xi32> to vector<16xi32>
    %swap3A_2673 = vector.shape_cast %add3A_2667 : vector<16xi32> to vector<1x16xi32>
    tpu.vector_store %arg5[%swap3A_2669, %swap3A_2670], %swap3A_2673 {strides = array<i32>} : memref<32x128xi32, #tpu.memory_space<vmem>>, vector<1x16xi32>,
    %get3A_2674 = arith.constant 192 : index
    %get3A_2675 = tpu.vector_load %arg4[%get3A_2674] {strides = array<i32>} : memref<256xi32, #tpu.memory_space<vmem>>, vector<16xi32>,
    %get3A_2676 = vector.shape_cast %get3A_2675 : vector<16xi32> to vector<16xi32>
    %add3A_2677 = arith.constant 4480 : i32
    %add3A_2678 = vector.broadcast %add3A_2677 : i32 to vector<16xi32>
    %add3A_2679 = arith.addi %get3A_2676, %add3A_2678 : vector<16xi32>
    %swap3A_2680 = arith.constant 23 : i32
    %swap3A_2681 = arith.index_cast %swap3A_2680 : i32 to index
    %swap3A_2682 = arith.constant 64 : index
    %swap3A_2683 = tpu.vector_load %arg5[%swap3A_2681, %swap3A_2682] {strides = array<i32>} : memref<32x128xi32, #tpu.memory_space<vmem>>, vector<1x16xi32>,
    %swap3A_2684 = vector.shape_cast %swap3A_2683 : vector<1x16xi32> to vector<16xi32>
    %swap3A_2685 = vector.shape_cast %add3A_2679 : vector<16xi32> to vector<1x16xi32>
    tpu.vector_store %arg5[%swap3A_2681, %swap3A_2682], %swap3A_2685 {strides = array<i32>} : memref<32x128xi32, #tpu.memory_space<vmem>>, vector<1x16xi32>,
    %get3A_2686 = arith.constant 208 : index
    %get3A_2687 = tpu.vector_load %arg4[%get3A_2686] {strides = array<i32>} : memref<256xi32, #tpu.memory_space<vmem>>, vector<16xi32>,
    %get3A_2688 = vector.shape_cast %get3A_2687 : vector<16xi32> to vector<16xi32>
    %add3A_2689 = arith.constant 4480 : i32
    %add3A_2690 = vector.broadcast %add3A_2689 : i32 to vector<16xi32>
    %add3A_2691 = arith.addi %get3A_2688, %add3A_2690 : vector<16xi32>
    %swap3A_2692 = arith.constant 23 : i32
    %swap3A_2693 = arith.index_cast %swap3A_2692 : i32 to index
    %swap3A_2694 = arith.constant 80 : index
    %swap3A_2695 = tpu.vector_load %arg5[%swap3A_2693, %swap3A_2694] {strides = array<i32>} : memref<32x128xi32, #tpu.memory_space<vmem>>, vector<1x16xi32>,
    %swap3A_2696 = vector.shape_cast %swap3A_2695 : vector<1x16xi32> to vector<16xi32>
    %swap3A_2697 = vector.shape_cast %add3A_2691 : vector<16xi32> to vector<1x16xi32>
    tpu.vector_store %arg5[%swap3A_2693, %swap3A_2694], %swap3A_2697 {strides = array<i32>} : memref<32x128xi32, #tpu.memory_space<vmem>>, vector<1x16xi32>,
    %get3A_2698 = arith.constant 224 : index
    %get3A_2699 = tpu.vector_load %arg4[%get3A_2698] {strides = array<i32>} : memref<256xi32, #tpu.memory_space<vmem>>, vector<16xi32>,
    %get3A_2700 = vector.shape_cast %get3A_2699 : vector<16xi32> to vector<16xi32>
    %add3A_2701 = arith.constant 4480 : i32
    %add3A_2702 = vector.broadcast %add3A_2701 : i32 to vector<16xi32>
    %add3A_2703 = arith.addi %get3A_2700, %add3A_2702 : vector<16xi32>
    %swap3A_2704 = arith.constant 23 : i32
    %swap3A_2705 = arith.index_cast %swap3A_2704 : i32 to index
    %swap3A_2706 = arith.constant 96 : index
    %swap3A_2707 = tpu.vector_load %arg5[%swap3A_2705, %swap3A_2706] {strides = array<i32>} : memref<32x128xi32, #tpu.memory_space<vmem>>, vector<1x16xi32>,
    %swap3A_2708 = vector.shape_cast %swap3A_2707 : vector<1x16xi32> to vector<16xi32>
    %swap3A_2709 = vector.shape_cast %add3A_2703 : vector<16xi32> to vector<1x16xi32>
    tpu.vector_store %arg5[%swap3A_2705, %swap3A_2706], %swap3A_2709 {strides = array<i32>} : memref<32x128xi32, #tpu.memory_space<vmem>>, vector<1x16xi32>,
    %get3A_2710 = arith.constant 240 : index
    %get3A_2711 = tpu.vector_load %arg4[%get3A_2710] {strides = array<i32>} : memref<256xi32, #tpu.memory_space<vmem>>, vector<16xi32>,
    %get3A_2712 = vector.shape_cast %get3A_2711 : vector<16xi32> to vector<16xi32>
    %add3A_2713 = arith.constant 4480 : i32
    %add3A_2714 = vector.broadcast %add3A_2713 : i32 to vector<16xi32>
    %add3A_2715 = arith.addi %get3A_2712, %add3A_2714 : vector<16xi32>
    %swap3A_2716 = arith.constant 23 : i32
    %swap3A_2717 = arith.index_cast %swap3A_2716 : i32 to index
    %swap3A_2718 = arith.constant 112 : index
    %swap3A_2719 = tpu.vector_load %arg5[%swap3A_2717, %swap3A_2718] {strides = array<i32>} : memref<32x128xi32, #tpu.memory_space<vmem>>, vector<1x16xi32>,
    %swap3A_2720 = vector.shape_cast %swap3A_2719 : vector<1x16xi32> to vector<16xi32>
    %swap3A_2721 = vector.shape_cast %add3A_2715 : vector<16xi32> to vector<1x16xi32>
    tpu.vector_store %arg5[%swap3A_2717, %swap3A_2718], %swap3A_2721 {strides = array<i32>} : memref<32x128xi32, #tpu.memory_space<vmem>>, vector<1x16xi32>,
    %get3A_2722 = arith.constant 0 : index
    %get3A_2723 = tpu.vector_load %arg4[%get3A_2722] {strides = array<i32>} : memref<256xi32, #tpu.memory_space<vmem>>, vector<16xi32>,
    %get3A_2724 = vector.shape_cast %get3A_2723 : vector<16xi32> to vector<16xi32>
    %add3A_2725 = arith.constant 4608 : i32
    %add3A_2726 = vector.broadcast %add3A_2725 : i32 to vector<16xi32>
    %add3A_2727 = arith.addi %get3A_2724, %add3A_2726 : vector<16xi32>
    %swap3A_2728 = arith.constant 24 : i32
    %swap3A_2729 = arith.index_cast %swap3A_2728 : i32 to index
    %swap3A_2730 = arith.constant 0 : index
    %swap3A_2731 = tpu.vector_load %arg5[%swap3A_2729, %swap3A_2730] {strides = array<i32>} : memref<32x128xi32, #tpu.memory_space<vmem>>, vector<1x16xi32>,
    %swap3A_2732 = vector.shape_cast %swap3A_2731 : vector<1x16xi32> to vector<16xi32>
    %swap3A_2733 = vector.shape_cast %add3A_2727 : vector<16xi32> to vector<1x16xi32>
    tpu.vector_store %arg5[%swap3A_2729, %swap3A_2730], %swap3A_2733 {strides = array<i32>} : memref<32x128xi32, #tpu.memory_space<vmem>>, vector<1x16xi32>,
    %get3A_2734 = arith.constant 16 : index
    %get3A_2735 = tpu.vector_load %arg4[%get3A_2734] {strides = array<i32>} : memref<256xi32, #tpu.memory_space<vmem>>, vector<16xi32>,
    %get3A_2736 = vector.shape_cast %get3A_2735 : vector<16xi32> to vector<16xi32>
    %add3A_2737 = arith.constant 4608 : i32
    %add3A_2738 = vector.broadcast %add3A_2737 : i32 to vector<16xi32>
    %add3A_2739 = arith.addi %get3A_2736, %add3A_2738 : vector<16xi32>
    %swap3A_2740 = arith.constant 24 : i32
    %swap3A_2741 = arith.index_cast %swap3A_2740 : i32 to index
    %swap3A_2742 = arith.constant 16 : index
    %swap3A_2743 = tpu.vector_load %arg5[%swap3A_2741, %swap3A_2742] {strides = array<i32>} : memref<32x128xi32, #tpu.memory_space<vmem>>, vector<1x16xi32>,
    %swap3A_2744 = vector.shape_cast %swap3A_2743 : vector<1x16xi32> to vector<16xi32>
    %swap3A_2745 = vector.shape_cast %add3A_2739 : vector<16xi32> to vector<1x16xi32>
    tpu.vector_store %arg5[%swap3A_2741, %swap3A_2742], %swap3A_2745 {strides = array<i32>} : memref<32x128xi32, #tpu.memory_space<vmem>>, vector<1x16xi32>,
    %get3A_2746 = arith.constant 32 : index
    %get3A_2747 = tpu.vector_load %arg4[%get3A_2746] {strides = array<i32>} : memref<256xi32, #tpu.memory_space<vmem>>, vector<16xi32>,
    %get3A_2748 = vector.shape_cast %get3A_2747 : vector<16xi32> to vector<16xi32>
    %add3A_2749 = arith.constant 4608 : i32
    %add3A_2750 = vector.broadcast %add3A_2749 : i32 to vector<16xi32>
    %add3A_2751 = arith.addi %get3A_2748, %add3A_2750 : vector<16xi32>
    %swap3A_2752 = arith.constant 24 : i32
    %swap3A_2753 = arith.index_cast %swap3A_2752 : i32 to index
    %swap3A_2754 = arith.constant 32 : index
    %swap3A_2755 = tpu.vector_load %arg5[%swap3A_2753, %swap3A_2754] {strides = array<i32>} : memref<32x128xi32, #tpu.memory_space<vmem>>, vector<1x16xi32>,
    %swap3A_2756 = vector.shape_cast %swap3A_2755 : vector<1x16xi32> to vector<16xi32>
    %swap3A_2757 = vector.shape_cast %add3A_2751 : vector<16xi32> to vector<1x16xi32>
    tpu.vector_store %arg5[%swap3A_2753, %swap3A_2754], %swap3A_2757 {strides = array<i32>} : memref<32x128xi32, #tpu.memory_space<vmem>>, vector<1x16xi32>,
    %get3A_2758 = arith.constant 48 : index
    %get3A_2759 = tpu.vector_load %arg4[%get3A_2758] {strides = array<i32>} : memref<256xi32, #tpu.memory_space<vmem>>, vector<16xi32>,
    %get3A_2760 = vector.shape_cast %get3A_2759 : vector<16xi32> to vector<16xi32>
    %add3A_2761 = arith.constant 4608 : i32
    %add3A_2762 = vector.broadcast %add3A_2761 : i32 to vector<16xi32>
    %add3A_2763 = arith.addi %get3A_2760, %add3A_2762 : vector<16xi32>
    %swap3A_2764 = arith.constant 24 : i32
    %swap3A_2765 = arith.index_cast %swap3A_2764 : i32 to index
    %swap3A_2766 = arith.constant 48 : index
    %swap3A_2767 = tpu.vector_load %arg5[%swap3A_2765, %swap3A_2766] {strides = array<i32>} : memref<32x128xi32, #tpu.memory_space<vmem>>, vector<1x16xi32>,
    %swap3A_2768 = vector.shape_cast %swap3A_2767 : vector<1x16xi32> to vector<16xi32>
    %swap3A_2769 = vector.shape_cast %add3A_2763 : vector<16xi32> to vector<1x16xi32>
    tpu.vector_store %arg5[%swap3A_2765, %swap3A_2766], %swap3A_2769 {strides = array<i32>} : memref<32x128xi32, #tpu.memory_space<vmem>>, vector<1x16xi32>,
    %get3A_2770 = arith.constant 64 : index
    %get3A_2771 = tpu.vector_load %arg4[%get3A_2770] {strides = array<i32>} : memref<256xi32, #tpu.memory_space<vmem>>, vector<16xi32>,
    %get3A_2772 = vector.shape_cast %get3A_2771 : vector<16xi32> to vector<16xi32>
    %add3A_2773 = arith.constant 4608 : i32
    %add3A_2774 = vector.broadcast %add3A_2773 : i32 to vector<16xi32>
    %add3A_2775 = arith.addi %get3A_2772, %add3A_2774 : vector<16xi32>
    %swap3A_2776 = arith.constant 24 : i32
    %swap3A_2777 = arith.index_cast %swap3A_2776 : i32 to index
    %swap3A_2778 = arith.constant 64 : index
    %swap3A_2779 = tpu.vector_load %arg5[%swap3A_2777, %swap3A_2778] {strides = array<i32>} : memref<32x128xi32, #tpu.memory_space<vmem>>, vector<1x16xi32>,
    %swap3A_2780 = vector.shape_cast %swap3A_2779 : vector<1x16xi32> to vector<16xi32>
    %swap3A_2781 = vector.shape_cast %add3A_2775 : vector<16xi32> to vector<1x16xi32>
    tpu.vector_store %arg5[%swap3A_2777, %swap3A_2778], %swap3A_2781 {strides = array<i32>} : memref<32x128xi32, #tpu.memory_space<vmem>>, vector<1x16xi32>,
    %get3A_2782 = arith.constant 80 : index
    %get3A_2783 = tpu.vector_load %arg4[%get3A_2782] {strides = array<i32>} : memref<256xi32, #tpu.memory_space<vmem>>, vector<16xi32>,
    %get3A_2784 = vector.shape_cast %get3A_2783 : vector<16xi32> to vector<16xi32>
    %add3A_2785 = arith.constant 4608 : i32
    %add3A_2786 = vector.broadcast %add3A_2785 : i32 to vector<16xi32>
    %add3A_2787 = arith.addi %get3A_2784, %add3A_2786 : vector<16xi32>
    %swap3A_2788 = arith.constant 24 : i32
    %swap3A_2789 = arith.index_cast %swap3A_2788 : i32 to index
    %swap3A_2790 = arith.constant 80 : index
    %swap3A_2791 = tpu.vector_load %arg5[%swap3A_2789, %swap3A_2790] {strides = array<i32>} : memref<32x128xi32, #tpu.memory_space<vmem>>, vector<1x16xi32>,
    %swap3A_2792 = vector.shape_cast %swap3A_2791 : vector<1x16xi32> to vector<16xi32>
    %swap3A_2793 = vector.shape_cast %add3A_2787 : vector<16xi32> to vector<1x16xi32>
    tpu.vector_store %arg5[%swap3A_2789, %swap3A_2790], %swap3A_2793 {strides = array<i32>} : memref<32x128xi32, #tpu.memory_space<vmem>>, vector<1x16xi32>,
    %get3A_2794 = arith.constant 96 : index
    %get3A_2795 = tpu.vector_load %arg4[%get3A_2794] {strides = array<i32>} : memref<256xi32, #tpu.memory_space<vmem>>, vector<16xi32>,
    %get3A_2796 = vector.shape_cast %get3A_2795 : vector<16xi32> to vector<16xi32>
    %add3A_2797 = arith.constant 4608 : i32
    %add3A_2798 = vector.broadcast %add3A_2797 : i32 to vector<16xi32>
    %add3A_2799 = arith.addi %get3A_2796, %add3A_2798 : vector<16xi32>
    %swap3A_2800 = arith.constant 24 : i32
    %swap3A_2801 = arith.index_cast %swap3A_2800 : i32 to index
    %swap3A_2802 = arith.constant 96 : index
    %swap3A_2803 = tpu.vector_load %arg5[%swap3A_2801, %swap3A_2802] {strides = array<i32>} : memref<32x128xi32, #tpu.memory_space<vmem>>, vector<1x16xi32>,
    %swap3A_2804 = vector.shape_cast %swap3A_2803 : vector<1x16xi32> to vector<16xi32>
    %swap3A_2805 = vector.shape_cast %add3A_2799 : vector<16xi32> to vector<1x16xi32>
    tpu.vector_store %arg5[%swap3A_2801, %swap3A_2802], %swap3A_2805 {strides = array<i32>} : memref<32x128xi32, #tpu.memory_space<vmem>>, vector<1x16xi32>,
    %get3A_2806 = arith.constant 112 : index
    %get3A_2807 = tpu.vector_load %arg4[%get3A_2806] {strides = array<i32>} : memref<256xi32, #tpu.memory_space<vmem>>, vector<16xi32>,
    %get3A_2808 = vector.shape_cast %get3A_2807 : vector<16xi32> to vector<16xi32>
    %add3A_2809 = arith.constant 4608 : i32
    %add3A_2810 = vector.broadcast %add3A_2809 : i32 to vector<16xi32>
    %add3A_2811 = arith.addi %get3A_2808, %add3A_2810 : vector<16xi32>
    %swap3A_2812 = arith.constant 24 : i32
    %swap3A_2813 = arith.index_cast %swap3A_2812 : i32 to index
    %swap3A_2814 = arith.constant 112 : index
    %swap3A_2815 = tpu.vector_load %arg5[%swap3A_2813, %swap3A_2814] {strides = array<i32>} : memref<32x128xi32, #tpu.memory_space<vmem>>, vector<1x16xi32>,
    %swap3A_2816 = vector.shape_cast %swap3A_2815 : vector<1x16xi32> to vector<16xi32>
    %swap3A_2817 = vector.shape_cast %add3A_2811 : vector<16xi32> to vector<1x16xi32>
    tpu.vector_store %arg5[%swap3A_2813, %swap3A_2814], %swap3A_2817 {strides = array<i32>} : memref<32x128xi32, #tpu.memory_space<vmem>>, vector<1x16xi32>,
    %get3A_2818 = arith.constant 128 : index
    %get3A_2819 = tpu.vector_load %arg4[%get3A_2818] {strides = array<i32>} : memref<256xi32, #tpu.memory_space<vmem>>, vector<16xi32>,
    %get3A_2820 = vector.shape_cast %get3A_2819 : vector<16xi32> to vector<16xi32>
    %add3A_2821 = arith.constant 4608 : i32
    %add3A_2822 = vector.broadcast %add3A_2821 : i32 to vector<16xi32>
    %add3A_2823 = arith.addi %get3A_2820, %add3A_2822 : vector<16xi32>
    %swap3A_2824 = arith.constant 25 : i32
    %swap3A_2825 = arith.index_cast %swap3A_2824 : i32 to index
    %swap3A_2826 = arith.constant 0 : index
    %swap3A_2827 = tpu.vector_load %arg5[%swap3A_2825, %swap3A_2826] {strides = array<i32>} : memref<32x128xi32, #tpu.memory_space<vmem>>, vector<1x16xi32>,
    %swap3A_2828 = vector.shape_cast %swap3A_2827 : vector<1x16xi32> to vector<16xi32>
    %swap3A_2829 = vector.shape_cast %add3A_2823 : vector<16xi32> to vector<1x16xi32>
    tpu.vector_store %arg5[%swap3A_2825, %swap3A_2826], %swap3A_2829 {strides = array<i32>} : memref<32x128xi32, #tpu.memory_space<vmem>>, vector<1x16xi32>,
    %get3A_2830 = arith.constant 144 : index
    %get3A_2831 = tpu.vector_load %arg4[%get3A_2830] {strides = array<i32>} : memref<256xi32, #tpu.memory_space<vmem>>, vector<16xi32>,
    %get3A_2832 = vector.shape_cast %get3A_2831 : vector<16xi32> to vector<16xi32>
    %add3A_2833 = arith.constant 4608 : i32
    %add3A_2834 = vector.broadcast %add3A_2833 : i32 to vector<16xi32>
    %add3A_2835 = arith.addi %get3A_2832, %add3A_2834 : vector<16xi32>
    %swap3A_2836 = arith.constant 25 : i32
    %swap3A_2837 = arith.index_cast %swap3A_2836 : i32 to index
    %swap3A_2838 = arith.constant 16 : index
    %swap3A_2839 = tpu.vector_load %arg5[%swap3A_2837, %swap3A_2838] {strides = array<i32>} : memref<32x128xi32, #tpu.memory_space<vmem>>, vector<1x16xi32>,
    %swap3A_2840 = vector.shape_cast %swap3A_2839 : vector<1x16xi32> to vector<16xi32>
    %swap3A_2841 = vector.shape_cast %add3A_2835 : vector<16xi32> to vector<1x16xi32>
    tpu.vector_store %arg5[%swap3A_2837, %swap3A_2838], %swap3A_2841 {strides = array<i32>} : memref<32x128xi32, #tpu.memory_space<vmem>>, vector<1x16xi32>,
    %get3A_2842 = arith.constant 160 : index
    %get3A_2843 = tpu.vector_load %arg4[%get3A_2842] {strides = array<i32>} : memref<256xi32, #tpu.memory_space<vmem>>, vector<16xi32>,
    %get3A_2844 = vector.shape_cast %get3A_2843 : vector<16xi32> to vector<16xi32>
    %add3A_2845 = arith.constant 4608 : i32
    %add3A_2846 = vector.broadcast %add3A_2845 : i32 to vector<16xi32>
    %add3A_2847 = arith.addi %get3A_2844, %add3A_2846 : vector<16xi32>
    %swap3A_2848 = arith.constant 25 : i32
    %swap3A_2849 = arith.index_cast %swap3A_2848 : i32 to index
    %swap3A_2850 = arith.constant 32 : index
    %swap3A_2851 = tpu.vector_load %arg5[%swap3A_2849, %swap3A_2850] {strides = array<i32>} : memref<32x128xi32, #tpu.memory_space<vmem>>, vector<1x16xi32>,
    %swap3A_2852 = vector.shape_cast %swap3A_2851 : vector<1x16xi32> to vector<16xi32>
    %swap3A_2853 = vector.shape_cast %add3A_2847 : vector<16xi32> to vector<1x16xi32>
    tpu.vector_store %arg5[%swap3A_2849, %swap3A_2850], %swap3A_2853 {strides = array<i32>} : memref<32x128xi32, #tpu.memory_space<vmem>>, vector<1x16xi32>,
    %get3A_2854 = arith.constant 176 : index
    %get3A_2855 = tpu.vector_load %arg4[%get3A_2854] {strides = array<i32>} : memref<256xi32, #tpu.memory_space<vmem>>, vector<16xi32>,
    %get3A_2856 = vector.shape_cast %get3A_2855 : vector<16xi32> to vector<16xi32>
    %add3A_2857 = arith.constant 4608 : i32
    %add3A_2858 = vector.broadcast %add3A_2857 : i32 to vector<16xi32>
    %add3A_2859 = arith.addi %get3A_2856, %add3A_2858 : vector<16xi32>
    %swap3A_2860 = arith.constant 25 : i32
    %swap3A_2861 = arith.index_cast %swap3A_2860 : i32 to index
    %swap3A_2862 = arith.constant 48 : index
    %swap3A_2863 = tpu.vector_load %arg5[%swap3A_2861, %swap3A_2862] {strides = array<i32>} : memref<32x128xi32, #tpu.memory_space<vmem>>, vector<1x16xi32>,
    %swap3A_2864 = vector.shape_cast %swap3A_2863 : vector<1x16xi32> to vector<16xi32>
    %swap3A_2865 = vector.shape_cast %add3A_2859 : vector<16xi32> to vector<1x16xi32>
    tpu.vector_store %arg5[%swap3A_2861, %swap3A_2862], %swap3A_2865 {strides = array<i32>} : memref<32x128xi32, #tpu.memory_space<vmem>>, vector<1x16xi32>,
    %get3A_2866 = arith.constant 192 : index
    %get3A_2867 = tpu.vector_load %arg4[%get3A_2866] {strides = array<i32>} : memref<256xi32, #tpu.memory_space<vmem>>, vector<16xi32>,
    %get3A_2868 = vector.shape_cast %get3A_2867 : vector<16xi32> to vector<16xi32>
    %add3A_2869 = arith.constant 4608 : i32
    %add3A_2870 = vector.broadcast %add3A_2869 : i32 to vector<16xi32>
    %add3A_2871 = arith.addi %get3A_2868, %add3A_2870 : vector<16xi32>
    %swap3A_2872 = arith.constant 25 : i32
    %swap3A_2873 = arith.index_cast %swap3A_2872 : i32 to index
    %swap3A_2874 = arith.constant 64 : index
    %swap3A_2875 = tpu.vector_load %arg5[%swap3A_2873, %swap3A_2874] {strides = array<i32>} : memref<32x128xi32, #tpu.memory_space<vmem>>, vector<1x16xi32>,
    %swap3A_2876 = vector.shape_cast %swap3A_2875 : vector<1x16xi32> to vector<16xi32>
    %swap3A_2877 = vector.shape_cast %add3A_2871 : vector<16xi32> to vector<1x16xi32>
    tpu.vector_store %arg5[%swap3A_2873, %swap3A_2874], %swap3A_2877 {strides = array<i32>} : memref<32x128xi32, #tpu.memory_space<vmem>>, vector<1x16xi32>,
    %get3A_2878 = arith.constant 208 : index
    %get3A_2879 = tpu.vector_load %arg4[%get3A_2878] {strides = array<i32>} : memref<256xi32, #tpu.memory_space<vmem>>, vector<16xi32>,
    %get3A_2880 = vector.shape_cast %get3A_2879 : vector<16xi32> to vector<16xi32>
    %add3A_2881 = arith.constant 4608 : i32
    %add3A_2882 = vector.broadcast %add3A_2881 : i32 to vector<16xi32>
    %add3A_2883 = arith.addi %get3A_2880, %add3A_2882 : vector<16xi32>
    %swap3A_2884 = arith.constant 25 : i32
    %swap3A_2885 = arith.index_cast %swap3A_2884 : i32 to index
    %swap3A_2886 = arith.constant 80 : index
    %swap3A_2887 = tpu.vector_load %arg5[%swap3A_2885, %swap3A_2886] {strides = array<i32>} : memref<32x128xi32, #tpu.memory_space<vmem>>, vector<1x16xi32>,
    %swap3A_2888 = vector.shape_cast %swap3A_2887 : vector<1x16xi32> to vector<16xi32>
    %swap3A_2889 = vector.shape_cast %add3A_2883 : vector<16xi32> to vector<1x16xi32>
    tpu.vector_store %arg5[%swap3A_2885, %swap3A_2886], %swap3A_2889 {strides = array<i32>} : memref<32x128xi32, #tpu.memory_space<vmem>>, vector<1x16xi32>,
    %get3A_2890 = arith.constant 224 : index
    %get3A_2891 = tpu.vector_load %arg4[%get3A_2890] {strides = array<i32>} : memref<256xi32, #tpu.memory_space<vmem>>, vector<16xi32>,
    %get3A_2892 = vector.shape_cast %get3A_2891 : vector<16xi32> to vector<16xi32>
    %add3A_2893 = arith.constant 4608 : i32
    %add3A_2894 = vector.broadcast %add3A_2893 : i32 to vector<16xi32>
    %add3A_2895 = arith.addi %get3A_2892, %add3A_2894 : vector<16xi32>
    %swap3A_2896 = arith.constant 25 : i32
    %swap3A_2897 = arith.index_cast %swap3A_2896 : i32 to index
    %swap3A_2898 = arith.constant 96 : index
    %swap3A_2899 = tpu.vector_load %arg5[%swap3A_2897, %swap3A_2898] {strides = array<i32>} : memref<32x128xi32, #tpu.memory_space<vmem>>, vector<1x16xi32>,
    %swap3A_2900 = vector.shape_cast %swap3A_2899 : vector<1x16xi32> to vector<16xi32>
    %swap3A_2901 = vector.shape_cast %add3A_2895 : vector<16xi32> to vector<1x16xi32>
    tpu.vector_store %arg5[%swap3A_2897, %swap3A_2898], %swap3A_2901 {strides = array<i32>} : memref<32x128xi32, #tpu.memory_space<vmem>>, vector<1x16xi32>,
    %get3A_2902 = arith.constant 240 : index
    %get3A_2903 = tpu.vector_load %arg4[%get3A_2902] {strides = array<i32>} : memref<256xi32, #tpu.memory_space<vmem>>, vector<16xi32>,
    %get3A_2904 = vector.shape_cast %get3A_2903 : vector<16xi32> to vector<16xi32>
    %add3A_2905 = arith.constant 4608 : i32
    %add3A_2906 = vector.broadcast %add3A_2905 : i32 to vector<16xi32>
    %add3A_2907 = arith.addi %get3A_2904, %add3A_2906 : vector<16xi32>
    %swap3A_2908 = arith.constant 25 : i32
    %swap3A_2909 = arith.index_cast %swap3A_2908 : i32 to index
    %swap3A_2910 = arith.constant 112 : index
    %swap3A_2911 = tpu.vector_load %arg5[%swap3A_2909, %swap3A_2910] {strides = array<i32>} : memref<32x128xi32, #tpu.memory_space<vmem>>, vector<1x16xi32>,
    %swap3A_2912 = vector.shape_cast %swap3A_2911 : vector<1x16xi32> to vector<16xi32>
    %swap3A_2913 = vector.shape_cast %add3A_2907 : vector<16xi32> to vector<1x16xi32>
    tpu.vector_store %arg5[%swap3A_2909, %swap3A_2910], %swap3A_2913 {strides = array<i32>} : memref<32x128xi32, #tpu.memory_space<vmem>>, vector<1x16xi32>,
    %get3A_2914 = arith.constant 0 : index
    %get3A_2915 = tpu.vector_load %arg4[%get3A_2914] {strides = array<i32>} : memref<256xi32, #tpu.memory_space<vmem>>, vector<16xi32>,
    %get3A_2916 = vector.shape_cast %get3A_2915 : vector<16xi32> to vector<16xi32>
    %add3A_2917 = arith.constant 4736 : i32
    %add3A_2918 = vector.broadcast %add3A_2917 : i32 to vector<16xi32>
    %add3A_2919 = arith.addi %get3A_2916, %add3A_2918 : vector<16xi32>
    %swap3A_2920 = arith.constant 26 : i32
    %swap3A_2921 = arith.index_cast %swap3A_2920 : i32 to index
    %swap3A_2922 = arith.constant 0 : index
    %swap3A_2923 = tpu.vector_load %arg5[%swap3A_2921, %swap3A_2922] {strides = array<i32>} : memref<32x128xi32, #tpu.memory_space<vmem>>, vector<1x16xi32>,
    %swap3A_2924 = vector.shape_cast %swap3A_2923 : vector<1x16xi32> to vector<16xi32>
    %swap3A_2925 = vector.shape_cast %add3A_2919 : vector<16xi32> to vector<1x16xi32>
    tpu.vector_store %arg5[%swap3A_2921, %swap3A_2922], %swap3A_2925 {strides = array<i32>} : memref<32x128xi32, #tpu.memory_space<vmem>>, vector<1x16xi32>,
    %get3A_2926 = arith.constant 16 : index
    %get3A_2927 = tpu.vector_load %arg4[%get3A_2926] {strides = array<i32>} : memref<256xi32, #tpu.memory_space<vmem>>, vector<16xi32>,
    %get3A_2928 = vector.shape_cast %get3A_2927 : vector<16xi32> to vector<16xi32>
    %add3A_2929 = arith.constant 4736 : i32
    %add3A_2930 = vector.broadcast %add3A_2929 : i32 to vector<16xi32>
    %add3A_2931 = arith.addi %get3A_2928, %add3A_2930 : vector<16xi32>
    %swap3A_2932 = arith.constant 26 : i32
    %swap3A_2933 = arith.index_cast %swap3A_2932 : i32 to index
    %swap3A_2934 = arith.constant 16 : index
    %swap3A_2935 = tpu.vector_load %arg5[%swap3A_2933, %swap3A_2934] {strides = array<i32>} : memref<32x128xi32, #tpu.memory_space<vmem>>, vector<1x16xi32>,
    %swap3A_2936 = vector.shape_cast %swap3A_2935 : vector<1x16xi32> to vector<16xi32>
    %swap3A_2937 = vector.shape_cast %add3A_2931 : vector<16xi32> to vector<1x16xi32>
    tpu.vector_store %arg5[%swap3A_2933, %swap3A_2934], %swap3A_2937 {strides = array<i32>} : memref<32x128xi32, #tpu.memory_space<vmem>>, vector<1x16xi32>,
    %get3A_2938 = arith.constant 32 : index
    %get3A_2939 = tpu.vector_load %arg4[%get3A_2938] {strides = array<i32>} : memref<256xi32, #tpu.memory_space<vmem>>, vector<16xi32>,
    %get3A_2940 = vector.shape_cast %get3A_2939 : vector<16xi32> to vector<16xi32>
    %add3A_2941 = arith.constant 4736 : i32
    %add3A_2942 = vector.broadcast %add3A_2941 : i32 to vector<16xi32>
    %add3A_2943 = arith.addi %get3A_2940, %add3A_2942 : vector<16xi32>
    %swap3A_2944 = arith.constant 26 : i32
    %swap3A_2945 = arith.index_cast %swap3A_2944 : i32 to index
    %swap3A_2946 = arith.constant 32 : index
    %swap3A_2947 = tpu.vector_load %arg5[%swap3A_2945, %swap3A_2946] {strides = array<i32>} : memref<32x128xi32, #tpu.memory_space<vmem>>, vector<1x16xi32>,
    %swap3A_2948 = vector.shape_cast %swap3A_2947 : vector<1x16xi32> to vector<16xi32>
    %swap3A_2949 = vector.shape_cast %add3A_2943 : vector<16xi32> to vector<1x16xi32>
    tpu.vector_store %arg5[%swap3A_2945, %swap3A_2946], %swap3A_2949 {strides = array<i32>} : memref<32x128xi32, #tpu.memory_space<vmem>>, vector<1x16xi32>,
    %get3A_2950 = arith.constant 48 : index
    %get3A_2951 = tpu.vector_load %arg4[%get3A_2950] {strides = array<i32>} : memref<256xi32, #tpu.memory_space<vmem>>, vector<16xi32>,
    %get3A_2952 = vector.shape_cast %get3A_2951 : vector<16xi32> to vector<16xi32>
    %add3A_2953 = arith.constant 4736 : i32
    %add3A_2954 = vector.broadcast %add3A_2953 : i32 to vector<16xi32>
    %add3A_2955 = arith.addi %get3A_2952, %add3A_2954 : vector<16xi32>
    %swap3A_2956 = arith.constant 26 : i32
    %swap3A_2957 = arith.index_cast %swap3A_2956 : i32 to index
    %swap3A_2958 = arith.constant 48 : index
    %swap3A_2959 = tpu.vector_load %arg5[%swap3A_2957, %swap3A_2958] {strides = array<i32>} : memref<32x128xi32, #tpu.memory_space<vmem>>, vector<1x16xi32>,
    %swap3A_2960 = vector.shape_cast %swap3A_2959 : vector<1x16xi32> to vector<16xi32>
    %swap3A_2961 = vector.shape_cast %add3A_2955 : vector<16xi32> to vector<1x16xi32>
    tpu.vector_store %arg5[%swap3A_2957, %swap3A_2958], %swap3A_2961 {strides = array<i32>} : memref<32x128xi32, #tpu.memory_space<vmem>>, vector<1x16xi32>,
    %get3A_2962 = arith.constant 64 : index
    %get3A_2963 = tpu.vector_load %arg4[%get3A_2962] {strides = array<i32>} : memref<256xi32, #tpu.memory_space<vmem>>, vector<16xi32>,
    %get3A_2964 = vector.shape_cast %get3A_2963 : vector<16xi32> to vector<16xi32>
    %add3A_2965 = arith.constant 4736 : i32
    %add3A_2966 = vector.broadcast %add3A_2965 : i32 to vector<16xi32>
    %add3A_2967 = arith.addi %get3A_2964, %add3A_2966 : vector<16xi32>
    %swap3A_2968 = arith.constant 26 : i32
    %swap3A_2969 = arith.index_cast %swap3A_2968 : i32 to index
    %swap3A_2970 = arith.constant 64 : index
    %swap3A_2971 = tpu.vector_load %arg5[%swap3A_2969, %swap3A_2970] {strides = array<i32>} : memref<32x128xi32, #tpu.memory_space<vmem>>, vector<1x16xi32>,
    %swap3A_2972 = vector.shape_cast %swap3A_2971 : vector<1x16xi32> to vector<16xi32>
    %swap3A_2973 = vector.shape_cast %add3A_2967 : vector<16xi32> to vector<1x16xi32>
    tpu.vector_store %arg5[%swap3A_2969, %swap3A_2970], %swap3A_2973 {strides = array<i32>} : memref<32x128xi32, #tpu.memory_space<vmem>>, vector<1x16xi32>,
    %get3A_2974 = arith.constant 80 : index
    %get3A_2975 = tpu.vector_load %arg4[%get3A_2974] {strides = array<i32>} : memref<256xi32, #tpu.memory_space<vmem>>, vector<16xi32>,
    %get3A_2976 = vector.shape_cast %get3A_2975 : vector<16xi32> to vector<16xi32>
    %add3A_2977 = arith.constant 4736 : i32
    %add3A_2978 = vector.broadcast %add3A_2977 : i32 to vector<16xi32>
    %add3A_2979 = arith.addi %get3A_2976, %add3A_2978 : vector<16xi32>
    %swap3A_2980 = arith.constant 26 : i32
    %swap3A_2981 = arith.index_cast %swap3A_2980 : i32 to index
    %swap3A_2982 = arith.constant 80 : index
    %swap3A_2983 = tpu.vector_load %arg5[%swap3A_2981, %swap3A_2982] {strides = array<i32>} : memref<32x128xi32, #tpu.memory_space<vmem>>, vector<1x16xi32>,
    %swap3A_2984 = vector.shape_cast %swap3A_2983 : vector<1x16xi32> to vector<16xi32>
    %swap3A_2985 = vector.shape_cast %add3A_2979 : vector<16xi32> to vector<1x16xi32>
    tpu.vector_store %arg5[%swap3A_2981, %swap3A_2982], %swap3A_2985 {strides = array<i32>} : memref<32x128xi32, #tpu.memory_space<vmem>>, vector<1x16xi32>,
    %get3A_2986 = arith.constant 96 : index
    %get3A_2987 = tpu.vector_load %arg4[%get3A_2986] {strides = array<i32>} : memref<256xi32, #tpu.memory_space<vmem>>, vector<16xi32>,
    %get3A_2988 = vector.shape_cast %get3A_2987 : vector<16xi32> to vector<16xi32>
    %add3A_2989 = arith.constant 4736 : i32
    %add3A_2990 = vector.broadcast %add3A_2989 : i32 to vector<16xi32>
    %add3A_2991 = arith.addi %get3A_2988, %add3A_2990 : vector<16xi32>
    %swap3A_2992 = arith.constant 26 : i32
    %swap3A_2993 = arith.index_cast %swap3A_2992 : i32 to index
    %swap3A_2994 = arith.constant 96 : index
    %swap3A_2995 = tpu.vector_load %arg5[%swap3A_2993, %swap3A_2994] {strides = array<i32>} : memref<32x128xi32, #tpu.memory_space<vmem>>, vector<1x16xi32>,
    %swap3A_2996 = vector.shape_cast %swap3A_2995 : vector<1x16xi32> to vector<16xi32>
    %swap3A_2997 = vector.shape_cast %add3A_2991 : vector<16xi32> to vector<1x16xi32>
    tpu.vector_store %arg5[%swap3A_2993, %swap3A_2994], %swap3A_2997 {strides = array<i32>} : memref<32x128xi32, #tpu.memory_space<vmem>>, vector<1x16xi32>,
    %get3A_2998 = arith.constant 112 : index
    %get3A_2999 = tpu.vector_load %arg4[%get3A_2998] {strides = array<i32>} : memref<256xi32, #tpu.memory_space<vmem>>, vector<16xi32>,
    %get3A_3000 = vector.shape_cast %get3A_2999 : vector<16xi32> to vector<16xi32>
    %add3A_3001 = arith.constant 4736 : i32
    %add3A_3002 = vector.broadcast %add3A_3001 : i32 to vector<16xi32>
    %add3A_3003 = arith.addi %get3A_3000, %add3A_3002 : vector<16xi32>
    %swap3A_3004 = arith.constant 26 : i32
    %swap3A_3005 = arith.index_cast %swap3A_3004 : i32 to index
    %swap3A_3006 = arith.constant 112 : index
    %swap3A_3007 = tpu.vector_load %arg5[%swap3A_3005, %swap3A_3006] {strides = array<i32>} : memref<32x128xi32, #tpu.memory_space<vmem>>, vector<1x16xi32>,
    %swap3A_3008 = vector.shape_cast %swap3A_3007 : vector<1x16xi32> to vector<16xi32>
    %swap3A_3009 = vector.shape_cast %add3A_3003 : vector<16xi32> to vector<1x16xi32>
    tpu.vector_store %arg5[%swap3A_3005, %swap3A_3006], %swap3A_3009 {strides = array<i32>} : memref<32x128xi32, #tpu.memory_space<vmem>>, vector<1x16xi32>,
    %get3A_3010 = arith.constant 128 : index
    %get3A_3011 = tpu.vector_load %arg4[%get3A_3010] {strides = array<i32>} : memref<256xi32, #tpu.memory_space<vmem>>, vector<16xi32>,
    %get3A_3012 = vector.shape_cast %get3A_3011 : vector<16xi32> to vector<16xi32>
    %add3A_3013 = arith.constant 4736 : i32
    %add3A_3014 = vector.broadcast %add3A_3013 : i32 to vector<16xi32>
    %add3A_3015 = arith.addi %get3A_3012, %add3A_3014 : vector<16xi32>
    %swap3A_3016 = arith.constant 27 : i32
    %swap3A_3017 = arith.index_cast %swap3A_3016 : i32 to index
    %swap3A_3018 = arith.constant 0 : index
    %swap3A_3019 = tpu.vector_load %arg5[%swap3A_3017, %swap3A_3018] {strides = array<i32>} : memref<32x128xi32, #tpu.memory_space<vmem>>, vector<1x16xi32>,
    %swap3A_3020 = vector.shape_cast %swap3A_3019 : vector<1x16xi32> to vector<16xi32>
    %swap3A_3021 = vector.shape_cast %add3A_3015 : vector<16xi32> to vector<1x16xi32>
    tpu.vector_store %arg5[%swap3A_3017, %swap3A_3018], %swap3A_3021 {strides = array<i32>} : memref<32x128xi32, #tpu.memory_space<vmem>>, vector<1x16xi32>,
    %get3A_3022 = arith.constant 144 : index
    %get3A_3023 = tpu.vector_load %arg4[%get3A_3022] {strides = array<i32>} : memref<256xi32, #tpu.memory_space<vmem>>, vector<16xi32>,
    %get3A_3024 = vector.shape_cast %get3A_3023 : vector<16xi32> to vector<16xi32>
    %add3A_3025 = arith.constant 4736 : i32
    %add3A_3026 = vector.broadcast %add3A_3025 : i32 to vector<16xi32>
    %add3A_3027 = arith.addi %get3A_3024, %add3A_3026 : vector<16xi32>
    %swap3A_3028 = arith.constant 27 : i32
    %swap3A_3029 = arith.index_cast %swap3A_3028 : i32 to index
    %swap3A_3030 = arith.constant 16 : index
    %swap3A_3031 = tpu.vector_load %arg5[%swap3A_3029, %swap3A_3030] {strides = array<i32>} : memref<32x128xi32, #tpu.memory_space<vmem>>, vector<1x16xi32>,
    %swap3A_3032 = vector.shape_cast %swap3A_3031 : vector<1x16xi32> to vector<16xi32>
    %swap3A_3033 = vector.shape_cast %add3A_3027 : vector<16xi32> to vector<1x16xi32>
    tpu.vector_store %arg5[%swap3A_3029, %swap3A_3030], %swap3A_3033 {strides = array<i32>} : memref<32x128xi32, #tpu.memory_space<vmem>>, vector<1x16xi32>,
    %get3A_3034 = arith.constant 160 : index
    %get3A_3035 = tpu.vector_load %arg4[%get3A_3034] {strides = array<i32>} : memref<256xi32, #tpu.memory_space<vmem>>, vector<16xi32>,
    %get3A_3036 = vector.shape_cast %get3A_3035 : vector<16xi32> to vector<16xi32>
    %add3A_3037 = arith.constant 4736 : i32
    %add3A_3038 = vector.broadcast %add3A_3037 : i32 to vector<16xi32>
    %add3A_3039 = arith.addi %get3A_3036, %add3A_3038 : vector<16xi32>
    %swap3A_3040 = arith.constant 27 : i32
    %swap3A_3041 = arith.index_cast %swap3A_3040 : i32 to index
    %swap3A_3042 = arith.constant 32 : index
    %swap3A_3043 = tpu.vector_load %arg5[%swap3A_3041, %swap3A_3042] {strides = array<i32>} : memref<32x128xi32, #tpu.memory_space<vmem>>, vector<1x16xi32>,
    %swap3A_3044 = vector.shape_cast %swap3A_3043 : vector<1x16xi32> to vector<16xi32>
    %swap3A_3045 = vector.shape_cast %add3A_3039 : vector<16xi32> to vector<1x16xi32>
    tpu.vector_store %arg5[%swap3A_3041, %swap3A_3042], %swap3A_3045 {strides = array<i32>} : memref<32x128xi32, #tpu.memory_space<vmem>>, vector<1x16xi32>,
    %get3A_3046 = arith.constant 176 : index
    %get3A_3047 = tpu.vector_load %arg4[%get3A_3046] {strides = array<i32>} : memref<256xi32, #tpu.memory_space<vmem>>, vector<16xi32>,
    %get3A_3048 = vector.shape_cast %get3A_3047 : vector<16xi32> to vector<16xi32>
    %add3A_3049 = arith.constant 4736 : i32
    %add3A_3050 = vector.broadcast %add3A_3049 : i32 to vector<16xi32>
    %add3A_3051 = arith.addi %get3A_3048, %add3A_3050 : vector<16xi32>
    %swap3A_3052 = arith.constant 27 : i32
    %swap3A_3053 = arith.index_cast %swap3A_3052 : i32 to index
    %swap3A_3054 = arith.constant 48 : index
    %swap3A_3055 = tpu.vector_load %arg5[%swap3A_3053, %swap3A_3054] {strides = array<i32>} : memref<32x128xi32, #tpu.memory_space<vmem>>, vector<1x16xi32>,
    %swap3A_3056 = vector.shape_cast %swap3A_3055 : vector<1x16xi32> to vector<16xi32>
    %swap3A_3057 = vector.shape_cast %add3A_3051 : vector<16xi32> to vector<1x16xi32>
    tpu.vector_store %arg5[%swap3A_3053, %swap3A_3054], %swap3A_3057 {strides = array<i32>} : memref<32x128xi32, #tpu.memory_space<vmem>>, vector<1x16xi32>,
    %get3A_3058 = arith.constant 192 : index
    %get3A_3059 = tpu.vector_load %arg4[%get3A_3058] {strides = array<i32>} : memref<256xi32, #tpu.memory_space<vmem>>, vector<16xi32>,
    %get3A_3060 = vector.shape_cast %get3A_3059 : vector<16xi32> to vector<16xi32>
    %add3A_3061 = arith.constant 4736 : i32
    %add3A_3062 = vector.broadcast %add3A_3061 : i32 to vector<16xi32>
    %add3A_3063 = arith.addi %get3A_3060, %add3A_3062 : vector<16xi32>
    %swap3A_3064 = arith.constant 27 : i32
    %swap3A_3065 = arith.index_cast %swap3A_3064 : i32 to index
    %swap3A_3066 = arith.constant 64 : index
    %swap3A_3067 = tpu.vector_load %arg5[%swap3A_3065, %swap3A_3066] {strides = array<i32>} : memref<32x128xi32, #tpu.memory_space<vmem>>, vector<1x16xi32>,
    %swap3A_3068 = vector.shape_cast %swap3A_3067 : vector<1x16xi32> to vector<16xi32>
    %swap3A_3069 = vector.shape_cast %add3A_3063 : vector<16xi32> to vector<1x16xi32>
    tpu.vector_store %arg5[%swap3A_3065, %swap3A_3066], %swap3A_3069 {strides = array<i32>} : memref<32x128xi32, #tpu.memory_space<vmem>>, vector<1x16xi32>,
    %get3A_3070 = arith.constant 208 : index
    %get3A_3071 = tpu.vector_load %arg4[%get3A_3070] {strides = array<i32>} : memref<256xi32, #tpu.memory_space<vmem>>, vector<16xi32>,
    %get3A_3072 = vector.shape_cast %get3A_3071 : vector<16xi32> to vector<16xi32>
    %add3A_3073 = arith.constant 4736 : i32
    %add3A_3074 = vector.broadcast %add3A_3073 : i32 to vector<16xi32>
    %add3A_3075 = arith.addi %get3A_3072, %add3A_3074 : vector<16xi32>
    %swap3A_3076 = arith.constant 27 : i32
    %swap3A_3077 = arith.index_cast %swap3A_3076 : i32 to index
    %swap3A_3078 = arith.constant 80 : index
    %swap3A_3079 = tpu.vector_load %arg5[%swap3A_3077, %swap3A_3078] {strides = array<i32>} : memref<32x128xi32, #tpu.memory_space<vmem>>, vector<1x16xi32>,
    %swap3A_3080 = vector.shape_cast %swap3A_3079 : vector<1x16xi32> to vector<16xi32>
    %swap3A_3081 = vector.shape_cast %add3A_3075 : vector<16xi32> to vector<1x16xi32>
    tpu.vector_store %arg5[%swap3A_3077, %swap3A_3078], %swap3A_3081 {strides = array<i32>} : memref<32x128xi32, #tpu.memory_space<vmem>>, vector<1x16xi32>,
    %get3A_3082 = arith.constant 224 : index
    %get3A_3083 = tpu.vector_load %arg4[%get3A_3082] {strides = array<i32>} : memref<256xi32, #tpu.memory_space<vmem>>, vector<16xi32>,
    %get3A_3084 = vector.shape_cast %get3A_3083 : vector<16xi32> to vector<16xi32>
    %add3A_3085 = arith.constant 4736 : i32
    %add3A_3086 = vector.broadcast %add3A_3085 : i32 to vector<16xi32>
    %add3A_3087 = arith.addi %get3A_3084, %add3A_3086 : vector<16xi32>
    %swap3A_3088 = arith.constant 27 : i32
    %swap3A_3089 = arith.index_cast %swap3A_3088 : i32 to index
    %swap3A_3090 = arith.constant 96 : index
    %swap3A_3091 = tpu.vector_load %arg5[%swap3A_3089, %swap3A_3090] {strides = array<i32>} : memref<32x128xi32, #tpu.memory_space<vmem>>, vector<1x16xi32>,
    %swap3A_3092 = vector.shape_cast %swap3A_3091 : vector<1x16xi32> to vector<16xi32>
    %swap3A_3093 = vector.shape_cast %add3A_3087 : vector<16xi32> to vector<1x16xi32>
    tpu.vector_store %arg5[%swap3A_3089, %swap3A_3090], %swap3A_3093 {strides = array<i32>} : memref<32x128xi32, #tpu.memory_space<vmem>>, vector<1x16xi32>,
    %get3A_3094 = arith.constant 240 : index
    %get3A_3095 = tpu.vector_load %arg4[%get3A_3094] {strides = array<i32>} : memref<256xi32, #tpu.memory_space<vmem>>, vector<16xi32>,
    %get3A_3096 = vector.shape_cast %get3A_3095 : vector<16xi32> to vector<16xi32>
    %add3A_3097 = arith.constant 4736 : i32
    %add3A_3098 = vector.broadcast %add3A_3097 : i32 to vector<16xi32>
    %add3A_3099 = arith.addi %get3A_3096, %add3A_3098 : vector<16xi32>
    %swap3A_3100 = arith.constant 27 : i32
    %swap3A_3101 = arith.index_cast %swap3A_3100 : i32 to index
    %swap3A_3102 = arith.constant 112 : index
    %swap3A_3103 = tpu.vector_load %arg5[%swap3A_3101, %swap3A_3102] {strides = array<i32>} : memref<32x128xi32, #tpu.memory_space<vmem>>, vector<1x16xi32>,
    %swap3A_3104 = vector.shape_cast %swap3A_3103 : vector<1x16xi32> to vector<16xi32>
    %swap3A_3105 = vector.shape_cast %add3A_3099 : vector<16xi32> to vector<1x16xi32>
    tpu.vector_store %arg5[%swap3A_3101, %swap3A_3102], %swap3A_3105 {strides = array<i32>} : memref<32x128xi32, #tpu.memory_space<vmem>>, vector<1x16xi32>,
    %get3A_3106 = arith.constant 0 : index
    %get3A_3107 = tpu.vector_load %arg4[%get3A_3106] {strides = array<i32>} : memref<256xi32, #tpu.memory_space<vmem>>, vector<16xi32>,
    %get3A_3108 = vector.shape_cast %get3A_3107 : vector<16xi32> to vector<16xi32>
    %add3A_3109 = arith.constant 4864 : i32
    %add3A_3110 = vector.broadcast %add3A_3109 : i32 to vector<16xi32>
    %add3A_3111 = arith.addi %get3A_3108, %add3A_3110 : vector<16xi32>
    %swap3A_3112 = arith.constant 28 : i32
    %swap3A_3113 = arith.index_cast %swap3A_3112 : i32 to index
    %swap3A_3114 = arith.constant 0 : index
    %swap3A_3115 = tpu.vector_load %arg5[%swap3A_3113, %swap3A_3114] {strides = array<i32>} : memref<32x128xi32, #tpu.memory_space<vmem>>, vector<1x16xi32>,
    %swap3A_3116 = vector.shape_cast %swap3A_3115 : vector<1x16xi32> to vector<16xi32>
    %swap3A_3117 = vector.shape_cast %add3A_3111 : vector<16xi32> to vector<1x16xi32>
    tpu.vector_store %arg5[%swap3A_3113, %swap3A_3114], %swap3A_3117 {strides = array<i32>} : memref<32x128xi32, #tpu.memory_space<vmem>>, vector<1x16xi32>,
    %get3A_3118 = arith.constant 16 : index
    %get3A_3119 = tpu.vector_load %arg4[%get3A_3118] {strides = array<i32>} : memref<256xi32, #tpu.memory_space<vmem>>, vector<16xi32>,
    %get3A_3120 = vector.shape_cast %get3A_3119 : vector<16xi32> to vector<16xi32>
    %add3A_3121 = arith.constant 4864 : i32
    %add3A_3122 = vector.broadcast %add3A_3121 : i32 to vector<16xi32>
    %add3A_3123 = arith.addi %get3A_3120, %add3A_3122 : vector<16xi32>
    %swap3A_3124 = arith.constant 28 : i32
    %swap3A_3125 = arith.index_cast %swap3A_3124 : i32 to index
    %swap3A_3126 = arith.constant 16 : index
    %swap3A_3127 = tpu.vector_load %arg5[%swap3A_3125, %swap3A_3126] {strides = array<i32>} : memref<32x128xi32, #tpu.memory_space<vmem>>, vector<1x16xi32>,
    %swap3A_3128 = vector.shape_cast %swap3A_3127 : vector<1x16xi32> to vector<16xi32>
    %swap3A_3129 = vector.shape_cast %add3A_3123 : vector<16xi32> to vector<1x16xi32>
    tpu.vector_store %arg5[%swap3A_3125, %swap3A_3126], %swap3A_3129 {strides = array<i32>} : memref<32x128xi32, #tpu.memory_space<vmem>>, vector<1x16xi32>,
    %get3A_3130 = arith.constant 32 : index
    %get3A_3131 = tpu.vector_load %arg4[%get3A_3130] {strides = array<i32>} : memref<256xi32, #tpu.memory_space<vmem>>, vector<16xi32>,
    %get3A_3132 = vector.shape_cast %get3A_3131 : vector<16xi32> to vector<16xi32>
    %add3A_3133 = arith.constant 4864 : i32
    %add3A_3134 = vector.broadcast %add3A_3133 : i32 to vector<16xi32>
    %add3A_3135 = arith.addi %get3A_3132, %add3A_3134 : vector<16xi32>
    %swap3A_3136 = arith.constant 28 : i32
    %swap3A_3137 = arith.index_cast %swap3A_3136 : i32 to index
    %swap3A_3138 = arith.constant 32 : index
    %swap3A_3139 = tpu.vector_load %arg5[%swap3A_3137, %swap3A_3138] {strides = array<i32>} : memref<32x128xi32, #tpu.memory_space<vmem>>, vector<1x16xi32>,
    %swap3A_3140 = vector.shape_cast %swap3A_3139 : vector<1x16xi32> to vector<16xi32>
    %swap3A_3141 = vector.shape_cast %add3A_3135 : vector<16xi32> to vector<1x16xi32>
    tpu.vector_store %arg5[%swap3A_3137, %swap3A_3138], %swap3A_3141 {strides = array<i32>} : memref<32x128xi32, #tpu.memory_space<vmem>>, vector<1x16xi32>,
    %get3A_3142 = arith.constant 48 : index
    %get3A_3143 = tpu.vector_load %arg4[%get3A_3142] {strides = array<i32>} : memref<256xi32, #tpu.memory_space<vmem>>, vector<16xi32>,
    %get3A_3144 = vector.shape_cast %get3A_3143 : vector<16xi32> to vector<16xi32>
    %add3A_3145 = arith.constant 4864 : i32
    %add3A_3146 = vector.broadcast %add3A_3145 : i32 to vector<16xi32>
    %add3A_3147 = arith.addi %get3A_3144, %add3A_3146 : vector<16xi32>
    %swap3A_3148 = arith.constant 28 : i32
    %swap3A_3149 = arith.index_cast %swap3A_3148 : i32 to index
    %swap3A_3150 = arith.constant 48 : index
    %swap3A_3151 = tpu.vector_load %arg5[%swap3A_3149, %swap3A_3150] {strides = array<i32>} : memref<32x128xi32, #tpu.memory_space<vmem>>, vector<1x16xi32>,
    %swap3A_3152 = vector.shape_cast %swap3A_3151 : vector<1x16xi32> to vector<16xi32>
    %swap3A_3153 = vector.shape_cast %add3A_3147 : vector<16xi32> to vector<1x16xi32>
    tpu.vector_store %arg5[%swap3A_3149, %swap3A_3150], %swap3A_3153 {strides = array<i32>} : memref<32x128xi32, #tpu.memory_space<vmem>>, vector<1x16xi32>,
    %get3A_3154 = arith.constant 64 : index
    %get3A_3155 = tpu.vector_load %arg4[%get3A_3154] {strides = array<i32>} : memref<256xi32, #tpu.memory_space<vmem>>, vector<16xi32>,
    %get3A_3156 = vector.shape_cast %get3A_3155 : vector<16xi32> to vector<16xi32>
    %add3A_3157 = arith.constant 4864 : i32
    %add3A_3158 = vector.broadcast %add3A_3157 : i32 to vector<16xi32>
    %add3A_3159 = arith.addi %get3A_3156, %add3A_3158 : vector<16xi32>
    %swap3A_3160 = arith.constant 28 : i32
    %swap3A_3161 = arith.index_cast %swap3A_3160 : i32 to index
    %swap3A_3162 = arith.constant 64 : index
    %swap3A_3163 = tpu.vector_load %arg5[%swap3A_3161, %swap3A_3162] {strides = array<i32>} : memref<32x128xi32, #tpu.memory_space<vmem>>, vector<1x16xi32>,
    %swap3A_3164 = vector.shape_cast %swap3A_3163 : vector<1x16xi32> to vector<16xi32>
    %swap3A_3165 = vector.shape_cast %add3A_3159 : vector<16xi32> to vector<1x16xi32>
    tpu.vector_store %arg5[%swap3A_3161, %swap3A_3162], %swap3A_3165 {strides = array<i32>} : memref<32x128xi32, #tpu.memory_space<vmem>>, vector<1x16xi32>,
    %get3A_3166 = arith.constant 80 : index
    %get3A_3167 = tpu.vector_load %arg4[%get3A_3166] {strides = array<i32>} : memref<256xi32, #tpu.memory_space<vmem>>, vector<16xi32>,
    %get3A_3168 = vector.shape_cast %get3A_3167 : vector<16xi32> to vector<16xi32>
    %add3A_3169 = arith.constant 4864 : i32
    %add3A_3170 = vector.broadcast %add3A_3169 : i32 to vector<16xi32>
    %add3A_3171 = arith.addi %get3A_3168, %add3A_3170 : vector<16xi32>
    %swap3A_3172 = arith.constant 28 : i32
    %swap3A_3173 = arith.index_cast %swap3A_3172 : i32 to index
    %swap3A_3174 = arith.constant 80 : index
    %swap3A_3175 = tpu.vector_load %arg5[%swap3A_3173, %swap3A_3174] {strides = array<i32>} : memref<32x128xi32, #tpu.memory_space<vmem>>, vector<1x16xi32>,
    %swap3A_3176 = vector.shape_cast %swap3A_3175 : vector<1x16xi32> to vector<16xi32>
    %swap3A_3177 = vector.shape_cast %add3A_3171 : vector<16xi32> to vector<1x16xi32>
    tpu.vector_store %arg5[%swap3A_3173, %swap3A_3174], %swap3A_3177 {strides = array<i32>} : memref<32x128xi32, #tpu.memory_space<vmem>>, vector<1x16xi32>,
    %get3A_3178 = arith.constant 96 : index
    %get3A_3179 = tpu.vector_load %arg4[%get3A_3178] {strides = array<i32>} : memref<256xi32, #tpu.memory_space<vmem>>, vector<16xi32>,
    %get3A_3180 = vector.shape_cast %get3A_3179 : vector<16xi32> to vector<16xi32>
    %add3A_3181 = arith.constant 4864 : i32
    %add3A_3182 = vector.broadcast %add3A_3181 : i32 to vector<16xi32>
    %add3A_3183 = arith.addi %get3A_3180, %add3A_3182 : vector<16xi32>
    %swap3A_3184 = arith.constant 28 : i32
    %swap3A_3185 = arith.index_cast %swap3A_3184 : i32 to index
    %swap3A_3186 = arith.constant 96 : index
    %swap3A_3187 = tpu.vector_load %arg5[%swap3A_3185, %swap3A_3186] {strides = array<i32>} : memref<32x128xi32, #tpu.memory_space<vmem>>, vector<1x16xi32>,
    %swap3A_3188 = vector.shape_cast %swap3A_3187 : vector<1x16xi32> to vector<16xi32>
    %swap3A_3189 = vector.shape_cast %add3A_3183 : vector<16xi32> to vector<1x16xi32>
    tpu.vector_store %arg5[%swap3A_3185, %swap3A_3186], %swap3A_3189 {strides = array<i32>} : memref<32x128xi32, #tpu.memory_space<vmem>>, vector<1x16xi32>,
    %get3A_3190 = arith.constant 112 : index
    %get3A_3191 = tpu.vector_load %arg4[%get3A_3190] {strides = array<i32>} : memref<256xi32, #tpu.memory_space<vmem>>, vector<16xi32>,
    %get3A_3192 = vector.shape_cast %get3A_3191 : vector<16xi32> to vector<16xi32>
    %add3A_3193 = arith.constant 4864 : i32
    %add3A_3194 = vector.broadcast %add3A_3193 : i32 to vector<16xi32>
    %add3A_3195 = arith.addi %get3A_3192, %add3A_3194 : vector<16xi32>
    %swap3A_3196 = arith.constant 28 : i32
    %swap3A_3197 = arith.index_cast %swap3A_3196 : i32 to index
    %swap3A_3198 = arith.constant 112 : index
    %swap3A_3199 = tpu.vector_load %arg5[%swap3A_3197, %swap3A_3198] {strides = array<i32>} : memref<32x128xi32, #tpu.memory_space<vmem>>, vector<1x16xi32>,
    %swap3A_3200 = vector.shape_cast %swap3A_3199 : vector<1x16xi32> to vector<16xi32>
    %swap3A_3201 = vector.shape_cast %add3A_3195 : vector<16xi32> to vector<1x16xi32>
    tpu.vector_store %arg5[%swap3A_3197, %swap3A_3198], %swap3A_3201 {strides = array<i32>} : memref<32x128xi32, #tpu.memory_space<vmem>>, vector<1x16xi32>,
    %get3A_3202 = arith.constant 128 : index
    %get3A_3203 = tpu.vector_load %arg4[%get3A_3202] {strides = array<i32>} : memref<256xi32, #tpu.memory_space<vmem>>, vector<16xi32>,
    %get3A_3204 = vector.shape_cast %get3A_3203 : vector<16xi32> to vector<16xi32>
    %add3A_3205 = arith.constant 4864 : i32
    %add3A_3206 = vector.broadcast %add3A_3205 : i32 to vector<16xi32>
    %add3A_3207 = arith.addi %get3A_3204, %add3A_3206 : vector<16xi32>
    %swap3A_3208 = arith.constant 29 : i32
    %swap3A_3209 = arith.index_cast %swap3A_3208 : i32 to index
    %swap3A_3210 = arith.constant 0 : index
    %swap3A_3211 = tpu.vector_load %arg5[%swap3A_3209, %swap3A_3210] {strides = array<i32>} : memref<32x128xi32, #tpu.memory_space<vmem>>, vector<1x16xi32>,
    %swap3A_3212 = vector.shape_cast %swap3A_3211 : vector<1x16xi32> to vector<16xi32>
    %swap3A_3213 = vector.shape_cast %add3A_3207 : vector<16xi32> to vector<1x16xi32>
    tpu.vector_store %arg5[%swap3A_3209, %swap3A_3210], %swap3A_3213 {strides = array<i32>} : memref<32x128xi32, #tpu.memory_space<vmem>>, vector<1x16xi32>,
    %get3A_3214 = arith.constant 144 : index
    %get3A_3215 = tpu.vector_load %arg4[%get3A_3214] {strides = array<i32>} : memref<256xi32, #tpu.memory_space<vmem>>, vector<16xi32>,
    %get3A_3216 = vector.shape_cast %get3A_3215 : vector<16xi32> to vector<16xi32>
    %add3A_3217 = arith.constant 4864 : i32
    %add3A_3218 = vector.broadcast %add3A_3217 : i32 to vector<16xi32>
    %add3A_3219 = arith.addi %get3A_3216, %add3A_3218 : vector<16xi32>
    %swap3A_3220 = arith.constant 29 : i32
    %swap3A_3221 = arith.index_cast %swap3A_3220 : i32 to index
    %swap3A_3222 = arith.constant 16 : index
    %swap3A_3223 = tpu.vector_load %arg5[%swap3A_3221, %swap3A_3222] {strides = array<i32>} : memref<32x128xi32, #tpu.memory_space<vmem>>, vector<1x16xi32>,
    %swap3A_3224 = vector.shape_cast %swap3A_3223 : vector<1x16xi32> to vector<16xi32>
    %swap3A_3225 = vector.shape_cast %add3A_3219 : vector<16xi32> to vector<1x16xi32>
    tpu.vector_store %arg5[%swap3A_3221, %swap3A_3222], %swap3A_3225 {strides = array<i32>} : memref<32x128xi32, #tpu.memory_space<vmem>>, vector<1x16xi32>,
    %get3A_3226 = arith.constant 160 : index
    %get3A_3227 = tpu.vector_load %arg4[%get3A_3226] {strides = array<i32>} : memref<256xi32, #tpu.memory_space<vmem>>, vector<16xi32>,
    %get3A_3228 = vector.shape_cast %get3A_3227 : vector<16xi32> to vector<16xi32>
    %add3A_3229 = arith.constant 4864 : i32
    %add3A_3230 = vector.broadcast %add3A_3229 : i32 to vector<16xi32>
    %add3A_3231 = arith.addi %get3A_3228, %add3A_3230 : vector<16xi32>
    %swap3A_3232 = arith.constant 29 : i32
    %swap3A_3233 = arith.index_cast %swap3A_3232 : i32 to index
    %swap3A_3234 = arith.constant 32 : index
    %swap3A_3235 = tpu.vector_load %arg5[%swap3A_3233, %swap3A_3234] {strides = array<i32>} : memref<32x128xi32, #tpu.memory_space<vmem>>, vector<1x16xi32>,
    %swap3A_3236 = vector.shape_cast %swap3A_3235 : vector<1x16xi32> to vector<16xi32>
    %swap3A_3237 = vector.shape_cast %add3A_3231 : vector<16xi32> to vector<1x16xi32>
    tpu.vector_store %arg5[%swap3A_3233, %swap3A_3234], %swap3A_3237 {strides = array<i32>} : memref<32x128xi32, #tpu.memory_space<vmem>>, vector<1x16xi32>,
    %get3A_3238 = arith.constant 176 : index
    %get3A_3239 = tpu.vector_load %arg4[%get3A_3238] {strides = array<i32>} : memref<256xi32, #tpu.memory_space<vmem>>, vector<16xi32>,
    %get3A_3240 = vector.shape_cast %get3A_3239 : vector<16xi32> to vector<16xi32>
    %add3A_3241 = arith.constant 4864 : i32
    %add3A_3242 = vector.broadcast %add3A_3241 : i32 to vector<16xi32>
    %add3A_3243 = arith.addi %get3A_3240, %add3A_3242 : vector<16xi32>
    %swap3A_3244 = arith.constant 29 : i32
    %swap3A_3245 = arith.index_cast %swap3A_3244 : i32 to index
    %swap3A_3246 = arith.constant 48 : index
    %swap3A_3247 = tpu.vector_load %arg5[%swap3A_3245, %swap3A_3246] {strides = array<i32>} : memref<32x128xi32, #tpu.memory_space<vmem>>, vector<1x16xi32>,
    %swap3A_3248 = vector.shape_cast %swap3A_3247 : vector<1x16xi32> to vector<16xi32>
    %swap3A_3249 = vector.shape_cast %add3A_3243 : vector<16xi32> to vector<1x16xi32>
    tpu.vector_store %arg5[%swap3A_3245, %swap3A_3246], %swap3A_3249 {strides = array<i32>} : memref<32x128xi32, #tpu.memory_space<vmem>>, vector<1x16xi32>,
    %get3A_3250 = arith.constant 192 : index
    %get3A_3251 = tpu.vector_load %arg4[%get3A_3250] {strides = array<i32>} : memref<256xi32, #tpu.memory_space<vmem>>, vector<16xi32>,
    %get3A_3252 = vector.shape_cast %get3A_3251 : vector<16xi32> to vector<16xi32>
    %add3A_3253 = arith.constant 4864 : i32
    %add3A_3254 = vector.broadcast %add3A_3253 : i32 to vector<16xi32>
    %add3A_3255 = arith.addi %get3A_3252, %add3A_3254 : vector<16xi32>
    %swap3A_3256 = arith.constant 29 : i32
    %swap3A_3257 = arith.index_cast %swap3A_3256 : i32 to index
    %swap3A_3258 = arith.constant 64 : index
    %swap3A_3259 = tpu.vector_load %arg5[%swap3A_3257, %swap3A_3258] {strides = array<i32>} : memref<32x128xi32, #tpu.memory_space<vmem>>, vector<1x16xi32>,
    %swap3A_3260 = vector.shape_cast %swap3A_3259 : vector<1x16xi32> to vector<16xi32>
    %swap3A_3261 = vector.shape_cast %add3A_3255 : vector<16xi32> to vector<1x16xi32>
    tpu.vector_store %arg5[%swap3A_3257, %swap3A_3258], %swap3A_3261 {strides = array<i32>} : memref<32x128xi32, #tpu.memory_space<vmem>>, vector<1x16xi32>,
    %get3A_3262 = arith.constant 208 : index
    %get3A_3263 = tpu.vector_load %arg4[%get3A_3262] {strides = array<i32>} : memref<256xi32, #tpu.memory_space<vmem>>, vector<16xi32>,
    %get3A_3264 = vector.shape_cast %get3A_3263 : vector<16xi32> to vector<16xi32>
    %add3A_3265 = arith.constant 4864 : i32
    %add3A_3266 = vector.broadcast %add3A_3265 : i32 to vector<16xi32>
    %add3A_3267 = arith.addi %get3A_3264, %add3A_3266 : vector<16xi32>
    %swap3A_3268 = arith.constant 29 : i32
    %swap3A_3269 = arith.index_cast %swap3A_3268 : i32 to index
    %swap3A_3270 = arith.constant 80 : index
    %swap3A_3271 = tpu.vector_load %arg5[%swap3A_3269, %swap3A_3270] {strides = array<i32>} : memref<32x128xi32, #tpu.memory_space<vmem>>, vector<1x16xi32>,
    %swap3A_3272 = vector.shape_cast %swap3A_3271 : vector<1x16xi32> to vector<16xi32>
    %swap3A_3273 = vector.shape_cast %add3A_3267 : vector<16xi32> to vector<1x16xi32>
    tpu.vector_store %arg5[%swap3A_3269, %swap3A_3270], %swap3A_3273 {strides = array<i32>} : memref<32x128xi32, #tpu.memory_space<vmem>>, vector<1x16xi32>,
    %get3A_3274 = arith.constant 224 : index
    %get3A_3275 = tpu.vector_load %arg4[%get3A_3274] {strides = array<i32>} : memref<256xi32, #tpu.memory_space<vmem>>, vector<16xi32>,
    %get3A_3276 = vector.shape_cast %get3A_3275 : vector<16xi32> to vector<16xi32>
    %add3A_3277 = arith.constant 4864 : i32
    %add3A_3278 = vector.broadcast %add3A_3277 : i32 to vector<16xi32>
    %add3A_3279 = arith.addi %get3A_3276, %add3A_3278 : vector<16xi32>
    %swap3A_3280 = arith.constant 29 : i32
    %swap3A_3281 = arith.index_cast %swap3A_3280 : i32 to index
    %swap3A_3282 = arith.constant 96 : index
    %swap3A_3283 = tpu.vector_load %arg5[%swap3A_3281, %swap3A_3282] {strides = array<i32>} : memref<32x128xi32, #tpu.memory_space<vmem>>, vector<1x16xi32>,
    %swap3A_3284 = vector.shape_cast %swap3A_3283 : vector<1x16xi32> to vector<16xi32>
    %swap3A_3285 = vector.shape_cast %add3A_3279 : vector<16xi32> to vector<1x16xi32>
    tpu.vector_store %arg5[%swap3A_3281, %swap3A_3282], %swap3A_3285 {strides = array<i32>} : memref<32x128xi32, #tpu.memory_space<vmem>>, vector<1x16xi32>,
    %get3A_3286 = arith.constant 240 : index
    %get3A_3287 = tpu.vector_load %arg4[%get3A_3286] {strides = array<i32>} : memref<256xi32, #tpu.memory_space<vmem>>, vector<16xi32>,
    %get3A_3288 = vector.shape_cast %get3A_3287 : vector<16xi32> to vector<16xi32>
    %add3A_3289 = arith.constant 4864 : i32
    %add3A_3290 = vector.broadcast %add3A_3289 : i32 to vector<16xi32>
    %add3A_3291 = arith.addi %get3A_3288, %add3A_3290 : vector<16xi32>
    %swap3A_3292 = arith.constant 29 : i32
    %swap3A_3293 = arith.index_cast %swap3A_3292 : i32 to index
    %swap3A_3294 = arith.constant 112 : index
    %swap3A_3295 = tpu.vector_load %arg5[%swap3A_3293, %swap3A_3294] {strides = array<i32>} : memref<32x128xi32, #tpu.memory_space<vmem>>, vector<1x16xi32>,
    %swap3A_3296 = vector.shape_cast %swap3A_3295 : vector<1x16xi32> to vector<16xi32>
    %swap3A_3297 = vector.shape_cast %add3A_3291 : vector<16xi32> to vector<1x16xi32>
    tpu.vector_store %arg5[%swap3A_3293, %swap3A_3294], %swap3A_3297 {strides = array<i32>} : memref<32x128xi32, #tpu.memory_space<vmem>>, vector<1x16xi32>,
    %get3A_3298 = arith.constant 0 : index
    %get3A_3299 = tpu.vector_load %arg4[%get3A_3298] {strides = array<i32>} : memref<256xi32, #tpu.memory_space<vmem>>, vector<16xi32>,
    %get3A_3300 = vector.shape_cast %get3A_3299 : vector<16xi32> to vector<16xi32>
    %add3A_3301 = arith.constant 4992 : i32
    %add3A_3302 = vector.broadcast %add3A_3301 : i32 to vector<16xi32>
    %add3A_3303 = arith.addi %get3A_3300, %add3A_3302 : vector<16xi32>
    %swap3A_3304 = arith.constant 30 : i32
    %swap3A_3305 = arith.index_cast %swap3A_3304 : i32 to index
    %swap3A_3306 = arith.constant 0 : index
    %swap3A_3307 = tpu.vector_load %arg5[%swap3A_3305, %swap3A_3306] {strides = array<i32>} : memref<32x128xi32, #tpu.memory_space<vmem>>, vector<1x16xi32>,
    %swap3A_3308 = vector.shape_cast %swap3A_3307 : vector<1x16xi32> to vector<16xi32>
    %swap3A_3309 = vector.shape_cast %add3A_3303 : vector<16xi32> to vector<1x16xi32>
    tpu.vector_store %arg5[%swap3A_3305, %swap3A_3306], %swap3A_3309 {strides = array<i32>} : memref<32x128xi32, #tpu.memory_space<vmem>>, vector<1x16xi32>,
    %get3A_3310 = arith.constant 16 : index
    %get3A_3311 = tpu.vector_load %arg4[%get3A_3310] {strides = array<i32>} : memref<256xi32, #tpu.memory_space<vmem>>, vector<16xi32>,
    %get3A_3312 = vector.shape_cast %get3A_3311 : vector<16xi32> to vector<16xi32>
    %add3A_3313 = arith.constant 4992 : i32
    %add3A_3314 = vector.broadcast %add3A_3313 : i32 to vector<16xi32>
    %add3A_3315 = arith.addi %get3A_3312, %add3A_3314 : vector<16xi32>
    %swap3A_3316 = arith.constant 30 : i32
    %swap3A_3317 = arith.index_cast %swap3A_3316 : i32 to index
    %swap3A_3318 = arith.constant 16 : index
    %swap3A_3319 = tpu.vector_load %arg5[%swap3A_3317, %swap3A_3318] {strides = array<i32>} : memref<32x128xi32, #tpu.memory_space<vmem>>, vector<1x16xi32>,
    %swap3A_3320 = vector.shape_cast %swap3A_3319 : vector<1x16xi32> to vector<16xi32>
    %swap3A_3321 = vector.shape_cast %add3A_3315 : vector<16xi32> to vector<1x16xi32>
    tpu.vector_store %arg5[%swap3A_3317, %swap3A_3318], %swap3A_3321 {strides = array<i32>} : memref<32x128xi32, #tpu.memory_space<vmem>>, vector<1x16xi32>,
    %get3A_3322 = arith.constant 32 : index
    %get3A_3323 = tpu.vector_load %arg4[%get3A_3322] {strides = array<i32>} : memref<256xi32, #tpu.memory_space<vmem>>, vector<16xi32>,
    %get3A_3324 = vector.shape_cast %get3A_3323 : vector<16xi32> to vector<16xi32>
    %add3A_3325 = arith.constant 4992 : i32
    %add3A_3326 = vector.broadcast %add3A_3325 : i32 to vector<16xi32>
    %add3A_3327 = arith.addi %get3A_3324, %add3A_3326 : vector<16xi32>
    %swap3A_3328 = arith.constant 30 : i32
    %swap3A_3329 = arith.index_cast %swap3A_3328 : i32 to index
    %swap3A_3330 = arith.constant 32 : index
    %swap3A_3331 = tpu.vector_load %arg5[%swap3A_3329, %swap3A_3330] {strides = array<i32>} : memref<32x128xi32, #tpu.memory_space<vmem>>, vector<1x16xi32>,
    %swap3A_3332 = vector.shape_cast %swap3A_3331 : vector<1x16xi32> to vector<16xi32>
    %swap3A_3333 = vector.shape_cast %add3A_3327 : vector<16xi32> to vector<1x16xi32>
    tpu.vector_store %arg5[%swap3A_3329, %swap3A_3330], %swap3A_3333 {strides = array<i32>} : memref<32x128xi32, #tpu.memory_space<vmem>>, vector<1x16xi32>,
    %get3A_3334 = arith.constant 48 : index
    %get3A_3335 = tpu.vector_load %arg4[%get3A_3334] {strides = array<i32>} : memref<256xi32, #tpu.memory_space<vmem>>, vector<16xi32>,
    %get3A_3336 = vector.shape_cast %get3A_3335 : vector<16xi32> to vector<16xi32>
    %add3A_3337 = arith.constant 4992 : i32
    %add3A_3338 = vector.broadcast %add3A_3337 : i32 to vector<16xi32>
    %add3A_3339 = arith.addi %get3A_3336, %add3A_3338 : vector<16xi32>
    %swap3A_3340 = arith.constant 30 : i32
    %swap3A_3341 = arith.index_cast %swap3A_3340 : i32 to index
    %swap3A_3342 = arith.constant 48 : index
    %swap3A_3343 = tpu.vector_load %arg5[%swap3A_3341, %swap3A_3342] {strides = array<i32>} : memref<32x128xi32, #tpu.memory_space<vmem>>, vector<1x16xi32>,
    %swap3A_3344 = vector.shape_cast %swap3A_3343 : vector<1x16xi32> to vector<16xi32>
    %swap3A_3345 = vector.shape_cast %add3A_3339 : vector<16xi32> to vector<1x16xi32>
    tpu.vector_store %arg5[%swap3A_3341, %swap3A_3342], %swap3A_3345 {strides = array<i32>} : memref<32x128xi32, #tpu.memory_space<vmem>>, vector<1x16xi32>,
    %get3A_3346 = arith.constant 64 : index
    %get3A_3347 = tpu.vector_load %arg4[%get3A_3346] {strides = array<i32>} : memref<256xi32, #tpu.memory_space<vmem>>, vector<16xi32>,
    %get3A_3348 = vector.shape_cast %get3A_3347 : vector<16xi32> to vector<16xi32>
    %add3A_3349 = arith.constant 4992 : i32
    %add3A_3350 = vector.broadcast %add3A_3349 : i32 to vector<16xi32>
    %add3A_3351 = arith.addi %get3A_3348, %add3A_3350 : vector<16xi32>
    %swap3A_3352 = arith.constant 30 : i32
    %swap3A_3353 = arith.index_cast %swap3A_3352 : i32 to index
    %swap3A_3354 = arith.constant 64 : index
    %swap3A_3355 = tpu.vector_load %arg5[%swap3A_3353, %swap3A_3354] {strides = array<i32>} : memref<32x128xi32, #tpu.memory_space<vmem>>, vector<1x16xi32>,
    %swap3A_3356 = vector.shape_cast %swap3A_3355 : vector<1x16xi32> to vector<16xi32>
    %swap3A_3357 = vector.shape_cast %add3A_3351 : vector<16xi32> to vector<1x16xi32>
    tpu.vector_store %arg5[%swap3A_3353, %swap3A_3354], %swap3A_3357 {strides = array<i32>} : memref<32x128xi32, #tpu.memory_space<vmem>>, vector<1x16xi32>,
    %get3A_3358 = arith.constant 80 : index
    %get3A_3359 = tpu.vector_load %arg4[%get3A_3358] {strides = array<i32>} : memref<256xi32, #tpu.memory_space<vmem>>, vector<16xi32>,
    %get3A_3360 = vector.shape_cast %get3A_3359 : vector<16xi32> to vector<16xi32>
    %add3A_3361 = arith.constant 4992 : i32
    %add3A_3362 = vector.broadcast %add3A_3361 : i32 to vector<16xi32>
    %add3A_3363 = arith.addi %get3A_3360, %add3A_3362 : vector<16xi32>
    %swap3A_3364 = arith.constant 30 : i32
    %swap3A_3365 = arith.index_cast %swap3A_3364 : i32 to index
    %swap3A_3366 = arith.constant 80 : index
    %swap3A_3367 = tpu.vector_load %arg5[%swap3A_3365, %swap3A_3366] {strides = array<i32>} : memref<32x128xi32, #tpu.memory_space<vmem>>, vector<1x16xi32>,
    %swap3A_3368 = vector.shape_cast %swap3A_3367 : vector<1x16xi32> to vector<16xi32>
    %swap3A_3369 = vector.shape_cast %add3A_3363 : vector<16xi32> to vector<1x16xi32>
    tpu.vector_store %arg5[%swap3A_3365, %swap3A_3366], %swap3A_3369 {strides = array<i32>} : memref<32x128xi32, #tpu.memory_space<vmem>>, vector<1x16xi32>,
    %get3A_3370 = arith.constant 96 : index
    %get3A_3371 = tpu.vector_load %arg4[%get3A_3370] {strides = array<i32>} : memref<256xi32, #tpu.memory_space<vmem>>, vector<16xi32>,
    %get3A_3372 = vector.shape_cast %get3A_3371 : vector<16xi32> to vector<16xi32>
    %add3A_3373 = arith.constant 4992 : i32
    %add3A_3374 = vector.broadcast %add3A_3373 : i32 to vector<16xi32>
    %add3A_3375 = arith.addi %get3A_3372, %add3A_3374 : vector<16xi32>
    %swap3A_3376 = arith.constant 30 : i32
    %swap3A_3377 = arith.index_cast %swap3A_3376 : i32 to index
    %swap3A_3378 = arith.constant 96 : index
    %swap3A_3379 = tpu.vector_load %arg5[%swap3A_3377, %swap3A_3378] {strides = array<i32>} : memref<32x128xi32, #tpu.memory_space<vmem>>, vector<1x16xi32>,
    %swap3A_3380 = vector.shape_cast %swap3A_3379 : vector<1x16xi32> to vector<16xi32>
    %swap3A_3381 = vector.shape_cast %add3A_3375 : vector<16xi32> to vector<1x16xi32>
    tpu.vector_store %arg5[%swap3A_3377, %swap3A_3378], %swap3A_3381 {strides = array<i32>} : memref<32x128xi32, #tpu.memory_space<vmem>>, vector<1x16xi32>,
    %get3A_3382 = arith.constant 112 : index
    %get3A_3383 = tpu.vector_load %arg4[%get3A_3382] {strides = array<i32>} : memref<256xi32, #tpu.memory_space<vmem>>, vector<16xi32>,
    %get3A_3384 = vector.shape_cast %get3A_3383 : vector<16xi32> to vector<16xi32>
    %add3A_3385 = arith.constant 4992 : i32
    %add3A_3386 = vector.broadcast %add3A_3385 : i32 to vector<16xi32>
    %add3A_3387 = arith.addi %get3A_3384, %add3A_3386 : vector<16xi32>
    %swap3A_3388 = arith.constant 30 : i32
    %swap3A_3389 = arith.index_cast %swap3A_3388 : i32 to index
    %swap3A_3390 = arith.constant 112 : index
    %swap3A_3391 = tpu.vector_load %arg5[%swap3A_3389, %swap3A_3390] {strides = array<i32>} : memref<32x128xi32, #tpu.memory_space<vmem>>, vector<1x16xi32>,
    %swap3A_3392 = vector.shape_cast %swap3A_3391 : vector<1x16xi32> to vector<16xi32>
    %swap3A_3393 = vector.shape_cast %add3A_3387 : vector<16xi32> to vector<1x16xi32>
    tpu.vector_store %arg5[%swap3A_3389, %swap3A_3390], %swap3A_3393 {strides = array<i32>} : memref<32x128xi32, #tpu.memory_space<vmem>>, vector<1x16xi32>,
    %get3A_3394 = arith.constant 128 : index
    %get3A_3395 = tpu.vector_load %arg4[%get3A_3394] {strides = array<i32>} : memref<256xi32, #tpu.memory_space<vmem>>, vector<16xi32>,
    %get3A_3396 = vector.shape_cast %get3A_3395 : vector<16xi32> to vector<16xi32>
    %add3A_3397 = arith.constant 4992 : i32
    %add3A_3398 = vector.broadcast %add3A_3397 : i32 to vector<16xi32>
    %add3A_3399 = arith.addi %get3A_3396, %add3A_3398 : vector<16xi32>
    %swap3A_3400 = arith.constant 31 : i32
    %swap3A_3401 = arith.index_cast %swap3A_3400 : i32 to index
    %swap3A_3402 = arith.constant 0 : index
    %swap3A_3403 = tpu.vector_load %arg5[%swap3A_3401, %swap3A_3402] {strides = array<i32>} : memref<32x128xi32, #tpu.memory_space<vmem>>, vector<1x16xi32>,
    %swap3A_3404 = vector.shape_cast %swap3A_3403 : vector<1x16xi32> to vector<16xi32>
    %swap3A_3405 = vector.shape_cast %add3A_3399 : vector<16xi32> to vector<1x16xi32>
    tpu.vector_store %arg5[%swap3A_3401, %swap3A_3402], %swap3A_3405 {strides = array<i32>} : memref<32x128xi32, #tpu.memory_space<vmem>>, vector<1x16xi32>,
    %get3A_3406 = arith.constant 144 : index
    %get3A_3407 = tpu.vector_load %arg4[%get3A_3406] {strides = array<i32>} : memref<256xi32, #tpu.memory_space<vmem>>, vector<16xi32>,
    %get3A_3408 = vector.shape_cast %get3A_3407 : vector<16xi32> to vector<16xi32>
    %add3A_3409 = arith.constant 4992 : i32
    %add3A_3410 = vector.broadcast %add3A_3409 : i32 to vector<16xi32>
    %add3A_3411 = arith.addi %get3A_3408, %add3A_3410 : vector<16xi32>
    %swap3A_3412 = arith.constant 31 : i32
    %swap3A_3413 = arith.index_cast %swap3A_3412 : i32 to index
    %swap3A_3414 = arith.constant 16 : index
    %swap3A_3415 = tpu.vector_load %arg5[%swap3A_3413, %swap3A_3414] {strides = array<i32>} : memref<32x128xi32, #tpu.memory_space<vmem>>, vector<1x16xi32>,
    %swap3A_3416 = vector.shape_cast %swap3A_3415 : vector<1x16xi32> to vector<16xi32>
    %swap3A_3417 = vector.shape_cast %add3A_3411 : vector<16xi32> to vector<1x16xi32>
    tpu.vector_store %arg5[%swap3A_3413, %swap3A_3414], %swap3A_3417 {strides = array<i32>} : memref<32x128xi32, #tpu.memory_space<vmem>>, vector<1x16xi32>,
    %get3A_3418 = arith.constant 160 : index
    %get3A_3419 = tpu.vector_load %arg4[%get3A_3418] {strides = array<i32>} : memref<256xi32, #tpu.memory_space<vmem>>, vector<16xi32>,
    %get3A_3420 = vector.shape_cast %get3A_3419 : vector<16xi32> to vector<16xi32>
    %add3A_3421 = arith.constant 4992 : i32
    %add3A_3422 = vector.broadcast %add3A_3421 : i32 to vector<16xi32>
    %add3A_3423 = arith.addi %get3A_3420, %add3A_3422 : vector<16xi32>
    %swap3A_3424 = arith.constant 31 : i32
    %swap3A_3425 = arith.index_cast %swap3A_3424 : i32 to index
    %swap3A_3426 = arith.constant 32 : index
    %swap3A_3427 = tpu.vector_load %arg5[%swap3A_3425, %swap3A_3426] {strides = array<i32>} : memref<32x128xi32, #tpu.memory_space<vmem>>, vector<1x16xi32>,
    %swap3A_3428 = vector.shape_cast %swap3A_3427 : vector<1x16xi32> to vector<16xi32>
    %swap3A_3429 = vector.shape_cast %add3A_3423 : vector<16xi32> to vector<1x16xi32>
    tpu.vector_store %arg5[%swap3A_3425, %swap3A_3426], %swap3A_3429 {strides = array<i32>} : memref<32x128xi32, #tpu.memory_space<vmem>>, vector<1x16xi32>,
    %get3A_3430 = arith.constant 176 : index
    %get3A_3431 = tpu.vector_load %arg4[%get3A_3430] {strides = array<i32>} : memref<256xi32, #tpu.memory_space<vmem>>, vector<16xi32>,
    %get3A_3432 = vector.shape_cast %get3A_3431 : vector<16xi32> to vector<16xi32>
    %add3A_3433 = arith.constant 4992 : i32
    %add3A_3434 = vector.broadcast %add3A_3433 : i32 to vector<16xi32>
    %add3A_3435 = arith.addi %get3A_3432, %add3A_3434 : vector<16xi32>
    %swap3A_3436 = arith.constant 31 : i32
    %swap3A_3437 = arith.index_cast %swap3A_3436 : i32 to index
    %swap3A_3438 = arith.constant 48 : index
    %swap3A_3439 = tpu.vector_load %arg5[%swap3A_3437, %swap3A_3438] {strides = array<i32>} : memref<32x128xi32, #tpu.memory_space<vmem>>, vector<1x16xi32>,
    %swap3A_3440 = vector.shape_cast %swap3A_3439 : vector<1x16xi32> to vector<16xi32>
    %swap3A_3441 = vector.shape_cast %add3A_3435 : vector<16xi32> to vector<1x16xi32>
    tpu.vector_store %arg5[%swap3A_3437, %swap3A_3438], %swap3A_3441 {strides = array<i32>} : memref<32x128xi32, #tpu.memory_space<vmem>>, vector<1x16xi32>,
    %get3A_3442 = arith.constant 192 : index
    %get3A_3443 = tpu.vector_load %arg4[%get3A_3442] {strides = array<i32>} : memref<256xi32, #tpu.memory_space<vmem>>, vector<16xi32>,
    %get3A_3444 = vector.shape_cast %get3A_3443 : vector<16xi32> to vector<16xi32>
    %add3A_3445 = arith.constant 4992 : i32
    %add3A_3446 = vector.broadcast %add3A_3445 : i32 to vector<16xi32>
    %add3A_3447 = arith.addi %get3A_3444, %add3A_3446 : vector<16xi32>
    %swap3A_3448 = arith.constant 31 : i32
    %swap3A_3449 = arith.index_cast %swap3A_3448 : i32 to index
    %swap3A_3450 = arith.constant 64 : index
    %swap3A_3451 = tpu.vector_load %arg5[%swap3A_3449, %swap3A_3450] {strides = array<i32>} : memref<32x128xi32, #tpu.memory_space<vmem>>, vector<1x16xi32>,
    %swap3A_3452 = vector.shape_cast %swap3A_3451 : vector<1x16xi32> to vector<16xi32>
    %swap3A_3453 = vector.shape_cast %add3A_3447 : vector<16xi32> to vector<1x16xi32>
    tpu.vector_store %arg5[%swap3A_3449, %swap3A_3450], %swap3A_3453 {strides = array<i32>} : memref<32x128xi32, #tpu.memory_space<vmem>>, vector<1x16xi32>,
    %get3A_3454 = arith.constant 208 : index
    %get3A_3455 = tpu.vector_load %arg4[%get3A_3454] {strides = array<i32>} : memref<256xi32, #tpu.memory_space<vmem>>, vector<16xi32>,
    %get3A_3456 = vector.shape_cast %get3A_3455 : vector<16xi32> to vector<16xi32>
    %add3A_3457 = arith.constant 4992 : i32
    %add3A_3458 = vector.broadcast %add3A_3457 : i32 to vector<16xi32>
    %add3A_3459 = arith.addi %get3A_3456, %add3A_3458 : vector<16xi32>
    %swap3A_3460 = arith.constant 31 : i32
    %swap3A_3461 = arith.index_cast %swap3A_3460 : i32 to index
    %swap3A_3462 = arith.constant 80 : index
    %swap3A_3463 = tpu.vector_load %arg5[%swap3A_3461, %swap3A_3462] {strides = array<i32>} : memref<32x128xi32, #tpu.memory_space<vmem>>, vector<1x16xi32>,
    %swap3A_3464 = vector.shape_cast %swap3A_3463 : vector<1x16xi32> to vector<16xi32>
    %swap3A_3465 = vector.shape_cast %add3A_3459 : vector<16xi32> to vector<1x16xi32>
    tpu.vector_store %arg5[%swap3A_3461, %swap3A_3462], %swap3A_3465 {strides = array<i32>} : memref<32x128xi32, #tpu.memory_space<vmem>>, vector<1x16xi32>,
    %get3A_3466 = arith.constant 224 : index
    %get3A_3467 = tpu.vector_load %arg4[%get3A_3466] {strides = array<i32>} : memref<256xi32, #tpu.memory_space<vmem>>, vector<16xi32>,
    %get3A_3468 = vector.shape_cast %get3A_3467 : vector<16xi32> to vector<16xi32>
    %add3A_3469 = arith.constant 4992 : i32
    %add3A_3470 = vector.broadcast %add3A_3469 : i32 to vector<16xi32>
    %add3A_3471 = arith.addi %get3A_3468, %add3A_3470 : vector<16xi32>
    %swap3A_3472 = arith.constant 31 : i32
    %swap3A_3473 = arith.index_cast %swap3A_3472 : i32 to index
    %swap3A_3474 = arith.constant 96 : index
    %swap3A_3475 = tpu.vector_load %arg5[%swap3A_3473, %swap3A_3474] {strides = array<i32>} : memref<32x128xi32, #tpu.memory_space<vmem>>, vector<1x16xi32>,
    %swap3A_3476 = vector.shape_cast %swap3A_3475 : vector<1x16xi32> to vector<16xi32>
    %swap3A_3477 = vector.shape_cast %add3A_3471 : vector<16xi32> to vector<1x16xi32>
    tpu.vector_store %arg5[%swap3A_3473, %swap3A_3474], %swap3A_3477 {strides = array<i32>} : memref<32x128xi32, #tpu.memory_space<vmem>>, vector<1x16xi32>,
    %get3A_3478 = arith.constant 240 : index
    %get3A_3479 = tpu.vector_load %arg4[%get3A_3478] {strides = array<i32>} : memref<256xi32, #tpu.memory_space<vmem>>, vector<16xi32>,
    %get3A_3480 = vector.shape_cast %get3A_3479 : vector<16xi32> to vector<16xi32>
    %add3A_3481 = arith.constant 4992 : i32
    %add3A_3482 = vector.broadcast %add3A_3481 : i32 to vector<16xi32>
    %add3A_3483 = arith.addi %get3A_3480, %add3A_3482 : vector<16xi32>
    %swap3A_3484 = arith.constant 31 : i32
    %swap3A_3485 = arith.index_cast %swap3A_3484 : i32 to index
    %swap3A_3486 = arith.constant 112 : index
    %swap3A_3487 = tpu.vector_load %arg5[%swap3A_3485, %swap3A_3486] {strides = array<i32>} : memref<32x128xi32, #tpu.memory_space<vmem>>, vector<1x16xi32>,
    %swap3A_3488 = vector.shape_cast %swap3A_3487 : vector<1x16xi32> to vector<16xi32>
    %swap3A_3489 = vector.shape_cast %add3A_3483 : vector<16xi32> to vector<1x16xi32>
    tpu.vector_store %arg5[%swap3A_3485, %swap3A_3486], %swap3A_3489 {strides = array<i32>} : memref<32x128xi32, #tpu.memory_space<vmem>>, vector<1x16xi32>,
    %dma_start3A = arith.constant 0 : i32
    %dma_start3A_3490 = arith.constant 0 : i32
    %dma_start3A_3491 = arith.constant 0 : i32
    %dma_start3A_3492 = tpu.memref_slice %arg6[%dma_start3A_3490, %dma_start3A_3491] : memref<16x256xf32, #tpu.memory_space<vmem>> -> memref<1x128xf32, #tpu.memory_space<vmem>>
    %dma_start3A_3493 = tpu.memref_squeeze %dma_start3A_3492 : memref<1x128xf32, #tpu.memory_space<vmem>> -> memref<128xf32, #tpu.memory_space<vmem>>
    %dma_start3A_3494 = arith.constant 0 : i32
    %dma_start3A_3495 = tpu.memref_slice %arg5[%dma_start3A, %dma_start3A_3494] : memref<32x128xi32, #tpu.memory_space<vmem>> -> memref<1x128xi32, #tpu.memory_space<vmem>>
    %dma_start3A_3496 = tpu.memref_squeeze %dma_start3A_3495 : memref<1x128xi32, #tpu.memory_space<vmem>> -> memref<128xi32, #tpu.memory_space<vmem>>
    %dma_start3A_3497 = arith.constant 0 : i32
    %dma_start3A_3498 = tpu.memref_slice %arg2[%dma_start3A_3497] : memref<67108864xf32, #tpu.memory_space<hbm>> -> memref<67108864xf32, #tpu.memory_space<hbm>>
    tpu.enqueue_indirect_dma source(%dma_start3A_3498 : memref<67108864xf32, #tpu.memory_space<hbm>>) target(%dma_start3A_3493 : memref<128xf32, #tpu.memory_space<vmem>>) offsets(%dma_start3A_3496 : memref<128xi32, #tpu.memory_space<vmem>>) semaphore(%arg7 : memref<!tpu.dma_semaphore, #tpu.memory_space<semaphore_mem>>)
    %dma_start3A_3499 = arith.constant 1 : i32
    %dma_start3A_3500 = arith.constant 0 : i32
    %dma_start3A_3501 = arith.constant 128 : i32
    %dma_start3A_3502 = tpu.memref_slice %arg6[%dma_start3A_3500, %dma_start3A_3501] : memref<16x256xf32, #tpu.memory_space<vmem>> -> memref<1x128xf32, #tpu.memory_space<vmem>>
    %dma_start3A_3503 = tpu.memref_squeeze %dma_start3A_3502 : memref<1x128xf32, #tpu.memory_space<vmem>> -> memref<128xf32, #tpu.memory_space<vmem>>
    %dma_start3A_3504 = arith.constant 0 : i32
    %dma_start3A_3505 = tpu.memref_slice %arg5[%dma_start3A_3499, %dma_start3A_3504] : memref<32x128xi32, #tpu.memory_space<vmem>> -> memref<1x128xi32, #tpu.memory_space<vmem>>
    %dma_start3A_3506 = tpu.memref_squeeze %dma_start3A_3505 : memref<1x128xi32, #tpu.memory_space<vmem>> -> memref<128xi32, #tpu.memory_space<vmem>>
    %dma_start3A_3507 = arith.constant 0 : i32
    %dma_start3A_3508 = tpu.memref_slice %arg2[%dma_start3A_3507] : memref<67108864xf32, #tpu.memory_space<hbm>> -> memref<67108864xf32, #tpu.memory_space<hbm>>
    tpu.enqueue_indirect_dma source(%dma_start3A_3508 : memref<67108864xf32, #tpu.memory_space<hbm>>) target(%dma_start3A_3503 : memref<128xf32, #tpu.memory_space<vmem>>) offsets(%dma_start3A_3506 : memref<128xi32, #tpu.memory_space<vmem>>) semaphore(%arg7 : memref<!tpu.dma_semaphore, #tpu.memory_space<semaphore_mem>>)
    %dma_start3A_3509 = arith.constant 2 : i32
    %dma_start3A_3510 = arith.constant 1 : i32
    %dma_start3A_3511 = arith.constant 0 : i32
    %dma_start3A_3512 = tpu.memref_slice %arg6[%dma_start3A_3510, %dma_start3A_3511] : memref<16x256xf32, #tpu.memory_space<vmem>> -> memref<1x128xf32, #tpu.memory_space<vmem>>
    %dma_start3A_3513 = tpu.memref_squeeze %dma_start3A_3512 : memref<1x128xf32, #tpu.memory_space<vmem>> -> memref<128xf32, #tpu.memory_space<vmem>>
    %dma_start3A_3514 = arith.constant 0 : i32
    %dma_start3A_3515 = tpu.memref_slice %arg5[%dma_start3A_3509, %dma_start3A_3514] : memref<32x128xi32, #tpu.memory_space<vmem>> -> memref<1x128xi32, #tpu.memory_space<vmem>>
    %dma_start3A_3516 = tpu.memref_squeeze %dma_start3A_3515 : memref<1x128xi32, #tpu.memory_space<vmem>> -> memref<128xi32, #tpu.memory_space<vmem>>
    %dma_start3A_3517 = arith.constant 0 : i32
    %dma_start3A_3518 = tpu.memref_slice %arg2[%dma_start3A_3517] : memref<67108864xf32, #tpu.memory_space<hbm>> -> memref<67108864xf32, #tpu.memory_space<hbm>>
    tpu.enqueue_indirect_dma source(%dma_start3A_3518 : memref<67108864xf32, #tpu.memory_space<hbm>>) target(%dma_start3A_3513 : memref<128xf32, #tpu.memory_space<vmem>>) offsets(%dma_start3A_3516 : memref<128xi32, #tpu.memory_space<vmem>>) semaphore(%arg7 : memref<!tpu.dma_semaphore, #tpu.memory_space<semaphore_mem>>)
    %dma_start3A_3519 = arith.constant 3 : i32
    %dma_start3A_3520 = arith.constant 1 : i32
    %dma_start3A_3521 = arith.constant 128 : i32
    %dma_start3A_3522 = tpu.memref_slice %arg6[%dma_start3A_3520, %dma_start3A_3521] : memref<16x256xf32, #tpu.memory_space<vmem>> -> memref<1x128xf32, #tpu.memory_space<vmem>>
    %dma_start3A_3523 = tpu.memref_squeeze %dma_start3A_3522 : memref<1x128xf32, #tpu.memory_space<vmem>> -> memref<128xf32, #tpu.memory_space<vmem>>
    %dma_start3A_3524 = arith.constant 0 : i32
    %dma_start3A_3525 = tpu.memref_slice %arg5[%dma_start3A_3519, %dma_start3A_3524] : memref<32x128xi32, #tpu.memory_space<vmem>> -> memref<1x128xi32, #tpu.memory_space<vmem>>
    %dma_start3A_3526 = tpu.memref_squeeze %dma_start3A_3525 : memref<1x128xi32, #tpu.memory_space<vmem>> -> memref<128xi32, #tpu.memory_space<vmem>>
    %dma_start3A_3527 = arith.constant 0 : i32
    %dma_start3A_3528 = tpu.memref_slice %arg2[%dma_start3A_3527] : memref<67108864xf32, #tpu.memory_space<hbm>> -> memref<67108864xf32, #tpu.memory_space<hbm>>
    tpu.enqueue_indirect_dma source(%dma_start3A_3528 : memref<67108864xf32, #tpu.memory_space<hbm>>) target(%dma_start3A_3523 : memref<128xf32, #tpu.memory_space<vmem>>) offsets(%dma_start3A_3526 : memref<128xi32, #tpu.memory_space<vmem>>) semaphore(%arg7 : memref<!tpu.dma_semaphore, #tpu.memory_space<semaphore_mem>>)
    %dma_start3A_3529 = arith.constant 4 : i32
    %dma_start3A_3530 = arith.constant 2 : i32
    %dma_start3A_3531 = arith.constant 0 : i32
    %dma_start3A_3532 = tpu.memref_slice %arg6[%dma_start3A_3530, %dma_start3A_3531] : memref<16x256xf32, #tpu.memory_space<vmem>> -> memref<1x128xf32, #tpu.memory_space<vmem>>
    %dma_start3A_3533 = tpu.memref_squeeze %dma_start3A_3532 : memref<1x128xf32, #tpu.memory_space<vmem>> -> memref<128xf32, #tpu.memory_space<vmem>>
    %dma_start3A_3534 = arith.constant 0 : i32
    %dma_start3A_3535 = tpu.memref_slice %arg5[%dma_start3A_3529, %dma_start3A_3534] : memref<32x128xi32, #tpu.memory_space<vmem>> -> memref<1x128xi32, #tpu.memory_space<vmem>>
    %dma_start3A_3536 = tpu.memref_squeeze %dma_start3A_3535 : memref<1x128xi32, #tpu.memory_space<vmem>> -> memref<128xi32, #tpu.memory_space<vmem>>
    %dma_start3A_3537 = arith.constant 0 : i32
    %dma_start3A_3538 = tpu.memref_slice %arg2[%dma_start3A_3537] : memref<67108864xf32, #tpu.memory_space<hbm>> -> memref<67108864xf32, #tpu.memory_space<hbm>>
    tpu.enqueue_indirect_dma source(%dma_start3A_3538 : memref<67108864xf32, #tpu.memory_space<hbm>>) target(%dma_start3A_3533 : memref<128xf32, #tpu.memory_space<vmem>>) offsets(%dma_start3A_3536 : memref<128xi32, #tpu.memory_space<vmem>>) semaphore(%arg7 : memref<!tpu.dma_semaphore, #tpu.memory_space<semaphore_mem>>)
    %dma_start3A_3539 = arith.constant 5 : i32
    %dma_start3A_3540 = arith.constant 2 : i32
    %dma_start3A_3541 = arith.constant 128 : i32
    %dma_start3A_3542 = tpu.memref_slice %arg6[%dma_start3A_3540, %dma_start3A_3541] : memref<16x256xf32, #tpu.memory_space<vmem>> -> memref<1x128xf32, #tpu.memory_space<vmem>>
    %dma_start3A_3543 = tpu.memref_squeeze %dma_start3A_3542 : memref<1x128xf32, #tpu.memory_space<vmem>> -> memref<128xf32, #tpu.memory_space<vmem>>
    %dma_start3A_3544 = arith.constant 0 : i32
    %dma_start3A_3545 = tpu.memref_slice %arg5[%dma_start3A_3539, %dma_start3A_3544] : memref<32x128xi32, #tpu.memory_space<vmem>> -> memref<1x128xi32, #tpu.memory_space<vmem>>
    %dma_start3A_3546 = tpu.memref_squeeze %dma_start3A_3545 : memref<1x128xi32, #tpu.memory_space<vmem>> -> memref<128xi32, #tpu.memory_space<vmem>>
    %dma_start3A_3547 = arith.constant 0 : i32
    %dma_start3A_3548 = tpu.memref_slice %arg2[%dma_start3A_3547] : memref<67108864xf32, #tpu.memory_space<hbm>> -> memref<67108864xf32, #tpu.memory_space<hbm>>
    tpu.enqueue_indirect_dma source(%dma_start3A_3548 : memref<67108864xf32, #tpu.memory_space<hbm>>) target(%dma_start3A_3543 : memref<128xf32, #tpu.memory_space<vmem>>) offsets(%dma_start3A_3546 : memref<128xi32, #tpu.memory_space<vmem>>) semaphore(%arg7 : memref<!tpu.dma_semaphore, #tpu.memory_space<semaphore_mem>>)
    %dma_start3A_3549 = arith.constant 6 : i32
    %dma_start3A_3550 = arith.constant 3 : i32
    %dma_start3A_3551 = arith.constant 0 : i32
    %dma_start3A_3552 = tpu.memref_slice %arg6[%dma_start3A_3550, %dma_start3A_3551] : memref<16x256xf32, #tpu.memory_space<vmem>> -> memref<1x128xf32, #tpu.memory_space<vmem>>
    %dma_start3A_3553 = tpu.memref_squeeze %dma_start3A_3552 : memref<1x128xf32, #tpu.memory_space<vmem>> -> memref<128xf32, #tpu.memory_space<vmem>>
    %dma_start3A_3554 = arith.constant 0 : i32
    %dma_start3A_3555 = tpu.memref_slice %arg5[%dma_start3A_3549, %dma_start3A_3554] : memref<32x128xi32, #tpu.memory_space<vmem>> -> memref<1x128xi32, #tpu.memory_space<vmem>>
    %dma_start3A_3556 = tpu.memref_squeeze %dma_start3A_3555 : memref<1x128xi32, #tpu.memory_space<vmem>> -> memref<128xi32, #tpu.memory_space<vmem>>
    %dma_start3A_3557 = arith.constant 0 : i32
    %dma_start3A_3558 = tpu.memref_slice %arg2[%dma_start3A_3557] : memref<67108864xf32, #tpu.memory_space<hbm>> -> memref<67108864xf32, #tpu.memory_space<hbm>>
    tpu.enqueue_indirect_dma source(%dma_start3A_3558 : memref<67108864xf32, #tpu.memory_space<hbm>>) target(%dma_start3A_3553 : memref<128xf32, #tpu.memory_space<vmem>>) offsets(%dma_start3A_3556 : memref<128xi32, #tpu.memory_space<vmem>>) semaphore(%arg7 : memref<!tpu.dma_semaphore, #tpu.memory_space<semaphore_mem>>)
    %dma_start3A_3559 = arith.constant 7 : i32
    %dma_start3A_3560 = arith.constant 3 : i32
    %dma_start3A_3561 = arith.constant 128 : i32
    %dma_start3A_3562 = tpu.memref_slice %arg6[%dma_start3A_3560, %dma_start3A_3561] : memref<16x256xf32, #tpu.memory_space<vmem>> -> memref<1x128xf32, #tpu.memory_space<vmem>>
    %dma_start3A_3563 = tpu.memref_squeeze %dma_start3A_3562 : memref<1x128xf32, #tpu.memory_space<vmem>> -> memref<128xf32, #tpu.memory_space<vmem>>
    %dma_start3A_3564 = arith.constant 0 : i32
    %dma_start3A_3565 = tpu.memref_slice %arg5[%dma_start3A_3559, %dma_start3A_3564] : memref<32x128xi32, #tpu.memory_space<vmem>> -> memref<1x128xi32, #tpu.memory_space<vmem>>
    %dma_start3A_3566 = tpu.memref_squeeze %dma_start3A_3565 : memref<1x128xi32, #tpu.memory_space<vmem>> -> memref<128xi32, #tpu.memory_space<vmem>>
    %dma_start3A_3567 = arith.constant 0 : i32
    %dma_start3A_3568 = tpu.memref_slice %arg2[%dma_start3A_3567] : memref<67108864xf32, #tpu.memory_space<hbm>> -> memref<67108864xf32, #tpu.memory_space<hbm>>
    tpu.enqueue_indirect_dma source(%dma_start3A_3568 : memref<67108864xf32, #tpu.memory_space<hbm>>) target(%dma_start3A_3563 : memref<128xf32, #tpu.memory_space<vmem>>) offsets(%dma_start3A_3566 : memref<128xi32, #tpu.memory_space<vmem>>) semaphore(%arg7 : memref<!tpu.dma_semaphore, #tpu.memory_space<semaphore_mem>>)
    %dma_start3A_3569 = arith.constant 8 : i32
    %dma_start3A_3570 = arith.constant 4 : i32
    %dma_start3A_3571 = arith.constant 0 : i32
    %dma_start3A_3572 = tpu.memref_slice %arg6[%dma_start3A_3570, %dma_start3A_3571] : memref<16x256xf32, #tpu.memory_space<vmem>> -> memref<1x128xf32, #tpu.memory_space<vmem>>
    %dma_start3A_3573 = tpu.memref_squeeze %dma_start3A_3572 : memref<1x128xf32, #tpu.memory_space<vmem>> -> memref<128xf32, #tpu.memory_space<vmem>>
    %dma_start3A_3574 = arith.constant 0 : i32
    %dma_start3A_3575 = tpu.memref_slice %arg5[%dma_start3A_3569, %dma_start3A_3574] : memref<32x128xi32, #tpu.memory_space<vmem>> -> memref<1x128xi32, #tpu.memory_space<vmem>>
    %dma_start3A_3576 = tpu.memref_squeeze %dma_start3A_3575 : memref<1x128xi32, #tpu.memory_space<vmem>> -> memref<128xi32, #tpu.memory_space<vmem>>
    %dma_start3A_3577 = arith.constant 0 : i32
    %dma_start3A_3578 = tpu.memref_slice %arg2[%dma_start3A_3577] : memref<67108864xf32, #tpu.memory_space<hbm>> -> memref<67108864xf32, #tpu.memory_space<hbm>>
    tpu.enqueue_indirect_dma source(%dma_start3A_3578 : memref<67108864xf32, #tpu.memory_space<hbm>>) target(%dma_start3A_3573 : memref<128xf32, #tpu.memory_space<vmem>>) offsets(%dma_start3A_3576 : memref<128xi32, #tpu.memory_space<vmem>>) semaphore(%arg7 : memref<!tpu.dma_semaphore, #tpu.memory_space<semaphore_mem>>)
    %dma_start3A_3579 = arith.constant 9 : i32
    %dma_start3A_3580 = arith.constant 4 : i32
    %dma_start3A_3581 = arith.constant 128 : i32
    %dma_start3A_3582 = tpu.memref_slice %arg6[%dma_start3A_3580, %dma_start3A_3581] : memref<16x256xf32, #tpu.memory_space<vmem>> -> memref<1x128xf32, #tpu.memory_space<vmem>>
    %dma_start3A_3583 = tpu.memref_squeeze %dma_start3A_3582 : memref<1x128xf32, #tpu.memory_space<vmem>> -> memref<128xf32, #tpu.memory_space<vmem>>
    %dma_start3A_3584 = arith.constant 0 : i32
    %dma_start3A_3585 = tpu.memref_slice %arg5[%dma_start3A_3579, %dma_start3A_3584] : memref<32x128xi32, #tpu.memory_space<vmem>> -> memref<1x128xi32, #tpu.memory_space<vmem>>
    %dma_start3A_3586 = tpu.memref_squeeze %dma_start3A_3585 : memref<1x128xi32, #tpu.memory_space<vmem>> -> memref<128xi32, #tpu.memory_space<vmem>>
    %dma_start3A_3587 = arith.constant 0 : i32
    %dma_start3A_3588 = tpu.memref_slice %arg2[%dma_start3A_3587] : memref<67108864xf32, #tpu.memory_space<hbm>> -> memref<67108864xf32, #tpu.memory_space<hbm>>
    tpu.enqueue_indirect_dma source(%dma_start3A_3588 : memref<67108864xf32, #tpu.memory_space<hbm>>) target(%dma_start3A_3583 : memref<128xf32, #tpu.memory_space<vmem>>) offsets(%dma_start3A_3586 : memref<128xi32, #tpu.memory_space<vmem>>) semaphore(%arg7 : memref<!tpu.dma_semaphore, #tpu.memory_space<semaphore_mem>>)
    %dma_start3A_3589 = arith.constant 10 : i32
    %dma_start3A_3590 = arith.constant 5 : i32
    %dma_start3A_3591 = arith.constant 0 : i32
    %dma_start3A_3592 = tpu.memref_slice %arg6[%dma_start3A_3590, %dma_start3A_3591] : memref<16x256xf32, #tpu.memory_space<vmem>> -> memref<1x128xf32, #tpu.memory_space<vmem>>
    %dma_start3A_3593 = tpu.memref_squeeze %dma_start3A_3592 : memref<1x128xf32, #tpu.memory_space<vmem>> -> memref<128xf32, #tpu.memory_space<vmem>>
    %dma_start3A_3594 = arith.constant 0 : i32
    %dma_start3A_3595 = tpu.memref_slice %arg5[%dma_start3A_3589, %dma_start3A_3594] : memref<32x128xi32, #tpu.memory_space<vmem>> -> memref<1x128xi32, #tpu.memory_space<vmem>>
    %dma_start3A_3596 = tpu.memref_squeeze %dma_start3A_3595 : memref<1x128xi32, #tpu.memory_space<vmem>> -> memref<128xi32, #tpu.memory_space<vmem>>
    %dma_start3A_3597 = arith.constant 0 : i32
    %dma_start3A_3598 = tpu.memref_slice %arg2[%dma_start3A_3597] : memref<67108864xf32, #tpu.memory_space<hbm>> -> memref<67108864xf32, #tpu.memory_space<hbm>>
    tpu.enqueue_indirect_dma source(%dma_start3A_3598 : memref<67108864xf32, #tpu.memory_space<hbm>>) target(%dma_start3A_3593 : memref<128xf32, #tpu.memory_space<vmem>>) offsets(%dma_start3A_3596 : memref<128xi32, #tpu.memory_space<vmem>>) semaphore(%arg7 : memref<!tpu.dma_semaphore, #tpu.memory_space<semaphore_mem>>)
    %dma_start3A_3599 = arith.constant 11 : i32
    %dma_start3A_3600 = arith.constant 5 : i32
    %dma_start3A_3601 = arith.constant 128 : i32
    %dma_start3A_3602 = tpu.memref_slice %arg6[%dma_start3A_3600, %dma_start3A_3601] : memref<16x256xf32, #tpu.memory_space<vmem>> -> memref<1x128xf32, #tpu.memory_space<vmem>>
    %dma_start3A_3603 = tpu.memref_squeeze %dma_start3A_3602 : memref<1x128xf32, #tpu.memory_space<vmem>> -> memref<128xf32, #tpu.memory_space<vmem>>
    %dma_start3A_3604 = arith.constant 0 : i32
    %dma_start3A_3605 = tpu.memref_slice %arg5[%dma_start3A_3599, %dma_start3A_3604] : memref<32x128xi32, #tpu.memory_space<vmem>> -> memref<1x128xi32, #tpu.memory_space<vmem>>
    %dma_start3A_3606 = tpu.memref_squeeze %dma_start3A_3605 : memref<1x128xi32, #tpu.memory_space<vmem>> -> memref<128xi32, #tpu.memory_space<vmem>>
    %dma_start3A_3607 = arith.constant 0 : i32
    %dma_start3A_3608 = tpu.memref_slice %arg2[%dma_start3A_3607] : memref<67108864xf32, #tpu.memory_space<hbm>> -> memref<67108864xf32, #tpu.memory_space<hbm>>
    tpu.enqueue_indirect_dma source(%dma_start3A_3608 : memref<67108864xf32, #tpu.memory_space<hbm>>) target(%dma_start3A_3603 : memref<128xf32, #tpu.memory_space<vmem>>) offsets(%dma_start3A_3606 : memref<128xi32, #tpu.memory_space<vmem>>) semaphore(%arg7 : memref<!tpu.dma_semaphore, #tpu.memory_space<semaphore_mem>>)
    %dma_start3A_3609 = arith.constant 12 : i32
    %dma_start3A_3610 = arith.constant 6 : i32
    %dma_start3A_3611 = arith.constant 0 : i32
    %dma_start3A_3612 = tpu.memref_slice %arg6[%dma_start3A_3610, %dma_start3A_3611] : memref<16x256xf32, #tpu.memory_space<vmem>> -> memref<1x128xf32, #tpu.memory_space<vmem>>
    %dma_start3A_3613 = tpu.memref_squeeze %dma_start3A_3612 : memref<1x128xf32, #tpu.memory_space<vmem>> -> memref<128xf32, #tpu.memory_space<vmem>>
    %dma_start3A_3614 = arith.constant 0 : i32
    %dma_start3A_3615 = tpu.memref_slice %arg5[%dma_start3A_3609, %dma_start3A_3614] : memref<32x128xi32, #tpu.memory_space<vmem>> -> memref<1x128xi32, #tpu.memory_space<vmem>>
    %dma_start3A_3616 = tpu.memref_squeeze %dma_start3A_3615 : memref<1x128xi32, #tpu.memory_space<vmem>> -> memref<128xi32, #tpu.memory_space<vmem>>
    %dma_start3A_3617 = arith.constant 0 : i32
    %dma_start3A_3618 = tpu.memref_slice %arg2[%dma_start3A_3617] : memref<67108864xf32, #tpu.memory_space<hbm>> -> memref<67108864xf32, #tpu.memory_space<hbm>>
    tpu.enqueue_indirect_dma source(%dma_start3A_3618 : memref<67108864xf32, #tpu.memory_space<hbm>>) target(%dma_start3A_3613 : memref<128xf32, #tpu.memory_space<vmem>>) offsets(%dma_start3A_3616 : memref<128xi32, #tpu.memory_space<vmem>>) semaphore(%arg7 : memref<!tpu.dma_semaphore, #tpu.memory_space<semaphore_mem>>)
    %dma_start3A_3619 = arith.constant 13 : i32
    %dma_start3A_3620 = arith.constant 6 : i32
    %dma_start3A_3621 = arith.constant 128 : i32
    %dma_start3A_3622 = tpu.memref_slice %arg6[%dma_start3A_3620, %dma_start3A_3621] : memref<16x256xf32, #tpu.memory_space<vmem>> -> memref<1x128xf32, #tpu.memory_space<vmem>>
    %dma_start3A_3623 = tpu.memref_squeeze %dma_start3A_3622 : memref<1x128xf32, #tpu.memory_space<vmem>> -> memref<128xf32, #tpu.memory_space<vmem>>
    %dma_start3A_3624 = arith.constant 0 : i32
    %dma_start3A_3625 = tpu.memref_slice %arg5[%dma_start3A_3619, %dma_start3A_3624] : memref<32x128xi32, #tpu.memory_space<vmem>> -> memref<1x128xi32, #tpu.memory_space<vmem>>
    %dma_start3A_3626 = tpu.memref_squeeze %dma_start3A_3625 : memref<1x128xi32, #tpu.memory_space<vmem>> -> memref<128xi32, #tpu.memory_space<vmem>>
    %dma_start3A_3627 = arith.constant 0 : i32
    %dma_start3A_3628 = tpu.memref_slice %arg2[%dma_start3A_3627] : memref<67108864xf32, #tpu.memory_space<hbm>> -> memref<67108864xf32, #tpu.memory_space<hbm>>
    tpu.enqueue_indirect_dma source(%dma_start3A_3628 : memref<67108864xf32, #tpu.memory_space<hbm>>) target(%dma_start3A_3623 : memref<128xf32, #tpu.memory_space<vmem>>) offsets(%dma_start3A_3626 : memref<128xi32, #tpu.memory_space<vmem>>) semaphore(%arg7 : memref<!tpu.dma_semaphore, #tpu.memory_space<semaphore_mem>>)
    %dma_start3A_3629 = arith.constant 14 : i32
    %dma_start3A_3630 = arith.constant 7 : i32
    %dma_start3A_3631 = arith.constant 0 : i32
    %dma_start3A_3632 = tpu.memref_slice %arg6[%dma_start3A_3630, %dma_start3A_3631] : memref<16x256xf32, #tpu.memory_space<vmem>> -> memref<1x128xf32, #tpu.memory_space<vmem>>
    %dma_start3A_3633 = tpu.memref_squeeze %dma_start3A_3632 : memref<1x128xf32, #tpu.memory_space<vmem>> -> memref<128xf32, #tpu.memory_space<vmem>>
    %dma_start3A_3634 = arith.constant 0 : i32
    %dma_start3A_3635 = tpu.memref_slice %arg5[%dma_start3A_3629, %dma_start3A_3634] : memref<32x128xi32, #tpu.memory_space<vmem>> -> memref<1x128xi32, #tpu.memory_space<vmem>>
    %dma_start3A_3636 = tpu.memref_squeeze %dma_start3A_3635 : memref<1x128xi32, #tpu.memory_space<vmem>> -> memref<128xi32, #tpu.memory_space<vmem>>
    %dma_start3A_3637 = arith.constant 0 : i32
    %dma_start3A_3638 = tpu.memref_slice %arg2[%dma_start3A_3637] : memref<67108864xf32, #tpu.memory_space<hbm>> -> memref<67108864xf32, #tpu.memory_space<hbm>>
    tpu.enqueue_indirect_dma source(%dma_start3A_3638 : memref<67108864xf32, #tpu.memory_space<hbm>>) target(%dma_start3A_3633 : memref<128xf32, #tpu.memory_space<vmem>>) offsets(%dma_start3A_3636 : memref<128xi32, #tpu.memory_space<vmem>>) semaphore(%arg7 : memref<!tpu.dma_semaphore, #tpu.memory_space<semaphore_mem>>)
    %dma_start3A_3639 = arith.constant 15 : i32
    %dma_start3A_3640 = arith.constant 7 : i32
    %dma_start3A_3641 = arith.constant 128 : i32
    %dma_start3A_3642 = tpu.memref_slice %arg6[%dma_start3A_3640, %dma_start3A_3641] : memref<16x256xf32, #tpu.memory_space<vmem>> -> memref<1x128xf32, #tpu.memory_space<vmem>>
    %dma_start3A_3643 = tpu.memref_squeeze %dma_start3A_3642 : memref<1x128xf32, #tpu.memory_space<vmem>> -> memref<128xf32, #tpu.memory_space<vmem>>
    %dma_start3A_3644 = arith.constant 0 : i32
    %dma_start3A_3645 = tpu.memref_slice %arg5[%dma_start3A_3639, %dma_start3A_3644] : memref<32x128xi32, #tpu.memory_space<vmem>> -> memref<1x128xi32, #tpu.memory_space<vmem>>
    %dma_start3A_3646 = tpu.memref_squeeze %dma_start3A_3645 : memref<1x128xi32, #tpu.memory_space<vmem>> -> memref<128xi32, #tpu.memory_space<vmem>>
    %dma_start3A_3647 = arith.constant 0 : i32
    %dma_start3A_3648 = tpu.memref_slice %arg2[%dma_start3A_3647] : memref<67108864xf32, #tpu.memory_space<hbm>> -> memref<67108864xf32, #tpu.memory_space<hbm>>
    tpu.enqueue_indirect_dma source(%dma_start3A_3648 : memref<67108864xf32, #tpu.memory_space<hbm>>) target(%dma_start3A_3643 : memref<128xf32, #tpu.memory_space<vmem>>) offsets(%dma_start3A_3646 : memref<128xi32, #tpu.memory_space<vmem>>) semaphore(%arg7 : memref<!tpu.dma_semaphore, #tpu.memory_space<semaphore_mem>>)
    %dma_start3A_3649 = arith.constant 16 : i32
    %dma_start3A_3650 = arith.constant 8 : i32
    %dma_start3A_3651 = arith.constant 0 : i32
    %dma_start3A_3652 = tpu.memref_slice %arg6[%dma_start3A_3650, %dma_start3A_3651] : memref<16x256xf32, #tpu.memory_space<vmem>> -> memref<1x128xf32, #tpu.memory_space<vmem>>
    %dma_start3A_3653 = tpu.memref_squeeze %dma_start3A_3652 : memref<1x128xf32, #tpu.memory_space<vmem>> -> memref<128xf32, #tpu.memory_space<vmem>>
    %dma_start3A_3654 = arith.constant 0 : i32
    %dma_start3A_3655 = tpu.memref_slice %arg5[%dma_start3A_3649, %dma_start3A_3654] : memref<32x128xi32, #tpu.memory_space<vmem>> -> memref<1x128xi32, #tpu.memory_space<vmem>>
    %dma_start3A_3656 = tpu.memref_squeeze %dma_start3A_3655 : memref<1x128xi32, #tpu.memory_space<vmem>> -> memref<128xi32, #tpu.memory_space<vmem>>
    %dma_start3A_3657 = arith.constant 0 : i32
    %dma_start3A_3658 = tpu.memref_slice %arg2[%dma_start3A_3657] : memref<67108864xf32, #tpu.memory_space<hbm>> -> memref<67108864xf32, #tpu.memory_space<hbm>>
    tpu.enqueue_indirect_dma source(%dma_start3A_3658 : memref<67108864xf32, #tpu.memory_space<hbm>>) target(%dma_start3A_3653 : memref<128xf32, #tpu.memory_space<vmem>>) offsets(%dma_start3A_3656 : memref<128xi32, #tpu.memory_space<vmem>>) semaphore(%arg7 : memref<!tpu.dma_semaphore, #tpu.memory_space<semaphore_mem>>)
    %dma_start3A_3659 = arith.constant 17 : i32
    %dma_start3A_3660 = arith.constant 8 : i32
    %dma_start3A_3661 = arith.constant 128 : i32
    %dma_start3A_3662 = tpu.memref_slice %arg6[%dma_start3A_3660, %dma_start3A_3661] : memref<16x256xf32, #tpu.memory_space<vmem>> -> memref<1x128xf32, #tpu.memory_space<vmem>>
    %dma_start3A_3663 = tpu.memref_squeeze %dma_start3A_3662 : memref<1x128xf32, #tpu.memory_space<vmem>> -> memref<128xf32, #tpu.memory_space<vmem>>
    %dma_start3A_3664 = arith.constant 0 : i32
    %dma_start3A_3665 = tpu.memref_slice %arg5[%dma_start3A_3659, %dma_start3A_3664] : memref<32x128xi32, #tpu.memory_space<vmem>> -> memref<1x128xi32, #tpu.memory_space<vmem>>
    %dma_start3A_3666 = tpu.memref_squeeze %dma_start3A_3665 : memref<1x128xi32, #tpu.memory_space<vmem>> -> memref<128xi32, #tpu.memory_space<vmem>>
    %dma_start3A_3667 = arith.constant 0 : i32
    %dma_start3A_3668 = tpu.memref_slice %arg2[%dma_start3A_3667] : memref<67108864xf32, #tpu.memory_space<hbm>> -> memref<67108864xf32, #tpu.memory_space<hbm>>
    tpu.enqueue_indirect_dma source(%dma_start3A_3668 : memref<67108864xf32, #tpu.memory_space<hbm>>) target(%dma_start3A_3663 : memref<128xf32, #tpu.memory_space<vmem>>) offsets(%dma_start3A_3666 : memref<128xi32, #tpu.memory_space<vmem>>) semaphore(%arg7 : memref<!tpu.dma_semaphore, #tpu.memory_space<semaphore_mem>>)
    %dma_start3A_3669 = arith.constant 18 : i32
    %dma_start3A_3670 = arith.constant 9 : i32
    %dma_start3A_3671 = arith.constant 0 : i32
    %dma_start3A_3672 = tpu.memref_slice %arg6[%dma_start3A_3670, %dma_start3A_3671] : memref<16x256xf32, #tpu.memory_space<vmem>> -> memref<1x128xf32, #tpu.memory_space<vmem>>
    %dma_start3A_3673 = tpu.memref_squeeze %dma_start3A_3672 : memref<1x128xf32, #tpu.memory_space<vmem>> -> memref<128xf32, #tpu.memory_space<vmem>>
    %dma_start3A_3674 = arith.constant 0 : i32
    %dma_start3A_3675 = tpu.memref_slice %arg5[%dma_start3A_3669, %dma_start3A_3674] : memref<32x128xi32, #tpu.memory_space<vmem>> -> memref<1x128xi32, #tpu.memory_space<vmem>>
    %dma_start3A_3676 = tpu.memref_squeeze %dma_start3A_3675 : memref<1x128xi32, #tpu.memory_space<vmem>> -> memref<128xi32, #tpu.memory_space<vmem>>
    %dma_start3A_3677 = arith.constant 0 : i32
    %dma_start3A_3678 = tpu.memref_slice %arg2[%dma_start3A_3677] : memref<67108864xf32, #tpu.memory_space<hbm>> -> memref<67108864xf32, #tpu.memory_space<hbm>>
    tpu.enqueue_indirect_dma source(%dma_start3A_3678 : memref<67108864xf32, #tpu.memory_space<hbm>>) target(%dma_start3A_3673 : memref<128xf32, #tpu.memory_space<vmem>>) offsets(%dma_start3A_3676 : memref<128xi32, #tpu.memory_space<vmem>>) semaphore(%arg7 : memref<!tpu.dma_semaphore, #tpu.memory_space<semaphore_mem>>)
    %dma_start3A_3679 = arith.constant 19 : i32
    %dma_start3A_3680 = arith.constant 9 : i32
    %dma_start3A_3681 = arith.constant 128 : i32
    %dma_start3A_3682 = tpu.memref_slice %arg6[%dma_start3A_3680, %dma_start3A_3681] : memref<16x256xf32, #tpu.memory_space<vmem>> -> memref<1x128xf32, #tpu.memory_space<vmem>>
    %dma_start3A_3683 = tpu.memref_squeeze %dma_start3A_3682 : memref<1x128xf32, #tpu.memory_space<vmem>> -> memref<128xf32, #tpu.memory_space<vmem>>
    %dma_start3A_3684 = arith.constant 0 : i32
    %dma_start3A_3685 = tpu.memref_slice %arg5[%dma_start3A_3679, %dma_start3A_3684] : memref<32x128xi32, #tpu.memory_space<vmem>> -> memref<1x128xi32, #tpu.memory_space<vmem>>
    %dma_start3A_3686 = tpu.memref_squeeze %dma_start3A_3685 : memref<1x128xi32, #tpu.memory_space<vmem>> -> memref<128xi32, #tpu.memory_space<vmem>>
    %dma_start3A_3687 = arith.constant 0 : i32
    %dma_start3A_3688 = tpu.memref_slice %arg2[%dma_start3A_3687] : memref<67108864xf32, #tpu.memory_space<hbm>> -> memref<67108864xf32, #tpu.memory_space<hbm>>
    tpu.enqueue_indirect_dma source(%dma_start3A_3688 : memref<67108864xf32, #tpu.memory_space<hbm>>) target(%dma_start3A_3683 : memref<128xf32, #tpu.memory_space<vmem>>) offsets(%dma_start3A_3686 : memref<128xi32, #tpu.memory_space<vmem>>) semaphore(%arg7 : memref<!tpu.dma_semaphore, #tpu.memory_space<semaphore_mem>>)
    %dma_start3A_3689 = arith.constant 20 : i32
    %dma_start3A_3690 = arith.constant 10 : i32
    %dma_start3A_3691 = arith.constant 0 : i32
    %dma_start3A_3692 = tpu.memref_slice %arg6[%dma_start3A_3690, %dma_start3A_3691] : memref<16x256xf32, #tpu.memory_space<vmem>> -> memref<1x128xf32, #tpu.memory_space<vmem>>
    %dma_start3A_3693 = tpu.memref_squeeze %dma_start3A_3692 : memref<1x128xf32, #tpu.memory_space<vmem>> -> memref<128xf32, #tpu.memory_space<vmem>>
    %dma_start3A_3694 = arith.constant 0 : i32
    %dma_start3A_3695 = tpu.memref_slice %arg5[%dma_start3A_3689, %dma_start3A_3694] : memref<32x128xi32, #tpu.memory_space<vmem>> -> memref<1x128xi32, #tpu.memory_space<vmem>>
    %dma_start3A_3696 = tpu.memref_squeeze %dma_start3A_3695 : memref<1x128xi32, #tpu.memory_space<vmem>> -> memref<128xi32, #tpu.memory_space<vmem>>
    %dma_start3A_3697 = arith.constant 0 : i32
    %dma_start3A_3698 = tpu.memref_slice %arg2[%dma_start3A_3697] : memref<67108864xf32, #tpu.memory_space<hbm>> -> memref<67108864xf32, #tpu.memory_space<hbm>>
    tpu.enqueue_indirect_dma source(%dma_start3A_3698 : memref<67108864xf32, #tpu.memory_space<hbm>>) target(%dma_start3A_3693 : memref<128xf32, #tpu.memory_space<vmem>>) offsets(%dma_start3A_3696 : memref<128xi32, #tpu.memory_space<vmem>>) semaphore(%arg7 : memref<!tpu.dma_semaphore, #tpu.memory_space<semaphore_mem>>)
    %dma_start3A_3699 = arith.constant 21 : i32
    %dma_start3A_3700 = arith.constant 10 : i32
    %dma_start3A_3701 = arith.constant 128 : i32
    %dma_start3A_3702 = tpu.memref_slice %arg6[%dma_start3A_3700, %dma_start3A_3701] : memref<16x256xf32, #tpu.memory_space<vmem>> -> memref<1x128xf32, #tpu.memory_space<vmem>>
    %dma_start3A_3703 = tpu.memref_squeeze %dma_start3A_3702 : memref<1x128xf32, #tpu.memory_space<vmem>> -> memref<128xf32, #tpu.memory_space<vmem>>
    %dma_start3A_3704 = arith.constant 0 : i32
    %dma_start3A_3705 = tpu.memref_slice %arg5[%dma_start3A_3699, %dma_start3A_3704] : memref<32x128xi32, #tpu.memory_space<vmem>> -> memref<1x128xi32, #tpu.memory_space<vmem>>
    %dma_start3A_3706 = tpu.memref_squeeze %dma_start3A_3705 : memref<1x128xi32, #tpu.memory_space<vmem>> -> memref<128xi32, #tpu.memory_space<vmem>>
    %dma_start3A_3707 = arith.constant 0 : i32
    %dma_start3A_3708 = tpu.memref_slice %arg2[%dma_start3A_3707] : memref<67108864xf32, #tpu.memory_space<hbm>> -> memref<67108864xf32, #tpu.memory_space<hbm>>
    tpu.enqueue_indirect_dma source(%dma_start3A_3708 : memref<67108864xf32, #tpu.memory_space<hbm>>) target(%dma_start3A_3703 : memref<128xf32, #tpu.memory_space<vmem>>) offsets(%dma_start3A_3706 : memref<128xi32, #tpu.memory_space<vmem>>) semaphore(%arg7 : memref<!tpu.dma_semaphore, #tpu.memory_space<semaphore_mem>>)
    %dma_start3A_3709 = arith.constant 22 : i32
    %dma_start3A_3710 = arith.constant 11 : i32
    %dma_start3A_3711 = arith.constant 0 : i32
    %dma_start3A_3712 = tpu.memref_slice %arg6[%dma_start3A_3710, %dma_start3A_3711] : memref<16x256xf32, #tpu.memory_space<vmem>> -> memref<1x128xf32, #tpu.memory_space<vmem>>
    %dma_start3A_3713 = tpu.memref_squeeze %dma_start3A_3712 : memref<1x128xf32, #tpu.memory_space<vmem>> -> memref<128xf32, #tpu.memory_space<vmem>>
    %dma_start3A_3714 = arith.constant 0 : i32
    %dma_start3A_3715 = tpu.memref_slice %arg5[%dma_start3A_3709, %dma_start3A_3714] : memref<32x128xi32, #tpu.memory_space<vmem>> -> memref<1x128xi32, #tpu.memory_space<vmem>>
    %dma_start3A_3716 = tpu.memref_squeeze %dma_start3A_3715 : memref<1x128xi32, #tpu.memory_space<vmem>> -> memref<128xi32, #tpu.memory_space<vmem>>
    %dma_start3A_3717 = arith.constant 0 : i32
    %dma_start3A_3718 = tpu.memref_slice %arg2[%dma_start3A_3717] : memref<67108864xf32, #tpu.memory_space<hbm>> -> memref<67108864xf32, #tpu.memory_space<hbm>>
    tpu.enqueue_indirect_dma source(%dma_start3A_3718 : memref<67108864xf32, #tpu.memory_space<hbm>>) target(%dma_start3A_3713 : memref<128xf32, #tpu.memory_space<vmem>>) offsets(%dma_start3A_3716 : memref<128xi32, #tpu.memory_space<vmem>>) semaphore(%arg7 : memref<!tpu.dma_semaphore, #tpu.memory_space<semaphore_mem>>)
    %dma_start3A_3719 = arith.constant 23 : i32
    %dma_start3A_3720 = arith.constant 11 : i32
    %dma_start3A_3721 = arith.constant 128 : i32
    %dma_start3A_3722 = tpu.memref_slice %arg6[%dma_start3A_3720, %dma_start3A_3721] : memref<16x256xf32, #tpu.memory_space<vmem>> -> memref<1x128xf32, #tpu.memory_space<vmem>>
    %dma_start3A_3723 = tpu.memref_squeeze %dma_start3A_3722 : memref<1x128xf32, #tpu.memory_space<vmem>> -> memref<128xf32, #tpu.memory_space<vmem>>
    %dma_start3A_3724 = arith.constant 0 : i32
    %dma_start3A_3725 = tpu.memref_slice %arg5[%dma_start3A_3719, %dma_start3A_3724] : memref<32x128xi32, #tpu.memory_space<vmem>> -> memref<1x128xi32, #tpu.memory_space<vmem>>
    %dma_start3A_3726 = tpu.memref_squeeze %dma_start3A_3725 : memref<1x128xi32, #tpu.memory_space<vmem>> -> memref<128xi32, #tpu.memory_space<vmem>>
    %dma_start3A_3727 = arith.constant 0 : i32
    %dma_start3A_3728 = tpu.memref_slice %arg2[%dma_start3A_3727] : memref<67108864xf32, #tpu.memory_space<hbm>> -> memref<67108864xf32, #tpu.memory_space<hbm>>
    tpu.enqueue_indirect_dma source(%dma_start3A_3728 : memref<67108864xf32, #tpu.memory_space<hbm>>) target(%dma_start3A_3723 : memref<128xf32, #tpu.memory_space<vmem>>) offsets(%dma_start3A_3726 : memref<128xi32, #tpu.memory_space<vmem>>) semaphore(%arg7 : memref<!tpu.dma_semaphore, #tpu.memory_space<semaphore_mem>>)
    %dma_start3A_3729 = arith.constant 24 : i32
    %dma_start3A_3730 = arith.constant 12 : i32
    %dma_start3A_3731 = arith.constant 0 : i32
    %dma_start3A_3732 = tpu.memref_slice %arg6[%dma_start3A_3730, %dma_start3A_3731] : memref<16x256xf32, #tpu.memory_space<vmem>> -> memref<1x128xf32, #tpu.memory_space<vmem>>
    %dma_start3A_3733 = tpu.memref_squeeze %dma_start3A_3732 : memref<1x128xf32, #tpu.memory_space<vmem>> -> memref<128xf32, #tpu.memory_space<vmem>>
    %dma_start3A_3734 = arith.constant 0 : i32
    %dma_start3A_3735 = tpu.memref_slice %arg5[%dma_start3A_3729, %dma_start3A_3734] : memref<32x128xi32, #tpu.memory_space<vmem>> -> memref<1x128xi32, #tpu.memory_space<vmem>>
    %dma_start3A_3736 = tpu.memref_squeeze %dma_start3A_3735 : memref<1x128xi32, #tpu.memory_space<vmem>> -> memref<128xi32, #tpu.memory_space<vmem>>
    %dma_start3A_3737 = arith.constant 0 : i32
    %dma_start3A_3738 = tpu.memref_slice %arg2[%dma_start3A_3737] : memref<67108864xf32, #tpu.memory_space<hbm>> -> memref<67108864xf32, #tpu.memory_space<hbm>>
    tpu.enqueue_indirect_dma source(%dma_start3A_3738 : memref<67108864xf32, #tpu.memory_space<hbm>>) target(%dma_start3A_3733 : memref<128xf32, #tpu.memory_space<vmem>>) offsets(%dma_start3A_3736 : memref<128xi32, #tpu.memory_space<vmem>>) semaphore(%arg7 : memref<!tpu.dma_semaphore, #tpu.memory_space<semaphore_mem>>)
    %dma_start3A_3739 = arith.constant 25 : i32
    %dma_start3A_3740 = arith.constant 12 : i32
    %dma_start3A_3741 = arith.constant 128 : i32
    %dma_start3A_3742 = tpu.memref_slice %arg6[%dma_start3A_3740, %dma_start3A_3741] : memref<16x256xf32, #tpu.memory_space<vmem>> -> memref<1x128xf32, #tpu.memory_space<vmem>>
    %dma_start3A_3743 = tpu.memref_squeeze %dma_start3A_3742 : memref<1x128xf32, #tpu.memory_space<vmem>> -> memref<128xf32, #tpu.memory_space<vmem>>
    %dma_start3A_3744 = arith.constant 0 : i32
    %dma_start3A_3745 = tpu.memref_slice %arg5[%dma_start3A_3739, %dma_start3A_3744] : memref<32x128xi32, #tpu.memory_space<vmem>> -> memref<1x128xi32, #tpu.memory_space<vmem>>
    %dma_start3A_3746 = tpu.memref_squeeze %dma_start3A_3745 : memref<1x128xi32, #tpu.memory_space<vmem>> -> memref<128xi32, #tpu.memory_space<vmem>>
    %dma_start3A_3747 = arith.constant 0 : i32
    %dma_start3A_3748 = tpu.memref_slice %arg2[%dma_start3A_3747] : memref<67108864xf32, #tpu.memory_space<hbm>> -> memref<67108864xf32, #tpu.memory_space<hbm>>
    tpu.enqueue_indirect_dma source(%dma_start3A_3748 : memref<67108864xf32, #tpu.memory_space<hbm>>) target(%dma_start3A_3743 : memref<128xf32, #tpu.memory_space<vmem>>) offsets(%dma_start3A_3746 : memref<128xi32, #tpu.memory_space<vmem>>) semaphore(%arg7 : memref<!tpu.dma_semaphore, #tpu.memory_space<semaphore_mem>>)
    %dma_start3A_3749 = arith.constant 26 : i32
    %dma_start3A_3750 = arith.constant 13 : i32
    %dma_start3A_3751 = arith.constant 0 : i32
    %dma_start3A_3752 = tpu.memref_slice %arg6[%dma_start3A_3750, %dma_start3A_3751] : memref<16x256xf32, #tpu.memory_space<vmem>> -> memref<1x128xf32, #tpu.memory_space<vmem>>
    %dma_start3A_3753 = tpu.memref_squeeze %dma_start3A_3752 : memref<1x128xf32, #tpu.memory_space<vmem>> -> memref<128xf32, #tpu.memory_space<vmem>>
    %dma_start3A_3754 = arith.constant 0 : i32
    %dma_start3A_3755 = tpu.memref_slice %arg5[%dma_start3A_3749, %dma_start3A_3754] : memref<32x128xi32, #tpu.memory_space<vmem>> -> memref<1x128xi32, #tpu.memory_space<vmem>>
    %dma_start3A_3756 = tpu.memref_squeeze %dma_start3A_3755 : memref<1x128xi32, #tpu.memory_space<vmem>> -> memref<128xi32, #tpu.memory_space<vmem>>
    %dma_start3A_3757 = arith.constant 0 : i32
    %dma_start3A_3758 = tpu.memref_slice %arg2[%dma_start3A_3757] : memref<67108864xf32, #tpu.memory_space<hbm>> -> memref<67108864xf32, #tpu.memory_space<hbm>>
    tpu.enqueue_indirect_dma source(%dma_start3A_3758 : memref<67108864xf32, #tpu.memory_space<hbm>>) target(%dma_start3A_3753 : memref<128xf32, #tpu.memory_space<vmem>>) offsets(%dma_start3A_3756 : memref<128xi32, #tpu.memory_space<vmem>>) semaphore(%arg7 : memref<!tpu.dma_semaphore, #tpu.memory_space<semaphore_mem>>)
    %dma_start3A_3759 = arith.constant 27 : i32
    %dma_start3A_3760 = arith.constant 13 : i32
    %dma_start3A_3761 = arith.constant 128 : i32
    %dma_start3A_3762 = tpu.memref_slice %arg6[%dma_start3A_3760, %dma_start3A_3761] : memref<16x256xf32, #tpu.memory_space<vmem>> -> memref<1x128xf32, #tpu.memory_space<vmem>>
    %dma_start3A_3763 = tpu.memref_squeeze %dma_start3A_3762 : memref<1x128xf32, #tpu.memory_space<vmem>> -> memref<128xf32, #tpu.memory_space<vmem>>
    %dma_start3A_3764 = arith.constant 0 : i32
    %dma_start3A_3765 = tpu.memref_slice %arg5[%dma_start3A_3759, %dma_start3A_3764] : memref<32x128xi32, #tpu.memory_space<vmem>> -> memref<1x128xi32, #tpu.memory_space<vmem>>
    %dma_start3A_3766 = tpu.memref_squeeze %dma_start3A_3765 : memref<1x128xi32, #tpu.memory_space<vmem>> -> memref<128xi32, #tpu.memory_space<vmem>>
    %dma_start3A_3767 = arith.constant 0 : i32
    %dma_start3A_3768 = tpu.memref_slice %arg2[%dma_start3A_3767] : memref<67108864xf32, #tpu.memory_space<hbm>> -> memref<67108864xf32, #tpu.memory_space<hbm>>
    tpu.enqueue_indirect_dma source(%dma_start3A_3768 : memref<67108864xf32, #tpu.memory_space<hbm>>) target(%dma_start3A_3763 : memref<128xf32, #tpu.memory_space<vmem>>) offsets(%dma_start3A_3766 : memref<128xi32, #tpu.memory_space<vmem>>) semaphore(%arg7 : memref<!tpu.dma_semaphore, #tpu.memory_space<semaphore_mem>>)
    %dma_start3A_3769 = arith.constant 28 : i32
    %dma_start3A_3770 = arith.constant 14 : i32
    %dma_start3A_3771 = arith.constant 0 : i32
    %dma_start3A_3772 = tpu.memref_slice %arg6[%dma_start3A_3770, %dma_start3A_3771] : memref<16x256xf32, #tpu.memory_space<vmem>> -> memref<1x128xf32, #tpu.memory_space<vmem>>
    %dma_start3A_3773 = tpu.memref_squeeze %dma_start3A_3772 : memref<1x128xf32, #tpu.memory_space<vmem>> -> memref<128xf32, #tpu.memory_space<vmem>>
    %dma_start3A_3774 = arith.constant 0 : i32
    %dma_start3A_3775 = tpu.memref_slice %arg5[%dma_start3A_3769, %dma_start3A_3774] : memref<32x128xi32, #tpu.memory_space<vmem>> -> memref<1x128xi32, #tpu.memory_space<vmem>>
    %dma_start3A_3776 = tpu.memref_squeeze %dma_start3A_3775 : memref<1x128xi32, #tpu.memory_space<vmem>> -> memref<128xi32, #tpu.memory_space<vmem>>
    %dma_start3A_3777 = arith.constant 0 : i32
    %dma_start3A_3778 = tpu.memref_slice %arg2[%dma_start3A_3777] : memref<67108864xf32, #tpu.memory_space<hbm>> -> memref<67108864xf32, #tpu.memory_space<hbm>>
    tpu.enqueue_indirect_dma source(%dma_start3A_3778 : memref<67108864xf32, #tpu.memory_space<hbm>>) target(%dma_start3A_3773 : memref<128xf32, #tpu.memory_space<vmem>>) offsets(%dma_start3A_3776 : memref<128xi32, #tpu.memory_space<vmem>>) semaphore(%arg7 : memref<!tpu.dma_semaphore, #tpu.memory_space<semaphore_mem>>)
    %dma_start3A_3779 = arith.constant 29 : i32
    %dma_start3A_3780 = arith.constant 14 : i32
    %dma_start3A_3781 = arith.constant 128 : i32
    %dma_start3A_3782 = tpu.memref_slice %arg6[%dma_start3A_3780, %dma_start3A_3781] : memref<16x256xf32, #tpu.memory_space<vmem>> -> memref<1x128xf32, #tpu.memory_space<vmem>>
    %dma_start3A_3783 = tpu.memref_squeeze %dma_start3A_3782 : memref<1x128xf32, #tpu.memory_space<vmem>> -> memref<128xf32, #tpu.memory_space<vmem>>
    %dma_start3A_3784 = arith.constant 0 : i32
    %dma_start3A_3785 = tpu.memref_slice %arg5[%dma_start3A_3779, %dma_start3A_3784] : memref<32x128xi32, #tpu.memory_space<vmem>> -> memref<1x128xi32, #tpu.memory_space<vmem>>
    %dma_start3A_3786 = tpu.memref_squeeze %dma_start3A_3785 : memref<1x128xi32, #tpu.memory_space<vmem>> -> memref<128xi32, #tpu.memory_space<vmem>>
    %dma_start3A_3787 = arith.constant 0 : i32
    %dma_start3A_3788 = tpu.memref_slice %arg2[%dma_start3A_3787] : memref<67108864xf32, #tpu.memory_space<hbm>> -> memref<67108864xf32, #tpu.memory_space<hbm>>
    tpu.enqueue_indirect_dma source(%dma_start3A_3788 : memref<67108864xf32, #tpu.memory_space<hbm>>) target(%dma_start3A_3783 : memref<128xf32, #tpu.memory_space<vmem>>) offsets(%dma_start3A_3786 : memref<128xi32, #tpu.memory_space<vmem>>) semaphore(%arg7 : memref<!tpu.dma_semaphore, #tpu.memory_space<semaphore_mem>>)
    %dma_start3A_3789 = arith.constant 30 : i32
    %dma_start3A_3790 = arith.constant 15 : i32
    %dma_start3A_3791 = arith.constant 0 : i32
    %dma_start3A_3792 = tpu.memref_slice %arg6[%dma_start3A_3790, %dma_start3A_3791] : memref<16x256xf32, #tpu.memory_space<vmem>> -> memref<1x128xf32, #tpu.memory_space<vmem>>
    %dma_start3A_3793 = tpu.memref_squeeze %dma_start3A_3792 : memref<1x128xf32, #tpu.memory_space<vmem>> -> memref<128xf32, #tpu.memory_space<vmem>>
    %dma_start3A_3794 = arith.constant 0 : i32
    %dma_start3A_3795 = tpu.memref_slice %arg5[%dma_start3A_3789, %dma_start3A_3794] : memref<32x128xi32, #tpu.memory_space<vmem>> -> memref<1x128xi32, #tpu.memory_space<vmem>>
    %dma_start3A_3796 = tpu.memref_squeeze %dma_start3A_3795 : memref<1x128xi32, #tpu.memory_space<vmem>> -> memref<128xi32, #tpu.memory_space<vmem>>
    %dma_start3A_3797 = arith.constant 0 : i32
    %dma_start3A_3798 = tpu.memref_slice %arg2[%dma_start3A_3797] : memref<67108864xf32, #tpu.memory_space<hbm>> -> memref<67108864xf32, #tpu.memory_space<hbm>>
    tpu.enqueue_indirect_dma source(%dma_start3A_3798 : memref<67108864xf32, #tpu.memory_space<hbm>>) target(%dma_start3A_3793 : memref<128xf32, #tpu.memory_space<vmem>>) offsets(%dma_start3A_3796 : memref<128xi32, #tpu.memory_space<vmem>>) semaphore(%arg7 : memref<!tpu.dma_semaphore, #tpu.memory_space<semaphore_mem>>)
    %dma_start3A_3799 = arith.constant 31 : i32
    %dma_start3A_3800 = arith.constant 15 : i32
    %dma_start3A_3801 = arith.constant 128 : i32
    %dma_start3A_3802 = tpu.memref_slice %arg6[%dma_start3A_3800, %dma_start3A_3801] : memref<16x256xf32, #tpu.memory_space<vmem>> -> memref<1x128xf32, #tpu.memory_space<vmem>>
    %dma_start3A_3803 = tpu.memref_squeeze %dma_start3A_3802 : memref<1x128xf32, #tpu.memory_space<vmem>> -> memref<128xf32, #tpu.memory_space<vmem>>
    %dma_start3A_3804 = arith.constant 0 : i32
    %dma_start3A_3805 = tpu.memref_slice %arg5[%dma_start3A_3799, %dma_start3A_3804] : memref<32x128xi32, #tpu.memory_space<vmem>> -> memref<1x128xi32, #tpu.memory_space<vmem>>
    %dma_start3A_3806 = tpu.memref_squeeze %dma_start3A_3805 : memref<1x128xi32, #tpu.memory_space<vmem>> -> memref<128xi32, #tpu.memory_space<vmem>>
    %dma_start3A_3807 = arith.constant 0 : i32
    %dma_start3A_3808 = tpu.memref_slice %arg2[%dma_start3A_3807] : memref<67108864xf32, #tpu.memory_space<hbm>> -> memref<67108864xf32, #tpu.memory_space<hbm>>
    tpu.enqueue_indirect_dma source(%dma_start3A_3808 : memref<67108864xf32, #tpu.memory_space<hbm>>) target(%dma_start3A_3803 : memref<128xf32, #tpu.memory_space<vmem>>) offsets(%dma_start3A_3806 : memref<128xi32, #tpu.memory_space<vmem>>) semaphore(%arg7 : memref<!tpu.dma_semaphore, #tpu.memory_space<semaphore_mem>>)
    %dma_wait3A = arith.constant 0 : i32
    %dma_wait3A_3809 = arith.constant 0 : i32
    %dma_wait3A_3810 = arith.constant 0 : i32
    %dma_wait3A_3811 = tpu.memref_slice %arg6[%dma_wait3A_3809, %dma_wait3A_3810] : memref<16x256xf32, #tpu.memory_space<vmem>> -> memref<1x128xf32, #tpu.memory_space<vmem>>
    %dma_wait3A_3812 = tpu.memref_squeeze %dma_wait3A_3811 : memref<1x128xf32, #tpu.memory_space<vmem>> -> memref<128xf32, #tpu.memory_space<vmem>>
    %dma_wait3A_3813 = arith.constant 0 : i32
    %dma_wait3A_3814 = tpu.memref_slice %arg5[%dma_wait3A, %dma_wait3A_3813] : memref<32x128xi32, #tpu.memory_space<vmem>> -> memref<1x128xi32, #tpu.memory_space<vmem>>
    %dma_wait3A_3815 = tpu.memref_squeeze %dma_wait3A_3814 : memref<1x128xi32, #tpu.memory_space<vmem>> -> memref<128xi32, #tpu.memory_space<vmem>>
    %dma_wait3A_3816 = arith.constant 0 : i32
    %dma_wait3A_3817 = tpu.memref_slice %arg2[%dma_wait3A_3816] : memref<67108864xf32, #tpu.memory_space<hbm>> -> memref<67108864xf32, #tpu.memory_space<hbm>>
    tpu.wait_indirect_dma semaphore(%arg7 : memref<!tpu.dma_semaphore, #tpu.memory_space<semaphore_mem>>) src(%dma_wait3A_3817 : memref<67108864xf32, #tpu.memory_space<hbm>>) dst(%dma_wait3A_3812 : memref<128xf32, #tpu.memory_space<vmem>>)
    %dma_wait3A_3818 = arith.constant 1 : i32
    %dma_wait3A_3819 = arith.constant 0 : i32
    %dma_wait3A_3820 = arith.constant 128 : i32
    %dma_wait3A_3821 = tpu.memref_slice %arg6[%dma_wait3A_3819, %dma_wait3A_3820] : memref<16x256xf32, #tpu.memory_space<vmem>> -> memref<1x128xf32, #tpu.memory_space<vmem>>
    %dma_wait3A_3822 = tpu.memref_squeeze %dma_wait3A_3821 : memref<1x128xf32, #tpu.memory_space<vmem>> -> memref<128xf32, #tpu.memory_space<vmem>>
    %dma_wait3A_3823 = arith.constant 0 : i32
    %dma_wait3A_3824 = tpu.memref_slice %arg5[%dma_wait3A_3818, %dma_wait3A_3823] : memref<32x128xi32, #tpu.memory_space<vmem>> -> memref<1x128xi32, #tpu.memory_space<vmem>>
    %dma_wait3A_3825 = tpu.memref_squeeze %dma_wait3A_3824 : memref<1x128xi32, #tpu.memory_space<vmem>> -> memref<128xi32, #tpu.memory_space<vmem>>
    %dma_wait3A_3826 = arith.constant 0 : i32
    %dma_wait3A_3827 = tpu.memref_slice %arg2[%dma_wait3A_3826] : memref<67108864xf32, #tpu.memory_space<hbm>> -> memref<67108864xf32, #tpu.memory_space<hbm>>
    tpu.wait_indirect_dma semaphore(%arg7 : memref<!tpu.dma_semaphore, #tpu.memory_space<semaphore_mem>>) src(%dma_wait3A_3827 : memref<67108864xf32, #tpu.memory_space<hbm>>) dst(%dma_wait3A_3822 : memref<128xf32, #tpu.memory_space<vmem>>)
    %dma_wait3A_3828 = arith.constant 2 : i32
    %dma_wait3A_3829 = arith.constant 1 : i32
    %dma_wait3A_3830 = arith.constant 0 : i32
    %dma_wait3A_3831 = tpu.memref_slice %arg6[%dma_wait3A_3829, %dma_wait3A_3830] : memref<16x256xf32, #tpu.memory_space<vmem>> -> memref<1x128xf32, #tpu.memory_space<vmem>>
    %dma_wait3A_3832 = tpu.memref_squeeze %dma_wait3A_3831 : memref<1x128xf32, #tpu.memory_space<vmem>> -> memref<128xf32, #tpu.memory_space<vmem>>
    %dma_wait3A_3833 = arith.constant 0 : i32
    %dma_wait3A_3834 = tpu.memref_slice %arg5[%dma_wait3A_3828, %dma_wait3A_3833] : memref<32x128xi32, #tpu.memory_space<vmem>> -> memref<1x128xi32, #tpu.memory_space<vmem>>
    %dma_wait3A_3835 = tpu.memref_squeeze %dma_wait3A_3834 : memref<1x128xi32, #tpu.memory_space<vmem>> -> memref<128xi32, #tpu.memory_space<vmem>>
    %dma_wait3A_3836 = arith.constant 0 : i32
    %dma_wait3A_3837 = tpu.memref_slice %arg2[%dma_wait3A_3836] : memref<67108864xf32, #tpu.memory_space<hbm>> -> memref<67108864xf32, #tpu.memory_space<hbm>>
    tpu.wait_indirect_dma semaphore(%arg7 : memref<!tpu.dma_semaphore, #tpu.memory_space<semaphore_mem>>) src(%dma_wait3A_3837 : memref<67108864xf32, #tpu.memory_space<hbm>>) dst(%dma_wait3A_3832 : memref<128xf32, #tpu.memory_space<vmem>>)
    %dma_wait3A_3838 = arith.constant 3 : i32
    %dma_wait3A_3839 = arith.constant 1 : i32
    %dma_wait3A_3840 = arith.constant 128 : i32
    %dma_wait3A_3841 = tpu.memref_slice %arg6[%dma_wait3A_3839, %dma_wait3A_3840] : memref<16x256xf32, #tpu.memory_space<vmem>> -> memref<1x128xf32, #tpu.memory_space<vmem>>
    %dma_wait3A_3842 = tpu.memref_squeeze %dma_wait3A_3841 : memref<1x128xf32, #tpu.memory_space<vmem>> -> memref<128xf32, #tpu.memory_space<vmem>>
    %dma_wait3A_3843 = arith.constant 0 : i32
    %dma_wait3A_3844 = tpu.memref_slice %arg5[%dma_wait3A_3838, %dma_wait3A_3843] : memref<32x128xi32, #tpu.memory_space<vmem>> -> memref<1x128xi32, #tpu.memory_space<vmem>>
    %dma_wait3A_3845 = tpu.memref_squeeze %dma_wait3A_3844 : memref<1x128xi32, #tpu.memory_space<vmem>> -> memref<128xi32, #tpu.memory_space<vmem>>
    %dma_wait3A_3846 = arith.constant 0 : i32
    %dma_wait3A_3847 = tpu.memref_slice %arg2[%dma_wait3A_3846] : memref<67108864xf32, #tpu.memory_space<hbm>> -> memref<67108864xf32, #tpu.memory_space<hbm>>
    tpu.wait_indirect_dma semaphore(%arg7 : memref<!tpu.dma_semaphore, #tpu.memory_space<semaphore_mem>>) src(%dma_wait3A_3847 : memref<67108864xf32, #tpu.memory_space<hbm>>) dst(%dma_wait3A_3842 : memref<128xf32, #tpu.memory_space<vmem>>)
    %dma_wait3A_3848 = arith.constant 4 : i32
    %dma_wait3A_3849 = arith.constant 2 : i32
    %dma_wait3A_3850 = arith.constant 0 : i32
    %dma_wait3A_3851 = tpu.memref_slice %arg6[%dma_wait3A_3849, %dma_wait3A_3850] : memref<16x256xf32, #tpu.memory_space<vmem>> -> memref<1x128xf32, #tpu.memory_space<vmem>>
    %dma_wait3A_3852 = tpu.memref_squeeze %dma_wait3A_3851 : memref<1x128xf32, #tpu.memory_space<vmem>> -> memref<128xf32, #tpu.memory_space<vmem>>
    %dma_wait3A_3853 = arith.constant 0 : i32
    %dma_wait3A_3854 = tpu.memref_slice %arg5[%dma_wait3A_3848, %dma_wait3A_3853] : memref<32x128xi32, #tpu.memory_space<vmem>> -> memref<1x128xi32, #tpu.memory_space<vmem>>
    %dma_wait3A_3855 = tpu.memref_squeeze %dma_wait3A_3854 : memref<1x128xi32, #tpu.memory_space<vmem>> -> memref<128xi32, #tpu.memory_space<vmem>>
    %dma_wait3A_3856 = arith.constant 0 : i32
    %dma_wait3A_3857 = tpu.memref_slice %arg2[%dma_wait3A_3856] : memref<67108864xf32, #tpu.memory_space<hbm>> -> memref<67108864xf32, #tpu.memory_space<hbm>>
    tpu.wait_indirect_dma semaphore(%arg7 : memref<!tpu.dma_semaphore, #tpu.memory_space<semaphore_mem>>) src(%dma_wait3A_3857 : memref<67108864xf32, #tpu.memory_space<hbm>>) dst(%dma_wait3A_3852 : memref<128xf32, #tpu.memory_space<vmem>>)
    %dma_wait3A_3858 = arith.constant 5 : i32
    %dma_wait3A_3859 = arith.constant 2 : i32
    %dma_wait3A_3860 = arith.constant 128 : i32
    %dma_wait3A_3861 = tpu.memref_slice %arg6[%dma_wait3A_3859, %dma_wait3A_3860] : memref<16x256xf32, #tpu.memory_space<vmem>> -> memref<1x128xf32, #tpu.memory_space<vmem>>
    %dma_wait3A_3862 = tpu.memref_squeeze %dma_wait3A_3861 : memref<1x128xf32, #tpu.memory_space<vmem>> -> memref<128xf32, #tpu.memory_space<vmem>>
    %dma_wait3A_3863 = arith.constant 0 : i32
    %dma_wait3A_3864 = tpu.memref_slice %arg5[%dma_wait3A_3858, %dma_wait3A_3863] : memref<32x128xi32, #tpu.memory_space<vmem>> -> memref<1x128xi32, #tpu.memory_space<vmem>>
    %dma_wait3A_3865 = tpu.memref_squeeze %dma_wait3A_3864 : memref<1x128xi32, #tpu.memory_space<vmem>> -> memref<128xi32, #tpu.memory_space<vmem>>
    %dma_wait3A_3866 = arith.constant 0 : i32
    %dma_wait3A_3867 = tpu.memref_slice %arg2[%dma_wait3A_3866] : memref<67108864xf32, #tpu.memory_space<hbm>> -> memref<67108864xf32, #tpu.memory_space<hbm>>
    tpu.wait_indirect_dma semaphore(%arg7 : memref<!tpu.dma_semaphore, #tpu.memory_space<semaphore_mem>>) src(%dma_wait3A_3867 : memref<67108864xf32, #tpu.memory_space<hbm>>) dst(%dma_wait3A_3862 : memref<128xf32, #tpu.memory_space<vmem>>)
    %dma_wait3A_3868 = arith.constant 6 : i32
    %dma_wait3A_3869 = arith.constant 3 : i32
    %dma_wait3A_3870 = arith.constant 0 : i32
    %dma_wait3A_3871 = tpu.memref_slice %arg6[%dma_wait3A_3869, %dma_wait3A_3870] : memref<16x256xf32, #tpu.memory_space<vmem>> -> memref<1x128xf32, #tpu.memory_space<vmem>>
    %dma_wait3A_3872 = tpu.memref_squeeze %dma_wait3A_3871 : memref<1x128xf32, #tpu.memory_space<vmem>> -> memref<128xf32, #tpu.memory_space<vmem>>
    %dma_wait3A_3873 = arith.constant 0 : i32
    %dma_wait3A_3874 = tpu.memref_slice %arg5[%dma_wait3A_3868, %dma_wait3A_3873] : memref<32x128xi32, #tpu.memory_space<vmem>> -> memref<1x128xi32, #tpu.memory_space<vmem>>
    %dma_wait3A_3875 = tpu.memref_squeeze %dma_wait3A_3874 : memref<1x128xi32, #tpu.memory_space<vmem>> -> memref<128xi32, #tpu.memory_space<vmem>>
    %dma_wait3A_3876 = arith.constant 0 : i32
    %dma_wait3A_3877 = tpu.memref_slice %arg2[%dma_wait3A_3876] : memref<67108864xf32, #tpu.memory_space<hbm>> -> memref<67108864xf32, #tpu.memory_space<hbm>>
    tpu.wait_indirect_dma semaphore(%arg7 : memref<!tpu.dma_semaphore, #tpu.memory_space<semaphore_mem>>) src(%dma_wait3A_3877 : memref<67108864xf32, #tpu.memory_space<hbm>>) dst(%dma_wait3A_3872 : memref<128xf32, #tpu.memory_space<vmem>>)
    %dma_wait3A_3878 = arith.constant 7 : i32
    %dma_wait3A_3879 = arith.constant 3 : i32
    %dma_wait3A_3880 = arith.constant 128 : i32
    %dma_wait3A_3881 = tpu.memref_slice %arg6[%dma_wait3A_3879, %dma_wait3A_3880] : memref<16x256xf32, #tpu.memory_space<vmem>> -> memref<1x128xf32, #tpu.memory_space<vmem>>
    %dma_wait3A_3882 = tpu.memref_squeeze %dma_wait3A_3881 : memref<1x128xf32, #tpu.memory_space<vmem>> -> memref<128xf32, #tpu.memory_space<vmem>>
    %dma_wait3A_3883 = arith.constant 0 : i32
    %dma_wait3A_3884 = tpu.memref_slice %arg5[%dma_wait3A_3878, %dma_wait3A_3883] : memref<32x128xi32, #tpu.memory_space<vmem>> -> memref<1x128xi32, #tpu.memory_space<vmem>>
    %dma_wait3A_3885 = tpu.memref_squeeze %dma_wait3A_3884 : memref<1x128xi32, #tpu.memory_space<vmem>> -> memref<128xi32, #tpu.memory_space<vmem>>
    %dma_wait3A_3886 = arith.constant 0 : i32
    %dma_wait3A_3887 = tpu.memref_slice %arg2[%dma_wait3A_3886] : memref<67108864xf32, #tpu.memory_space<hbm>> -> memref<67108864xf32, #tpu.memory_space<hbm>>
    tpu.wait_indirect_dma semaphore(%arg7 : memref<!tpu.dma_semaphore, #tpu.memory_space<semaphore_mem>>) src(%dma_wait3A_3887 : memref<67108864xf32, #tpu.memory_space<hbm>>) dst(%dma_wait3A_3882 : memref<128xf32, #tpu.memory_space<vmem>>)
    %dma_wait3A_3888 = arith.constant 8 : i32
    %dma_wait3A_3889 = arith.constant 4 : i32
    %dma_wait3A_3890 = arith.constant 0 : i32
    %dma_wait3A_3891 = tpu.memref_slice %arg6[%dma_wait3A_3889, %dma_wait3A_3890] : memref<16x256xf32, #tpu.memory_space<vmem>> -> memref<1x128xf32, #tpu.memory_space<vmem>>
    %dma_wait3A_3892 = tpu.memref_squeeze %dma_wait3A_3891 : memref<1x128xf32, #tpu.memory_space<vmem>> -> memref<128xf32, #tpu.memory_space<vmem>>
    %dma_wait3A_3893 = arith.constant 0 : i32
    %dma_wait3A_3894 = tpu.memref_slice %arg5[%dma_wait3A_3888, %dma_wait3A_3893] : memref<32x128xi32, #tpu.memory_space<vmem>> -> memref<1x128xi32, #tpu.memory_space<vmem>>
    %dma_wait3A_3895 = tpu.memref_squeeze %dma_wait3A_3894 : memref<1x128xi32, #tpu.memory_space<vmem>> -> memref<128xi32, #tpu.memory_space<vmem>>
    %dma_wait3A_3896 = arith.constant 0 : i32
    %dma_wait3A_3897 = tpu.memref_slice %arg2[%dma_wait3A_3896] : memref<67108864xf32, #tpu.memory_space<hbm>> -> memref<67108864xf32, #tpu.memory_space<hbm>>
    tpu.wait_indirect_dma semaphore(%arg7 : memref<!tpu.dma_semaphore, #tpu.memory_space<semaphore_mem>>) src(%dma_wait3A_3897 : memref<67108864xf32, #tpu.memory_space<hbm>>) dst(%dma_wait3A_3892 : memref<128xf32, #tpu.memory_space<vmem>>)
    %dma_wait3A_3898 = arith.constant 9 : i32
    %dma_wait3A_3899 = arith.constant 4 : i32
    %dma_wait3A_3900 = arith.constant 128 : i32
    %dma_wait3A_3901 = tpu.memref_slice %arg6[%dma_wait3A_3899, %dma_wait3A_3900] : memref<16x256xf32, #tpu.memory_space<vmem>> -> memref<1x128xf32, #tpu.memory_space<vmem>>
    %dma_wait3A_3902 = tpu.memref_squeeze %dma_wait3A_3901 : memref<1x128xf32, #tpu.memory_space<vmem>> -> memref<128xf32, #tpu.memory_space<vmem>>
    %dma_wait3A_3903 = arith.constant 0 : i32
    %dma_wait3A_3904 = tpu.memref_slice %arg5[%dma_wait3A_3898, %dma_wait3A_3903] : memref<32x128xi32, #tpu.memory_space<vmem>> -> memref<1x128xi32, #tpu.memory_space<vmem>>
    %dma_wait3A_3905 = tpu.memref_squeeze %dma_wait3A_3904 : memref<1x128xi32, #tpu.memory_space<vmem>> -> memref<128xi32, #tpu.memory_space<vmem>>
    %dma_wait3A_3906 = arith.constant 0 : i32
    %dma_wait3A_3907 = tpu.memref_slice %arg2[%dma_wait3A_3906] : memref<67108864xf32, #tpu.memory_space<hbm>> -> memref<67108864xf32, #tpu.memory_space<hbm>>
    tpu.wait_indirect_dma semaphore(%arg7 : memref<!tpu.dma_semaphore, #tpu.memory_space<semaphore_mem>>) src(%dma_wait3A_3907 : memref<67108864xf32, #tpu.memory_space<hbm>>) dst(%dma_wait3A_3902 : memref<128xf32, #tpu.memory_space<vmem>>)
    %dma_wait3A_3908 = arith.constant 10 : i32
    %dma_wait3A_3909 = arith.constant 5 : i32
    %dma_wait3A_3910 = arith.constant 0 : i32
    %dma_wait3A_3911 = tpu.memref_slice %arg6[%dma_wait3A_3909, %dma_wait3A_3910] : memref<16x256xf32, #tpu.memory_space<vmem>> -> memref<1x128xf32, #tpu.memory_space<vmem>>
    %dma_wait3A_3912 = tpu.memref_squeeze %dma_wait3A_3911 : memref<1x128xf32, #tpu.memory_space<vmem>> -> memref<128xf32, #tpu.memory_space<vmem>>
    %dma_wait3A_3913 = arith.constant 0 : i32
    %dma_wait3A_3914 = tpu.memref_slice %arg5[%dma_wait3A_3908, %dma_wait3A_3913] : memref<32x128xi32, #tpu.memory_space<vmem>> -> memref<1x128xi32, #tpu.memory_space<vmem>>
    %dma_wait3A_3915 = tpu.memref_squeeze %dma_wait3A_3914 : memref<1x128xi32, #tpu.memory_space<vmem>> -> memref<128xi32, #tpu.memory_space<vmem>>
    %dma_wait3A_3916 = arith.constant 0 : i32
    %dma_wait3A_3917 = tpu.memref_slice %arg2[%dma_wait3A_3916] : memref<67108864xf32, #tpu.memory_space<hbm>> -> memref<67108864xf32, #tpu.memory_space<hbm>>
    tpu.wait_indirect_dma semaphore(%arg7 : memref<!tpu.dma_semaphore, #tpu.memory_space<semaphore_mem>>) src(%dma_wait3A_3917 : memref<67108864xf32, #tpu.memory_space<hbm>>) dst(%dma_wait3A_3912 : memref<128xf32, #tpu.memory_space<vmem>>)
    %dma_wait3A_3918 = arith.constant 11 : i32
    %dma_wait3A_3919 = arith.constant 5 : i32
    %dma_wait3A_3920 = arith.constant 128 : i32
    %dma_wait3A_3921 = tpu.memref_slice %arg6[%dma_wait3A_3919, %dma_wait3A_3920] : memref<16x256xf32, #tpu.memory_space<vmem>> -> memref<1x128xf32, #tpu.memory_space<vmem>>
    %dma_wait3A_3922 = tpu.memref_squeeze %dma_wait3A_3921 : memref<1x128xf32, #tpu.memory_space<vmem>> -> memref<128xf32, #tpu.memory_space<vmem>>
    %dma_wait3A_3923 = arith.constant 0 : i32
    %dma_wait3A_3924 = tpu.memref_slice %arg5[%dma_wait3A_3918, %dma_wait3A_3923] : memref<32x128xi32, #tpu.memory_space<vmem>> -> memref<1x128xi32, #tpu.memory_space<vmem>>
    %dma_wait3A_3925 = tpu.memref_squeeze %dma_wait3A_3924 : memref<1x128xi32, #tpu.memory_space<vmem>> -> memref<128xi32, #tpu.memory_space<vmem>>
    %dma_wait3A_3926 = arith.constant 0 : i32
    %dma_wait3A_3927 = tpu.memref_slice %arg2[%dma_wait3A_3926] : memref<67108864xf32, #tpu.memory_space<hbm>> -> memref<67108864xf32, #tpu.memory_space<hbm>>
    tpu.wait_indirect_dma semaphore(%arg7 : memref<!tpu.dma_semaphore, #tpu.memory_space<semaphore_mem>>) src(%dma_wait3A_3927 : memref<67108864xf32, #tpu.memory_space<hbm>>) dst(%dma_wait3A_3922 : memref<128xf32, #tpu.memory_space<vmem>>)
    %dma_wait3A_3928 = arith.constant 12 : i32
    %dma_wait3A_3929 = arith.constant 6 : i32
    %dma_wait3A_3930 = arith.constant 0 : i32
    %dma_wait3A_3931 = tpu.memref_slice %arg6[%dma_wait3A_3929, %dma_wait3A_3930] : memref<16x256xf32, #tpu.memory_space<vmem>> -> memref<1x128xf32, #tpu.memory_space<vmem>>
    %dma_wait3A_3932 = tpu.memref_squeeze %dma_wait3A_3931 : memref<1x128xf32, #tpu.memory_space<vmem>> -> memref<128xf32, #tpu.memory_space<vmem>>
    %dma_wait3A_3933 = arith.constant 0 : i32
    %dma_wait3A_3934 = tpu.memref_slice %arg5[%dma_wait3A_3928, %dma_wait3A_3933] : memref<32x128xi32, #tpu.memory_space<vmem>> -> memref<1x128xi32, #tpu.memory_space<vmem>>
    %dma_wait3A_3935 = tpu.memref_squeeze %dma_wait3A_3934 : memref<1x128xi32, #tpu.memory_space<vmem>> -> memref<128xi32, #tpu.memory_space<vmem>>
    %dma_wait3A_3936 = arith.constant 0 : i32
    %dma_wait3A_3937 = tpu.memref_slice %arg2[%dma_wait3A_3936] : memref<67108864xf32, #tpu.memory_space<hbm>> -> memref<67108864xf32, #tpu.memory_space<hbm>>
    tpu.wait_indirect_dma semaphore(%arg7 : memref<!tpu.dma_semaphore, #tpu.memory_space<semaphore_mem>>) src(%dma_wait3A_3937 : memref<67108864xf32, #tpu.memory_space<hbm>>) dst(%dma_wait3A_3932 : memref<128xf32, #tpu.memory_space<vmem>>)
    %dma_wait3A_3938 = arith.constant 13 : i32
    %dma_wait3A_3939 = arith.constant 6 : i32
    %dma_wait3A_3940 = arith.constant 128 : i32
    %dma_wait3A_3941 = tpu.memref_slice %arg6[%dma_wait3A_3939, %dma_wait3A_3940] : memref<16x256xf32, #tpu.memory_space<vmem>> -> memref<1x128xf32, #tpu.memory_space<vmem>>
    %dma_wait3A_3942 = tpu.memref_squeeze %dma_wait3A_3941 : memref<1x128xf32, #tpu.memory_space<vmem>> -> memref<128xf32, #tpu.memory_space<vmem>>
    %dma_wait3A_3943 = arith.constant 0 : i32
    %dma_wait3A_3944 = tpu.memref_slice %arg5[%dma_wait3A_3938, %dma_wait3A_3943] : memref<32x128xi32, #tpu.memory_space<vmem>> -> memref<1x128xi32, #tpu.memory_space<vmem>>
    %dma_wait3A_3945 = tpu.memref_squeeze %dma_wait3A_3944 : memref<1x128xi32, #tpu.memory_space<vmem>> -> memref<128xi32, #tpu.memory_space<vmem>>
    %dma_wait3A_3946 = arith.constant 0 : i32
    %dma_wait3A_3947 = tpu.memref_slice %arg2[%dma_wait3A_3946] : memref<67108864xf32, #tpu.memory_space<hbm>> -> memref<67108864xf32, #tpu.memory_space<hbm>>
    tpu.wait_indirect_dma semaphore(%arg7 : memref<!tpu.dma_semaphore, #tpu.memory_space<semaphore_mem>>) src(%dma_wait3A_3947 : memref<67108864xf32, #tpu.memory_space<hbm>>) dst(%dma_wait3A_3942 : memref<128xf32, #tpu.memory_space<vmem>>)
    %dma_wait3A_3948 = arith.constant 14 : i32
    %dma_wait3A_3949 = arith.constant 7 : i32
    %dma_wait3A_3950 = arith.constant 0 : i32
    %dma_wait3A_3951 = tpu.memref_slice %arg6[%dma_wait3A_3949, %dma_wait3A_3950] : memref<16x256xf32, #tpu.memory_space<vmem>> -> memref<1x128xf32, #tpu.memory_space<vmem>>
    %dma_wait3A_3952 = tpu.memref_squeeze %dma_wait3A_3951 : memref<1x128xf32, #tpu.memory_space<vmem>> -> memref<128xf32, #tpu.memory_space<vmem>>
    %dma_wait3A_3953 = arith.constant 0 : i32
    %dma_wait3A_3954 = tpu.memref_slice %arg5[%dma_wait3A_3948, %dma_wait3A_3953] : memref<32x128xi32, #tpu.memory_space<vmem>> -> memref<1x128xi32, #tpu.memory_space<vmem>>
    %dma_wait3A_3955 = tpu.memref_squeeze %dma_wait3A_3954 : memref<1x128xi32, #tpu.memory_space<vmem>> -> memref<128xi32, #tpu.memory_space<vmem>>
    %dma_wait3A_3956 = arith.constant 0 : i32
    %dma_wait3A_3957 = tpu.memref_slice %arg2[%dma_wait3A_3956] : memref<67108864xf32, #tpu.memory_space<hbm>> -> memref<67108864xf32, #tpu.memory_space<hbm>>
    tpu.wait_indirect_dma semaphore(%arg7 : memref<!tpu.dma_semaphore, #tpu.memory_space<semaphore_mem>>) src(%dma_wait3A_3957 : memref<67108864xf32, #tpu.memory_space<hbm>>) dst(%dma_wait3A_3952 : memref<128xf32, #tpu.memory_space<vmem>>)
    %dma_wait3A_3958 = arith.constant 15 : i32
    %dma_wait3A_3959 = arith.constant 7 : i32
    %dma_wait3A_3960 = arith.constant 128 : i32
    %dma_wait3A_3961 = tpu.memref_slice %arg6[%dma_wait3A_3959, %dma_wait3A_3960] : memref<16x256xf32, #tpu.memory_space<vmem>> -> memref<1x128xf32, #tpu.memory_space<vmem>>
    %dma_wait3A_3962 = tpu.memref_squeeze %dma_wait3A_3961 : memref<1x128xf32, #tpu.memory_space<vmem>> -> memref<128xf32, #tpu.memory_space<vmem>>
    %dma_wait3A_3963 = arith.constant 0 : i32
    %dma_wait3A_3964 = tpu.memref_slice %arg5[%dma_wait3A_3958, %dma_wait3A_3963] : memref<32x128xi32, #tpu.memory_space<vmem>> -> memref<1x128xi32, #tpu.memory_space<vmem>>
    %dma_wait3A_3965 = tpu.memref_squeeze %dma_wait3A_3964 : memref<1x128xi32, #tpu.memory_space<vmem>> -> memref<128xi32, #tpu.memory_space<vmem>>
    %dma_wait3A_3966 = arith.constant 0 : i32
    %dma_wait3A_3967 = tpu.memref_slice %arg2[%dma_wait3A_3966] : memref<67108864xf32, #tpu.memory_space<hbm>> -> memref<67108864xf32, #tpu.memory_space<hbm>>
    tpu.wait_indirect_dma semaphore(%arg7 : memref<!tpu.dma_semaphore, #tpu.memory_space<semaphore_mem>>) src(%dma_wait3A_3967 : memref<67108864xf32, #tpu.memory_space<hbm>>) dst(%dma_wait3A_3962 : memref<128xf32, #tpu.memory_space<vmem>>)
    %dma_wait3A_3968 = arith.constant 16 : i32
    %dma_wait3A_3969 = arith.constant 8 : i32
    %dma_wait3A_3970 = arith.constant 0 : i32
    %dma_wait3A_3971 = tpu.memref_slice %arg6[%dma_wait3A_3969, %dma_wait3A_3970] : memref<16x256xf32, #tpu.memory_space<vmem>> -> memref<1x128xf32, #tpu.memory_space<vmem>>
    %dma_wait3A_3972 = tpu.memref_squeeze %dma_wait3A_3971 : memref<1x128xf32, #tpu.memory_space<vmem>> -> memref<128xf32, #tpu.memory_space<vmem>>
    %dma_wait3A_3973 = arith.constant 0 : i32
    %dma_wait3A_3974 = tpu.memref_slice %arg5[%dma_wait3A_3968, %dma_wait3A_3973] : memref<32x128xi32, #tpu.memory_space<vmem>> -> memref<1x128xi32, #tpu.memory_space<vmem>>
    %dma_wait3A_3975 = tpu.memref_squeeze %dma_wait3A_3974 : memref<1x128xi32, #tpu.memory_space<vmem>> -> memref<128xi32, #tpu.memory_space<vmem>>
    %dma_wait3A_3976 = arith.constant 0 : i32
    %dma_wait3A_3977 = tpu.memref_slice %arg2[%dma_wait3A_3976] : memref<67108864xf32, #tpu.memory_space<hbm>> -> memref<67108864xf32, #tpu.memory_space<hbm>>
    tpu.wait_indirect_dma semaphore(%arg7 : memref<!tpu.dma_semaphore, #tpu.memory_space<semaphore_mem>>) src(%dma_wait3A_3977 : memref<67108864xf32, #tpu.memory_space<hbm>>) dst(%dma_wait3A_3972 : memref<128xf32, #tpu.memory_space<vmem>>)
    %dma_wait3A_3978 = arith.constant 17 : i32
    %dma_wait3A_3979 = arith.constant 8 : i32
    %dma_wait3A_3980 = arith.constant 128 : i32
    %dma_wait3A_3981 = tpu.memref_slice %arg6[%dma_wait3A_3979, %dma_wait3A_3980] : memref<16x256xf32, #tpu.memory_space<vmem>> -> memref<1x128xf32, #tpu.memory_space<vmem>>
    %dma_wait3A_3982 = tpu.memref_squeeze %dma_wait3A_3981 : memref<1x128xf32, #tpu.memory_space<vmem>> -> memref<128xf32, #tpu.memory_space<vmem>>
    %dma_wait3A_3983 = arith.constant 0 : i32
    %dma_wait3A_3984 = tpu.memref_slice %arg5[%dma_wait3A_3978, %dma_wait3A_3983] : memref<32x128xi32, #tpu.memory_space<vmem>> -> memref<1x128xi32, #tpu.memory_space<vmem>>
    %dma_wait3A_3985 = tpu.memref_squeeze %dma_wait3A_3984 : memref<1x128xi32, #tpu.memory_space<vmem>> -> memref<128xi32, #tpu.memory_space<vmem>>
    %dma_wait3A_3986 = arith.constant 0 : i32
    %dma_wait3A_3987 = tpu.memref_slice %arg2[%dma_wait3A_3986] : memref<67108864xf32, #tpu.memory_space<hbm>> -> memref<67108864xf32, #tpu.memory_space<hbm>>
    tpu.wait_indirect_dma semaphore(%arg7 : memref<!tpu.dma_semaphore, #tpu.memory_space<semaphore_mem>>) src(%dma_wait3A_3987 : memref<67108864xf32, #tpu.memory_space<hbm>>) dst(%dma_wait3A_3982 : memref<128xf32, #tpu.memory_space<vmem>>)
    %dma_wait3A_3988 = arith.constant 18 : i32
    %dma_wait3A_3989 = arith.constant 9 : i32
    %dma_wait3A_3990 = arith.constant 0 : i32
    %dma_wait3A_3991 = tpu.memref_slice %arg6[%dma_wait3A_3989, %dma_wait3A_3990] : memref<16x256xf32, #tpu.memory_space<vmem>> -> memref<1x128xf32, #tpu.memory_space<vmem>>
    %dma_wait3A_3992 = tpu.memref_squeeze %dma_wait3A_3991 : memref<1x128xf32, #tpu.memory_space<vmem>> -> memref<128xf32, #tpu.memory_space<vmem>>
    %dma_wait3A_3993 = arith.constant 0 : i32
    %dma_wait3A_3994 = tpu.memref_slice %arg5[%dma_wait3A_3988, %dma_wait3A_3993] : memref<32x128xi32, #tpu.memory_space<vmem>> -> memref<1x128xi32, #tpu.memory_space<vmem>>
    %dma_wait3A_3995 = tpu.memref_squeeze %dma_wait3A_3994 : memref<1x128xi32, #tpu.memory_space<vmem>> -> memref<128xi32, #tpu.memory_space<vmem>>
    %dma_wait3A_3996 = arith.constant 0 : i32
    %dma_wait3A_3997 = tpu.memref_slice %arg2[%dma_wait3A_3996] : memref<67108864xf32, #tpu.memory_space<hbm>> -> memref<67108864xf32, #tpu.memory_space<hbm>>
    tpu.wait_indirect_dma semaphore(%arg7 : memref<!tpu.dma_semaphore, #tpu.memory_space<semaphore_mem>>) src(%dma_wait3A_3997 : memref<67108864xf32, #tpu.memory_space<hbm>>) dst(%dma_wait3A_3992 : memref<128xf32, #tpu.memory_space<vmem>>)
    %dma_wait3A_3998 = arith.constant 19 : i32
    %dma_wait3A_3999 = arith.constant 9 : i32
    %dma_wait3A_4000 = arith.constant 128 : i32
    %dma_wait3A_4001 = tpu.memref_slice %arg6[%dma_wait3A_3999, %dma_wait3A_4000] : memref<16x256xf32, #tpu.memory_space<vmem>> -> memref<1x128xf32, #tpu.memory_space<vmem>>
    %dma_wait3A_4002 = tpu.memref_squeeze %dma_wait3A_4001 : memref<1x128xf32, #tpu.memory_space<vmem>> -> memref<128xf32, #tpu.memory_space<vmem>>
    %dma_wait3A_4003 = arith.constant 0 : i32
    %dma_wait3A_4004 = tpu.memref_slice %arg5[%dma_wait3A_3998, %dma_wait3A_4003] : memref<32x128xi32, #tpu.memory_space<vmem>> -> memref<1x128xi32, #tpu.memory_space<vmem>>
    %dma_wait3A_4005 = tpu.memref_squeeze %dma_wait3A_4004 : memref<1x128xi32, #tpu.memory_space<vmem>> -> memref<128xi32, #tpu.memory_space<vmem>>
    %dma_wait3A_4006 = arith.constant 0 : i32
    %dma_wait3A_4007 = tpu.memref_slice %arg2[%dma_wait3A_4006] : memref<67108864xf32, #tpu.memory_space<hbm>> -> memref<67108864xf32, #tpu.memory_space<hbm>>
    tpu.wait_indirect_dma semaphore(%arg7 : memref<!tpu.dma_semaphore, #tpu.memory_space<semaphore_mem>>) src(%dma_wait3A_4007 : memref<67108864xf32, #tpu.memory_space<hbm>>) dst(%dma_wait3A_4002 : memref<128xf32, #tpu.memory_space<vmem>>)
    %dma_wait3A_4008 = arith.constant 20 : i32
    %dma_wait3A_4009 = arith.constant 10 : i32
    %dma_wait3A_4010 = arith.constant 0 : i32
    %dma_wait3A_4011 = tpu.memref_slice %arg6[%dma_wait3A_4009, %dma_wait3A_4010] : memref<16x256xf32, #tpu.memory_space<vmem>> -> memref<1x128xf32, #tpu.memory_space<vmem>>
    %dma_wait3A_4012 = tpu.memref_squeeze %dma_wait3A_4011 : memref<1x128xf32, #tpu.memory_space<vmem>> -> memref<128xf32, #tpu.memory_space<vmem>>
    %dma_wait3A_4013 = arith.constant 0 : i32
    %dma_wait3A_4014 = tpu.memref_slice %arg5[%dma_wait3A_4008, %dma_wait3A_4013] : memref<32x128xi32, #tpu.memory_space<vmem>> -> memref<1x128xi32, #tpu.memory_space<vmem>>
    %dma_wait3A_4015 = tpu.memref_squeeze %dma_wait3A_4014 : memref<1x128xi32, #tpu.memory_space<vmem>> -> memref<128xi32, #tpu.memory_space<vmem>>
    %dma_wait3A_4016 = arith.constant 0 : i32
    %dma_wait3A_4017 = tpu.memref_slice %arg2[%dma_wait3A_4016] : memref<67108864xf32, #tpu.memory_space<hbm>> -> memref<67108864xf32, #tpu.memory_space<hbm>>
    tpu.wait_indirect_dma semaphore(%arg7 : memref<!tpu.dma_semaphore, #tpu.memory_space<semaphore_mem>>) src(%dma_wait3A_4017 : memref<67108864xf32, #tpu.memory_space<hbm>>) dst(%dma_wait3A_4012 : memref<128xf32, #tpu.memory_space<vmem>>)
    %dma_wait3A_4018 = arith.constant 21 : i32
    %dma_wait3A_4019 = arith.constant 10 : i32
    %dma_wait3A_4020 = arith.constant 128 : i32
    %dma_wait3A_4021 = tpu.memref_slice %arg6[%dma_wait3A_4019, %dma_wait3A_4020] : memref<16x256xf32, #tpu.memory_space<vmem>> -> memref<1x128xf32, #tpu.memory_space<vmem>>
    %dma_wait3A_4022 = tpu.memref_squeeze %dma_wait3A_4021 : memref<1x128xf32, #tpu.memory_space<vmem>> -> memref<128xf32, #tpu.memory_space<vmem>>
    %dma_wait3A_4023 = arith.constant 0 : i32
    %dma_wait3A_4024 = tpu.memref_slice %arg5[%dma_wait3A_4018, %dma_wait3A_4023] : memref<32x128xi32, #tpu.memory_space<vmem>> -> memref<1x128xi32, #tpu.memory_space<vmem>>
    %dma_wait3A_4025 = tpu.memref_squeeze %dma_wait3A_4024 : memref<1x128xi32, #tpu.memory_space<vmem>> -> memref<128xi32, #tpu.memory_space<vmem>>
    %dma_wait3A_4026 = arith.constant 0 : i32
    %dma_wait3A_4027 = tpu.memref_slice %arg2[%dma_wait3A_4026] : memref<67108864xf32, #tpu.memory_space<hbm>> -> memref<67108864xf32, #tpu.memory_space<hbm>>
    tpu.wait_indirect_dma semaphore(%arg7 : memref<!tpu.dma_semaphore, #tpu.memory_space<semaphore_mem>>) src(%dma_wait3A_4027 : memref<67108864xf32, #tpu.memory_space<hbm>>) dst(%dma_wait3A_4022 : memref<128xf32, #tpu.memory_space<vmem>>)
    %dma_wait3A_4028 = arith.constant 22 : i32
    %dma_wait3A_4029 = arith.constant 11 : i32
    %dma_wait3A_4030 = arith.constant 0 : i32
    %dma_wait3A_4031 = tpu.memref_slice %arg6[%dma_wait3A_4029, %dma_wait3A_4030] : memref<16x256xf32, #tpu.memory_space<vmem>> -> memref<1x128xf32, #tpu.memory_space<vmem>>
    %dma_wait3A_4032 = tpu.memref_squeeze %dma_wait3A_4031 : memref<1x128xf32, #tpu.memory_space<vmem>> -> memref<128xf32, #tpu.memory_space<vmem>>
    %dma_wait3A_4033 = arith.constant 0 : i32
    %dma_wait3A_4034 = tpu.memref_slice %arg5[%dma_wait3A_4028, %dma_wait3A_4033] : memref<32x128xi32, #tpu.memory_space<vmem>> -> memref<1x128xi32, #tpu.memory_space<vmem>>
    %dma_wait3A_4035 = tpu.memref_squeeze %dma_wait3A_4034 : memref<1x128xi32, #tpu.memory_space<vmem>> -> memref<128xi32, #tpu.memory_space<vmem>>
    %dma_wait3A_4036 = arith.constant 0 : i32
    %dma_wait3A_4037 = tpu.memref_slice %arg2[%dma_wait3A_4036] : memref<67108864xf32, #tpu.memory_space<hbm>> -> memref<67108864xf32, #tpu.memory_space<hbm>>
    tpu.wait_indirect_dma semaphore(%arg7 : memref<!tpu.dma_semaphore, #tpu.memory_space<semaphore_mem>>) src(%dma_wait3A_4037 : memref<67108864xf32, #tpu.memory_space<hbm>>) dst(%dma_wait3A_4032 : memref<128xf32, #tpu.memory_space<vmem>>)
    %dma_wait3A_4038 = arith.constant 23 : i32
    %dma_wait3A_4039 = arith.constant 11 : i32
    %dma_wait3A_4040 = arith.constant 128 : i32
    %dma_wait3A_4041 = tpu.memref_slice %arg6[%dma_wait3A_4039, %dma_wait3A_4040] : memref<16x256xf32, #tpu.memory_space<vmem>> -> memref<1x128xf32, #tpu.memory_space<vmem>>
    %dma_wait3A_4042 = tpu.memref_squeeze %dma_wait3A_4041 : memref<1x128xf32, #tpu.memory_space<vmem>> -> memref<128xf32, #tpu.memory_space<vmem>>
    %dma_wait3A_4043 = arith.constant 0 : i32
    %dma_wait3A_4044 = tpu.memref_slice %arg5[%dma_wait3A_4038, %dma_wait3A_4043] : memref<32x128xi32, #tpu.memory_space<vmem>> -> memref<1x128xi32, #tpu.memory_space<vmem>>
    %dma_wait3A_4045 = tpu.memref_squeeze %dma_wait3A_4044 : memref<1x128xi32, #tpu.memory_space<vmem>> -> memref<128xi32, #tpu.memory_space<vmem>>
    %dma_wait3A_4046 = arith.constant 0 : i32
    %dma_wait3A_4047 = tpu.memref_slice %arg2[%dma_wait3A_4046] : memref<67108864xf32, #tpu.memory_space<hbm>> -> memref<67108864xf32, #tpu.memory_space<hbm>>
    tpu.wait_indirect_dma semaphore(%arg7 : memref<!tpu.dma_semaphore, #tpu.memory_space<semaphore_mem>>) src(%dma_wait3A_4047 : memref<67108864xf32, #tpu.memory_space<hbm>>) dst(%dma_wait3A_4042 : memref<128xf32, #tpu.memory_space<vmem>>)
    %dma_wait3A_4048 = arith.constant 24 : i32
    %dma_wait3A_4049 = arith.constant 12 : i32
    %dma_wait3A_4050 = arith.constant 0 : i32
    %dma_wait3A_4051 = tpu.memref_slice %arg6[%dma_wait3A_4049, %dma_wait3A_4050] : memref<16x256xf32, #tpu.memory_space<vmem>> -> memref<1x128xf32, #tpu.memory_space<vmem>>
    %dma_wait3A_4052 = tpu.memref_squeeze %dma_wait3A_4051 : memref<1x128xf32, #tpu.memory_space<vmem>> -> memref<128xf32, #tpu.memory_space<vmem>>
    %dma_wait3A_4053 = arith.constant 0 : i32
    %dma_wait3A_4054 = tpu.memref_slice %arg5[%dma_wait3A_4048, %dma_wait3A_4053] : memref<32x128xi32, #tpu.memory_space<vmem>> -> memref<1x128xi32, #tpu.memory_space<vmem>>
    %dma_wait3A_4055 = tpu.memref_squeeze %dma_wait3A_4054 : memref<1x128xi32, #tpu.memory_space<vmem>> -> memref<128xi32, #tpu.memory_space<vmem>>
    %dma_wait3A_4056 = arith.constant 0 : i32
    %dma_wait3A_4057 = tpu.memref_slice %arg2[%dma_wait3A_4056] : memref<67108864xf32, #tpu.memory_space<hbm>> -> memref<67108864xf32, #tpu.memory_space<hbm>>
    tpu.wait_indirect_dma semaphore(%arg7 : memref<!tpu.dma_semaphore, #tpu.memory_space<semaphore_mem>>) src(%dma_wait3A_4057 : memref<67108864xf32, #tpu.memory_space<hbm>>) dst(%dma_wait3A_4052 : memref<128xf32, #tpu.memory_space<vmem>>)
    %dma_wait3A_4058 = arith.constant 25 : i32
    %dma_wait3A_4059 = arith.constant 12 : i32
    %dma_wait3A_4060 = arith.constant 128 : i32
    %dma_wait3A_4061 = tpu.memref_slice %arg6[%dma_wait3A_4059, %dma_wait3A_4060] : memref<16x256xf32, #tpu.memory_space<vmem>> -> memref<1x128xf32, #tpu.memory_space<vmem>>
    %dma_wait3A_4062 = tpu.memref_squeeze %dma_wait3A_4061 : memref<1x128xf32, #tpu.memory_space<vmem>> -> memref<128xf32, #tpu.memory_space<vmem>>
    %dma_wait3A_4063 = arith.constant 0 : i32
    %dma_wait3A_4064 = tpu.memref_slice %arg5[%dma_wait3A_4058, %dma_wait3A_4063] : memref<32x128xi32, #tpu.memory_space<vmem>> -> memref<1x128xi32, #tpu.memory_space<vmem>>
    %dma_wait3A_4065 = tpu.memref_squeeze %dma_wait3A_4064 : memref<1x128xi32, #tpu.memory_space<vmem>> -> memref<128xi32, #tpu.memory_space<vmem>>
    %dma_wait3A_4066 = arith.constant 0 : i32
    %dma_wait3A_4067 = tpu.memref_slice %arg2[%dma_wait3A_4066] : memref<67108864xf32, #tpu.memory_space<hbm>> -> memref<67108864xf32, #tpu.memory_space<hbm>>
    tpu.wait_indirect_dma semaphore(%arg7 : memref<!tpu.dma_semaphore, #tpu.memory_space<semaphore_mem>>) src(%dma_wait3A_4067 : memref<67108864xf32, #tpu.memory_space<hbm>>) dst(%dma_wait3A_4062 : memref<128xf32, #tpu.memory_space<vmem>>)
    %dma_wait3A_4068 = arith.constant 26 : i32
    %dma_wait3A_4069 = arith.constant 13 : i32
    %dma_wait3A_4070 = arith.constant 0 : i32
    %dma_wait3A_4071 = tpu.memref_slice %arg6[%dma_wait3A_4069, %dma_wait3A_4070] : memref<16x256xf32, #tpu.memory_space<vmem>> -> memref<1x128xf32, #tpu.memory_space<vmem>>
    %dma_wait3A_4072 = tpu.memref_squeeze %dma_wait3A_4071 : memref<1x128xf32, #tpu.memory_space<vmem>> -> memref<128xf32, #tpu.memory_space<vmem>>
    %dma_wait3A_4073 = arith.constant 0 : i32
    %dma_wait3A_4074 = tpu.memref_slice %arg5[%dma_wait3A_4068, %dma_wait3A_4073] : memref<32x128xi32, #tpu.memory_space<vmem>> -> memref<1x128xi32, #tpu.memory_space<vmem>>
    %dma_wait3A_4075 = tpu.memref_squeeze %dma_wait3A_4074 : memref<1x128xi32, #tpu.memory_space<vmem>> -> memref<128xi32, #tpu.memory_space<vmem>>
    %dma_wait3A_4076 = arith.constant 0 : i32
    %dma_wait3A_4077 = tpu.memref_slice %arg2[%dma_wait3A_4076] : memref<67108864xf32, #tpu.memory_space<hbm>> -> memref<67108864xf32, #tpu.memory_space<hbm>>
    tpu.wait_indirect_dma semaphore(%arg7 : memref<!tpu.dma_semaphore, #tpu.memory_space<semaphore_mem>>) src(%dma_wait3A_4077 : memref<67108864xf32, #tpu.memory_space<hbm>>) dst(%dma_wait3A_4072 : memref<128xf32, #tpu.memory_space<vmem>>)
    %dma_wait3A_4078 = arith.constant 27 : i32
    %dma_wait3A_4079 = arith.constant 13 : i32
    %dma_wait3A_4080 = arith.constant 128 : i32
    %dma_wait3A_4081 = tpu.memref_slice %arg6[%dma_wait3A_4079, %dma_wait3A_4080] : memref<16x256xf32, #tpu.memory_space<vmem>> -> memref<1x128xf32, #tpu.memory_space<vmem>>
    %dma_wait3A_4082 = tpu.memref_squeeze %dma_wait3A_4081 : memref<1x128xf32, #tpu.memory_space<vmem>> -> memref<128xf32, #tpu.memory_space<vmem>>
    %dma_wait3A_4083 = arith.constant 0 : i32
    %dma_wait3A_4084 = tpu.memref_slice %arg5[%dma_wait3A_4078, %dma_wait3A_4083] : memref<32x128xi32, #tpu.memory_space<vmem>> -> memref<1x128xi32, #tpu.memory_space<vmem>>
    %dma_wait3A_4085 = tpu.memref_squeeze %dma_wait3A_4084 : memref<1x128xi32, #tpu.memory_space<vmem>> -> memref<128xi32, #tpu.memory_space<vmem>>
    %dma_wait3A_4086 = arith.constant 0 : i32
    %dma_wait3A_4087 = tpu.memref_slice %arg2[%dma_wait3A_4086] : memref<67108864xf32, #tpu.memory_space<hbm>> -> memref<67108864xf32, #tpu.memory_space<hbm>>
    tpu.wait_indirect_dma semaphore(%arg7 : memref<!tpu.dma_semaphore, #tpu.memory_space<semaphore_mem>>) src(%dma_wait3A_4087 : memref<67108864xf32, #tpu.memory_space<hbm>>) dst(%dma_wait3A_4082 : memref<128xf32, #tpu.memory_space<vmem>>)
    %dma_wait3A_4088 = arith.constant 28 : i32
    %dma_wait3A_4089 = arith.constant 14 : i32
    %dma_wait3A_4090 = arith.constant 0 : i32
    %dma_wait3A_4091 = tpu.memref_slice %arg6[%dma_wait3A_4089, %dma_wait3A_4090] : memref<16x256xf32, #tpu.memory_space<vmem>> -> memref<1x128xf32, #tpu.memory_space<vmem>>
    %dma_wait3A_4092 = tpu.memref_squeeze %dma_wait3A_4091 : memref<1x128xf32, #tpu.memory_space<vmem>> -> memref<128xf32, #tpu.memory_space<vmem>>
    %dma_wait3A_4093 = arith.constant 0 : i32
    %dma_wait3A_4094 = tpu.memref_slice %arg5[%dma_wait3A_4088, %dma_wait3A_4093] : memref<32x128xi32, #tpu.memory_space<vmem>> -> memref<1x128xi32, #tpu.memory_space<vmem>>
    %dma_wait3A_4095 = tpu.memref_squeeze %dma_wait3A_4094 : memref<1x128xi32, #tpu.memory_space<vmem>> -> memref<128xi32, #tpu.memory_space<vmem>>
    %dma_wait3A_4096 = arith.constant 0 : i32
    %dma_wait3A_4097 = tpu.memref_slice %arg2[%dma_wait3A_4096] : memref<67108864xf32, #tpu.memory_space<hbm>> -> memref<67108864xf32, #tpu.memory_space<hbm>>
    tpu.wait_indirect_dma semaphore(%arg7 : memref<!tpu.dma_semaphore, #tpu.memory_space<semaphore_mem>>) src(%dma_wait3A_4097 : memref<67108864xf32, #tpu.memory_space<hbm>>) dst(%dma_wait3A_4092 : memref<128xf32, #tpu.memory_space<vmem>>)
    %dma_wait3A_4098 = arith.constant 29 : i32
    %dma_wait3A_4099 = arith.constant 14 : i32
    %dma_wait3A_4100 = arith.constant 128 : i32
    %dma_wait3A_4101 = tpu.memref_slice %arg6[%dma_wait3A_4099, %dma_wait3A_4100] : memref<16x256xf32, #tpu.memory_space<vmem>> -> memref<1x128xf32, #tpu.memory_space<vmem>>
    %dma_wait3A_4102 = tpu.memref_squeeze %dma_wait3A_4101 : memref<1x128xf32, #tpu.memory_space<vmem>> -> memref<128xf32, #tpu.memory_space<vmem>>
    %dma_wait3A_4103 = arith.constant 0 : i32
    %dma_wait3A_4104 = tpu.memref_slice %arg5[%dma_wait3A_4098, %dma_wait3A_4103] : memref<32x128xi32, #tpu.memory_space<vmem>> -> memref<1x128xi32, #tpu.memory_space<vmem>>
    %dma_wait3A_4105 = tpu.memref_squeeze %dma_wait3A_4104 : memref<1x128xi32, #tpu.memory_space<vmem>> -> memref<128xi32, #tpu.memory_space<vmem>>
    %dma_wait3A_4106 = arith.constant 0 : i32
    %dma_wait3A_4107 = tpu.memref_slice %arg2[%dma_wait3A_4106] : memref<67108864xf32, #tpu.memory_space<hbm>> -> memref<67108864xf32, #tpu.memory_space<hbm>>
    tpu.wait_indirect_dma semaphore(%arg7 : memref<!tpu.dma_semaphore, #tpu.memory_space<semaphore_mem>>) src(%dma_wait3A_4107 : memref<67108864xf32, #tpu.memory_space<hbm>>) dst(%dma_wait3A_4102 : memref<128xf32, #tpu.memory_space<vmem>>)
    %dma_wait3A_4108 = arith.constant 30 : i32
    %dma_wait3A_4109 = arith.constant 15 : i32
    %dma_wait3A_4110 = arith.constant 0 : i32
    %dma_wait3A_4111 = tpu.memref_slice %arg6[%dma_wait3A_4109, %dma_wait3A_4110] : memref<16x256xf32, #tpu.memory_space<vmem>> -> memref<1x128xf32, #tpu.memory_space<vmem>>
    %dma_wait3A_4112 = tpu.memref_squeeze %dma_wait3A_4111 : memref<1x128xf32, #tpu.memory_space<vmem>> -> memref<128xf32, #tpu.memory_space<vmem>>
    %dma_wait3A_4113 = arith.constant 0 : i32
    %dma_wait3A_4114 = tpu.memref_slice %arg5[%dma_wait3A_4108, %dma_wait3A_4113] : memref<32x128xi32, #tpu.memory_space<vmem>> -> memref<1x128xi32, #tpu.memory_space<vmem>>
    %dma_wait3A_4115 = tpu.memref_squeeze %dma_wait3A_4114 : memref<1x128xi32, #tpu.memory_space<vmem>> -> memref<128xi32, #tpu.memory_space<vmem>>
    %dma_wait3A_4116 = arith.constant 0 : i32
    %dma_wait3A_4117 = tpu.memref_slice %arg2[%dma_wait3A_4116] : memref<67108864xf32, #tpu.memory_space<hbm>> -> memref<67108864xf32, #tpu.memory_space<hbm>>
    tpu.wait_indirect_dma semaphore(%arg7 : memref<!tpu.dma_semaphore, #tpu.memory_space<semaphore_mem>>) src(%dma_wait3A_4117 : memref<67108864xf32, #tpu.memory_space<hbm>>) dst(%dma_wait3A_4112 : memref<128xf32, #tpu.memory_space<vmem>>)
    %dma_wait3A_4118 = arith.constant 31 : i32
    %dma_wait3A_4119 = arith.constant 15 : i32
    %dma_wait3A_4120 = arith.constant 128 : i32
    %dma_wait3A_4121 = tpu.memref_slice %arg6[%dma_wait3A_4119, %dma_wait3A_4120] : memref<16x256xf32, #tpu.memory_space<vmem>> -> memref<1x128xf32, #tpu.memory_space<vmem>>
    %dma_wait3A_4122 = tpu.memref_squeeze %dma_wait3A_4121 : memref<1x128xf32, #tpu.memory_space<vmem>> -> memref<128xf32, #tpu.memory_space<vmem>>
    %dma_wait3A_4123 = arith.constant 0 : i32
    %dma_wait3A_4124 = tpu.memref_slice %arg5[%dma_wait3A_4118, %dma_wait3A_4123] : memref<32x128xi32, #tpu.memory_space<vmem>> -> memref<1x128xi32, #tpu.memory_space<vmem>>
    %dma_wait3A_4125 = tpu.memref_squeeze %dma_wait3A_4124 : memref<1x128xi32, #tpu.memory_space<vmem>> -> memref<128xi32, #tpu.memory_space<vmem>>
    %dma_wait3A_4126 = arith.constant 0 : i32
    %dma_wait3A_4127 = tpu.memref_slice %arg2[%dma_wait3A_4126] : memref<67108864xf32, #tpu.memory_space<hbm>> -> memref<67108864xf32, #tpu.memory_space<hbm>>
    tpu.wait_indirect_dma semaphore(%arg7 : memref<!tpu.dma_semaphore, #tpu.memory_space<semaphore_mem>>) src(%dma_wait3A_4127 : memref<67108864xf32, #tpu.memory_space<hbm>>) dst(%dma_wait3A_4122 : memref<128xf32, #tpu.memory_space<vmem>>)
    "tpu.region"() ({
      %run_scoped3A = tpu.sem_alloc : memref<!tpu.dma_semaphore, #tpu.memory_space<semaphore_mem>>
      %dma_start3A_4128 = arith.constant 0 : i32
      %dma_start3A_4129 = tpu.memref_slice %arg3[%shift_right_arithmetic3A_3, %dma_start3A_4128, %multiple_of3A] : memref<16x16x512xf32, #tpu.memory_space<hbm>> -> memref<1x16x256xf32, #tpu.memory_space<hbm>>
      %dma_start3A_4130 = tpu.memref_squeeze %dma_start3A_4129 : memref<1x16x256xf32, #tpu.memory_space<hbm>> -> memref<16x256xf32, #tpu.memory_space<hbm>>
      %dma_start3A_4131 = arith.constant 0 : i32
      %dma_start3A_4132 = tpu.memref_slice %arg3[%shift_right_arithmetic3A_3, %dma_start3A_4131, %multiple_of3A] : memref<16x16x512xf32, #tpu.memory_space<hbm>> -> memref<1x16x256xf32, #tpu.memory_space<hbm>>
      %dma_start3A_4133 = tpu.memref_squeeze %dma_start3A_4132 : memref<1x16x256xf32, #tpu.memory_space<hbm>> -> memref<16x256xf32, #tpu.memory_space<hbm>>
      tpu.enqueue_dma source(%arg6 : memref<16x256xf32, #tpu.memory_space<vmem>>) target(%dma_start3A_4133 : memref<16x256xf32, #tpu.memory_space<hbm>>) target_semaphore(%run_scoped3A : memref<!tpu.dma_semaphore, #tpu.memory_space<semaphore_mem>>)
      %dma_wait3A_4134 = arith.constant 0 : i32
      %dma_wait3A_4135 = tpu.memref_slice %arg3[%shift_right_arithmetic3A_3, %dma_wait3A_4134, %multiple_of3A] : memref<16x16x512xf32, #tpu.memory_space<hbm>> -> memref<1x16x256xf32, #tpu.memory_space<hbm>>
      %dma_wait3A_4136 = tpu.memref_squeeze %dma_wait3A_4135 : memref<1x16x256xf32, #tpu.memory_space<hbm>> -> memref<16x256xf32, #tpu.memory_space<hbm>>
      %dma_wait3A_4137 = arith.constant 0 : i32
      %dma_wait3A_4138 = tpu.memref_slice %arg3[%shift_right_arithmetic3A_3, %dma_wait3A_4137, %multiple_of3A] : memref<16x16x512xf32, #tpu.memory_space<hbm>> -> memref<1x16x256xf32, #tpu.memory_space<hbm>>
      %dma_wait3A_4139 = tpu.memref_squeeze %dma_wait3A_4138 : memref<1x16x256xf32, #tpu.memory_space<hbm>> -> memref<16x256xf32, #tpu.memory_space<hbm>>
      tpu.wait_dma2 semaphore(%run_scoped3A : memref<!tpu.dma_semaphore, #tpu.memory_space<semaphore_mem>>) src(%arg6 : memref<16x256xf32, #tpu.memory_space<vmem>>) dst(%dma_wait3A_4139 : memref<16x256xf32, #tpu.memory_space<hbm>>)
      tpu.yield
    }) : () -> ()
    return
  }
}

module attributes {stable_mosaic.version = 14 : i64} {
  func.func @_tc_mask_body(%arg0: i32, %arg1: i32, %arg2: memref<1x128x128xi8, #tpu.memory_space<vmem>>, %arg3: memref<1x16x128xf32, #tpu.memory_space<vmem>>, %arg4: memref<1x16x128xf32, #tpu.memory_space<vmem>>, %arg5: memref<1x1x128xi32, #tpu.memory_space<vmem>>) attributes {dimension_semantics = [#tpu.dimension_semantics<arbitrary>, #tpu.dimension_semantics<arbitrary>], iteration_bounds = array<i64: 16, 4>, scalar_prefetch = 0 : i64, scratch_operands = 0 : i64, tpu.core_type = #tpu.core_type<tc>, window_params = [{transform_indices = @transform_0, window_bounds = array<i64: 1, 128, 128>}, {transform_indices = @transform_1, window_bounds = array<i64: 1, 16, 128>}, {transform_indices = @transform_2, window_bounds = array<i64: 1, 16, 128>}, {transform_indices = @transform_3, window_bounds = array<i64: 1, 1, 128>}]} {
    %get3A = arith.constant 0 : index
    %get3A_0 = arith.constant 0 : index
    %get3A_1 = arith.constant 0 : index
    %get3A_2 = vector.load %arg2[%get3A, %get3A_0, %get3A_1] : memref<1x128x128xi8, #tpu.memory_space<vmem>>, vector<1x128x128xi8>
    %get3A_3 = vector.shape_cast %get3A_2 : vector<1x128x128xi8> to vector<128x128xi8>
    %convert_element_type3A = arith.extsi %get3A_3 : vector<128x128xi8> to vector<128x128xi32>
    %iota3A = tpu.iota {dimensions = array<i32: 0>} : vector<128x128xi32>
    %iota3A_4 = tpu.iota {dimensions = array<i32: 1>} : vector<128x128xi32>
    %eq3A = arith.cmpi eq, %iota3A, %iota3A_4 : vector<128x128xi32>
    %jit3A = arith.constant 0 : i32
    %broadcast_in_dim3A = vector.broadcast %jit3A : i32 to vector<128x128xi32>
    %select_n3A = arith.select %eq3A, %convert_element_type3A, %broadcast_in_dim3A : vector<128x128xi1>, vector<128x128xi32>
    %reduce_max3A = arith.constant dense<-2147483648> : vector<128xi32>
    %reduce_max3A_5 = vector.multi_reduction <maxsi>, %select_n3A, %reduce_max3A [0] : vector<128x128xi32> to vector<128xi32>
    %reshape3A = vector.shape_cast %reduce_max3A_5 : vector<128xi32> to vector<1x128xi32>
    %swap3A = arith.constant 0 : index
    %swap3A_6 = arith.constant 0 : index
    %swap3A_7 = arith.constant 0 : index
    %swap3A_8 = vector.load %arg5[%swap3A, %swap3A_6, %swap3A_7] : memref<1x1x128xi32, #tpu.memory_space<vmem>>, vector<1x1x128xi32>
    %swap3A_9 = vector.shape_cast %swap3A_8 : vector<1x1x128xi32> to vector<1x128xi32>
    %swap3A_10 = vector.shape_cast %reshape3A : vector<1x128xi32> to vector<1x1x128xi32>
    tpu.vector_store %arg5[%swap3A, %swap3A_6, %swap3A_7], %swap3A_10 {strides = array<i32>} : memref<1x1x128xi32, #tpu.memory_space<vmem>>, vector<1x1x128xi32>,
    %broadcast_in_dim3A_11 = vector.shape_cast %reduce_max3A_5 : vector<128xi32> to vector<1x128xi32>
    %broadcast_in_dim3A_12 = vector.shape_cast %broadcast_in_dim3A_11 : vector<1x128xi32> to vector<1x128xi32>
    %broadcast_in_dim3A_13 = vector.broadcast %broadcast_in_dim3A_12 : vector<1x128xi32> to vector<16x128xi32>
    %ne3A = arith.constant 0 : i32
    %ne3A_14 = vector.broadcast %ne3A : i32 to vector<16x128xi32>
    %ne3A_15 = arith.cmpi ne, %broadcast_in_dim3A_13, %ne3A_14 : vector<16x128xi32>
    %get3A_16 = arith.constant 0 : index
    %get3A_17 = arith.constant 0 : index
    %get3A_18 = arith.constant 0 : index
    %get3A_19 = vector.load %arg3[%get3A_16, %get3A_17, %get3A_18] : memref<1x16x128xf32, #tpu.memory_space<vmem>>, vector<1x16x128xf32>
    %get3A_20 = vector.shape_cast %get3A_19 : vector<1x16x128xf32> to vector<16x128xf32>
    %jit3A_21 = arith.constant 0.000000e+00 : f32
    %broadcast_in_dim3A_22 = vector.broadcast %jit3A_21 : f32 to vector<16x128xf32>
    %select_n3A_23 = arith.select %ne3A_15, %get3A_20, %broadcast_in_dim3A_22 : vector<16x128xi1>, vector<16x128xf32>
    %swap3A_24 = arith.constant 0 : index
    %swap3A_25 = arith.constant 0 : index
    %swap3A_26 = arith.constant 0 : index
    %swap3A_27 = vector.load %arg4[%swap3A_24, %swap3A_25, %swap3A_26] : memref<1x16x128xf32, #tpu.memory_space<vmem>>, vector<1x16x128xf32>
    %swap3A_28 = vector.shape_cast %swap3A_27 : vector<1x16x128xf32> to vector<16x128xf32>
    %swap3A_29 = vector.shape_cast %select_n3A_23 : vector<16x128xf32> to vector<1x16x128xf32>
    tpu.vector_store %arg4[%swap3A_24, %swap3A_25, %swap3A_26], %swap3A_29 {strides = array<i32>} : memref<1x16x128xf32, #tpu.memory_space<vmem>>, vector<1x16x128xf32>,
    return
  }
  func.func @transform_0(%arg0: i32, %arg1: i32) -> (i32, i32, i32) {
    %c0_i32 = arith.constant 0 : i32
    return %arg0, %arg1, %arg1 : i32, i32, i32
  }
  func.func @transform_1(%arg0: i32, %arg1: i32) -> (i32, i32, i32) {
    %c0_i32 = arith.constant 0 : i32
    %c0_i32_0 = arith.constant 0 : i32
    return %arg0, %c0_i32, %arg1 : i32, i32, i32
  }
  func.func @transform_2(%arg0: i32, %arg1: i32) -> (i32, i32, i32) {
    %c0_i32 = arith.constant 0 : i32
    %c0_i32_0 = arith.constant 0 : i32
    return %arg0, %c0_i32, %arg1 : i32, i32, i32
  }
  func.func @transform_3(%arg0: i32, %arg1: i32) -> (i32, i32, i32) {
    %c0_i32 = arith.constant 0 : i32
    %c0_i32_0 = arith.constant 0 : i32
    return %arg0, %c0_i32, %arg1 : i32, i32, i32
  }
}

</mosaic_0001>

<sc_bundles>
// kernel: kernel.4.cloned.1.call-start
scs
__scs_entry_jumppad:
0x0: {  	(pc) =	sbr.rel $0x88, $3  }
0x1: {  	(tag) =	ssettag $0x0;
	lr =	simm.s32 $0x1  }
0x2: {  	[smem:$0x3F9F] =	sst lr;
	_ =	strace $0xD0000000  }
0x3: {  	_ = 	snop  }
0x4: {  	_ = 	snop  }
0x5: {  	_ = 	snop  }
0x6: {  	_ = 	snop  }
0x7: {  	_ = 	snop  }
__scs_overlays_trampoline_lowered:
0x8: {  	[smem:$0x3FAE] =	sst s0  }
0x9: {  	[smem:$0x3FAF] =	sst s1  }
0xa: {  	[smem:$0x3FB0] =	sst s2  }
0xb: {  	[smem:$0x3FB1] =	sst s3  }
0xc: {  	[smem:$0x3FB2] =	sst s4  }
0xd: {  	[smem:$0x3FB3] =	sst s5  }
0xe: {  	[smem:$0x3FB4] =	sst s6  }
0xf: {  	[smem:$0x3FB5] =	sst s7  }
0x10: {  	[smem:$0x3FB6] =	sst s8  }
0x11: {  	[smem:$0x3FB7] =	sst s9;
	s0 =	simm.s32 @!p0 $0x0  }
0x12: {  	s1 =	sld [smem:$0x3F9D];
	s0 =	simm.s32 @p0 $0x1  }
0x13: {  	[smem:$0x3FB8] =	sst s0;
	s0 =	simm.s32 @!p1 $0x0  }
0x14: {  	s2 =	sld [smem:$0x3F9C];
	s0 =	simm.s32 @p1 $0x1  }
0x15: {  	[smem:$0x3FB9] =	sst s0;
	s0 =	simm.s32 @!p2 $0x0  }
0x16: {  	s3 =	sld [smem:$0x3FDB];
	s0 =	simm.s32 @p2 $0x1  }
0x17: {  	s4 =	simm.s32 $0x1BF5;
	[smem:$0x3FBB] =	sst s0  }
0x18: {  	s0 =	sld [smem:$0x3F9E];
	_ =	swait.ge [sflag:s4], $0x0  }
0x19: {  	s7 =	sld [smem:$0x3F9F]  }
0x1a: {  	s8 =	sadd.s32 $0xFFFFE003, lr  }
0x1b: {  	s9 =	sadd.s32 $0xFFFFFEF7, lr;
	s5 =	simm.s32 $0xFFFFFFFF;
	p2 =	slt.u32 s8, $0xFFFFF086  }
0x1c: {  	p1 =	slt.u32 s9, $0xF7A;
	s5 =	simm.s32 @!p2 $0x0  }
0x1d: {  	s5 =	simm.s32 @p1 $0x1;
	p0 =	seq.s32 s7, s2  }
0x1e: {  	s7 =	smul.u32 @!p0 $0xF7A, s2;
	p2 =	seq.s32 @!p0 s5, $0x0  }
0x1f: {  	s9 =	smul.u32 $0xF7A, s1;
	s8 =	simm.s32 @!p0 $0x1BF5;
	p2 =	por !p2, p0  }
0x20: {  	[sflag:s8] =	ssyncset.s32 @!p0 $0xFFFFF086;
	s6 =	sadd.s32 @!p0 s3, s7;
	s7 =	simm.s32 @!p0 $0x108  }
0x21: {  	s3 =	sadd.s32 s3, s9;
	s6 =	sadd.s32 @!p0 $0x88, s6;
	s7 =	simm.s32 @p2 $0x1082  }
0x22: {  	[simem:s7], [sflag:s8] =	dma.local @!p0 [hbm:s6], $0xF7A  }
0x23: {  	s9 =	sor.u32 $0xD0000000, s2;
	s6 =	simm.s32 $0x108;
	_ =	swait.ge @!p0 [sflag:s8], $0x0  }
0x24: {  	s3 =	sadd.s32 $0x88, s3;
	s6 =	simm.s32 @!p1 $0x1082;
	[sflag:s4] =	ssyncset.s32 $0xFFFFF086  }
0x25: {  	[simem:s6], [sflag:s4] =	dma.local [hbm:s3], $0xF7A  }
0x26: {  	[smem:$0x3F9F] =	sst s1;
	(tag) =	ssettag s2;
	_ =	strace s9  }
0x27: {  	s1 =	sld [smem:$0x3FAF]  }
0x28: {  	s2 =	sld [smem:$0x3FB0]  }
0x29: {  	s4 =	sld [smem:$0x3FB2]  }
0x2a: {  	p0 =	seq.s32 s5, $0x0;
	s5 =	sld [smem:$0x3FB3]  }
0x2b: {  	s6 =	sld [smem:$0x3FB4]  }
0x2c: {  	s7 =	sld [smem:$0x3FB5]  }
0x2d: {  	s3 =	simm.s32 $0x108;
	s8 =	sld [smem:$0x3FB6]  }
0x2e: {  	s3 =	simm.s32 @!p0 $0x1082;
	s9 =	sld [smem:$0x3FB7]  }
0x2f: {  	lr =	sadd.s32 s0, s3;
	s0 =	sld [smem:$0x3FAE]  }
0x30: {  	s3 =	sld [smem:$0x3FB1]  }
0x31: {  	[smem:$0x3FBA] =	sst s10  }
0x32: {  	s10 =	sld [smem:$0x3FB8];
	_ =	sdelay $0x3  }
0x33: {  	p0 =	seq.s32 s10, $0x1;
	s10 =	sld [smem:$0x3FBA];
	_ =	sdelay $0x3  }
0x34: {  	[smem:$0x3FBA] =	sst s10  }
0x35: {  	s10 =	sld [smem:$0x3FB9];
	_ =	sdelay $0x3  }
0x36: {  	p1 =	seq.s32 s10, $0x1;
	s10 =	sld [smem:$0x3FBA];
	_ =	sdelay $0x3  }
0x37: {  	[smem:$0x3FBA] =	sst s10  }
0x38: {  	s10 =	sld [smem:$0x3FBB]  }
0x39: {  	_ = 	snop;
	(pc) =	sbr.ind lr, $3  }
0x3a: {  	_ = 	snop  }
0x3b: {  	_ = 	snop  }
0x3c: {  	p2 =	seq.s32 s10, $0x1;
	s10 =	sld [smem:$0x3FBA]  }
0x3d: {  	_ =	shalt  }
0x3e: {  	_ =	shalt  }
0x3f: {  	_ =	shalt  }
0x40: {  	_ =	shalt  }
0x41: {  	_ =	shalt  }
0x42: {  	_ =	shalt  }
0x43: {  	_ =	shalt  }
0x44: {  	_ =	shalt  }
0x45: {  	_ =	shalt  }
0x46: {  	_ =	shalt  }
0x47: {  	_ =	shalt  }
0x48: {  	_ =	shalt  }
0x49: {  	_ =	shalt  }
0x4a: {  	_ =	shalt  }
0x4b: {  	_ =	shalt  }
0x4c: {  	_ =	shalt  }
0x4d: {  	_ =	shalt  }
0x4e: {  	_ =	shalt  }
0x4f: {  	_ =	shalt  }
0x50: {  	_ =	shalt  }
0x51: {  	_ =	shalt  }
0x52: {  	_ =	shalt  }
0x53: {  	_ =	shalt  }
0x54: {  	_ =	shalt  }
0x55: {  	_ =	shalt  }
0x56: {  	_ =	shalt  }
0x57: {  	_ =	shalt  }
0x58: {  	_ =	shalt  }
0x59: {  	_ =	shalt  }
0x5a: {  	_ =	shalt  }
0x5b: {  	_ =	shalt  }
0x5c: {  	_ =	shalt  }
0x5d: {  	_ =	shalt  }
0x5e: {  	_ =	shalt  }
0x5f: {  	_ =	shalt  }
0x60: {  	_ =	shalt  }
0x61: {  	_ =	shalt  }
0x62: {  	_ =	shalt  }
0x63: {  	_ =	shalt  }
0x64: {  	_ =	shalt  }
0x65: {  	_ =	shalt  }
0x66: {  	_ =	shalt  }
0x67: {  	_ =	shalt  }
0x68: {  	_ =	shalt  }
0x69: {  	_ =	shalt  }
0x6a: {  	_ =	shalt  }
0x6b: {  	_ =	shalt  }
0x6c: {  	_ =	shalt  }
0x6d: {  	_ =	shalt  }
0x6e: {  	_ =	shalt  }
0x6f: {  	_ =	shalt  }
0x70: {  	_ =	shalt  }
0x71: {  	_ =	shalt  }
0x72: {  	_ =	shalt  }
0x73: {  	_ =	shalt  }
0x74: {  	_ =	shalt  }
0x75: {  	_ =	shalt  }
0x76: {  	_ =	shalt  }
0x77: {  	_ =	shalt  }
0x78: {  	_ =	shalt  }
0x79: {  	_ =	shalt  }
0x7a: {  	_ =	shalt  }
0x7b: {  	_ =	shalt  }
0x7c: {  	_ =	shalt  }
0x7d: {  	_ =	shalt  }
0x7e: {  	_ =	shalt  }
0x7f: {  	_ =	shalt  }
0x80: {  	_ =	shalt  }
0x81: {  	_ =	shalt  }
0x82: {  	_ =	shalt  }
0x83: {  	_ =	shalt  }
0x84: {  	_ =	shalt  }
0x85: {  	_ =	shalt  }
0x86: {  	_ =	shalt  }
0x87: {  	_ =	shalt  }
.Lfunc_end0:
.L_simem_size_0:
called_computation_lowered:
.L_overlay_start_0:
0x88: {  	s2 =	sld [smem:$0x3FD9]  }
0x89: {  	s3 =	sld [smem:$0x3FFE];
	_ =	sdelay $0x1  }
0x8a: {  	s1 =	srdreg.scid  }
0x8b: {  	s0 =	sand.u32 $0x1, s1  }
0x8c: {  	s15 =	sshll.u32 s0, $0xA;
	s2 =	sadd.s32 s3, s2  }
0x8d: {  	s2 =	sadd.s32 s2, s15  }
0x8e: {  	[smem:$0x3FC6] =	sst s2  }
0x8f: {  	_ = 	snop  }
0x90: {  	s2 =	sld [smem:$0x3FD0];
	_ =	sdelay $0x2  }
0x91: {  	s4 =	simm.s32 $0xA;
	s5 =	simm.s32 $0x10;
	s16 =	sld [smem:$0x3FC9]  }
0x92: {  	[smem:s5], [sflag:s4] =	dma.local [hbm:s2], $0x1  }
0x93: {  	_ =	swait.eq [sflag:s4], $0x1  }
0x94: {  	[sflag:s4] =	ssyncset.done $0x0  }
0x95: {  	[sflag:s4] =	ssyncadd.s32 $0xFFFFFFFF  }
0x96: {  	s17 =	sld [smem:$0x10];
	(tm) =	ssettm $0x1  }
0x97: {  	s18 =	sld [smem:$0x3FFB];
	_ =	sdelay $0x3  }
0x98: {  	_ =	strace s18  }
0x99: {  	s4 =	sld [smem:$0x3FFC];
	_ =	sdelay $0x3  }
0x9a: {  	_ =	strace s4  }
0x9b: {  	s4 =	sld [smem:$0x3FFD];
	_ =	sdelay $0x3  }
0x9c: {  	_ =	strace s4  }
0x9d: {  	_ =	strace $0x8FFFFFFF  }
0x9e: {  	s19 =	sld [smem:$0x3FDB];
	_ =	sdelay $0x1  }
0x9f: {  	s20 =	simm.s32 $_scs_section_size  }
0xa0: {  	s6 =	simm.s32 $_size__tile_overlayer_lowered;
	s7 =	simm.s32 $_tile_overlayer_lowered  }
0xa1: {  	s23 =	simm.s32 $0x1BFF;
	s22 =	sshll.u32 s7, $0x1;
	s4 =	sadd.s32 s20, s19  }
0xa2: {  	s8 =	simm.s32 $0x0;
	s21 =	sshll.u32 s6, $0x1;
	s6 =	sadd.s32 s22, s4  }
0xa3: {  	[timem:s8], [sflag:s23] =	dma.local [hbm:s6], s21  }
0xa4: {  	_ =	swait.ge [sflag:s23], s21  }
0xa5: {  	s5 =	ssub.s32 $0x0, s21;
	[sflag:s23] =	ssyncset.done $0x0  }
0xa6: {  	[sflag:s23] =	ssyncadd.s32 s5;
	_ =	sdelay $0x1  }
0xa7: {  	s24 =	simm.s32 $0x1B8B  }
0xa8: {  	_ =	swait.ge [sflag:s24], $0x1  }
0xa9: {  	[sflag:s24] =	ssyncset.done $0x0  }
0xaa: {  	s25 =	simm.s32 $0x1B8E;
	[sflag:s24] =	ssyncadd.s32 $0xFFFFFFFF  }
0xab: {  	s26 =	simm.s32 $execute0_lowered;
	[smem:$0x3FD2] =	sst s25  }
0xac: {  	s5 =	sshll.u32 s26, $0x1;
	_ =	strace $0x80000046;
	[dreg:$0x1] =	wrdreg $0xFFFFFFFF  }
0xad: {  	s28 =	simm.s32 $_size_execute0_lowered;
	s4 =	sadd.s32 s4, s5;
	[dreg:$0x0] =	wrdreg $0x0  }
0xae: {  	s5 =	sshll.u32 s28, $0x1;
	[dreg:$0x2] =	wrdreg s4  }
0xaf: {  	[dreg:$0x3] =	wrdreg s5  }
0xb0: {  	[dreg:$0x4] =	wrdreg $0xC0  }
0xb1: {  	_ =	task [dreg:s8], $0x5FFFF  }
0xb2: {  	[dreg:$0x1] =	wrdreg $0xFFFFFFFF  }
0xb3: {  	[dreg:$0x0] =	wrdreg $0x60  }
0xb4: {  	[dreg:$0x2] =	wrdreg s16  }
0xb5: {  	[dreg:$0x3] =	wrdreg s17  }
0xb6: {  	[dreg:$0x4] =	wrdreg $0x9  }
0xb7: {  	_ =	task.clear_ibuf [dreg:s8], $0x5FFFF;
	_ =	strace $0x90000046  }
0xb8: {  	s29 =	simm.s32 $0x9;
	_ =	strace $0x80000048  }
0xb9: {  	_ =	swait.ge [sflag:s29], $0x1  }
0xba: {  	[sflag:s29] =	ssyncadd.s32 $0xFFFFFFFF  }
0xbb: {  	_ =	strace $0x90000048  }
0xbc: {  	_ =	sfence  }
0xbd: {  	s30 =	sld [smem:$0x0];
	_ =	sdelay $0x2  }
0xbe: {  	s31 =	sshll.u32 s1, $0xD;
	s1 =	sshrl.u32 s1, $0x2  }
0xbf: {  	s3 =	sand.u32 $0x4000, s31;
	s1 =	sadd.s32 s1, s30  }
0xc0: {  	s0 =	sor.u32 s3, s0;
	s1 =	sshll.u32 s1, $0x11  }
0xc1: {  	s0 =	sor.u32 s1, s0  }
0xc2: {  	s0 =	sadd.s32 $0x8F2B, s0  }
0xc3: {  	[sflag:s0] =	ssyncadd.remote.s32 $0x1  }
0xc4: {  	_ =	sfence.sel $0xFFFF  }
0xc5: {  	[dreg:$0x0] =	wrdreg $0xFFFFFFFF;
	(pc) =	sbr.abs _section_cstart, $3  }
0xc6: {  	[dreg:$0x1] =	wrdreg $0xFFFFFFFF  }
0xc7: {  	_ =	task.clear_ibuf [dreg:s8], $0x2FFFF;
	_ =	strace $0x9FFFFFFF  }
0xc8: {  	(tm) =	ssettm $0x7FFFFFFF  }
0xc9: {  	_ =	shalt  }
tec
execute0_lowered:
.L_overlay_start_1:
0x0: {  	(tag) =	ssettag $0x1  }
0x1: {  	s1 =	srdreg.scid  }
0x2: {  	s2 =	rddreg [dreg:$0x0];
	s3 =	sand.u32 $0x1, s1  }
0x3: {  	s4 =	rddreg [dreg:$0x1];
	s6 =	simm.s32 $0x0;
	s1 =	sshll.u32 s3, $0x8  }
0x4: {  	v15 =	vlaneseq.u32;
	s21 =	simm.s32 $0x280;
	s22 =	simm.s32 $0x1280;
	[smem:$0x7FF] =	sst s6;
	v0 =	vmov s1  }
0x5: {  	v7 =	vmul.u32 $0x2000, v15;
	_ =	strace $0x80000047;
	s17 =	sor.u32 $0x10, s1;
	s20 =	sor.u32 $0x20, s1;
	v1 =	vshll.u32 v0, $0xD  }
0x6: {  	[dreg:$0x7] =	wrdreg s21;
	s10 =	sor.u32 $0x50, s1;
	s21 =	sor.u32 $0x80, s1;
	v0 =	vshll.u32 v0, $0x3;
	v2 =	vmov s17;
	v4 =	vmov s20  }
0x7: {  	[dreg:$0x8] =	wrdreg s22;
	s22 =	simm.s32 $0x680;
	v8 =	vmov s10;
	v11 =	vmov s21;
	v1 =	vor.u32 v7, v1  }
0x8: {  	[dreg:$0x17] =	wrdreg s22;
	s22 =	sor.u32 $0xE0, s1;
	v2 =	vshll.u32 v2, $0x3;
	v0 =	vor.u32 v0, v1;
	v1 =	vor.u32 s17, v15  }
0x9: {  	s16 =	simm.s32 $0x180;
	v17 =	vmov s22;
	v2 =	vand.u32 $0x800, v2;
	v3 =	vshll.u32 v1, $0xD  }
0xa: {  	s18 =	simm.s32 $0x1180;
	[dreg:$0x4] =	wrdreg s16;
	v4 =	vshll.u32 v4, $0x3;
	v2 =	vor.u32 v2, v3;
	v3 =	vor.u32 s20, v15  }
0xb: {  	s19 =	simm.s32 $0x1200;
	[dreg:$0x5] =	wrdreg s18;
	s24 =	sor.u32 $0x30, s1;
	v4 =	vand.u32 $0x800, v4;
	v1 =	vand.u32 $0x1F, v1;
	v5 =	vshll.u32 v3, $0xD  }
0xc: {  	s23 =	simm.s32 $0x300;
	[dreg:$0x6] =	wrdreg s19;
	v1 =	vor.u32 v1, v2;
	v2 =	vor.u32 v4, v5;
	v4 =	vmov s24  }
0xd: {  	s25 =	simm.s32 $0x1300;
	[dreg:$0x9] =	wrdreg s23;
	v3 =	vand.u32 $0x2F, v3;
	v5 =	vor.u32 s24, v15;
	v4 =	vshll.u32 v4, $0x3  }
0xe: {  	s26 =	simm.s32 $0x380;
	[dreg:$0xa] =	wrdreg s25;
	s7 =	sor.u32 $0x40, s1;
	v2 =	vor.u32 v3, v2;
	v3 =	vshll.u32 v5, $0xD;
	v4 =	vand.u32 $0x800, v4  }
0xf: {  	s6 =	simm.s32 $0x1380;
	[dreg:$0xb] =	wrdreg s26;
	v3 =	vor.u32 v4, v3;
	v4 =	vand.u32 $0x3F, v5;
	v5 =	vmov s7  }
0x10: {  	s8 =	simm.s32 $0x400;
	[dreg:$0xc] =	wrdreg s6;
	v3 =	vor.u32 v4, v3;
	v4 =	vor.u32 s7, v15;
	v5 =	vshll.u32 v5, $0x3  }
0x11: {  	s9 =	simm.s32 $0x1400;
	[dreg:$0xd] =	wrdreg s8;
	v8 =	vshll.u32 v8, $0x3;
	v6 =	vshll.u32 v4, $0xD;
	v5 =	vand.u32 $0x800, v5  }
0x12: {  	s11 =	simm.s32 $0x480;
	[dreg:$0xe] =	wrdreg s9;
	v17 =	vshll.u32 v17, $0x3;
	v5 =	vor.u32 v5, v6;
	v6 =	vor.u32 s10, v15  }
0x13: {  	s12 =	simm.s32 $0x1480;
	[dreg:$0xf] =	wrdreg s11;
	s14 =	sor.u32 $0x60, s1;
	v8 =	vand.u32 $0x800, v8;
	v4 =	vand.u32 $0x4F, v4;
	v9 =	vshll.u32 v6, $0xD  }
0x14: {  	s13 =	simm.s32 $0x500;
	[dreg:$0x10] =	wrdreg s12;
	v4 =	vor.u32 v4, v5;
	v5 =	vor.u32 v8, v9;
	v8 =	vmov s14  }
0x15: {  	s15 =	simm.s32 $0x1500;
	[dreg:$0x11] =	wrdreg s13;
	v6 =	vand.u32 $0x5F, v6;
	v9 =	vor.u32 s14, v15;
	v8 =	vshll.u32 v8, $0x3  }
0x16: {  	[dreg:$0x12] =	wrdreg s15;
	s16 =	simm.s32 $0x580;
	s18 =	sor.u32 $0x70, s1;
	v5 =	vor.u32 v6, v5;
	v6 =	vshll.u32 v9, $0xD;
	v8 =	vand.u32 $0x800, v8  }
0x17: {  	s0 =	stileid.u32;
	s19 =	simm.s32 $0x600;
	[dreg:$0x13] =	wrdreg s16;
	v6 =	vor.u32 v8, v6;
	v8 =	vand.u32 $0x6F, v9;
	v9 =	vmov s18  }
0x18: {  	s28 =	simm.s32 $0x2000;
	s23 =	simm.s32 $0x1680;
	[dreg:$0x15] =	wrdreg s19;
	v6 =	vor.u32 v8, v6;
	v8 =	vor.u32 s18, v15;
	v9 =	vshll.u32 v9, $0x3  }
0x19: {  	s29 =	simm.s32 $0x1080;
	s25 =	simm.s32 $0x700;
	[dreg:$0x18] =	wrdreg s23;
	v17 =	vand.u32 $0xC00, v17;
	v10 =	vshll.u32 v8, $0xD;
	v9 =	vand.u32 $0x800, v9  }
0x1a: {  	s26 =	simm.s32 $0x1700;
	[dreg:$0x19] =	wrdreg s25;
	s24 =	sor.u32 $0x90, s1;
	v8 =	vand.u32 $0x7F, v8;
	v9 =	vor.u32 v9, v10;
	v10 =	vshll.u32 v11, $0xD  }
0x1b: {  	s31 =	simm.s32 $0x1;
	s6 =	simm.s32 $0x780;
	[dreg:$0x1a] =	wrdreg s26;
	v8 =	vor.u32 v8, v9;
	v7 =	vor.u32 v7, v10;
	v9 =	vmov s24  }
0x1c: {  	s5 =	sshll.u32 s0, $0xD;
	s8 =	simm.s32 $0x1780;
	[dreg:$0x1b] =	wrdreg s6;
	v10 =	vshll.u32 v11, $0x3;
	v11 =	vor.u32 s24, v15;
	v9 =	vshll.u32 v9, $0x3  }
0x1d: {  	s9 =	simm.s32 $0x800;
	[dreg:$0x1c] =	wrdreg s8;
	s7 =	sor.u32 $0xA0, s1;
	v7 =	vor.u32 v10, v7;
	v10 =	vshll.u32 v11, $0xD;
	v9 =	vand.u32 $0xC00, v9  }
0x1e: {  	s30 =	sshll.u32 s0, $0x16;
	s11 =	simm.s32 $0x1800;
	[dreg:$0x1d] =	wrdreg s9;
	v9 =	vor.u32 v9, v10;
	v10 =	vand.u32 $0x1F, v11;
	v11 =	vmov s7  }
0x1f: {  	s12 =	simm.s32 $0x880;
	[dreg:$0x1e] =	wrdreg s11;
	s10 =	sor.u32 $0xB0, s1;
	v9 =	vor.u32 v10, v9;
	v10 =	vor.u32 s7, v15;
	v11 =	vshll.u32 v11, $0x3  }
0x20: {  	s3 =	ssub.s32 $0x2, s3;
	s13 =	simm.s32 $0x1880;
	[dreg:$0x1f] =	wrdreg s12;
	v13 =	vmov s10;
	v12 =	vshll.u32 v10, $0xD;
	v11 =	vand.u32 $0xC00, v11  }
0x21: {  	s15 =	simm.s32 $0x900;
	s5 =	sor.u32 s1, s5;
	[smem:$0x7F3] =	sst s13;
	v13 =	vshll.u32 v13, $0x3;
	v11 =	vor.u32 v11, v12;
	v12 =	vor.u32 s10, v15  }
0x22: {  	s16 =	sshrl.u32 s3, $0x1;
	[smem:$0x7F4] =	sst s15;
	s14 =	sor.u32 $0xC0, s1;
	v13 =	vand.u32 $0xC00, v13;
	v10 =	vand.u32 $0x2F, v10;
	v14 =	vshll.u32 v12, $0xD  }
0x23: {  	s19 =	sor.u32 $0xD0, s1;
	s23 =	simm.s32 $0x1A00;
	s25 =	simm.s32 $0x1A80;
	v10 =	vor.u32 v10, v11;
	v11 =	vor.u32 v13, v14;
	v13 =	vmov s14  }
0x24: {  	s26 =	simm.s32 $0xB00;
	s8 =	simm.s32 $0x1B00;
	s6 =	simm.s32 $0x1100;
	v12 =	vand.u32 $0x3F, v12;
	v14 =	vor.u32 s14, v15;
	v13 =	vshll.u32 v13, $0x3  }
0x25: {  	s11 =	simm.s32 $0x1C00;
	s12 =	simm.s32 $0xC80;
	[smem:$0x7F9] =	sst s23;
	v11 =	vor.u32 v12, v11;
	v12 =	vshll.u32 v14, $0xD;
	v13 =	vand.u32 $0xC00, v13  }
0x26: {  	s13 =	simm.s32 $0x1C80;
	s15 =	simm.s32 $0x1D00;
	[smem:$0x7FB] =	sst s25;
	v12 =	vor.u32 v13, v12;
	v13 =	vand.u32 $0x4F, v14;
	v14 =	vmov s19  }
0x27: {  	s5 =	sshrl.u32 s5, $0x3;
	[smem:$0x7FC] =	sst s26;
	s1 =	sor.u32 $0xF0, s1;
	v12 =	vor.u32 v13, v12;
	v13 =	vor.u32 s19, v15;
	v14 =	vshll.u32 v14, $0x3  }
0x28: {  	s3 =	ssub.s32 s3, s16;
	s21 =	simm.s32 $0xA00;
	[smem:$0x7FD] =	sst s8;
	v63 =	vor.u32 s1, v15;
	v16 =	vshll.u32 v13, $0xD;
	v14 =	vand.u32 $0xC00, v14  }
0x29: {  	s16 =	simm.s32 $0xD80;
	s23 =	simm.s32 $0x1F00;
	s25 =	simm.s32 $0x1F80;
	v19 =	vor.u32 s30, v7;
	v14 =	vor.u32 v14, v16;
	v16 =	vor.u32 s22, v15  }
0x2a: {  	s26 =	simm.s32 $0x1000;
	s4 =	sadd.s32 s4, s5;
	[smem:$0x7F8] =	sst s21;
	v7 =	vor.u32 s30, v9;
	v13 =	vand.u32 $0x5F, v13;
	v18 =	vshll.u32 v16, $0xD  }
0x2b: {  	s3 =	smax.u32 s3, $0x1;
	[dreg:$0x3] =	wrdreg s4;
	s17 =	simm.s32 $0x1580;
	v13 =	vor.u32 v13, v14;
	v14 =	vor.u32 v17, v18;
	v17 =	vmov s1  }
0x2c: {  	s5 =	simm.s32 $0x100;
	[dreg:$0x14] =	wrdreg s17;
	s17 =	simm.s32 $0x1900;
	v9 =	vor.u32 s30, v11;
	v16 =	vand.u32 $0x6F, v16;
	v17 =	vshll.u32 v17, $0x3  }
0x2d: {  	s21 =	simm.s32 $0x1E80;
	s20 =	simm.s32 $0x1600;
	[smem:$0x7F5] =	sst s17;
	v14 =	vor.u32 v16, v14;
	v16 =	vshll.u32 v63, $0xD;
	v17 =	vand.u32 $0xC00, v17  }
0x2e: {  	s4 =	simm.s32 $0x80;
	[dreg:$0x16] =	wrdreg s20;
	s20 =	simm.s32 $0x1980;
	v18 =	vand.u32 $0x7F, v63;
	v11 =	vor.u32 s30, v13;
	v16 =	vor.u32 v17, v16  }
0x2f: {  	s17 =	simm.s32 $0x1D80;
	[smem:$0x7F7] =	sst s20;
	s18 =	simm.s32 $0x980;
	v17 =	vor.u32 s30, v0;
	v0 =	vor.u32 s30, v1;
	v1 =	vor.u32 s30, v2  }
0x30: {  	s20 =	simm.s32 $0xE80;
	[smem:$0x7F6] =	sst s18;
	s24 =	simm.s32 $0xA80;
	v2 =	vor.u32 s30, v3;
	v3 =	vor.u32 s30, v4;
	v4 =	vor.u32 s30, v5  }
0x31: {  	s18 =	simm.s32 $0xE00;
	[smem:$0x7FA] =	sst s24;
	s24 =	simm.s32 $0xF80;
	v5 =	vor.u32 s30, v6;
	v6 =	vor.u32 s30, v8;
	v8 =	vor.u32 s30, v10  }
0x32: {  	s7 =	simm.s32 $0x200;
	s14 =	simm.s32 $0xD00;
	s19 =	simm.s32 $0x1E00;
	v10 =	vor.u32 s30, v12;
	v12 =	vor.u32 s30, v14;
	v13 =	vor.u32 v18, v16  }
0x33: {  	s22 =	simm.s32 $0xF00;
	s1 =	simm.s32 $0x2;
	v14 =	vor.u32 v15, v17;
	v15 =	vor.u32 v15, v19;
	v13 =	vor.u32 s30, v13;
	s30 =	simm.s32 $0x2080  }
.LBB2_1:
0x34: {  	[tilespmem:$0x0] =	vst v14  }
0x35: {  	[tilespmem:$0x10] =	vst v0  }
0x36: {  	[tilespmem:$0x20] =	vst v1  }
0x37: {  	[tilespmem:$0x30] =	vst v2  }
0x38: {  	[tilespmem:$0x40] =	vst v3  }
0x39: {  	[tilespmem:$0x50] =	vst v4  }
0x3a: {  	[tilespmem:$0x60] =	vst v5  }
0x3b: {  	[tilespmem:$0x70] =	vst v6  }
0x3c: {  	[tilespmem:$0x80] =	vst v15  }
0x3d: {  	[tilespmem:$0x90] =	vst v7  }
0x3e: {  	[tilespmem:$0xA0] =	vst v8  }
0x3f: {  	[tilespmem:$0xB0] =	vst v9;
	v16 =	vld [tilespmem:$0x10]  }
0x40: {  	[tilespmem:$0xC0] =	vst v10;
	v17 =	vld [tilespmem:$0x20]  }
0x41: {  	[tilespmem:$0xD0] =	vst v11;
	v18 =	vld [tilespmem:$0x30]  }
0x42: {  	[tilespmem:$0xE0] =	vst v12;
	v19 =	vld [tilespmem:$0x40]  }
0x43: {  	[tilespmem:$0xF0] =	vst v13;
	v20 =	vld [tilespmem:$0x50]  }
0x44: {  	[tilespmem:$0x100] =	vst v14;
	v21 =	vld [tilespmem:$0x60]  }
0x45: {  	v26 =	vld [tilespmem:$0x90];
	[tilespmem:$0x110] =	vst v16  }
0x46: {  	v27 =	vld [tilespmem:$0xA0];
	[tilespmem:$0x120] =	vst v17  }
0x47: {  	v16 =	vld [tilespmem:$0x70];
	[tilespmem:$0x130] =	vst v18  }
0x48: {  	v17 =	vld [tilespmem:$0x80];
	[tilespmem:$0x140] =	vst v19  }
0x49: {  	v28 =	vld [tilespmem:$0xB0];
	[tilespmem:$0x150] =	vst v20  }
0x4a: {  	v29 =	vld [tilespmem:$0xC0];
	[tilespmem:$0x160] =	vst v21  }
0x4b: {  	v30 =	vld [tilespmem:$0xF0];
	[tilespmem:$0x190] =	vst v26  }
0x4c: {  	[tilespmem:$0x170] =	vst v16;
	v16 =	vld [tilespmem:$0xD0]  }
0x4d: {  	[tilespmem:$0x180] =	vst v17;
	v17 =	vld [tilespmem:$0xE0]  }
0x4e: {  	v31 =	vld [tilespmem:$0x0];
	[tilespmem:$0x1A0] =	vst v27  }
0x4f: {  	v32 =	vld [tilespmem:$0x10];
	[tilespmem:$0x1B0] =	vst v28  }
0x50: {  	v33 =	vld [tilespmem:$0x20];
	[tilespmem:$0x1C0] =	vst v29  }
0x51: {  	[tilespmem:$0x1D0] =	vst v16;
	v16 =	vld [tilespmem:$0x30]  }
0x52: {  	[tilespmem:$0x1E0] =	vst v17;
	v17 =	vld [tilespmem:$0x40]  }
0x53: {  	v35 =	vld [tilespmem:$0x50];
	[tilespmem:$0x1F0] =	vst v30;
	v34 =	vadd.s32 $0x80, v31  }
0x54: {  	v37 =	vld [tilespmem:$0x60];
	v36 =	vadd.s32 $0x80, v32;
	[tilespmem:$0x200] =	vst v34  }
0x55: {  	v39 =	vld [tilespmem:$0x70];
	v38 =	vadd.s32 $0x80, v33;
	[tilespmem:$0x210] =	vst v36  }
0x56: {  	v40 =	vld [tilespmem:$0x80];
	[tilespmem:$0x220] =	vst v38;
	v16 =	vadd.s32 $0x80, v16  }
0x57: {  	[tilespmem:$0x230] =	vst v16;
	v16 =	vadd.s32 $0x80, v17;
	v17 =	vld [tilespmem:$0x90]  }
0x58: {  	v41 =	vld [tilespmem:$0xA0];
	[tilespmem:$0x240] =	vst v16;
	v16 =	vadd.s32 $0x80, v35  }
0x59: {  	v42 =	vld [tilespmem:$0xB0];
	[tilespmem:$0x250] =	vst v16;
	v16 =	vadd.s32 $0x80, v37  }
0x5a: {  	v43 =	vld [tilespmem:$0xC0];
	[tilespmem:$0x260] =	vst v16;
	v16 =	vadd.s32 $0x80, v39  }
0x5b: {  	v44 =	vld [tilespmem:$0xD0];
	[tilespmem:$0x270] =	vst v16;
	v16 =	vadd.s32 $0x80, v40  }
0x5c: {  	[tilespmem:$0x280] =	vst v16;
	v16 =	vadd.s32 $0x80, v17;
	v17 =	vld [tilespmem:$0xE0]  }
0x5d: {  	v45 =	vld [tilespmem:$0xF0];
	[tilespmem:$0x290] =	vst v16;
	v16 =	vadd.s32 $0x80, v41  }
0x5e: {  	v46 =	vld [tilespmem:$0x0];
	[tilespmem:$0x2A0] =	vst v16;
	v16 =	vadd.s32 $0x80, v42  }
0x5f: {  	v47 =	vld [tilespmem:$0x10];
	[tilespmem:$0x2B0] =	vst v16;
	v16 =	vadd.s32 $0x80, v43  }
0x60: {  	v48 =	vld [tilespmem:$0x20];
	[tilespmem:$0x2C0] =	vst v16;
	v16 =	vadd.s32 $0x80, v44  }
0x61: {  	[tilespmem:$0x2D0] =	vst v16;
	v16 =	vadd.s32 $0x80, v17;
	v17 =	vld [tilespmem:$0x30]  }
0x62: {  	v49 =	vld [tilespmem:$0x40];
	[tilespmem:$0x2E0] =	vst v16;
	v16 =	vadd.s32 $0x80, v45  }
0x63: {  	v50 =	vld [tilespmem:$0x50];
	[tilespmem:$0x2F0] =	vst v16;
	v16 =	vadd.s32 $0x100, v46  }
0x64: {  	v51 =	vld [tilespmem:$0x60];
	[tilespmem:$0x300] =	vst v16;
	v16 =	vadd.s32 $0x100, v47  }
0x65: {  	v52 =	vld [tilespmem:$0x70];
	[tilespmem:$0x310] =	vst v16;
	v16 =	vadd.s32 $0x100, v48  }
0x66: {  	[tilespmem:$0x320] =	vst v16;
	v16 =	vadd.s32 $0x100, v17;
	v17 =	vld [tilespmem:$0x80]  }
0x67: {  	v53 =	vld [tilespmem:$0x90];
	[tilespmem:$0x330] =	vst v16;
	v16 =	vadd.s32 $0x100, v49  }
0x68: {  	v54 =	vld [tilespmem:$0xA0];
	[tilespmem:$0x340] =	vst v16;
	v16 =	vadd.s32 $0x100, v50  }
0x69: {  	v55 =	vld [tilespmem:$0xB0];
	[tilespmem:$0x350] =	vst v16;
	v16 =	vadd.s32 $0x100, v51  }
0x6a: {  	v56 =	vld [tilespmem:$0xC0];
	[tilespmem:$0x360] =	vst v16;
	v16 =	vadd.s32 $0x100, v52  }
0x6b: {  	[tilespmem:$0x370] =	vst v16;
	v16 =	vadd.s32 $0x100, v17;
	v17 =	vld [tilespmem:$0xD0]  }
0x6c: {  	v57 =	vld [tilespmem:$0xE0];
	[tilespmem:$0x380] =	vst v16;
	v16 =	vadd.s32 $0x100, v53  }
0x6d: {  	v58 =	vld [tilespmem:$0xF0];
	[tilespmem:$0x390] =	vst v16;
	v16 =	vadd.s32 $0x100, v54  }
0x6e: {  	v59 =	vld [tilespmem:$0x0];
	[tilespmem:$0x3A0] =	vst v16;
	v16 =	vadd.s32 $0x100, v55  }
0x6f: {  	v60 =	vld [tilespmem:$0x10];
	[tilespmem:$0x3B0] =	vst v16;
	v16 =	vadd.s32 $0x100, v56  }
0x70: {  	[tilespmem:$0x3C0] =	vst v16;
	v16 =	vadd.s32 $0x100, v17;
	v17 =	vld [tilespmem:$0x20]  }
0x71: {  	v61 =	vld [tilespmem:$0x30];
	[tilespmem:$0x3D0] =	vst v16;
	v16 =	vadd.s32 $0x100, v57  }
0x72: {  	v62 =	vld [tilespmem:$0x40];
	[tilespmem:$0x3E0] =	vst v16;
	v16 =	vadd.s32 $0x100, v58  }
0x73: {  	v63 =	vld [tilespmem:$0x50];
	[tilespmem:$0x3F0] =	vst v16;
	v16 =	vadd.s32 $0x180, v59  }
0x74: {  	v24 =	vld [tilespmem:$0x60];
	[tilespmem:$0x400] =	vst v16;
	v16 =	vadd.s32 $0x180, v60  }
0x75: {  	[tilespmem:$0x410] =	vst v16;
	v16 =	vadd.s32 $0x180, v17;
	v17 =	vld [tilespmem:$0x70]  }
0x76: {  	v25 =	vld [tilespmem:$0x80];
	[tilespmem:$0x420] =	vst v16;
	v16 =	vadd.s32 $0x180, v61  }
0x77: {  	v26 =	vld [tilespmem:$0x90];
	[tilespmem:$0x430] =	vst v16;
	v16 =	vadd.s32 $0x180, v62  }
0x78: {  	v27 =	vld [tilespmem:$0xA0];
	[tilespmem:$0x440] =	vst v16;
	v16 =	vadd.s32 $0x180, v63  }
0x79: {  	v28 =	vld [tilespmem:$0xB0];
	[tilespmem:$0x450] =	vst v16;
	v16 =	vadd.s32 $0x180, v24  }
0x7a: {  	[tilespmem:$0x460] =	vst v16;
	v16 =	vadd.s32 $0x180, v17;
	v17 =	vld [tilespmem:$0xC0]  }
0x7b: {  	v29 =	vld [tilespmem:$0xD0];
	[tilespmem:$0x470] =	vst v16;
	v16 =	vadd.s32 $0x180, v25  }
0x7c: {  	v30 =	vld [tilespmem:$0xE0];
	[tilespmem:$0x480] =	vst v16;
	v16 =	vadd.s32 $0x180, v26  }
0x7d: {  	v31 =	vld [tilespmem:$0xF0];
	[tilespmem:$0x490] =	vst v16;
	v16 =	vadd.s32 $0x180, v27  }
0x7e: {  	v32 =	vld [tilespmem:$0x0];
	[tilespmem:$0x4A0] =	vst v16;
	v16 =	vadd.s32 $0x180, v28  }
0x7f: {  	[tilespmem:$0x4B0] =	vst v16;
	v16 =	vadd.s32 $0x180, v17;
	v17 =	vld [tilespmem:$0x10]  }
0x80: {  	v33 =	vld [tilespmem:$0x20];
	[tilespmem:$0x4C0] =	vst v16;
	v16 =	vadd.s32 $0x180, v29  }
0x81: {  	v34 =	vld [tilespmem:$0x30];
	[tilespmem:$0x4D0] =	vst v16;
	v16 =	vadd.s32 $0x180, v30  }
0x82: {  	v35 =	vld [tilespmem:$0x40];
	[tilespmem:$0x4E0] =	vst v16;
	v16 =	vadd.s32 $0x180, v31  }
0x83: {  	v36 =	vld [tilespmem:$0x50];
	[tilespmem:$0x4F0] =	vst v16;
	v16 =	vadd.s32 $0x200, v32  }
0x84: {  	[tilespmem:$0x500] =	vst v16;
	v16 =	vadd.s32 $0x200, v17;
	v17 =	vld [tilespmem:$0x60]  }
0x85: {  	v37 =	vld [tilespmem:$0x70];
	[tilespmem:$0x510] =	vst v16;
	v16 =	vadd.s32 $0x200, v33  }
0x86: {  	v38 =	vld [tilespmem:$0x80];
	[tilespmem:$0x520] =	vst v16;
	v16 =	vadd.s32 $0x200, v34  }
0x87: {  	v39 =	vld [tilespmem:$0x90];
	[tilespmem:$0x530] =	vst v16;
	v16 =	vadd.s32 $0x200, v35  }
0x88: {  	v40 =	vld [tilespmem:$0xA0];
	[tilespmem:$0x540] =	vst v16;
	v16 =	vadd.s32 $0x200, v36  }
0x89: {  	[tilespmem:$0x550] =	vst v16;
	v16 =	vadd.s32 $0x200, v17;
	v17 =	vld [tilespmem:$0xB0]  }
0x8a: {  	[tilespmem:$0x560] =	vst v16;
	v16 =	vadd.s32 $0x200, v37  }
0x8b: {  	[tilespmem:$0x570] =	vst v16;
	v16 =	vadd.s32 $0x200, v38  }
0x8c: {  	[tilespmem:$0x580] =	vst v16;
	v16 =	vadd.s32 $0x200, v39  }
0x8d: {  	[tilespmem:$0x590] =	vst v16;
	v16 =	vadd.s32 $0x200, v40  }
0x8e: {  	[tilespmem:$0x5A0] =	vst v16;
	v16 =	vadd.s32 $0x200, v17  }
0x8f: {  	[tilespmem:$0x5B0] =	vst v16  }
0x90: {  	v16 =	vld [tilespmem:$0xC0]  }
0x91: {  	v17 =	vld [tilespmem:$0xD0]  }
0x92: {  	v41 =	vld [tilespmem:$0xE0]  }
0x93: {  	v42 =	vld [tilespmem:$0xF0]  }
0x94: {  	v43 =	vld [tilespmem:$0x0]  }
0x95: {  	v44 =	vld [tilespmem:$0x10];
	v16 =	vadd.s32 $0x200, v16  }
0x96: {  	[tilespmem:$0x5C0] =	vst v16;
	v16 =	vadd.s32 $0x200, v17;
	v17 =	vld [tilespmem:$0x20]  }
0x97: {  	v45 =	vld [tilespmem:$0x30];
	[tilespmem:$0x5D0] =	vst v16;
	v16 =	vadd.s32 $0x200, v41  }
0x98: {  	v46 =	vld [tilespmem:$0x40];
	[tilespmem:$0x5E0] =	vst v16;
	v16 =	vadd.s32 $0x200, v42  }
0x99: {  	v47 =	vld [tilespmem:$0x50];
	[tilespmem:$0x5F0] =	vst v16;
	v16 =	vadd.s32 $0x280, v43  }
0x9a: {  	v48 =	vld [tilespmem:$0x60];
	[tilespmem:$0x600] =	vst v16;
	v16 =	vadd.s32 $0x280, v44  }
0x9b: {  	[tilespmem:$0x610] =	vst v16;
	v16 =	vadd.s32 $0x280, v17;
	v17 =	vld [tilespmem:$0x70]  }
0x9c: {  	v49 =	vld [tilespmem:$0x80];
	[tilespmem:$0x620] =	vst v16;
	v16 =	vadd.s32 $0x280, v45  }
0x9d: {  	v50 =	vld [tilespmem:$0x90];
	[tilespmem:$0x630] =	vst v16;
	v16 =	vadd.s32 $0x280, v46  }
0x9e: {  	v51 =	vld [tilespmem:$0xA0];
	[tilespmem:$0x640] =	vst v16;
	v16 =	vadd.s32 $0x280, v47  }
0x9f: {  	v52 =	vld [tilespmem:$0xB0];
	[tilespmem:$0x650] =	vst v16;
	v16 =	vadd.s32 $0x280, v48  }
0xa0: {  	[tilespmem:$0x660] =	vst v16;
	v16 =	vadd.s32 $0x280, v17;
	v17 =	vld [tilespmem:$0xC0]  }
0xa1: {  	v53 =	vld [tilespmem:$0xD0];
	[tilespmem:$0x670] =	vst v16;
	v16 =	vadd.s32 $0x280, v49  }
0xa2: {  	v54 =	vld [tilespmem:$0xE0];
	[tilespmem:$0x680] =	vst v16;
	v16 =	vadd.s32 $0x280, v50  }
0xa3: {  	v55 =	vld [tilespmem:$0xF0];
	[tilespmem:$0x690] =	vst v16;
	v16 =	vadd.s32 $0x280, v51  }
0xa4: {  	v56 =	vld [tilespmem:$0x0];
	[tilespmem:$0x6A0] =	vst v16;
	v16 =	vadd.s32 $0x280, v52  }
0xa5: {  	[tilespmem:$0x6B0] =	vst v16;
	v16 =	vadd.s32 $0x280, v17;
	v17 =	vld [tilespmem:$0x10]  }
0xa6: {  	v57 =	vld [tilespmem:$0x20];
	[tilespmem:$0x6C0] =	vst v16;
	v16 =	vadd.s32 $0x280, v53  }
0xa7: {  	v58 =	vld [tilespmem:$0x30];
	[tilespmem:$0x6D0] =	vst v16;
	v16 =	vadd.s32 $0x280, v54  }
0xa8: {  	v59 =	vld [tilespmem:$0x40];
	[tilespmem:$0x6E0] =	vst v16;
	v16 =	vadd.s32 $0x280, v55  }
0xa9: {  	v60 =	vld [tilespmem:$0x50];
	[tilespmem:$0x6F0] =	vst v16;
	v16 =	vadd.s32 $0x300, v56  }
0xaa: {  	[tilespmem:$0x700] =	vst v16;
	v16 =	vadd.s32 $0x300, v17;
	v17 =	vld [tilespmem:$0x60]  }
0xab: {  	v61 =	vld [tilespmem:$0x70];
	[tilespmem:$0x710] =	vst v16;
	v16 =	vadd.s32 $0x300, v57  }
0xac: {  	v62 =	vld [tilespmem:$0x80];
	[tilespmem:$0x720] =	vst v16;
	v16 =	vadd.s32 $0x300, v58  }
0xad: {  	v63 =	vld [tilespmem:$0x90];
	[tilespmem:$0x730] =	vst v16;
	v16 =	vadd.s32 $0x300, v59  }
0xae: {  	v24 =	vld [tilespmem:$0xA0];
	[tilespmem:$0x740] =	vst v16;
	v16 =	vadd.s32 $0x300, v60  }
0xaf: {  	[tilespmem:$0x750] =	vst v16;
	v16 =	vadd.s32 $0x300, v17;
	v17 =	vld [tilespmem:$0xB0]  }
0xb0: {  	v25 =	vld [tilespmem:$0xC0];
	[tilespmem:$0x760] =	vst v16;
	v16 =	vadd.s32 $0x300, v61  }
0xb1: {  	v26 =	vld [tilespmem:$0xD0];
	[tilespmem:$0x770] =	vst v16;
	v16 =	vadd.s32 $0x300, v62  }
0xb2: {  	v27 =	vld [tilespmem:$0xE0];
	[tilespmem:$0x780] =	vst v16;
	v16 =	vadd.s32 $0x300, v63  }
0xb3: {  	v28 =	vld [tilespmem:$0xF0];
	[tilespmem:$0x790] =	vst v16;
	v16 =	vadd.s32 $0x300, v24  }
0xb4: {  	[tilespmem:$0x7A0] =	vst v16;
	v16 =	vadd.s32 $0x300, v17;
	v17 =	vld [tilespmem:$0x0]  }
0xb5: {  	v29 =	vld [tilespmem:$0x10];
	[tilespmem:$0x7B0] =	vst v16;
	v16 =	vadd.s32 $0x300, v25  }
0xb6: {  	v30 =	vld [tilespmem:$0x20];
	[tilespmem:$0x7C0] =	vst v16;
	v16 =	vadd.s32 $0x300, v26  }
0xb7: {  	v31 =	vld [tilespmem:$0x30];
	[tilespmem:$0x7D0] =	vst v16;
	v16 =	vadd.s32 $0x300, v27  }
0xb8: {  	v32 =	vld [tilespmem:$0x40];
	[tilespmem:$0x7E0] =	vst v16;
	v16 =	vadd.s32 $0x300, v28  }
0xb9: {  	[tilespmem:$0x7F0] =	vst v16;
	v16 =	vadd.s32 $0x380, v17;
	v17 =	vld [tilespmem:$0x50]  }
0xba: {  	v33 =	vld [tilespmem:$0x60];
	[tilespmem:$0x800] =	vst v16;
	v16 =	vadd.s32 $0x380, v29  }
0xbb: {  	v34 =	vld [tilespmem:$0x70];
	[tilespmem:$0x810] =	vst v16;
	v16 =	vadd.s32 $0x380, v30  }
0xbc: {  	v35 =	vld [tilespmem:$0x80];
	[tilespmem:$0x820] =	vst v16;
	v16 =	vadd.s32 $0x380, v31  }
0xbd: {  	v36 =	vld [tilespmem:$0x90];
	[tilespmem:$0x830] =	vst v16;
	v16 =	vadd.s32 $0x380, v32  }
0xbe: {  	[tilespmem:$0x840] =	vst v16;
	v16 =	vadd.s32 $0x380, v17;
	v17 =	vld [tilespmem:$0xA0]  }
0xbf: {  	v37 =	vld [tilespmem:$0xB0];
	[tilespmem:$0x850] =	vst v16;
	v16 =	vadd.s32 $0x380, v33  }
0xc0: {  	v38 =	vld [tilespmem:$0xC0];
	[tilespmem:$0x860] =	vst v16;
	v16 =	vadd.s32 $0x380, v34  }
0xc1: {  	v39 =	vld [tilespmem:$0xD0];
	[tilespmem:$0x870] =	vst v16;
	v16 =	vadd.s32 $0x380, v35  }
0xc2: {  	v40 =	vld [tilespmem:$0xE0];
	[tilespmem:$0x880] =	vst v16;
	v16 =	vadd.s32 $0x380, v36  }
0xc3: {  	[tilespmem:$0x890] =	vst v16;
	v16 =	vadd.s32 $0x380, v17;
	v17 =	vld [tilespmem:$0xF0]  }
0xc4: {  	v41 =	vld [tilespmem:$0x0];
	[tilespmem:$0x8A0] =	vst v16;
	v16 =	vadd.s32 $0x380, v37  }
0xc5: {  	v42 =	vld [tilespmem:$0x10];
	[tilespmem:$0x8B0] =	vst v16;
	v16 =	vadd.s32 $0x380, v38  }
0xc6: {  	v43 =	vld [tilespmem:$0x20];
	[tilespmem:$0x8C0] =	vst v16;
	v16 =	vadd.s32 $0x380, v39  }
0xc7: {  	v44 =	vld [tilespmem:$0x30];
	[tilespmem:$0x8D0] =	vst v16;
	v16 =	vadd.s32 $0x380, v40  }
0xc8: {  	[tilespmem:$0x8E0] =	vst v16;
	v16 =	vadd.s32 $0x380, v17;
	v17 =	vld [tilespmem:$0x40]  }
0xc9: {  	v45 =	vld [tilespmem:$0x50];
	[tilespmem:$0x8F0] =	vst v16;
	v16 =	vadd.s32 $0x1000, v41  }
0xca: {  	v46 =	vld [tilespmem:$0x60];
	[tilespmem:$0x900] =	vst v16;
	v16 =	vadd.s32 $0x1000, v42  }
0xcb: {  	v47 =	vld [tilespmem:$0x70];
	[tilespmem:$0x910] =	vst v16;
	v16 =	vadd.s32 $0x1000, v43  }
0xcc: {  	v48 =	vld [tilespmem:$0x80];
	[tilespmem:$0x920] =	vst v16;
	v16 =	vadd.s32 $0x1000, v44  }
0xcd: {  	[tilespmem:$0x930] =	vst v16;
	v16 =	vadd.s32 $0x1000, v17;
	v17 =	vld [tilespmem:$0x90]  }
0xce: {  	v49 =	vld [tilespmem:$0xA0];
	[tilespmem:$0x940] =	vst v16;
	v16 =	vadd.s32 $0x1000, v45  }
0xcf: {  	v50 =	vld [tilespmem:$0xB0];
	[tilespmem:$0x950] =	vst v16;
	v16 =	vadd.s32 $0x1000, v46  }
0xd0: {  	v51 =	vld [tilespmem:$0xC0];
	[tilespmem:$0x960] =	vst v16;
	v16 =	vadd.s32 $0x1000, v47  }
0xd1: {  	v52 =	vld [tilespmem:$0xD0];
	[tilespmem:$0x970] =	vst v16;
	v16 =	vadd.s32 $0x1000, v48  }
0xd2: {  	[tilespmem:$0x980] =	vst v16;
	v16 =	vadd.s32 $0x1000, v17;
	v17 =	vld [tilespmem:$0xE0]  }
0xd3: {  	v53 =	vld [tilespmem:$0xF0];
	[tilespmem:$0x990] =	vst v16;
	v16 =	vadd.s32 $0x1000, v49  }
0xd4: {  	v54 =	vld [tilespmem:$0x0];
	[tilespmem:$0x9A0] =	vst v16;
	v16 =	vadd.s32 $0x1000, v50  }
0xd5: {  	v55 =	vld [tilespmem:$0x10];
	[tilespmem:$0x9B0] =	vst v16;
	v16 =	vadd.s32 $0x1000, v51  }
0xd6: {  	v56 =	vld [tilespmem:$0x20];
	[tilespmem:$0x9C0] =	vst v16;
	v16 =	vadd.s32 $0x1000, v52  }
0xd7: {  	[tilespmem:$0x9D0] =	vst v16;
	v16 =	vadd.s32 $0x1000, v17;
	v17 =	vld [tilespmem:$0x30]  }
0xd8: {  	v57 =	vld [tilespmem:$0x40];
	[tilespmem:$0x9E0] =	vst v16;
	v16 =	vadd.s32 $0x1000, v53  }
0xd9: {  	v58 =	vld [tilespmem:$0x50];
	[tilespmem:$0x9F0] =	vst v16;
	v16 =	vadd.s32 $0x1080, v54  }
0xda: {  	v59 =	vld [tilespmem:$0x60];
	[tilespmem:$0xA00] =	vst v16;
	v16 =	vadd.s32 $0x1080, v55  }
0xdb: {  	v60 =	vld [tilespmem:$0x70];
	[tilespmem:$0xA10] =	vst v16;
	v16 =	vadd.s32 $0x1080, v56  }
0xdc: {  	[tilespmem:$0xA20] =	vst v16;
	v16 =	vadd.s32 $0x1080, v17;
	v17 =	vld [tilespmem:$0x80]  }
0xdd: {  	v61 =	vld [tilespmem:$0x90];
	[tilespmem:$0xA30] =	vst v16;
	v16 =	vadd.s32 $0x1080, v57  }
0xde: {  	v62 =	vld [tilespmem:$0xA0];
	[tilespmem:$0xA40] =	vst v16;
	v16 =	vadd.s32 $0x1080, v58  }
0xdf: {  	v63 =	vld [tilespmem:$0xB0];
	[tilespmem:$0xA50] =	vst v16;
	v16 =	vadd.s32 $0x1080, v59  }
0xe0: {  	v24 =	vld [tilespmem:$0xC0];
	[tilespmem:$0xA60] =	vst v16;
	v16 =	vadd.s32 $0x1080, v60  }
0xe1: {  	[tilespmem:$0xA70] =	vst v16;
	v16 =	vadd.s32 $0x1080, v17;
	v17 =	vld [tilespmem:$0xD0]  }
0xe2: {  	v25 =	vld [tilespmem:$0xE0];
	[tilespmem:$0xA80] =	vst v16;
	v16 =	vadd.s32 $0x1080, v61  }
0xe3: {  	v26 =	vld [tilespmem:$0xF0];
	[tilespmem:$0xA90] =	vst v16;
	v16 =	vadd.s32 $0x1080, v62  }
0xe4: {  	v27 =	vld [tilespmem:$0x0];
	[tilespmem:$0xAA0] =	vst v16;
	v16 =	vadd.s32 $0x1080, v63  }
0xe5: {  	v28 =	vld [tilespmem:$0x10];
	[tilespmem:$0xAB0] =	vst v16;
	v16 =	vadd.s32 $0x1080, v24  }
0xe6: {  	[tilespmem:$0xAC0] =	vst v16;
	v16 =	vadd.s32 $0x1080, v17;
	v17 =	vld [tilespmem:$0x20]  }
0xe7: {  	v29 =	vld [tilespmem:$0x30];
	[tilespmem:$0xAD0] =	vst v16;
	v16 =	vadd.s32 $0x1080, v25  }
0xe8: {  	v30 =	vld [tilespmem:$0x40];
	[tilespmem:$0xAE0] =	vst v16;
	v16 =	vadd.s32 $0x1080, v26  }
0xe9: {  	v31 =	vld [tilespmem:$0x50];
	[tilespmem:$0xAF0] =	vst v16;
	v16 =	vadd.s32 $0x1100, v27  }
0xea: {  	v32 =	vld [tilespmem:$0x60];
	[tilespmem:$0xB00] =	vst v16;
	v16 =	vadd.s32 $0x1100, v28  }
0xeb: {  	[tilespmem:$0xB10] =	vst v16;
	v16 =	vadd.s32 $0x1100, v17;
	v17 =	vld [tilespmem:$0x70]  }
0xec: {  	v33 =	vld [tilespmem:$0x80];
	[tilespmem:$0xB20] =	vst v16;
	v16 =	vadd.s32 $0x1100, v29  }
0xed: {  	v34 =	vld [tilespmem:$0x90];
	[tilespmem:$0xB30] =	vst v16;
	v16 =	vadd.s32 $0x1100, v30  }
0xee: {  	v35 =	vld [tilespmem:$0xA0];
	[tilespmem:$0xB40] =	vst v16;
	v16 =	vadd.s32 $0x1100, v31  }
0xef: {  	v36 =	vld [tilespmem:$0xB0];
	[tilespmem:$0xB50] =	vst v16;
	v16 =	vadd.s32 $0x1100, v32  }
0xf0: {  	[tilespmem:$0xB60] =	vst v16;
	v16 =	vadd.s32 $0x1100, v17;
	v17 =	vld [tilespmem:$0xC0]  }
0xf1: {  	v37 =	vld [tilespmem:$0xD0];
	[tilespmem:$0xB70] =	vst v16;
	v16 =	vadd.s32 $0x1100, v33  }
0xf2: {  	v38 =	vld [tilespmem:$0xE0];
	[tilespmem:$0xB80] =	vst v16;
	v16 =	vadd.s32 $0x1100, v34  }
0xf3: {  	v39 =	vld [tilespmem:$0xF0];
	[tilespmem:$0xB90] =	vst v16;
	v16 =	vadd.s32 $0x1100, v35  }
0xf4: {  	v40 =	vld [tilespmem:$0x0];
	[tilespmem:$0xBA0] =	vst v16;
	v16 =	vadd.s32 $0x1100, v36  }
0xf5: {  	[tilespmem:$0xBB0] =	vst v16;
	v16 =	vadd.s32 $0x1100, v17;
	v17 =	vld [tilespmem:$0x10]  }
0xf6: {  	v41 =	vld [tilespmem:$0x20];
	[tilespmem:$0xBC0] =	vst v16;
	v16 =	vadd.s32 $0x1100, v37  }
0xf7: {  	v42 =	vld [tilespmem:$0x30];
	[tilespmem:$0xBD0] =	vst v16;
	v16 =	vadd.s32 $0x1100, v38  }
0xf8: {  	v43 =	vld [tilespmem:$0x40];
	[tilespmem:$0xBE0] =	vst v16;
	v16 =	vadd.s32 $0x1100, v39  }
0xf9: {  	v44 =	vld [tilespmem:$0x50];
	[tilespmem:$0xBF0] =	vst v16;
	v16 =	vadd.s32 $0x1180, v40  }
0xfa: {  	[tilespmem:$0xC00] =	vst v16;
	v16 =	vadd.s32 $0x1180, v17;
	v17 =	vld [tilespmem:$0x60]  }
0xfb: {  	v45 =	vld [tilespmem:$0x70];
	[tilespmem:$0xC10] =	vst v16;
	v16 =	vadd.s32 $0x1180, v41  }
0xfc: {  	v46 =	vld [tilespmem:$0x80];
	[tilespmem:$0xC20] =	vst v16;
	v16 =	vadd.s32 $0x1180, v42  }
0xfd: {  	v47 =	vld [tilespmem:$0x90];
	[tilespmem:$0xC30] =	vst v16;
	v16 =	vadd.s32 $0x1180, v43  }
0xfe: {  	v48 =	vld [tilespmem:$0xA0];
	[tilespmem:$0xC40] =	vst v16;
	v16 =	vadd.s32 $0x1180, v44  }
0xff: {  	[tilespmem:$0xC50] =	vst v16;
	v16 =	vadd.s32 $0x1180, v17;
	v17 =	vld [tilespmem:$0xB0]  }
0x100: {  	v49 =	vld [tilespmem:$0xC0];
	[tilespmem:$0xC60] =	vst v16;
	v16 =	vadd.s32 $0x1180, v45  }
0x101: {  	v50 =	vld [tilespmem:$0xD0];
	[tilespmem:$0xC70] =	vst v16;
	v16 =	vadd.s32 $0x1180, v46  }
0x102: {  	v51 =	vld [tilespmem:$0xE0];
	[tilespmem:$0xC80] =	vst v16;
	v16 =	vadd.s32 $0x1180, v47  }
0x103: {  	v52 =	vld [tilespmem:$0xF0];
	[tilespmem:$0xC90] =	vst v16;
	v16 =	vadd.s32 $0x1180, v48  }
0x104: {  	[tilespmem:$0xCA0] =	vst v16;
	v16 =	vadd.s32 $0x1180, v17;
	v17 =	vld [tilespmem:$0x0]  }
0x105: {  	v53 =	vld [tilespmem:$0x10];
	[tilespmem:$0xCB0] =	vst v16;
	v16 =	vadd.s32 $0x1180, v49  }
0x106: {  	v54 =	vld [tilespmem:$0x20];
	[tilespmem:$0xCC0] =	vst v16;
	v16 =	vadd.s32 $0x1180, v50  }
0x107: {  	v55 =	vld [tilespmem:$0x30];
	[tilespmem:$0xCD0] =	vst v16;
	v16 =	vadd.s32 $0x1180, v51  }
0x108: {  	v56 =	vld [tilespmem:$0x40];
	[tilespmem:$0xCE0] =	vst v16;
	v16 =	vadd.s32 $0x1180, v52  }
0x109: {  	[tilespmem:$0xCF0] =	vst v16;
	v16 =	vadd.s32 $0x1200, v17;
	v17 =	vld [tilespmem:$0x50]  }
0x10a: {  	v57 =	vld [tilespmem:$0x60];
	[tilespmem:$0xD00] =	vst v16;
	v16 =	vadd.s32 $0x1200, v53  }
0x10b: {  	v58 =	vld [tilespmem:$0x70];
	[tilespmem:$0xD10] =	vst v16;
	v16 =	vadd.s32 $0x1200, v54  }
0x10c: {  	v59 =	vld [tilespmem:$0x80];
	[tilespmem:$0xD20] =	vst v16;
	v16 =	vadd.s32 $0x1200, v55  }
0x10d: {  	v60 =	vld [tilespmem:$0x90];
	[tilespmem:$0xD30] =	vst v16;
	v16 =	vadd.s32 $0x1200, v56  }
0x10e: {  	[tilespmem:$0xD40] =	vst v16;
	v16 =	vadd.s32 $0x1200, v17;
	v17 =	vld [tilespmem:$0xA0]  }
0x10f: {  	v61 =	vld [tilespmem:$0xB0];
	[tilespmem:$0xD50] =	vst v16;
	v16 =	vadd.s32 $0x1200, v57  }
0x110: {  	v62 =	vld [tilespmem:$0xC0];
	[tilespmem:$0xD60] =	vst v16;
	v16 =	vadd.s32 $0x1200, v58  }
0x111: {  	v63 =	vld [tilespmem:$0xD0];
	[tilespmem:$0xD70] =	vst v16;
	v16 =	vadd.s32 $0x1200, v59  }
0x112: {  	v24 =	vld [tilespmem:$0xE0];
	[tilespmem:$0xD80] =	vst v16;
	v16 =	vadd.s32 $0x1200, v60  }
0x113: {  	[tilespmem:$0xD90] =	vst v16;
	v16 =	vadd.s32 $0x1200, v17;
	v17 =	vld [tilespmem:$0xF0]  }
0x114: {  	v25 =	vld [tilespmem:$0x0];
	[tilespmem:$0xDA0] =	vst v16;
	v16 =	vadd.s32 $0x1200, v61  }
0x115: {  	v26 =	vld [tilespmem:$0x10];
	[tilespmem:$0xDB0] =	vst v16;
	v16 =	vadd.s32 $0x1200, v62  }
0x116: {  	v27 =	vld [tilespmem:$0x20];
	[tilespmem:$0xDC0] =	vst v16;
	v16 =	vadd.s32 $0x1200, v63  }
0x117: {  	v28 =	vld [tilespmem:$0x30];
	[tilespmem:$0xDD0] =	vst v16;
	v16 =	vadd.s32 $0x1200, v24  }
0x118: {  	[tilespmem:$0xDE0] =	vst v16;
	v16 =	vadd.s32 $0x1200, v17;
	v17 =	vld [tilespmem:$0x40]  }
0x119: {  	v29 =	vld [tilespmem:$0x50];
	[tilespmem:$0xDF0] =	vst v16;
	v16 =	vadd.s32 $0x1280, v25  }
0x11a: {  	v30 =	vld [tilespmem:$0x60];
	[tilespmem:$0xE00] =	vst v16;
	v16 =	vadd.s32 $0x1280, v26  }
0x11b: {  	v31 =	vld [tilespmem:$0x70];
	[tilespmem:$0xE10] =	vst v16;
	v16 =	vadd.s32 $0x1280, v27  }
0x11c: {  	v32 =	vld [tilespmem:$0x80];
	[tilespmem:$0xE20] =	vst v16;
	v16 =	vadd.s32 $0x1280, v28  }
0x11d: {  	[tilespmem:$0xE30] =	vst v16;
	v16 =	vadd.s32 $0x1280, v17;
	v17 =	vld [tilespmem:$0x90]  }
0x11e: {  	v33 =	vld [tilespmem:$0xA0];
	[tilespmem:$0xE40] =	vst v16;
	v16 =	vadd.s32 $0x1280, v29  }
0x11f: {  	v34 =	vld [tilespmem:$0xB0];
	[tilespmem:$0xE50] =	vst v16;
	v16 =	vadd.s32 $0x1280, v30  }
0x120: {  	v35 =	vld [tilespmem:$0xC0];
	[tilespmem:$0xE60] =	vst v16;
	v16 =	vadd.s32 $0x1280, v31  }
0x121: {  	v36 =	vld [tilespmem:$0xD0];
	[tilespmem:$0xE70] =	vst v16;
	v16 =	vadd.s32 $0x1280, v32  }
0x122: {  	[tilespmem:$0xE80] =	vst v16;
	v16 =	vadd.s32 $0x1280, v17;
	v17 =	vld [tilespmem:$0xE0]  }
0x123: {  	v37 =	vld [tilespmem:$0xF0];
	[tilespmem:$0xE90] =	vst v16;
	v16 =	vadd.s32 $0x1280, v33  }
0x124: {  	v38 =	vld [tilespmem:$0x0];
	[tilespmem:$0xEA0] =	vst v16;
	v16 =	vadd.s32 $0x1280, v34  }
0x125: {  	v39 =	vld [tilespmem:$0x10];
	[tilespmem:$0xEB0] =	vst v16;
	v16 =	vadd.s32 $0x1280, v35  }
0x126: {  	v40 =	vld [tilespmem:$0x20];
	[tilespmem:$0xEC0] =	vst v16;
	v16 =	vadd.s32 $0x1280, v36  }
0x127: {  	[tilespmem:$0xED0] =	vst v16;
	v16 =	vadd.s32 $0x1280, v17;
	v17 =	vld [tilespmem:$0x30]  }
0x128: {  	v41 =	vld [tilespmem:$0x40];
	[tilespmem:$0xEE0] =	vst v16;
	v16 =	vadd.s32 $0x1280, v37  }
0x129: {  	v42 =	vld [tilespmem:$0x50];
	[tilespmem:$0xEF0] =	vst v16;
	v16 =	vadd.s32 $0x1300, v38  }
0x12a: {  	v43 =	vld [tilespmem:$0x60];
	[tilespmem:$0xF00] =	vst v16;
	v16 =	vadd.s32 $0x1300, v39  }
0x12b: {  	v44 =	vld [tilespmem:$0x70];
	[tilespmem:$0xF10] =	vst v16;
	v16 =	vadd.s32 $0x1300, v40  }
0x12c: {  	[tilespmem:$0xF20] =	vst v16;
	v16 =	vadd.s32 $0x1300, v17;
	v17 =	vld [tilespmem:$0x80]  }
0x12d: {  	v45 =	vld [tilespmem:$0x90];
	[tilespmem:$0xF30] =	vst v16;
	v16 =	vadd.s32 $0x1300, v41  }
0x12e: {  	v46 =	vld [tilespmem:$0xA0];
	[tilespmem:$0xF40] =	vst v16;
	v16 =	vadd.s32 $0x1300, v42  }
0x12f: {  	v47 =	vld [tilespmem:$0xB0];
	[tilespmem:$0xF50] =	vst v16;
	v16 =	vadd.s32 $0x1300, v43  }
0x130: {  	v48 =	vld [tilespmem:$0xC0];
	[tilespmem:$0xF60] =	vst v16;
	v16 =	vadd.s32 $0x1300, v44  }
0x131: {  	[tilespmem:$0xF70] =	vst v16;
	v16 =	vadd.s32 $0x1300, v17;
	v17 =	vld [tilespmem:$0xD0]  }
0x132: {  	v49 =	vld [tilespmem:$0xE0];
	[tilespmem:$0xF80] =	vst v16;
	v16 =	vadd.s32 $0x1300, v45  }
0x133: {  	v50 =	vld [tilespmem:$0xF0];
	[tilespmem:$0xF90] =	vst v16;
	v16 =	vadd.s32 $0x1300, v46  }
0x134: {  	v51 =	vld [tilespmem:$0x0];
	[tilespmem:$0xFA0] =	vst v16;
	v16 =	vadd.s32 $0x1300, v47  }
0x135: {  	v52 =	vld [tilespmem:$0x10];
	[tilespmem:$0xFB0] =	vst v16;
	v16 =	vadd.s32 $0x1300, v48  }
0x136: {  	[tilespmem:$0xFC0] =	vst v16;
	v16 =	vadd.s32 $0x1300, v17;
	v17 =	vld [tilespmem:$0x20]  }
0x137: {  	v53 =	vld [tilespmem:$0x30];
	[tilespmem:$0xFD0] =	vst v16;
	v16 =	vadd.s32 $0x1300, v49  }
0x138: {  	v54 =	vld [tilespmem:$0x40];
	[tilespmem:$0xFE0] =	vst v16;
	v16 =	vadd.s32 $0x1300, v50  }
0x139: {  	v55 =	vld [tilespmem:$0x50];
	[tilespmem:$0xFF0] =	vst v16;
	v16 =	vadd.s32 $0x1380, v51  }
0x13a: {  	v56 =	vld [tilespmem:$0x60];
	[tilespmem:$0x1000] =	vst v16;
	v16 =	vadd.s32 $0x1380, v52  }
0x13b: {  	[tilespmem:$0x1010] =	vst v16;
	v16 =	vadd.s32 $0x1380, v17;
	v17 =	vld [tilespmem:$0x70]  }
0x13c: {  	v57 =	vld [tilespmem:$0x80];
	[tilespmem:$0x1020] =	vst v16;
	v16 =	vadd.s32 $0x1380, v53  }
0x13d: {  	v58 =	vld [tilespmem:$0x90];
	[tilespmem:$0x1030] =	vst v16;
	v16 =	vadd.s32 $0x1380, v54  }
0x13e: {  	v59 =	vld [tilespmem:$0xA0];
	[tilespmem:$0x1040] =	vst v16;
	v16 =	vadd.s32 $0x1380, v55  }
0x13f: {  	v60 =	vld [tilespmem:$0xB0];
	[tilespmem:$0x1050] =	vst v16;
	v16 =	vadd.s32 $0x1380, v56  }
0x140: {  	[tilespmem:$0x1060] =	vst v16;
	v16 =	vadd.s32 $0x1380, v17;
	v17 =	vld [tilespmem:$0xC0]  }
0x141: {  	v61 =	vld [tilespmem:$0xD0];
	[tilespmem:$0x1070] =	vst v16;
	v16 =	vadd.s32 $0x1380, v57  }
0x142: {  	v62 =	vld [tilespmem:$0xE0];
	[tilespmem:$0x1080] =	vst v16;
	v16 =	vadd.s32 $0x1380, v58  }
0x143: {  	v63 =	vld [tilespmem:$0xF0];
	[tilespmem:$0x1090] =	vst v16;
	v16 =	vadd.s32 $0x1380, v59  }
0x144: {  	[tilespmem:$0x10A0] =	vst v16;
	v16 =	vadd.s32 $0x1380, v60  }
0x145: {  	[tilespmem:$0x10B0] =	vst v16;
	v16 =	vadd.s32 $0x1380, v17  }
0x146: {  	[tilespmem:$0x10C0] =	vst v16;
	v16 =	vadd.s32 $0x1380, v61  }
0x147: {  	s0 =	rddreg [dreg:$0x4];
	[tilespmem:$0x10D0] =	vst v16;
	v16 =	vadd.s32 $0x1380, v62  }
0x148: {  	s8 =	rddreg [dreg:$0x5];
	[tilespmem:$0x10E0] =	vst v16;
	v16 =	vadd.s32 $0x1380, v63  }
0x149: {  	s9 =	rddreg [dreg:$0x6];
	[tilespmem:$0x10F0] =	vst v16  }
0x14a: {  	[tilespmem:s6], [sflag:$0x1] =	stream.indirect.gather [hbm4b:s2+s4], $0x1, s5, s4, $0xb8;
	[tilespmem:$0x2100] =	vst v63  }
0x14b: {  	s10 =	rddreg [dreg:$0xa]  }
0x14c: {  	[tilespmem:s8], [sflag:$0x1] =	stream.indirect.gather [hbm4b:s2+s4], $0x1, s0, s4, $0xb8;
	[tilespmem:$0x2100] =	vst v63  }
0x14d: {  	s0 =	rddreg [dreg:$0x7]  }
0x14e: {  	s8 =	rddreg [dreg:$0x8]  }
0x14f: {  	[tilespmem:s9], [sflag:$0x1] =	stream.indirect.gather [hbm4b:s2+s4], $0x1, s7, s4, $0xb8;
	[tilespmem:$0x2100] =	vst v63  }
0x150: {  	s9 =	rddreg [dreg:$0x9]  }
0x151: {  	[tilespmem:s8], [sflag:$0x1] =	stream.indirect.gather [hbm4b:s2+s4], $0x1, s0, s4, $0xb8;
	[tilespmem:$0x2100] =	vst v63  }
0x152: {  	s0 =	rddreg [dreg:$0xb]  }
0x153: {  	s8 =	rddreg [dreg:$0xc]  }
0x154: {  	[tilespmem:s10], [sflag:$0x1] =	stream.indirect.gather [hbm4b:s2+s4], $0x1, s9, s4, $0xb8;
	[tilespmem:$0x2100] =	vst v63  }
0x155: {  	s9 =	rddreg [dreg:$0xd]  }
0x156: {  	s10 =	rddreg [dreg:$0xe]  }
0x157: {  	[tilespmem:s8], [sflag:$0x1] =	stream.indirect.gather [hbm4b:s2+s4], $0x1, s0, s4, $0xb8;
	[tilespmem:$0x2100] =	vst v63  }
0x158: {  	s0 =	rddreg [dreg:$0xf]  }
0x159: {  	s8 =	rddreg [dreg:$0x10]  }
0x15a: {  	[tilespmem:s10], [sflag:$0x1] =	stream.indirect.gather [hbm4b:s2+s4], $0x1, s9, s4, $0xb8;
	[tilespmem:$0x2100] =	vst v63  }
0x15b: {  	s9 =	rddreg [dreg:$0x11]  }
0x15c: {  	s10 =	rddreg [dreg:$0x12]  }
0x15d: {  	[tilespmem:s8], [sflag:$0x1] =	stream.indirect.gather [hbm4b:s2+s4], $0x1, s0, s4, $0xb8;
	[tilespmem:$0x2100] =	vst v63  }
0x15e: {  	s0 =	rddreg [dreg:$0x13]  }
0x15f: {  	s8 =	rddreg [dreg:$0x14]  }
0x160: {  	[tilespmem:s10], [sflag:$0x1] =	stream.indirect.gather [hbm4b:s2+s4], $0x1, s9, s4, $0xb8;
	[tilespmem:$0x2100] =	vst v63  }
0x161: {  	s9 =	rddreg [dreg:$0x15]  }
0x162: {  	s10 =	rddreg [dreg:$0x16]  }
0x163: {  	[tilespmem:s8], [sflag:$0x1] =	stream.indirect.gather [hbm4b:s2+s4], $0x1, s0, s4, $0xb8;
	[tilespmem:$0x2100] =	vst v63  }
0x164: {  	s0 =	rddreg [dreg:$0x17]  }
0x165: {  	s8 =	rddreg [dreg:$0x18]  }
0x166: {  	[tilespmem:s10], [sflag:$0x1] =	stream.indirect.gather [hbm4b:s2+s4], $0x1, s9, s4, $0xb8;
	[tilespmem:$0x2100] =	vst v63  }
0x167: {  	s9 =	rddreg [dreg:$0x19]  }
0x168: {  	s10 =	rddreg [dreg:$0x1a]  }
0x169: {  	[tilespmem:s8], [sflag:$0x1] =	stream.indirect.gather [hbm4b:s2+s4], $0x1, s0, s4, $0xb8;
	[tilespmem:$0x2100] =	vst v63  }
0x16a: {  	s0 =	rddreg [dreg:$0x1b]  }
0x16b: {  	s8 =	rddreg [dreg:$0x1c]  }
0x16c: {  	[tilespmem:s10], [sflag:$0x1] =	stream.indirect.gather [hbm4b:s2+s4], $0x1, s9, s4, $0xb8;
	[tilespmem:$0x2100] =	vst v63  }
0x16d: {  	s9 =	rddreg [dreg:$0x1d]  }
0x16e: {  	s10 =	rddreg [dreg:$0x1e]  }
0x16f: {  	[tilespmem:s8], [sflag:$0x1] =	stream.indirect.gather [hbm4b:s2+s4], $0x1, s0, s4, $0xb8;
	[tilespmem:$0x2100] =	vst v63  }
0x170: {  	s0 =	rddreg [dreg:$0x1f]  }
0x171: {  	s8 =	sld [smem:$0x7F3]  }
0x172: {  	[tilespmem:s10], [sflag:$0x1] =	stream.indirect.gather [hbm4b:s2+s4], $0x1, s9, s4, $0xb8;
	[tilespmem:$0x2100] =	vst v63  }
0x173: {  	s9 =	sld [smem:$0x7F4]  }
0x174: {  	s10 =	sld [smem:$0x7F5]  }
0x175: {  	[tilespmem:s8], [sflag:$0x1] =	stream.indirect.gather [hbm4b:s2+s4], $0x1, s0, s4, $0xb8;
	[tilespmem:$0x2100] =	vst v63  }
0x176: {  	s0 =	sld [smem:$0x7F6]  }
0x177: {  	s8 =	sld [smem:$0x7F7]  }
0x178: {  	[tilespmem:s10], [sflag:$0x1] =	stream.indirect.gather [hbm4b:s2+s4], $0x1, s9, s4, $0xb8;
	[tilespmem:$0x2100] =	vst v63  }
0x179: {  	s9 =	sld [smem:$0x7F8]  }
0x17a: {  	s10 =	sld [smem:$0x7F9]  }
0x17b: {  	[tilespmem:s8], [sflag:$0x1] =	stream.indirect.gather [hbm4b:s2+s4], $0x1, s0, s4, $0xb8;
	[tilespmem:$0x2100] =	vst v63  }
0x17c: {  	s0 =	sld [smem:$0x7FA]  }
0x17d: {  	s8 =	sld [smem:$0x7FB]  }
0x17e: {  	[tilespmem:s10], [sflag:$0x1] =	stream.indirect.gather [hbm4b:s2+s4], $0x1, s9, s4, $0xb8;
	[tilespmem:$0x2100] =	vst v63  }
0x17f: {  	s9 =	sld [smem:$0x7FC]  }
0x180: {  	s10 =	sld [smem:$0x7FD]  }
0x181: {  	[tilespmem:s8], [sflag:$0x1] =	stream.indirect.gather [hbm4b:s2+s4], $0x1, s0, s4, $0xb8;
	[tilespmem:$0x2100] =	vst v63  }
0x182: {  	_ = 	snop  }
0x183: {  	[tilespmem:s10], [sflag:$0x1] =	stream.indirect.gather [hbm4b:s2+s4], $0x1, s9, s4, $0xb8;
	[tilespmem:$0x2100] =	vst v63  }
0x184: {  	s9 =	simm.s32 $0xB80;
	s10 =	simm.s32 $0x1B80  }
0x185: {  	[tilespmem:s10], [sflag:$0x1] =	stream.indirect.gather [hbm4b:s2+s4], $0x1, s9, s4, $0xb8;
	[tilespmem:$0x2100] =	vst v63  }
0x186: {  	s9 =	simm.s32 $0xC00  }
0x187: {  	[tilespmem:s11], [sflag:$0x1] =	stream.indirect.gather [hbm4b:s2+s4], $0x1, s9, s4, $0xb8;
	[tilespmem:$0x2100] =	vst v63  }
0x188: {  	_ = 	snop  }
0x189: {  	[tilespmem:s13], [sflag:$0x1] =	stream.indirect.gather [hbm4b:s2+s4], $0x1, s12, s4, $0xb8;
	[tilespmem:$0x2100] =	vst v63  }
0x18a: {  	_ = 	snop  }
0x18b: {  	[tilespmem:s15], [sflag:$0x1] =	stream.indirect.gather [hbm4b:s2+s4], $0x1, s14, s4, $0xb8;
	[tilespmem:$0x2100] =	vst v63  }
0x18c: {  	_ = 	snop  }
0x18d: {  	[tilespmem:s17], [sflag:$0x1] =	stream.indirect.gather [hbm4b:s2+s4], $0x1, s16, s4, $0xb8;
	[tilespmem:$0x2100] =	vst v63  }
0x18e: {  	_ = 	snop  }
0x18f: {  	[tilespmem:s19], [sflag:$0x1] =	stream.indirect.gather [hbm4b:s2+s4], $0x1, s18, s4, $0xb8;
	[tilespmem:$0x2100] =	vst v63  }
0x190: {  	_ = 	snop  }
0x191: {  	[tilespmem:s21], [sflag:$0x1] =	stream.indirect.gather [hbm4b:s2+s4], $0x1, s20, s4, $0xb8;
	[tilespmem:$0x2100] =	vst v63  }
0x192: {  	_ = 	snop  }
0x193: {  	[tilespmem:s23], [sflag:$0x1] =	stream.indirect.gather [hbm4b:s2+s4], $0x1, s22, s4, $0xb8;
	[tilespmem:$0x2100] =	vst v63  }
0x194: {  	_ = 	snop  }
0x195: {  	[tilespmem:s25], [sflag:$0x1] =	stream.indirect.gather [hbm4b:s2+s4], $0x1, s24, s4, $0xb8;
	[tilespmem:$0x2100] =	vst v63  }
0x196: {  	_ = 	snop  }
0x197: {  	[tilespmem:s28], [sflag:$0x1] =	stream.indirect.gather [hbm4b:s2+s4], $0x1, s26, s4, $0xb8;
	[tilespmem:$0x2100] =	vst v63  }
0x198: {  	_ = 	snop  }
0x199: {  	[tilespmem:s30], [sflag:$0x1] =	stream.indirect.gather [hbm4b:s2+s4], $0x1, s29, s4, $0xb8;
	[tilespmem:$0x2100] =	vst v63  }
0x19a: {  	_ =	swait.ge [sflag:s31], $0x80  }
0x19b: {  	[sflag:s31] =	ssyncset.done $0x0  }
0x19c: {  	[sflag:s31] =	ssyncadd.s32 $0xFFFFFF80  }
0x19d: {  	_ =	swait.ge [sflag:s31], $0x80  }
0x19e: {  	[sflag:s31] =	ssyncset.done $0x0  }
0x19f: {  	[sflag:s31] =	ssyncadd.s32 $0xFFFFFF80  }
0x1a0: {  	_ =	swait.ge [sflag:s31], $0x80  }
0x1a1: {  	[sflag:s31] =	ssyncset.done $0x0  }
0x1a2: {  	[sflag:s31] =	ssyncadd.s32 $0xFFFFFF80  }
0x1a3: {  	_ =	swait.ge [sflag:s31], $0x80  }
0x1a4: {  	[sflag:s31] =	ssyncset.done $0x0  }
0x1a5: {  	[sflag:s31] =	ssyncadd.s32 $0xFFFFFF80  }
0x1a6: {  	_ =	swait.ge [sflag:s31], $0x80  }
0x1a7: {  	[sflag:s31] =	ssyncset.done $0x0  }
0x1a8: {  	[sflag:s31] =	ssyncadd.s32 $0xFFFFFF80  }
0x1a9: {  	_ =	swait.ge [sflag:s31], $0x80  }
0x1aa: {  	[sflag:s31] =	ssyncset.done $0x0  }
0x1ab: {  	[sflag:s31] =	ssyncadd.s32 $0xFFFFFF80  }
0x1ac: {  	_ =	swait.ge [sflag:s31], $0x80  }
0x1ad: {  	[sflag:s31] =	ssyncset.done $0x0  }
0x1ae: {  	[sflag:s31] =	ssyncadd.s32 $0xFFFFFF80  }
0x1af: {  	_ =	swait.ge [sflag:s31], $0x80  }
0x1b0: {  	[sflag:s31] =	ssyncset.done $0x0  }
0x1b1: {  	[sflag:s31] =	ssyncadd.s32 $0xFFFFFF80  }
0x1b2: {  	_ =	swait.ge [sflag:s31], $0x80  }
0x1b3: {  	[sflag:s31] =	ssyncset.done $0x0  }
0x1b4: {  	[sflag:s31] =	ssyncadd.s32 $0xFFFFFF80  }
0x1b5: {  	_ =	swait.ge [sflag:s31], $0x80  }
0x1b6: {  	[sflag:s31] =	ssyncset.done $0x0  }
0x1b7: {  	[sflag:s31] =	ssyncadd.s32 $0xFFFFFF80  }
0x1b8: {  	_ =	swait.ge [sflag:s31], $0x80  }
0x1b9: {  	[sflag:s31] =	ssyncset.done $0x0  }
0x1ba: {  	[sflag:s31] =	ssyncadd.s32 $0xFFFFFF80  }
0x1bb: {  	_ =	swait.ge [sflag:s31], $0x80  }
0x1bc: {  	[sflag:s31] =	ssyncset.done $0x0  }
0x1bd: {  	[sflag:s31] =	ssyncadd.s32 $0xFFFFFF80  }
0x1be: {  	_ =	swait.ge [sflag:s31], $0x80  }
0x1bf: {  	[sflag:s31] =	ssyncset.done $0x0  }
0x1c0: {  	[sflag:s31] =	ssyncadd.s32 $0xFFFFFF80  }
0x1c1: {  	_ =	swait.ge [sflag:s31], $0x80  }
0x1c2: {  	[sflag:s31] =	ssyncset.done $0x0  }
0x1c3: {  	[sflag:s31] =	ssyncadd.s32 $0xFFFFFF80  }
0x1c4: {  	_ =	swait.ge [sflag:s31], $0x80  }
0x1c5: {  	[sflag:s31] =	ssyncset.done $0x0  }
0x1c6: {  	[sflag:s31] =	ssyncadd.s32 $0xFFFFFF80  }
0x1c7: {  	_ =	swait.ge [sflag:s31], $0x80  }
0x1c8: {  	[sflag:s31] =	ssyncset.done $0x0  }
0x1c9: {  	[sflag:s31] =	ssyncadd.s32 $0xFFFFFF80  }
0x1ca: {  	_ =	swait.ge [sflag:s31], $0x80  }
0x1cb: {  	[sflag:s31] =	ssyncset.done $0x0  }
0x1cc: {  	[sflag:s31] =	ssyncadd.s32 $0xFFFFFF80  }
0x1cd: {  	_ =	swait.ge [sflag:s31], $0x80  }
0x1ce: {  	[sflag:s31] =	ssyncset.done $0x0  }
0x1cf: {  	[sflag:s31] =	ssyncadd.s32 $0xFFFFFF80  }
0x1d0: {  	_ =	swait.ge [sflag:s31], $0x80  }
0x1d1: {  	[sflag:s31] =	ssyncset.done $0x0  }
0x1d2: {  	[sflag:s31] =	ssyncadd.s32 $0xFFFFFF80  }
0x1d3: {  	_ =	swait.ge [sflag:s31], $0x80  }
0x1d4: {  	[sflag:s31] =	ssyncset.done $0x0  }
0x1d5: {  	[sflag:s31] =	ssyncadd.s32 $0xFFFFFF80  }
0x1d6: {  	_ =	swait.ge [sflag:s31], $0x80  }
0x1d7: {  	[sflag:s31] =	ssyncset.done $0x0  }
0x1d8: {  	[sflag:s31] =	ssyncadd.s32 $0xFFFFFF80  }
0x1d9: {  	_ =	swait.ge [sflag:s31], $0x80  }
0x1da: {  	[sflag:s31] =	ssyncset.done $0x0  }
0x1db: {  	[sflag:s31] =	ssyncadd.s32 $0xFFFFFF80  }
0x1dc: {  	_ =	swait.ge [sflag:s31], $0x80  }
0x1dd: {  	[sflag:s31] =	ssyncset.done $0x0  }
0x1de: {  	[sflag:s31] =	ssyncadd.s32 $0xFFFFFF80  }
0x1df: {  	_ =	swait.ge [sflag:s31], $0x80  }
0x1e0: {  	[sflag:s31] =	ssyncset.done $0x0  }
0x1e1: {  	[sflag:s31] =	ssyncadd.s32 $0xFFFFFF80  }
0x1e2: {  	_ =	swait.ge [sflag:s31], $0x80  }
0x1e3: {  	[sflag:s31] =	ssyncset.done $0x0  }
0x1e4: {  	[sflag:s31] =	ssyncadd.s32 $0xFFFFFF80  }
0x1e5: {  	_ =	swait.ge [sflag:s31], $0x80  }
0x1e6: {  	[sflag:s31] =	ssyncset.done $0x0  }
0x1e7: {  	[sflag:s31] =	ssyncadd.s32 $0xFFFFFF80  }
0x1e8: {  	_ =	swait.ge [sflag:s31], $0x80  }
0x1e9: {  	[sflag:s31] =	ssyncset.done $0x0  }
0x1ea: {  	[sflag:s31] =	ssyncadd.s32 $0xFFFFFF80  }
0x1eb: {  	_ =	swait.ge [sflag:s31], $0x80  }
0x1ec: {  	[sflag:s31] =	ssyncset.done $0x0  }
0x1ed: {  	[sflag:s31] =	ssyncadd.s32 $0xFFFFFF80  }
0x1ee: {  	_ =	swait.ge [sflag:s31], $0x80  }
0x1ef: {  	[sflag:s31] =	ssyncset.done $0x0  }
0x1f0: {  	[sflag:s31] =	ssyncadd.s32 $0xFFFFFF80  }
0x1f1: {  	_ =	swait.ge [sflag:s31], $0x80  }
0x1f2: {  	[sflag:s31] =	ssyncset.done $0x0  }
0x1f3: {  	[sflag:s31] =	ssyncadd.s32 $0xFFFFFF80  }
0x1f4: {  	_ =	swait.ge [sflag:s31], $0x80  }
0x1f5: {  	[sflag:s31] =	ssyncset.done $0x0  }
0x1f6: {  	[sflag:s31] =	ssyncadd.s32 $0xFFFFFF80  }
0x1f7: {  	_ =	swait.ge [sflag:s31], $0x80  }
0x1f8: {  	p0 =	sne.s32 s3, $0x1;
	[sflag:s31] =	ssyncset.done $0x0  }
.Ltmp0:
0x1f9: {  	s10 =	rddreg [dreg:$0x3];
	[sflag:s31] =	ssyncadd.s32 $0xFFFFFF80;
	(pc) =	sbr.rel @p0 .LBB2_1-.Ltmp0, $4  }
0x1fa: {  	[hbm4b:s10+s5] =	stream.strided.scatter [tilespmem:s6], [sflag:$0x2], $0x1000, s7, s5, $0x38;
	[tilespmem:$0x2100] =	vst v63  }
0x1fb: {  	_ =	swait.ge [sflag:s1], $0x1000  }
0x1fc: {  	[sflag:s1] =	ssyncset.done $0x0  }
0x1fd: {  	s3 =	sadd.s32 $0xFFFFFFFF, s3;
	[sflag:s1] =	ssyncadd.s32 $0xFFFFF000  }
0x1fe: {  	_ =	sfence.sel $0x180000  }
0x1ff: {  	[bflag:$0x0] =	sbarrier.arrive $0xFFFF  }
0x200: {  	_ =	strace $0x90000047  }
0x201: {  	s0 =	stileid.u32;
	[bflag:$0x2] =	sbarrier.arrive $0xFFFF  }
0x202: {  	p0 =	sne.s32 s0, $0x0;
	s0 =	rddreg [dreg:$0x2]  }
0x203: {  	s0 =	sadd.s32 @!p0 $0x100000, s0  }
0x204: {  	[sflag:s0] =	ssyncadd.tile.s32 @!p0 $0x1;
	_ =	shalt  }
.Lfunc_end2:
_tile_overlayer_lowered:
.L_overlay_start_2:
0x205: {  	(tag) =	ssettag $0x2  }
0x206: {  	s0 =	rddreg [dreg:$0x0];
	s2 =	stileid.u32  }
0x207: {  	s1 =	rddreg [dreg:$0x1];
	p0 =	sne.s32 s2, $0x0  }
0x208: {  	s3 =	rddreg [dreg:$0x2];
	[bflag:$0x3] =	sbarrier.arrive $0xFFFF;
	s2 =	simm.s32 @!p0 $0x1C02  }
0x209: {  	[timem:s3], [sflag:s2] =	dma.local @!p0 [hbm:s0], s1  }
0x20a: {  	s0 =	simm.s32 @!p0 $0x2  }
0x20b: {  	_ =	swait.ge @!p0 [sflag:s0], s1  }
0x20c: {  	s1 =	ssub.s32 @!p0 $0x0, s1;
	[sflag:s0] =	ssyncset.done @!p0 $0x0  }
0x20d: {  	[sflag:s0] =	ssyncadd.s32 @!p0 s1  }
0x20e: {  	[bflag:$0x3] =	sbarrier.arrive $0xFFFF  }
0x20f: {  	_ =	shalt  }

</sc_bundles>
